<compile_context>
chip_gen: v7x
topology: tpu7x:2x2x1
jax: 0.10.2.dev20260603
libtpu: 0.0.44.dev20260713+nightly
codegen_flags: <defaults>
</compile_context>

<pallas_src>
import functools

import jax
import jax.numpy as jnp
from jax import lax
from jax.experimental import pallas as pl
from jax.experimental.pallas import tpu as pltpu
from jax.experimental.pallas import tpu_sc as plsc

_N = 50000
_E = 1600000
_W = 16
_KW = 64
_KI = 4
_K2 = _W * _W

_NC = 2
_NS = 16
_NW = _NC * _NS
_EPW = _E // _NW
_C = 2000
_NCHUNK = _EPW // _C
_RPT = _N // _NS

_BE = 6400
_BN = 5000

_EP8 = _E // 8
_G = _BE // 8
_NPAIR = _E // _G

_mesh = plsc.VectorSubcoreMesh(core_axis_name="c", subcore_axis_name="s")
_SC_PARAMS = pltpu.CompilerParams(use_tc_tiling_on_sc=False)


def _fill_rows(ref, n_rows, value):
    vec = jnp.full((_W,), value, jnp.float32)

    def body(i, carry):
        ref[i, :] = vec
        return carry

    lax.fori_loop(0, n_rows, body, 0)


@functools.partial(
    pl.kernel,
    out_type=jax.ShapeDtypeStruct((_EP8, 128), jnp.float32),
    mesh=_mesh,
    compiler_params=_SC_PARAMS,
    scratch_types=[
        pltpu.VMEM((2, _G), jnp.int32),
        pltpu.VMEM((2, _G, _W), jnp.float32),
        pltpu.SemaphoreType.DMA((2, 3)),
    ],
)
def _sc_gather(h_hbm, src_hbm, xjp_hbm, idx_v, rows_v, sems):
    cid = lax.axis_index("c")
    sid = lax.axis_index("s")
    wid = sid * _NC + cid
    n_even = _NPAIR // _NW
    n_extra = _NPAIR - n_even * _NW

    def chunk_coords(i):
        p = wid + _NW * i
        b = p // 8
        j = p - 8 * b
        return b, j, b * _BE + j * _G

    def body(ih, carry):
        coords = [chunk_coords(2 * ih), chunk_coords(2 * ih + 1)]
        d_idx = [pltpu.async_copy(src_hbm.at[pl.ds(coords[u][2], _G)],
                                  idx_v.at[u], sems.at[u, 0])
                 for u in range(2)]
        d_g = []
        for u in range(2):
            d_idx[u].wait()
            d_g.append(pltpu.async_copy(h_hbm.at[idx_v.at[u]],
                                        rows_v.at[u], sems.at[u, 1]))
        d_w = []
        for u in range(2):
            b, j, _ = coords[u]
            d_g[u].wait()
            d_w.append(pltpu.async_copy(
                rows_v.at[u],
                xjp_hbm.at[pl.ds(b * _G, _G), pl.ds(j * _W, _W)],
                sems.at[u, 2]))
        for u in range(2):
            d_w[u].wait()
        return carry

    lax.fori_loop(0, n_even // 2, body, 0)

    @pl.when(wid < n_extra)
    def _():
        b, j, eoff = chunk_coords(n_even)
        pltpu.sync_copy(src_hbm.at[pl.ds(eoff, _G)], idx_v.at[0])
        pltpu.async_copy(h_hbm.at[idx_v.at[0]], rows_v.at[0],
                         sems.at[0, 1]).wait()
        pltpu.sync_copy(rows_v.at[0],
                        xjp_hbm.at[pl.ds(b * _G, _G), pl.ds(j * _W, _W)])


def _zero_tile_slice(rows_v, acc_sh, row0):
    pltpu.sync_copy(rows_v, acc_sh.at[pl.ds(row0, _C)])
    pltpu.sync_copy(rows_v.at[pl.ds(0, _RPT - _C)],
                    acc_sh.at[pl.ds(row0 + _C, _RPT - _C)])


@functools.partial(
    pl.kernel,
    out_type=jax.ShapeDtypeStruct((_NC, _N, _W), jnp.float32),
    mesh=_mesh,
    compiler_params=_SC_PARAMS,
    scratch_types=[
        pltpu.VMEM((2, _G), jnp.int32),
        pltpu.VMEM((2, _G, _W), jnp.float32),
        pltpu.VMEM((_C, _W), jnp.float32),
        pltpu.VMEM_SHARED((_N, _W), jnp.float32),
        pltpu.SemaphoreType.DMA((2, 3)),
    ],
)
def _sc_scatter(msgp_hbm, dst_hbm, sum_hbm, idx_v, rows_v, zero_v, acc_sh,
                sems):
    cid = lax.axis_index("c")
    sid = lax.axis_index("s")
    wid = sid * _NC + cid
    n_even = _NPAIR // _NW
    n_extra = _NPAIR - n_even * _NW

    _fill_rows(zero_v, _C, 0.0)
    row0 = sid * _RPT
    _zero_tile_slice(zero_v, acc_sh, row0)
    plsc.subcore_barrier()

    def chunk_coords(i):
        p = wid + _NW * i
        b = p // 8
        j = p - 8 * b
        return b, j, b * _BE + j * _G

    def body(ih, carry):
        coords = [chunk_coords(2 * ih), chunk_coords(2 * ih + 1)]
        d_idx = [pltpu.async_copy(dst_hbm.at[pl.ds(coords[u][2], _G)],
                                  idx_v.at[u], sems.at[u, 0])
                 for u in range(2)]
        d_msg = [pltpu.async_copy(
            msgp_hbm.at[pl.ds(coords[u][0] * _G, _G),
                        pl.ds(coords[u][1] * _W, _W)],
            rows_v.at[u], sems.at[u, 1]) for u in range(2)]
        d_add = []
        for u in range(2):
            d_idx[u].wait()
            d_msg[u].wait()
            d_add.append(pltpu.async_copy(rows_v.at[u],
                                          acc_sh.at[idx_v.at[u]],
                                          sems.at[u, 2], add=True))
        for u in range(2):
            d_add[u].wait()
        return carry

    lax.fori_loop(0, n_even // 2, body, 0)

    @pl.when(wid < n_extra)
    def _():
        b, j, eoff = chunk_coords(n_even)
        pltpu.sync_copy(dst_hbm.at[pl.ds(eoff, _G)], idx_v.at[0])
        pltpu.sync_copy(msgp_hbm.at[pl.ds(b * _G, _G), pl.ds(j * _W, _W)],
                        rows_v.at[0])
        pltpu.sync_copy(rows_v.at[0], acc_sh.at[idx_v.at[0]], add=True)

    plsc.subcore_barrier()

    pltpu.sync_copy(acc_sh.at[pl.ds(row0, _RPT)],
                    sum_hbm.at[cid, pl.ds(row0, _RPT)])


@functools.partial(
    pl.kernel,
    out_type=jax.ShapeDtypeStruct((_NC, _N, _W), jnp.float32),
    mesh=_mesh,
    compiler_params=_SC_PARAMS,
    scratch_types=[
        pltpu.VMEM((_C,), jnp.int32),
        pltpu.VMEM((_C, _W), jnp.float32),
        pltpu.VMEM_SHARED((_N, _W), jnp.float32),
    ],
)
def _sc_count(dst_hbm, cnt_hbm, idx_v, ones_v, cnt_sh):
    cid = lax.axis_index("c")
    sid = lax.axis_index("s")
    wid = sid * _NC + cid
    base = wid * _EPW

    _fill_rows(ones_v, _C, 0.0)
    row0 = sid * _RPT
    _zero_tile_slice(ones_v, cnt_sh, row0)
    plsc.subcore_barrier()
    _fill_rows(ones_v, _C, 1.0)

    def loop(i, carry):
        off = base + i * _C
        pltpu.sync_copy(dst_hbm.at[pl.ds(off, _C)], idx_v)
        pltpu.sync_copy(ones_v, cnt_sh.at[idx_v], add=True)
        return carry

    lax.fori_loop(0, _NCHUNK, loop, 0)
    plsc.subcore_barrier()

    pltpu.sync_copy(cnt_sh.at[pl.ds(row0, _RPT)],
                    cnt_hbm.at[cid, pl.ds(row0, _RPT)])


_BH = _BE // 2


def _msg_body(ea_ref, xjp_ref, w0, b0, w1, b1, w2, b2, t_ref, s_ref,
              out_ref):
    f32 = jnp.float32
    bf16 = jnp.bfloat16
    xjp = xjp_ref[...]
    g1 = jnp.concatenate(
        [xjp[:, j * _W:(j + 1) * _W] for j in range(4)], axis=0)
    g2 = jnp.concatenate(
        [xjp[:, j * _W:(j + 1) * _W] for j in range(4, 8)], axis=0)
    xj2 = jnp.concatenate([g1, g2], axis=1)
    ea_t = ea_ref[...]
    ea2 = jnp.concatenate([ea_t[:, :_BH], ea_t[:, _BH:]], axis=0)
    kh = lax.dot_general(ea2.astype(bf16), w0[...],
                         (((0,), (0,)), ((), ())),
                         preferred_element_type=f32) + b0[...]
    kh = jnp.maximum(kh, 0.0)
    kh = jnp.dot(kh.astype(bf16), w1[...],
                 preferred_element_type=f32) + b1[...]
    kh = jnp.maximum(kh, 0.0)
    wgt = jnp.dot(kh.astype(bf16), w2[...],
                  preferred_element_type=f32) + b2[...]
    xrep = jnp.dot(xj2.astype(bf16), t_ref[...], preferred_element_type=f32)
    msg = jnp.dot((wgt * xrep).astype(bf16), s_ref[...],
                  preferred_element_type=f32)
    for j in range(4):
        out_ref[:, j * _W:(j + 1) * _W] = \
            msg[j * _G:(j + 1) * _G, :_W]
    for j in range(4, 8):
        out_ref[:, j * _W:(j + 1) * _W] = \
            msg[(j - 4) * _G:(j - 3) * _G, _W:]


def _blockdiag2(a):
    r, c = a.shape
    z = jnp.zeros((r, c), a.dtype)
    return jnp.concatenate(
        [jnp.concatenate([a, z], axis=1),
         jnp.concatenate([z, a], axis=1)], axis=0)


def _msg_call(edge_attr, xjp, w0, b0, w1, b1, w2, b2, t_m, s_m):
    bf16 = jnp.bfloat16
    full = lambda r, c: pl.BlockSpec((r, c), lambda i: (0, 0))
    dup = lambda b: jnp.concatenate([b, b]).reshape(1, -1)
    return pl.pallas_call(
        _msg_body,
        grid=(_E // _BE,),
        in_specs=[
            pl.BlockSpec((_KI, _BE), lambda i: (0, i)),
            pl.BlockSpec((_G, 128), lambda i: (i, 0)),
            full(2 * _KI, 2 * _KW), full(1, 2 * _KW),
            full(2 * _KW, 2 * _KW), full(1, 2 * _KW),
            full(2 * _KW, 2 * _K2), full(1, 2 * _K2),
            full(2 * _W, 2 * _K2), full(2 * _K2, 2 * _W),
        ],
        out_specs=pl.BlockSpec((_G, 128), lambda i: (i, 0)),
        out_shape=jax.ShapeDtypeStruct((_EP8, 128), jnp.float32),
    )(edge_attr.T, xjp, _blockdiag2(w0).astype(bf16), dup(b0),
      _blockdiag2(w1).astype(bf16), dup(b1),
      _blockdiag2(w2).astype(bf16), dup(b2),
      _blockdiag2(t_m).astype(bf16), _blockdiag2(s_m).astype(bf16))


def _h0_body(x_ref, w_ref, b_ref, o_ref):
    o_ref[...] = x_ref[...] * w_ref[...] + b_ref[...]


def _h0_call(x, fc1_w, fc1_b):
    return pl.pallas_call(
        _h0_body,
        grid=(_N // _BN,),
        in_specs=[
            pl.BlockSpec((_BN, 1), lambda i: (i, 0)),
            pl.BlockSpec((1, _W), lambda i: (0, 0)),
            pl.BlockSpec((1, _W), lambda i: (0, 0)),
        ],
        out_specs=pl.BlockSpec((_BN, _W), lambda i: (i, 0)),
        out_shape=jax.ShapeDtypeStruct((_N, _W), jnp.float32),
    )(x, fc1_w, fc1_b.reshape(1, _W))


def _upd_body(final, s_ref, c_ref, h_ref, root_ref, bias_ref, f2w_ref,
              f2b_ref, o_ref):
    f32 = jnp.float32
    s = s_ref[0] + s_ref[1]
    cnt = jnp.maximum(c_ref[0] + c_ref[1], 1.0)
    hr = jnp.dot(h_ref[...], root_ref[...], preferred_element_type=f32)
    h_new = jnp.maximum(s / cnt + hr + bias_ref[...], 0.0)
    if final:
        o_ref[...] = (jnp.dot(h_new, f2w_ref[...], preferred_element_type=f32)
                      + f2b_ref[...])
    else:
        o_ref[...] = h_new


def _upd_call(final, sums, cnts, h, root, conv_bias, fc2_w, fc2_b):
    out_w = 1 if final else _W
    return pl.pallas_call(
        functools.partial(_upd_body, final),
        grid=(_N // _BN,),
        in_specs=[
            pl.BlockSpec((_NC, _BN, _W), lambda i: (0, i, 0)),
            pl.BlockSpec((_NC, _BN, _W), lambda i: (0, i, 0)),
            pl.BlockSpec((_BN, _W), lambda i: (i, 0)),
            pl.BlockSpec((_W, _W), lambda i: (0, 0)),
            pl.BlockSpec((1, _W), lambda i: (0, 0)),
            pl.BlockSpec((_W, 1), lambda i: (0, 0)),
            pl.BlockSpec((1, 1), lambda i: (0, 0)),
        ],
        out_specs=pl.BlockSpec((_BN, out_w), lambda i: (i, 0)),
        out_shape=jax.ShapeDtypeStruct((_N, out_w), jnp.float32),
    )(sums, cnts, h, root, conv_bias.reshape(1, _W), fc2_w,
      fc2_b.reshape(1, 1))


def kernel(x, edge_index, edge_attr, fc1_w, fc1_b, ker_w0, ker_b0, ker_w1,
           ker_b1, ker_w2, ker_b2, root, conv_bias, fc2_w, fc2_b):
    src = edge_index[0]
    dst = edge_index[1]
    eye = jnp.eye(_W, dtype=jnp.float32)
    t_m = jnp.kron(eye, jnp.ones((1, _W), jnp.float32))
    s_m = jnp.kron(jnp.ones((_W, 1), jnp.float32), eye)

    h = _h0_call(x, fc1_w, fc1_b)
    cnts = _sc_count(dst)
    for it in range(2):
        xj = _sc_gather(h, src)
        msg = _msg_call(edge_attr, xj, ker_w0, ker_b0, ker_w1, ker_b1,
                        ker_w2, ker_b2, t_m, s_m)
        sums = _sc_scatter(msg, dst)
        h = _upd_call(it == 1, sums, cnts, h, root, conv_bias, fc2_w, fc2_b)
    return h

# --- scband reference (transcript-rebuilt; emitter-appended) ---
"""Pipeline reference for scband-kernel-nn-82970178224518 (READ-ONLY COPY).

The authoritative reference and input builder live on the scoring server;
editing this copy changes nothing except your own understanding.
"""

import jax, jax.numpy as jnp
import numpy as np

N = 50000
E = 1600000
WIDTH = 16
KER_WIDTH = 64
KER_IN = 4
DEPTH = 2


def _init_linear(key, fan_in, fan_out):
    k1, k2 = jax.random.split(key)
    s = 1.0 / np.sqrt(fan_in)
    w = jax.random.uniform(k1, (fan_in, fan_out), jnp.float32, -s, s)
    b = jax.random.uniform(k2, (fan_out,), jnp.float32, -s, s)
    return w, b


def setup_inputs(seed: int = 0):
    key = jax.random.key(seed)
    ks = jax.random.split(key, 10)
    x = jax.random.normal(ks[0], (N, 1), dtype=jnp.float32)
    edge_index = jax.random.randint(ks[1], (2, E), 0, N, dtype=jnp.int32)
    edge_attr = jax.random.uniform(ks[2], (E, KER_IN), dtype=jnp.float32)
    fc1_w, fc1_b = _init_linear(ks[3], 1, WIDTH)
    ker_w0, ker_b0 = _init_linear(ks[4], KER_IN, KER_WIDTH)
    ker_w1, ker_b1 = _init_linear(ks[5], KER_WIDTH, KER_WIDTH)
    ker_w2, ker_b2 = _init_linear(ks[6], KER_WIDTH, WIDTH * WIDTH)
    s = 1.0 / np.sqrt(WIDTH)
    root = jax.random.uniform(ks[7], (WIDTH, WIDTH), jnp.float32, -s, s)
    conv_bias = jnp.zeros((WIDTH,), jnp.float32)
    fc2_w, fc2_b = _init_linear(ks[8], WIDTH, 1)
    return {"x": x, "edge_index": edge_index, "edge_attr": edge_attr,
            "fc1_w": fc1_w, "fc1_b": fc1_b,
            "ker_w0": ker_w0, "ker_b0": ker_b0,
            "ker_w1": ker_w1, "ker_b1": ker_b1,
            "ker_w2": ker_w2, "ker_b2": ker_b2,
            "root": root, "conv_bias": conv_bias,
            "fc2_w": fc2_w, "fc2_b": fc2_b}


def reference(x, edge_index, edge_attr, fc1_w, fc1_b, ker_w0, ker_b0,
              ker_w1, ker_b1, ker_w2, ker_b2, root, conv_bias, fc2_w, fc2_b):
    src = edge_index[0]
    dst = edge_index[1]
    h = x @ fc1_w + fc1_b  # fc1: [N, 1] -> [N, width]
    for _ in range(DEPTH):
        # DenseNet kernel: [ker_in, ker_width, ker_width, width**2] with ReLU between layers
        kh = jax.nn.relu(edge_attr @ ker_w0 + ker_b0)
        kh = jax.nn.relu(kh @ ker_w1 + ker_b1)
        kh = kh @ ker_w2 + ker_b2
        weight = kh.reshape(E, WIDTH, WIDTH)
        # NNConv_old message: x_j.unsqueeze(1) @ weight -> [E, width]
        x_j = jnp.take(h, src, axis=0)
        msg = jnp.einsum('ei,eio->eo', x_j, weight)
        # aggr='mean' over destination nodes
        summed = jax.ops.segment_sum(msg, dst, num_segments=N)
        cnt = jax.ops.segment_sum(jnp.ones((E,), jnp.float32), dst, num_segments=N)
        aggr = summed / jnp.maximum(cnt, 1.0)[:, None]
        # update: aggr + x @ root + bias, then outer ReLU from KernelNN.forward
        h = jax.nn.relu(aggr + h @ root + conv_bias)
    out = h @ fc2_w + fc2_b  # fc2: [N, width] -> [N, 1]
    return out

if __name__ == "__main__":
    import jax
    _d = setup_inputs()
    print(jax.jit(kernel)(*tuple(_d.values())))

</pallas_src>

<mosaic_0001>
#map = affine_map<(d0, d1) -> (0)>
#map1 = affine_map<(d0, d1) -> (0, 0, 0)>
module attributes {stable_mosaic.version = 14 : i64} {
  func.func @_sc_count(%arg0: i32, %arg1: i32, %arg2: memref<1600000xi32, #tpu.memory_space<hbm>>, %arg3: memref<2x50000x16xf32, #tpu.memory_space<hbm>>, %arg4: memref<2000xi32, #tpu.memory_space<vmem>>, %arg5: memref<2000x16xf32, #tpu.memory_space<vmem>>, %arg6: memref<50000x16xf32, #tpu.memory_space<vmem_shared>>) attributes {dimension_semantics = [#tpu.dimension_semantics<core_parallel>, #tpu.dimension_semantics<subcore_parallel>], iteration_bounds = array<i64: 2, 16>, scalar_prefetch = 0 : i64, scratch_operands = 3 : i64, tpu.core_type = #tpu.core_type<sc_vector_subcore>, window_params = [{transform_indices = #map}, {transform_indices = #map1}]} {
    %mul3A = arith.constant 2 : i32
    %mul3A_0 = arith.muli %arg1, %mul3A : i32
    %add3A = arith.addi %mul3A_0, %arg0 : i32
    %mul3A_1 = arith.constant 50000 : i32
    %mul3A_2 = arith.muli %add3A, %mul3A_1 : i32
    %broadcast_in_dim3A = arith.constant 0.000000e+00 : f32
    %broadcast_in_dim3A_3 = vector.broadcast %broadcast_in_dim3A : f32 to vector<16xf32>
    %scan3A = arith.constant 0 : i32
    %scan3A_4 = arith.constant 0 : i32
    %scan3A_5 = arith.constant 2000 : i32
    %scan3A_6 = arith.addi %scan3A_4, %scan3A_5 : i32
    %scan3A_7 = arith.constant 1 : i32
    scf.for %scan3A_28 = %scan3A_4 to %scan3A_6 step %scan3A_7  : i32 {
      %swap3A = arith.index_cast %scan3A_28 : i32 to index
      %swap3A_29 = arith.constant 0 : index
      %swap3A_30 = tpu.vector_load %arg5[%swap3A, %swap3A_29] {strides = array<i32>} : memref<2000x16xf32, #tpu.memory_space<vmem>>, vector<1x16xf32>,
      %swap3A_31 = vector.shape_cast %swap3A_30 : vector<1x16xf32> to vector<16xf32>
      %swap3A_32 = vector.shape_cast %broadcast_in_dim3A_3 : vector<16xf32> to vector<1x16xf32>
      tpu.vector_store %arg5[%swap3A, %swap3A_29], %swap3A_32 {strides = array<i32>} : memref<2000x16xf32, #tpu.memory_space<vmem>>, vector<1x16xf32>,
    }
    %scan3A_8 = arith.constant 2000 : i32
    %mul3A_9 = arith.constant 3125 : i32
    %mul3A_10 = arith.muli %arg1, %mul3A_9 : i32
    "tpu.region"() ({
      %run_scoped3A = tpu.sem_alloc : memref<!tpu.dma_semaphore, #tpu.memory_space<semaphore_mem>>
      %dma_start3A = arith.constant 0 : i32
      %dma_start3A_28 = tpu.memref_slice %arg6[%mul3A_10, %dma_start3A] : memref<50000x16xf32, #tpu.memory_space<vmem_shared>> -> memref<2000x16xf32, #tpu.memory_space<vmem_shared>>
      %dma_start3A_29 = arith.constant 0 : i32
      %dma_start3A_30 = tpu.memref_slice %arg6[%mul3A_10, %dma_start3A_29] : memref<50000x16xf32, #tpu.memory_space<vmem_shared>> -> memref<2000x16xf32, #tpu.memory_space<vmem_shared>>
      tpu.enqueue_dma source(%arg5 : memref<2000x16xf32, #tpu.memory_space<vmem>>) target(%dma_start3A_30 : memref<2000x16xf32, #tpu.memory_space<vmem_shared>>) target_semaphore(%run_scoped3A : memref<!tpu.dma_semaphore, #tpu.memory_space<semaphore_mem>>)
      %dma_wait3A = arith.constant 0 : i32
      %dma_wait3A_31 = tpu.memref_slice %arg6[%mul3A_10, %dma_wait3A] : memref<50000x16xf32, #tpu.memory_space<vmem_shared>> -> memref<2000x16xf32, #tpu.memory_space<vmem_shared>>
      %dma_wait3A_32 = arith.constant 0 : i32
      %dma_wait3A_33 = tpu.memref_slice %arg6[%mul3A_10, %dma_wait3A_32] : memref<50000x16xf32, #tpu.memory_space<vmem_shared>> -> memref<2000x16xf32, #tpu.memory_space<vmem_shared>>
      tpu.wait_dma2 semaphore(%run_scoped3A : memref<!tpu.dma_semaphore, #tpu.memory_space<semaphore_mem>>) src(%arg5 : memref<2000x16xf32, #tpu.memory_space<vmem>>) dst(%dma_wait3A_33 : memref<2000x16xf32, #tpu.memory_space<vmem_shared>>)
      tpu.yield
    }) : () -> ()
    %add3A_11 = arith.constant 2000 : i32
    %add3A_12 = arith.addi %mul3A_10, %add3A_11 : i32
    "tpu.region"() ({
      %run_scoped3A = tpu.sem_alloc : memref<!tpu.dma_semaphore, #tpu.memory_space<semaphore_mem>>
      %dma_start3A = arith.constant 0 : i32
      %dma_start3A_28 = arith.constant 0 : i32
      %dma_start3A_29 = tpu.memref_slice %arg5[%dma_start3A, %dma_start3A_28] : memref<2000x16xf32, #tpu.memory_space<vmem>> -> memref<1125x16xf32, #tpu.memory_space<vmem>>
      %dma_start3A_30 = arith.constant 0 : i32
      %dma_start3A_31 = tpu.memref_slice %arg6[%add3A_12, %dma_start3A_30] : memref<50000x16xf32, #tpu.memory_space<vmem_shared>> -> memref<1125x16xf32, #tpu.memory_space<vmem_shared>>
      %dma_start3A_32 = arith.constant 0 : i32
      %dma_start3A_33 = tpu.memref_slice %arg6[%add3A_12, %dma_start3A_32] : memref<50000x16xf32, #tpu.memory_space<vmem_shared>> -> memref<1125x16xf32, #tpu.memory_space<vmem_shared>>
      %dma_start3A_34 = arith.constant 0 : i32
      %dma_start3A_35 = arith.constant 0 : i32
      %dma_start3A_36 = tpu.memref_slice %arg5[%dma_start3A_34, %dma_start3A_35] : memref<2000x16xf32, #tpu.memory_space<vmem>> -> memref<1125x16xf32, #tpu.memory_space<vmem>>
      tpu.enqueue_dma source(%dma_start3A_36 : memref<1125x16xf32, #tpu.memory_space<vmem>>) target(%dma_start3A_33 : memref<1125x16xf32, #tpu.memory_space<vmem_shared>>) target_semaphore(%run_scoped3A : memref<!tpu.dma_semaphore, #tpu.memory_space<semaphore_mem>>)
      %dma_wait3A = arith.constant 0 : i32
      %dma_wait3A_37 = arith.constant 0 : i32
      %dma_wait3A_38 = tpu.memref_slice %arg5[%dma_wait3A, %dma_wait3A_37] : memref<2000x16xf32, #tpu.memory_space<vmem>> -> memref<1125x16xf32, #tpu.memory_space<vmem>>
      %dma_wait3A_39 = arith.constant 0 : i32
      %dma_wait3A_40 = tpu.memref_slice %arg6[%add3A_12, %dma_wait3A_39] : memref<50000x16xf32, #tpu.memory_space<vmem_shared>> -> memref<1125x16xf32, #tpu.memory_space<vmem_shared>>
      %dma_wait3A_41 = arith.constant 0 : i32
      %dma_wait3A_42 = tpu.memref_slice %arg6[%add3A_12, %dma_wait3A_41] : memref<50000x16xf32, #tpu.memory_space<vmem_shared>> -> memref<1125x16xf32, #tpu.memory_space<vmem_shared>>
      %dma_wait3A_43 = arith.constant 0 : i32
      %dma_wait3A_44 = arith.constant 0 : i32
      %dma_wait3A_45 = tpu.memref_slice %arg5[%dma_wait3A_43, %dma_wait3A_44] : memref<2000x16xf32, #tpu.memory_space<vmem>> -> memref<1125x16xf32, #tpu.memory_space<vmem>>
      tpu.wait_dma2 semaphore(%run_scoped3A : memref<!tpu.dma_semaphore, #tpu.memory_space<semaphore_mem>>) src(%dma_wait3A_45 : memref<1125x16xf32, #tpu.memory_space<vmem>>) dst(%dma_wait3A_42 : memref<1125x16xf32, #tpu.memory_space<vmem_shared>>)
      tpu.yield
    }) : () -> ()
    %barrier3A = arith.constant 0 : index
    tpu.barrier barrier_id(%barrier3A)
    %broadcast_in_dim3A_13 = arith.constant 1.000000e+00 : f32
    %broadcast_in_dim3A_14 = vector.broadcast %broadcast_in_dim3A_13 : f32 to vector<16xf32>
    %scan3A_15 = arith.constant 0 : i32
    %scan3A_16 = arith.constant 0 : i32
    %scan3A_17 = arith.constant 2000 : i32
    %scan3A_18 = arith.addi %scan3A_16, %scan3A_17 : i32
    %scan3A_19 = arith.constant 1 : i32
    scf.for %scan3A_28 = %scan3A_16 to %scan3A_18 step %scan3A_19  : i32 {
      %swap3A = arith.index_cast %scan3A_28 : i32 to index
      %swap3A_29 = arith.constant 0 : index
      %swap3A_30 = tpu.vector_load %arg5[%swap3A, %swap3A_29] {strides = array<i32>} : memref<2000x16xf32, #tpu.memory_space<vmem>>, vector<1x16xf32>,
      %swap3A_31 = vector.shape_cast %swap3A_30 : vector<1x16xf32> to vector<16xf32>
      %swap3A_32 = vector.shape_cast %broadcast_in_dim3A_14 : vector<16xf32> to vector<1x16xf32>
      tpu.vector_store %arg5[%swap3A, %swap3A_29], %swap3A_32 {strides = array<i32>} : memref<2000x16xf32, #tpu.memory_space<vmem>>, vector<1x16xf32>,
    }
    %scan3A_20 = arith.constant 2000 : i32
    %scan3A_21 = arith.constant 0 : i32
    %scan3A_22 = arith.constant 0 : i32
    %scan3A_23 = arith.constant 25 : i32
    %scan3A_24 = arith.addi %scan3A_22, %scan3A_23 : i32
    %scan3A_25 = arith.constant 1 : i32
    scf.for %scan3A_28 = %scan3A_22 to %scan3A_24 step %scan3A_25  : i32 {
      %mul3A_29 = arith.constant 2000 : i32
      %mul3A_30 = arith.muli %scan3A_28, %mul3A_29 : i32
      %add3A_31 = arith.addi %mul3A_2, %mul3A_30 : i32
      "tpu.region"() ({
        %run_scoped3A = tpu.sem_alloc : memref<!tpu.dma_semaphore, #tpu.memory_space<semaphore_mem>>
        %dma_start3A = tpu.memref_slice %arg2[%add3A_31] : memref<1600000xi32, #tpu.memory_space<hbm>> -> memref<2000xi32, #tpu.memory_space<hbm>>
        %dma_start3A_32 = tpu.memref_slice %arg2[%add3A_31] : memref<1600000xi32, #tpu.memory_space<hbm>> -> memref<2000xi32, #tpu.memory_space<hbm>>
        tpu.enqueue_dma source(%dma_start3A_32 : memref<2000xi32, #tpu.memory_space<hbm>>) target(%arg4 : memref<2000xi32, #tpu.memory_space<vmem>>) target_semaphore(%run_scoped3A : memref<!tpu.dma_semaphore, #tpu.memory_space<semaphore_mem>>)
        %dma_wait3A = tpu.memref_slice %arg2[%add3A_31] : memref<1600000xi32, #tpu.memory_space<hbm>> -> memref<2000xi32, #tpu.memory_space<hbm>>
        %dma_wait3A_33 = tpu.memref_slice %arg2[%add3A_31] : memref<1600000xi32, #tpu.memory_space<hbm>> -> memref<2000xi32, #tpu.memory_space<hbm>>
        tpu.wait_dma2 semaphore(%run_scoped3A : memref<!tpu.dma_semaphore, #tpu.memory_space<semaphore_mem>>) src(%dma_wait3A_33 : memref<2000xi32, #tpu.memory_space<hbm>>) dst(%arg4 : memref<2000xi32, #tpu.memory_space<vmem>>)
        tpu.yield
      }) : () -> ()
      "tpu.region"() ({
        %run_scoped3A = tpu.sem_alloc : memref<!tpu.dma_semaphore, #tpu.memory_space<semaphore_mem>>
        %dma_start3A = arith.constant 0 : i32
        %dma_start3A_32 = arith.constant 0 : i32
        %dma_start3A_33 = tpu.memref_slice %arg6[%dma_start3A, %dma_start3A_32] : memref<50000x16xf32, #tpu.memory_space<vmem_shared>> -> memref<50000x16xf32, #tpu.memory_space<vmem_shared>>
        tpu.enqueue_indirect_dma source(%arg5 : memref<2000x16xf32, #tpu.memory_space<vmem>>) target(%dma_start3A_33 : memref<50000x16xf32, #tpu.memory_space<vmem_shared>>) offsets(%arg4 : memref<2000xi32, #tpu.memory_space<vmem>>) semaphore(%run_scoped3A : memref<!tpu.dma_semaphore, #tpu.memory_space<semaphore_mem>>) {add = true}
        %dma_wait3A = arith.constant 0 : i32
        %dma_wait3A_34 = arith.constant 0 : i32
        %dma_wait3A_35 = tpu.memref_slice %arg6[%dma_wait3A, %dma_wait3A_34] : memref<50000x16xf32, #tpu.memory_space<vmem_shared>> -> memref<50000x16xf32, #tpu.memory_space<vmem_shared>>
        tpu.wait_indirect_dma semaphore(%run_scoped3A : memref<!tpu.dma_semaphore, #tpu.memory_space<semaphore_mem>>) src(%arg5 : memref<2000x16xf32, #tpu.memory_space<vmem>>) dst(%dma_wait3A_35 : memref<50000x16xf32, #tpu.memory_space<vmem_shared>>)
        tpu.yield
      }) : () -> ()
    }
    %scan3A_26 = arith.constant 25 : i32
    %barrier3A_27 = arith.constant 0 : index
    tpu.barrier barrier_id(%barrier3A_27)
    "tpu.region"() ({
      %run_scoped3A = tpu.sem_alloc : memref<!tpu.dma_semaphore, #tpu.memory_space<semaphore_mem>>
      %dma_start3A = arith.constant 0 : i32
      %dma_start3A_28 = tpu.memref_slice %arg3[%arg0, %mul3A_10, %dma_start3A] : memref<2x50000x16xf32, #tpu.memory_space<hbm>> -> memref<1x3125x16xf32, #tpu.memory_space<hbm>>
      %dma_start3A_29 = tpu.memref_squeeze %dma_start3A_28 : memref<1x3125x16xf32, #tpu.memory_space<hbm>> -> memref<3125x16xf32, #tpu.memory_space<hbm>>
      %dma_start3A_30 = arith.constant 0 : i32
      %dma_start3A_31 = tpu.memref_slice %arg6[%mul3A_10, %dma_start3A_30] : memref<50000x16xf32, #tpu.memory_space<vmem_shared>> -> memref<3125x16xf32, #tpu.memory_space<vmem_shared>>
      tpu.enqueue_dma source(%dma_start3A_31 : memref<3125x16xf32, #tpu.memory_space<vmem_shared>>) target(%dma_start3A_29 : memref<3125x16xf32, #tpu.memory_space<hbm>>) target_semaphore(%run_scoped3A : memref<!tpu.dma_semaphore, #tpu.memory_space<semaphore_mem>>)
      %dma_wait3A = arith.constant 0 : i32
      %dma_wait3A_32 = tpu.memref_slice %arg3[%arg0, %mul3A_10, %dma_wait3A] : memref<2x50000x16xf32, #tpu.memory_space<hbm>> -> memref<1x3125x16xf32, #tpu.memory_space<hbm>>
      %dma_wait3A_33 = tpu.memref_squeeze %dma_wait3A_32 : memref<1x3125x16xf32, #tpu.memory_space<hbm>> -> memref<3125x16xf32, #tpu.memory_space<hbm>>
      %dma_wait3A_34 = arith.constant 0 : i32
      %dma_wait3A_35 = tpu.memref_slice %arg6[%mul3A_10, %dma_wait3A_34] : memref<50000x16xf32, #tpu.memory_space<vmem_shared>> -> memref<3125x16xf32, #tpu.memory_space<vmem_shared>>
      tpu.wait_dma2 semaphore(%run_scoped3A : memref<!tpu.dma_semaphore, #tpu.memory_space<semaphore_mem>>) src(%dma_wait3A_35 : memref<3125x16xf32, #tpu.memory_space<vmem_shared>>) dst(%dma_wait3A_33 : memref<3125x16xf32, #tpu.memory_space<hbm>>)
      tpu.yield
    }) : () -> ()
    return
  }
}

#map = affine_map<(d0, d1) -> (0, 0)>
#map1 = affine_map<(d0, d1) -> (0)>
module attributes {stable_mosaic.version = 14 : i64} {
  func.func @_sc_gather(%arg0: i32, %arg1: i32, %arg2: memref<50000x16xf32, #tpu.memory_space<hbm>>, %arg3: memref<1600000xi32, #tpu.memory_space<hbm>>, %arg4: memref<200000x128xf32, #tpu.memory_space<hbm>>, %arg5: memref<2x800xi32, #tpu.memory_space<vmem>>, %arg6: memref<2x800x16xf32, #tpu.memory_space<vmem>>, %arg7: memref<2x3x!tpu.dma_semaphore, #tpu.memory_space<semaphore_mem>>) attributes {dimension_semantics = [#tpu.dimension_semantics<core_parallel>, #tpu.dimension_semantics<subcore_parallel>], iteration_bounds = array<i64: 2, 16>, scalar_prefetch = 0 : i64, scratch_operands = 3 : i64, tpu.core_type = #tpu.core_type<sc_vector_subcore>, window_params = [{transform_indices = #map}, {transform_indices = #map1}, {transform_indices = #map}]} {
    %mul3A = arith.constant 2 : i32
    %mul3A_0 = arith.muli %arg1, %mul3A : i32
    %add3A = arith.addi %mul3A_0, %arg0 : i32
    %scan3A = arith.constant 0 : i32
    %scan3A_1 = arith.constant 0 : i32
    %scan3A_2 = arith.constant 31 : i32
    %scan3A_3 = arith.addi %scan3A_1, %scan3A_2 : i32
    %scan3A_4 = arith.constant 1 : i32
    scf.for %scan3A_8 = %scan3A_1 to %scan3A_3 step %scan3A_4  : i32 {
      %mul3A_9 = arith.constant 2 : i32
      %mul3A_10 = arith.muli %mul3A_9, %scan3A_8 : i32
      %mul3A_11 = arith.constant 32 : i32
      %mul3A_12 = arith.muli %mul3A_11, %mul3A_10 : i32
      %add3A_13 = arith.addi %add3A, %mul3A_12 : i32
      %jit3A = arith.constant 8 : i32
      %div3A = arith.divsi %add3A_13, %jit3A : i32
      %sign3A = arith.constant 0 : i32
      %sign3A_14 = arith.cmpi sgt, %add3A_13, %sign3A : i32
      %sign3A_15 = arith.extui %sign3A_14 : i1 to i32
      %sign3A_16 = arith.constant 0 : i32
      %sign3A_17 = arith.cmpi slt, %add3A_13, %sign3A_16 : i32
      %sign3A_18 = arith.extui %sign3A_17 : i1 to i32
      %sign3A_19 = arith.subi %sign3A_15, %sign3A_18 : i32
      %sign3A_20 = arith.constant 0 : i32
      %sign3A_21 = arith.cmpi sgt, %jit3A, %sign3A_20 : i32
      %sign3A_22 = arith.extui %sign3A_21 : i1 to i32
      %sign3A_23 = arith.constant 0 : i32
      %sign3A_24 = arith.cmpi slt, %jit3A, %sign3A_23 : i32
      %sign3A_25 = arith.extui %sign3A_24 : i1 to i32
      %sign3A_26 = arith.subi %sign3A_22, %sign3A_25 : i32
      %ne3A = arith.cmpi ne, %sign3A_19, %sign3A_26 : i32
      %rem3A = arith.remsi %add3A_13, %jit3A : i32
      %ne3A_27 = arith.constant 0 : i32
      %ne3A_28 = arith.cmpi ne, %rem3A, %ne3A_27 : i32
      %and3A = arith.andi %ne3A, %ne3A_28 : i1
      %sub3A = arith.constant 1 : i32
      %sub3A_29 = arith.subi %div3A, %sub3A : i32
      %select_n3A = arith.select %and3A, %sub3A_29, %div3A : i32
      %mul3A_30 = arith.constant 8 : i32
      %mul3A_31 = arith.muli %mul3A_30, %select_n3A : i32
      %sub3A_32 = arith.subi %add3A_13, %mul3A_31 : i32
      %mul3A_33 = arith.constant 6400 : i32
      %mul3A_34 = arith.muli %select_n3A, %mul3A_33 : i32
      %mul3A_35 = arith.constant 800 : i32
      %mul3A_36 = arith.muli %sub3A_32, %mul3A_35 : i32
      %add3A_37 = arith.addi %mul3A_34, %mul3A_36 : i32
      %mul3A_38 = arith.constant 2 : i32
      %mul3A_39 = arith.muli %mul3A_38, %scan3A_8 : i32
      %add3A_40 = arith.constant 1 : i32
      %add3A_41 = arith.addi %mul3A_39, %add3A_40 : i32
      %mul3A_42 = arith.constant 32 : i32
      %mul3A_43 = arith.muli %mul3A_42, %add3A_41 : i32
      %add3A_44 = arith.addi %add3A, %mul3A_43 : i32
      %jit3A_45 = arith.constant 8 : i32
      %div3A_46 = arith.divsi %add3A_44, %jit3A_45 : i32
      %sign3A_47 = arith.constant 0 : i32
      %sign3A_48 = arith.cmpi sgt, %add3A_44, %sign3A_47 : i32
      %sign3A_49 = arith.extui %sign3A_48 : i1 to i32
      %sign3A_50 = arith.constant 0 : i32
      %sign3A_51 = arith.cmpi slt, %add3A_44, %sign3A_50 : i32
      %sign3A_52 = arith.extui %sign3A_51 : i1 to i32
      %sign3A_53 = arith.subi %sign3A_49, %sign3A_52 : i32
      %sign3A_54 = arith.constant 0 : i32
      %sign3A_55 = arith.cmpi sgt, %jit3A_45, %sign3A_54 : i32
      %sign3A_56 = arith.extui %sign3A_55 : i1 to i32
      %sign3A_57 = arith.constant 0 : i32
      %sign3A_58 = arith.cmpi slt, %jit3A_45, %sign3A_57 : i32
      %sign3A_59 = arith.extui %sign3A_58 : i1 to i32
      %sign3A_60 = arith.subi %sign3A_56, %sign3A_59 : i32
      %ne3A_61 = arith.cmpi ne, %sign3A_53, %sign3A_60 : i32
      %rem3A_62 = arith.remsi %add3A_44, %jit3A_45 : i32
      %ne3A_63 = arith.constant 0 : i32
      %ne3A_64 = arith.cmpi ne, %rem3A_62, %ne3A_63 : i32
      %and3A_65 = arith.andi %ne3A_61, %ne3A_64 : i1
      %sub3A_66 = arith.constant 1 : i32
      %sub3A_67 = arith.subi %div3A_46, %sub3A_66 : i32
      %select_n3A_68 = arith.select %and3A_65, %sub3A_67, %div3A_46 : i32
      %mul3A_69 = arith.constant 8 : i32
      %mul3A_70 = arith.muli %mul3A_69, %select_n3A_68 : i32
      %sub3A_71 = arith.subi %add3A_44, %mul3A_70 : i32
      %mul3A_72 = arith.constant 6400 : i32
      %mul3A_73 = arith.muli %select_n3A_68, %mul3A_72 : i32
      %mul3A_74 = arith.constant 800 : i32
      %mul3A_75 = arith.muli %sub3A_71, %mul3A_74 : i32
      %add3A_76 = arith.addi %mul3A_73, %mul3A_75 : i32
      %dma_start3A = arith.constant 0 : i32
      %dma_start3A_77 = arith.constant 0 : i32
      %dma_start3A_78 = arith.constant 0 : i32
      %dma_start3A_79 = arith.constant 0 : i32
      %dma_start3A_80 = tpu.memref_slice %arg5[%dma_start3A, %dma_start3A_79] : memref<2x800xi32, #tpu.memory_space<vmem>> -> memref<1x800xi32, #tpu.memory_space<vmem>>
      %dma_start3A_81 = tpu.memref_squeeze %dma_start3A_80 : memref<1x800xi32, #tpu.memory_space<vmem>> -> memref<800xi32, #tpu.memory_space<vmem>>
      %dma_start3A_82 = tpu.memref_slice %arg3[%add3A_37] : memref<1600000xi32, #tpu.memory_space<hbm>> -> memref<800xi32, #tpu.memory_space<hbm>>
      %dma_start3A_83 = tpu.memref_slice %arg7[%dma_start3A_77, %dma_start3A_78] : memref<2x3x!tpu.dma_semaphore, #tpu.memory_space<semaphore_mem>> -> memref<1x1x!tpu.dma_semaphore, #tpu.memory_space<semaphore_mem>>
      %dma_start3A_84 = tpu.memref_squeeze %dma_start3A_83 : memref<1x1x!tpu.dma_semaphore, #tpu.memory_space<semaphore_mem>> -> memref<!tpu.dma_semaphore, #tpu.memory_space<semaphore_mem>>
      %dma_start3A_85 = arith.constant 0 : i32
      %dma_start3A_86 = tpu.memref_slice %arg5[%dma_start3A, %dma_start3A_85] : memref<2x800xi32, #tpu.memory_space<vmem>> -> memref<1x800xi32, #tpu.memory_space<vmem>>
      %dma_start3A_87 = tpu.memref_squeeze %dma_start3A_86 : memref<1x800xi32, #tpu.memory_space<vmem>> -> memref<800xi32, #tpu.memory_space<vmem>>
      %dma_start3A_88 = tpu.memref_slice %arg3[%add3A_37] : memref<1600000xi32, #tpu.memory_space<hbm>> -> memref<800xi32, #tpu.memory_space<hbm>>
      tpu.enqueue_dma source(%dma_start3A_88 : memref<800xi32, #tpu.memory_space<hbm>>) target(%dma_start3A_87 : memref<800xi32, #tpu.memory_space<vmem>>) target_semaphore(%dma_start3A_84 : memref<!tpu.dma_semaphore, #tpu.memory_space<semaphore_mem>>)
      %dma_start3A_89 = arith.constant 1 : i32
      %dma_start3A_90 = arith.constant 1 : i32
      %dma_start3A_91 = arith.constant 0 : i32
      %dma_start3A_92 = arith.constant 0 : i32
      %dma_start3A_93 = tpu.memref_slice %arg5[%dma_start3A_89, %dma_start3A_92] : memref<2x800xi32, #tpu.memory_space<vmem>> -> memref<1x800xi32, #tpu.memory_space<vmem>>
      %dma_start3A_94 = tpu.memref_squeeze %dma_start3A_93 : memref<1x800xi32, #tpu.memory_space<vmem>> -> memref<800xi32, #tpu.memory_space<vmem>>
      %dma_start3A_95 = tpu.memref_slice %arg3[%add3A_76] : memref<1600000xi32, #tpu.memory_space<hbm>> -> memref<800xi32, #tpu.memory_space<hbm>>
      %dma_start3A_96 = tpu.memref_slice %arg7[%dma_start3A_90, %dma_start3A_91] : memref<2x3x!tpu.dma_semaphore, #tpu.memory_space<semaphore_mem>> -> memref<1x1x!tpu.dma_semaphore, #tpu.memory_space<semaphore_mem>>
      %dma_start3A_97 = tpu.memref_squeeze %dma_start3A_96 : memref<1x1x!tpu.dma_semaphore, #tpu.memory_space<semaphore_mem>> -> memref<!tpu.dma_semaphore, #tpu.memory_space<semaphore_mem>>
      %dma_start3A_98 = arith.constant 0 : i32
      %dma_start3A_99 = tpu.memref_slice %arg5[%dma_start3A_89, %dma_start3A_98] : memref<2x800xi32, #tpu.memory_space<vmem>> -> memref<1x800xi32, #tpu.memory_space<vmem>>
      %dma_start3A_100 = tpu.memref_squeeze %dma_start3A_99 : memref<1x800xi32, #tpu.memory_space<vmem>> -> memref<800xi32, #tpu.memory_space<vmem>>
      %dma_start3A_101 = tpu.memref_slice %arg3[%add3A_76] : memref<1600000xi32, #tpu.memory_space<hbm>> -> memref<800xi32, #tpu.memory_space<hbm>>
      tpu.enqueue_dma source(%dma_start3A_101 : memref<800xi32, #tpu.memory_space<hbm>>) target(%dma_start3A_100 : memref<800xi32, #tpu.memory_space<vmem>>) target_semaphore(%dma_start3A_97 : memref<!tpu.dma_semaphore, #tpu.memory_space<semaphore_mem>>)
      %dma_wait3A = arith.constant 0 : i32
      %dma_wait3A_102 = arith.constant 0 : i32
      %dma_wait3A_103 = arith.constant 0 : i32
      %dma_wait3A_104 = arith.constant 0 : i32
      %dma_wait3A_105 = tpu.memref_slice %arg5[%dma_wait3A, %dma_wait3A_104] : memref<2x800xi32, #tpu.memory_space<vmem>> -> memref<1x800xi32, #tpu.memory_space<vmem>>
      %dma_wait3A_106 = tpu.memref_squeeze %dma_wait3A_105 : memref<1x800xi32, #tpu.memory_space<vmem>> -> memref<800xi32, #tpu.memory_space<vmem>>
      %dma_wait3A_107 = tpu.memref_slice %arg3[%add3A_37] : memref<1600000xi32, #tpu.memory_space<hbm>> -> memref<800xi32, #tpu.memory_space<hbm>>
      %dma_wait3A_108 = tpu.memref_slice %arg7[%dma_wait3A_102, %dma_wait3A_103] : memref<2x3x!tpu.dma_semaphore, #tpu.memory_space<semaphore_mem>> -> memref<1x1x!tpu.dma_semaphore, #tpu.memory_space<semaphore_mem>>
      %dma_wait3A_109 = tpu.memref_squeeze %dma_wait3A_108 : memref<1x1x!tpu.dma_semaphore, #tpu.memory_space<semaphore_mem>> -> memref<!tpu.dma_semaphore, #tpu.memory_space<semaphore_mem>>
      %dma_wait3A_110 = arith.constant 0 : i32
      %dma_wait3A_111 = tpu.memref_slice %arg5[%dma_wait3A, %dma_wait3A_110] : memref<2x800xi32, #tpu.memory_space<vmem>> -> memref<1x800xi32, #tpu.memory_space<vmem>>
      %dma_wait3A_112 = tpu.memref_squeeze %dma_wait3A_111 : memref<1x800xi32, #tpu.memory_space<vmem>> -> memref<800xi32, #tpu.memory_space<vmem>>
      %dma_wait3A_113 = tpu.memref_slice %arg3[%add3A_37] : memref<1600000xi32, #tpu.memory_space<hbm>> -> memref<800xi32, #tpu.memory_space<hbm>>
      tpu.wait_dma2 semaphore(%dma_wait3A_109 : memref<!tpu.dma_semaphore, #tpu.memory_space<semaphore_mem>>) src(%dma_wait3A_113 : memref<800xi32, #tpu.memory_space<hbm>>) dst(%dma_wait3A_112 : memref<800xi32, #tpu.memory_space<vmem>>)
      %dma_start3A_114 = arith.constant 0 : i32
      %dma_start3A_115 = arith.constant 0 : i32
      %dma_start3A_116 = arith.constant 0 : i32
      %dma_start3A_117 = arith.constant 1 : i32
      %dma_start3A_118 = arith.constant 0 : i32
      %dma_start3A_119 = arith.constant 0 : i32
      %dma_start3A_120 = tpu.memref_slice %arg6[%dma_start3A_115, %dma_start3A_118, %dma_start3A_119] : memref<2x800x16xf32, #tpu.memory_space<vmem>> -> memref<1x800x16xf32, #tpu.memory_space<vmem>>
      %dma_start3A_121 = tpu.memref_squeeze %dma_start3A_120 : memref<1x800x16xf32, #tpu.memory_space<vmem>> -> memref<800x16xf32, #tpu.memory_space<vmem>>
      %dma_start3A_122 = arith.constant 0 : i32
      %dma_start3A_123 = tpu.memref_slice %arg5[%dma_start3A_114, %dma_start3A_122] : memref<2x800xi32, #tpu.memory_space<vmem>> -> memref<1x800xi32, #tpu.memory_space<vmem>>
      %dma_start3A_124 = tpu.memref_squeeze %dma_start3A_123 : memref<1x800xi32, #tpu.memory_space<vmem>> -> memref<800xi32, #tpu.memory_space<vmem>>
      %dma_start3A_125 = arith.constant 0 : i32
      %dma_start3A_126 = arith.constant 0 : i32
      %dma_start3A_127 = tpu.memref_slice %arg2[%dma_start3A_125, %dma_start3A_126] : memref<50000x16xf32, #tpu.memory_space<hbm>> -> memref<50000x16xf32, #tpu.memory_space<hbm>>
      %dma_start3A_128 = tpu.memref_slice %arg7[%dma_start3A_116, %dma_start3A_117] : memref<2x3x!tpu.dma_semaphore, #tpu.memory_space<semaphore_mem>> -> memref<1x1x!tpu.dma_semaphore, #tpu.memory_space<semaphore_mem>>
      %dma_start3A_129 = tpu.memref_squeeze %dma_start3A_128 : memref<1x1x!tpu.dma_semaphore, #tpu.memory_space<semaphore_mem>> -> memref<!tpu.dma_semaphore, #tpu.memory_space<semaphore_mem>>
      tpu.enqueue_indirect_dma source(%dma_start3A_127 : memref<50000x16xf32, #tpu.memory_space<hbm>>) target(%dma_start3A_121 : memref<800x16xf32, #tpu.memory_space<vmem>>) offsets(%dma_start3A_124 : memref<800xi32, #tpu.memory_space<vmem>>) semaphore(%dma_start3A_129 : memref<!tpu.dma_semaphore, #tpu.memory_space<semaphore_mem>>)
      %dma_wait3A_130 = arith.constant 1 : i32
      %dma_wait3A_131 = arith.constant 1 : i32
      %dma_wait3A_132 = arith.constant 0 : i32
      %dma_wait3A_133 = arith.constant 0 : i32
      %dma_wait3A_134 = tpu.memref_slice %arg5[%dma_wait3A_130, %dma_wait3A_133] : memref<2x800xi32, #tpu.memory_space<vmem>> -> memref<1x800xi32, #tpu.memory_space<vmem>>
      %dma_wait3A_135 = tpu.memref_squeeze %dma_wait3A_134 : memref<1x800xi32, #tpu.memory_space<vmem>> -> memref<800xi32, #tpu.memory_space<vmem>>
      %dma_wait3A_136 = tpu.memref_slice %arg3[%add3A_76] : memref<1600000xi32, #tpu.memory_space<hbm>> -> memref<800xi32, #tpu.memory_space<hbm>>
      %dma_wait3A_137 = tpu.memref_slice %arg7[%dma_wait3A_131, %dma_wait3A_132] : memref<2x3x!tpu.dma_semaphore, #tpu.memory_space<semaphore_mem>> -> memref<1x1x!tpu.dma_semaphore, #tpu.memory_space<semaphore_mem>>
      %dma_wait3A_138 = tpu.memref_squeeze %dma_wait3A_137 : memref<1x1x!tpu.dma_semaphore, #tpu.memory_space<semaphore_mem>> -> memref<!tpu.dma_semaphore, #tpu.memory_space<semaphore_mem>>
      %dma_wait3A_139 = arith.constant 0 : i32
      %dma_wait3A_140 = tpu.memref_slice %arg5[%dma_wait3A_130, %dma_wait3A_139] : memref<2x800xi32, #tpu.memory_space<vmem>> -> memref<1x800xi32, #tpu.memory_space<vmem>>
      %dma_wait3A_141 = tpu.memref_squeeze %dma_wait3A_140 : memref<1x800xi32, #tpu.memory_space<vmem>> -> memref<800xi32, #tpu.memory_space<vmem>>
      %dma_wait3A_142 = tpu.memref_slice %arg3[%add3A_76] : memref<1600000xi32, #tpu.memory_space<hbm>> -> memref<800xi32, #tpu.memory_space<hbm>>
      tpu.wait_dma2 semaphore(%dma_wait3A_138 : memref<!tpu.dma_semaphore, #tpu.memory_space<semaphore_mem>>) src(%dma_wait3A_142 : memref<800xi32, #tpu.memory_space<hbm>>) dst(%dma_wait3A_141 : memref<800xi32, #tpu.memory_space<vmem>>)
      %dma_start3A_143 = arith.constant 1 : i32
      %dma_start3A_144 = arith.constant 1 : i32
      %dma_start3A_145 = arith.constant 1 : i32
      %dma_start3A_146 = arith.constant 1 : i32
      %dma_start3A_147 = arith.constant 0 : i32
      %dma_start3A_148 = arith.constant 0 : i32
      %dma_start3A_149 = tpu.memref_slice %arg6[%dma_start3A_144, %dma_start3A_147, %dma_start3A_148] : memref<2x800x16xf32, #tpu.memory_space<vmem>> -> memref<1x800x16xf32, #tpu.memory_space<vmem>>
      %dma_start3A_150 = tpu.memref_squeeze %dma_start3A_149 : memref<1x800x16xf32, #tpu.memory_space<vmem>> -> memref<800x16xf32, #tpu.memory_space<vmem>>
      %dma_start3A_151 = arith.constant 0 : i32
      %dma_start3A_152 = tpu.memref_slice %arg5[%dma_start3A_143, %dma_start3A_151] : memref<2x800xi32, #tpu.memory_space<vmem>> -> memref<1x800xi32, #tpu.memory_space<vmem>>
      %dma_start3A_153 = tpu.memref_squeeze %dma_start3A_152 : memref<1x800xi32, #tpu.memory_space<vmem>> -> memref<800xi32, #tpu.memory_space<vmem>>
      %dma_start3A_154 = arith.constant 0 : i32
      %dma_start3A_155 = arith.constant 0 : i32
      %dma_start3A_156 = tpu.memref_slice %arg2[%dma_start3A_154, %dma_start3A_155] : memref<50000x16xf32, #tpu.memory_space<hbm>> -> memref<50000x16xf32, #tpu.memory_space<hbm>>
      %dma_start3A_157 = tpu.memref_slice %arg7[%dma_start3A_145, %dma_start3A_146] : memref<2x3x!tpu.dma_semaphore, #tpu.memory_space<semaphore_mem>> -> memref<1x1x!tpu.dma_semaphore, #tpu.memory_space<semaphore_mem>>
      %dma_start3A_158 = tpu.memref_squeeze %dma_start3A_157 : memref<1x1x!tpu.dma_semaphore, #tpu.memory_space<semaphore_mem>> -> memref<!tpu.dma_semaphore, #tpu.memory_space<semaphore_mem>>
      tpu.enqueue_indirect_dma source(%dma_start3A_156 : memref<50000x16xf32, #tpu.memory_space<hbm>>) target(%dma_start3A_150 : memref<800x16xf32, #tpu.memory_space<vmem>>) offsets(%dma_start3A_153 : memref<800xi32, #tpu.memory_space<vmem>>) semaphore(%dma_start3A_158 : memref<!tpu.dma_semaphore, #tpu.memory_space<semaphore_mem>>)
      %dma_wait3A_159 = arith.constant 0 : i32
      %dma_wait3A_160 = arith.constant 0 : i32
      %dma_wait3A_161 = arith.constant 0 : i32
      %dma_wait3A_162 = arith.constant 1 : i32
      %dma_wait3A_163 = arith.constant 0 : i32
      %dma_wait3A_164 = arith.constant 0 : i32
      %dma_wait3A_165 = tpu.memref_slice %arg6[%dma_wait3A_160, %dma_wait3A_163, %dma_wait3A_164] : memref<2x800x16xf32, #tpu.memory_space<vmem>> -> memref<1x800x16xf32, #tpu.memory_space<vmem>>
      %dma_wait3A_166 = tpu.memref_squeeze %dma_wait3A_165 : memref<1x800x16xf32, #tpu.memory_space<vmem>> -> memref<800x16xf32, #tpu.memory_space<vmem>>
      %dma_wait3A_167 = arith.constant 0 : i32
      %dma_wait3A_168 = tpu.memref_slice %arg5[%dma_wait3A_159, %dma_wait3A_167] : memref<2x800xi32, #tpu.memory_space<vmem>> -> memref<1x800xi32, #tpu.memory_space<vmem>>
      %dma_wait3A_169 = tpu.memref_squeeze %dma_wait3A_168 : memref<1x800xi32, #tpu.memory_space<vmem>> -> memref<800xi32, #tpu.memory_space<vmem>>
      %dma_wait3A_170 = arith.constant 0 : i32
      %dma_wait3A_171 = arith.constant 0 : i32
      %dma_wait3A_172 = tpu.memref_slice %arg2[%dma_wait3A_170, %dma_wait3A_171] : memref<50000x16xf32, #tpu.memory_space<hbm>> -> memref<50000x16xf32, #tpu.memory_space<hbm>>
      %dma_wait3A_173 = tpu.memref_slice %arg7[%dma_wait3A_161, %dma_wait3A_162] : memref<2x3x!tpu.dma_semaphore, #tpu.memory_space<semaphore_mem>> -> memref<1x1x!tpu.dma_semaphore, #tpu.memory_space<semaphore_mem>>
      %dma_wait3A_174 = tpu.memref_squeeze %dma_wait3A_173 : memref<1x1x!tpu.dma_semaphore, #tpu.memory_space<semaphore_mem>> -> memref<!tpu.dma_semaphore, #tpu.memory_space<semaphore_mem>>
      tpu.wait_indirect_dma semaphore(%dma_wait3A_174 : memref<!tpu.dma_semaphore, #tpu.memory_space<semaphore_mem>>) src(%dma_wait3A_172 : memref<50000x16xf32, #tpu.memory_space<hbm>>) dst(%dma_wait3A_166 : memref<800x16xf32, #tpu.memory_space<vmem>>)
      %mul3A_175 = arith.constant 800 : i32
      %mul3A_176 = arith.muli %select_n3A, %mul3A_175 : i32
      %mul3A_177 = arith.constant 16 : i32
      %mul3A_178 = arith.muli %sub3A_32, %mul3A_177 : i32
      %dma_start3A_179 = arith.constant 0 : i32
      %dma_start3A_180 = arith.constant 0 : i32
      %dma_start3A_181 = arith.constant 2 : i32
      %dma_start3A_182 = arith.constant 0 : i32
      %dma_start3A_183 = arith.constant 0 : i32
      %dma_start3A_184 = tpu.memref_slice %arg6[%dma_start3A_179, %dma_start3A_182, %dma_start3A_183] : memref<2x800x16xf32, #tpu.memory_space<vmem>> -> memref<1x800x16xf32, #tpu.memory_space<vmem>>
      %dma_start3A_185 = tpu.memref_squeeze %dma_start3A_184 : memref<1x800x16xf32, #tpu.memory_space<vmem>> -> memref<800x16xf32, #tpu.memory_space<vmem>>
      %dma_start3A_186 = tpu.memref_slice %arg4[%mul3A_176, %mul3A_178] : memref<200000x128xf32, #tpu.memory_space<hbm>> -> memref<800x16xf32, #tpu.memory_space<hbm>>
      %dma_start3A_187 = tpu.memref_slice %arg7[%dma_start3A_180, %dma_start3A_181] : memref<2x3x!tpu.dma_semaphore, #tpu.memory_space<semaphore_mem>> -> memref<1x1x!tpu.dma_semaphore, #tpu.memory_space<semaphore_mem>>
      %dma_start3A_188 = tpu.memref_squeeze %dma_start3A_187 : memref<1x1x!tpu.dma_semaphore, #tpu.memory_space<semaphore_mem>> -> memref<!tpu.dma_semaphore, #tpu.memory_space<semaphore_mem>>
      %dma_start3A_189 = tpu.memref_slice %arg4[%mul3A_176, %mul3A_178] : memref<200000x128xf32, #tpu.memory_space<hbm>> -> memref<800x16xf32, #tpu.memory_space<hbm>>
      %dma_start3A_190 = arith.constant 0 : i32
      %dma_start3A_191 = arith.constant 0 : i32
      %dma_start3A_192 = tpu.memref_slice %arg6[%dma_start3A_179, %dma_start3A_190, %dma_start3A_191] : memref<2x800x16xf32, #tpu.memory_space<vmem>> -> memref<1x800x16xf32, #tpu.memory_space<vmem>>
      %dma_start3A_193 = tpu.memref_squeeze %dma_start3A_192 : memref<1x800x16xf32, #tpu.memory_space<vmem>> -> memref<800x16xf32, #tpu.memory_space<vmem>>
      tpu.enqueue_dma source(%dma_start3A_193 : memref<800x16xf32, #tpu.memory_space<vmem>>) target(%dma_start3A_189 : memref<800x16xf32, #tpu.memory_space<hbm>>) target_semaphore(%dma_start3A_188 : memref<!tpu.dma_semaphore, #tpu.memory_space<semaphore_mem>>)
      %dma_wait3A_194 = arith.constant 1 : i32
      %dma_wait3A_195 = arith.constant 1 : i32
      %dma_wait3A_196 = arith.constant 1 : i32
      %dma_wait3A_197 = arith.constant 1 : i32
      %dma_wait3A_198 = arith.constant 0 : i32
      %dma_wait3A_199 = arith.constant 0 : i32
      %dma_wait3A_200 = tpu.memref_slice %arg6[%dma_wait3A_195, %dma_wait3A_198, %dma_wait3A_199] : memref<2x800x16xf32, #tpu.memory_space<vmem>> -> memref<1x800x16xf32, #tpu.memory_space<vmem>>
      %dma_wait3A_201 = tpu.memref_squeeze %dma_wait3A_200 : memref<1x800x16xf32, #tpu.memory_space<vmem>> -> memref<800x16xf32, #tpu.memory_space<vmem>>
      %dma_wait3A_202 = arith.constant 0 : i32
      %dma_wait3A_203 = tpu.memref_slice %arg5[%dma_wait3A_194, %dma_wait3A_202] : memref<2x800xi32, #tpu.memory_space<vmem>> -> memref<1x800xi32, #tpu.memory_space<vmem>>
      %dma_wait3A_204 = tpu.memref_squeeze %dma_wait3A_203 : memref<1x800xi32, #tpu.memory_space<vmem>> -> memref<800xi32, #tpu.memory_space<vmem>>
      %dma_wait3A_205 = arith.constant 0 : i32
      %dma_wait3A_206 = arith.constant 0 : i32
      %dma_wait3A_207 = tpu.memref_slice %arg2[%dma_wait3A_205, %dma_wait3A_206] : memref<50000x16xf32, #tpu.memory_space<hbm>> -> memref<50000x16xf32, #tpu.memory_space<hbm>>
      %dma_wait3A_208 = tpu.memref_slice %arg7[%dma_wait3A_196, %dma_wait3A_197] : memref<2x3x!tpu.dma_semaphore, #tpu.memory_space<semaphore_mem>> -> memref<1x1x!tpu.dma_semaphore, #tpu.memory_space<semaphore_mem>>
      %dma_wait3A_209 = tpu.memref_squeeze %dma_wait3A_208 : memref<1x1x!tpu.dma_semaphore, #tpu.memory_space<semaphore_mem>> -> memref<!tpu.dma_semaphore, #tpu.memory_space<semaphore_mem>>
      tpu.wait_indirect_dma semaphore(%dma_wait3A_209 : memref<!tpu.dma_semaphore, #tpu.memory_space<semaphore_mem>>) src(%dma_wait3A_207 : memref<50000x16xf32, #tpu.memory_space<hbm>>) dst(%dma_wait3A_201 : memref<800x16xf32, #tpu.memory_space<vmem>>)
      %mul3A_210 = arith.constant 800 : i32
      %mul3A_211 = arith.muli %select_n3A_68, %mul3A_210 : i32
      %mul3A_212 = arith.constant 16 : i32
      %mul3A_213 = arith.muli %sub3A_71, %mul3A_212 : i32
      %dma_start3A_214 = arith.constant 1 : i32
      %dma_start3A_215 = arith.constant 1 : i32
      %dma_start3A_216 = arith.constant 2 : i32
      %dma_start3A_217 = arith.constant 0 : i32
      %dma_start3A_218 = arith.constant 0 : i32
      %dma_start3A_219 = tpu.memref_slice %arg6[%dma_start3A_214, %dma_start3A_217, %dma_start3A_218] : memref<2x800x16xf32, #tpu.memory_space<vmem>> -> memref<1x800x16xf32, #tpu.memory_space<vmem>>
      %dma_start3A_220 = tpu.memref_squeeze %dma_start3A_219 : memref<1x800x16xf32, #tpu.memory_space<vmem>> -> memref<800x16xf32, #tpu.memory_space<vmem>>
      %dma_start3A_221 = tpu.memref_slice %arg4[%mul3A_211, %mul3A_213] : memref<200000x128xf32, #tpu.memory_space<hbm>> -> memref<800x16xf32, #tpu.memory_space<hbm>>
      %dma_start3A_222 = tpu.memref_slice %arg7[%dma_start3A_215, %dma_start3A_216] : memref<2x3x!tpu.dma_semaphore, #tpu.memory_space<semaphore_mem>> -> memref<1x1x!tpu.dma_semaphore, #tpu.memory_space<semaphore_mem>>
      %dma_start3A_223 = tpu.memref_squeeze %dma_start3A_222 : memref<1x1x!tpu.dma_semaphore, #tpu.memory_space<semaphore_mem>> -> memref<!tpu.dma_semaphore, #tpu.memory_space<semaphore_mem>>
      %dma_start3A_224 = tpu.memref_slice %arg4[%mul3A_211, %mul3A_213] : memref<200000x128xf32, #tpu.memory_space<hbm>> -> memref<800x16xf32, #tpu.memory_space<hbm>>
      %dma_start3A_225 = arith.constant 0 : i32
      %dma_start3A_226 = arith.constant 0 : i32
      %dma_start3A_227 = tpu.memref_slice %arg6[%dma_start3A_214, %dma_start3A_225, %dma_start3A_226] : memref<2x800x16xf32, #tpu.memory_space<vmem>> -> memref<1x800x16xf32, #tpu.memory_space<vmem>>
      %dma_start3A_228 = tpu.memref_squeeze %dma_start3A_227 : memref<1x800x16xf32, #tpu.memory_space<vmem>> -> memref<800x16xf32, #tpu.memory_space<vmem>>
      tpu.enqueue_dma source(%dma_start3A_228 : memref<800x16xf32, #tpu.memory_space<vmem>>) target(%dma_start3A_224 : memref<800x16xf32, #tpu.memory_space<hbm>>) target_semaphore(%dma_start3A_223 : memref<!tpu.dma_semaphore, #tpu.memory_space<semaphore_mem>>)
      %dma_wait3A_229 = arith.constant 0 : i32
      %dma_wait3A_230 = arith.constant 0 : i32
      %dma_wait3A_231 = arith.constant 2 : i32
      %dma_wait3A_232 = arith.constant 0 : i32
      %dma_wait3A_233 = arith.constant 0 : i32
      %dma_wait3A_234 = tpu.memref_slice %arg6[%dma_wait3A_229, %dma_wait3A_232, %dma_wait3A_233] : memref<2x800x16xf32, #tpu.memory_space<vmem>> -> memref<1x800x16xf32, #tpu.memory_space<vmem>>
      %dma_wait3A_235 = tpu.memref_squeeze %dma_wait3A_234 : memref<1x800x16xf32, #tpu.memory_space<vmem>> -> memref<800x16xf32, #tpu.memory_space<vmem>>
      %dma_wait3A_236 = tpu.memref_slice %arg4[%mul3A_176, %mul3A_178] : memref<200000x128xf32, #tpu.memory_space<hbm>> -> memref<800x16xf32, #tpu.memory_space<hbm>>
      %dma_wait3A_237 = tpu.memref_slice %arg7[%dma_wait3A_230, %dma_wait3A_231] : memref<2x3x!tpu.dma_semaphore, #tpu.memory_space<semaphore_mem>> -> memref<1x1x!tpu.dma_semaphore, #tpu.memory_space<semaphore_mem>>
      %dma_wait3A_238 = tpu.memref_squeeze %dma_wait3A_237 : memref<1x1x!tpu.dma_semaphore, #tpu.memory_space<semaphore_mem>> -> memref<!tpu.dma_semaphore, #tpu.memory_space<semaphore_mem>>
      %dma_wait3A_239 = tpu.memref_slice %arg4[%mul3A_176, %mul3A_178] : memref<200000x128xf32, #tpu.memory_space<hbm>> -> memref<800x16xf32, #tpu.memory_space<hbm>>
      %dma_wait3A_240 = arith.constant 0 : i32
      %dma_wait3A_241 = arith.constant 0 : i32
      %dma_wait3A_242 = tpu.memref_slice %arg6[%dma_wait3A_229, %dma_wait3A_240, %dma_wait3A_241] : memref<2x800x16xf32, #tpu.memory_space<vmem>> -> memref<1x800x16xf32, #tpu.memory_space<vmem>>
      %dma_wait3A_243 = tpu.memref_squeeze %dma_wait3A_242 : memref<1x800x16xf32, #tpu.memory_space<vmem>> -> memref<800x16xf32, #tpu.memory_space<vmem>>
      tpu.wait_dma2 semaphore(%dma_wait3A_238 : memref<!tpu.dma_semaphore, #tpu.memory_space<semaphore_mem>>) src(%dma_wait3A_243 : memref<800x16xf32, #tpu.memory_space<vmem>>) dst(%dma_wait3A_239 : memref<800x16xf32, #tpu.memory_space<hbm>>)
      %dma_wait3A_244 = arith.constant 1 : i32
      %dma_wait3A_245 = arith.constant 1 : i32
      %dma_wait3A_246 = arith.constant 2 : i32
      %dma_wait3A_247 = arith.constant 0 : i32
      %dma_wait3A_248 = arith.constant 0 : i32
      %dma_wait3A_249 = tpu.memref_slice %arg6[%dma_wait3A_244, %dma_wait3A_247, %dma_wait3A_248] : memref<2x800x16xf32, #tpu.memory_space<vmem>> -> memref<1x800x16xf32, #tpu.memory_space<vmem>>
      %dma_wait3A_250 = tpu.memref_squeeze %dma_wait3A_249 : memref<1x800x16xf32, #tpu.memory_space<vmem>> -> memref<800x16xf32, #tpu.memory_space<vmem>>
      %dma_wait3A_251 = tpu.memref_slice %arg4[%mul3A_211, %mul3A_213] : memref<200000x128xf32, #tpu.memory_space<hbm>> -> memref<800x16xf32, #tpu.memory_space<hbm>>
      %dma_wait3A_252 = tpu.memref_slice %arg7[%dma_wait3A_245, %dma_wait3A_246] : memref<2x3x!tpu.dma_semaphore, #tpu.memory_space<semaphore_mem>> -> memref<1x1x!tpu.dma_semaphore, #tpu.memory_space<semaphore_mem>>
      %dma_wait3A_253 = tpu.memref_squeeze %dma_wait3A_252 : memref<1x1x!tpu.dma_semaphore, #tpu.memory_space<semaphore_mem>> -> memref<!tpu.dma_semaphore, #tpu.memory_space<semaphore_mem>>
      %dma_wait3A_254 = tpu.memref_slice %arg4[%mul3A_211, %mul3A_213] : memref<200000x128xf32, #tpu.memory_space<hbm>> -> memref<800x16xf32, #tpu.memory_space<hbm>>
      %dma_wait3A_255 = arith.constant 0 : i32
      %dma_wait3A_256 = arith.constant 0 : i32
      %dma_wait3A_257 = tpu.memref_slice %arg6[%dma_wait3A_244, %dma_wait3A_255, %dma_wait3A_256] : memref<2x800x16xf32, #tpu.memory_space<vmem>> -> memref<1x800x16xf32, #tpu.memory_space<vmem>>
      %dma_wait3A_258 = tpu.memref_squeeze %dma_wait3A_257 : memref<1x800x16xf32, #tpu.memory_space<vmem>> -> memref<800x16xf32, #tpu.memory_space<vmem>>
      tpu.wait_dma2 semaphore(%dma_wait3A_253 : memref<!tpu.dma_semaphore, #tpu.memory_space<semaphore_mem>>) src(%dma_wait3A_258 : memref<800x16xf32, #tpu.memory_space<vmem>>) dst(%dma_wait3A_254 : memref<800x16xf32, #tpu.memory_space<hbm>>)
    }
    %scan3A_5 = arith.constant 31 : i32
    %lt3A = arith.constant 16 : i32
    %lt3A_6 = arith.cmpi slt, %add3A, %lt3A : i32
    %convert_element_type3A = arith.extui %lt3A_6 : i1 to i32
    %cond3A = arith.constant 0 : i32
    %cond3A_7 = arith.cmpi ne, %convert_element_type3A, %cond3A : i32
    scf.if %cond3A_7 {
      %add3A_8 = arith.constant 1984 : i32
      %add3A_9 = arith.addi %add3A, %add3A_8 : i32
      %jit3A = arith.constant 8 : i32
      %div3A = arith.divsi %add3A_9, %jit3A : i32
      %sign3A = arith.constant 0 : i32
      %sign3A_10 = arith.cmpi sgt, %add3A_9, %sign3A : i32
      %sign3A_11 = arith.extui %sign3A_10 : i1 to i32
      %sign3A_12 = arith.constant 0 : i32
      %sign3A_13 = arith.cmpi slt, %add3A_9, %sign3A_12 : i32
      %sign3A_14 = arith.extui %sign3A_13 : i1 to i32
      %sign3A_15 = arith.subi %sign3A_11, %sign3A_14 : i32
      %sign3A_16 = arith.constant 0 : i32
      %sign3A_17 = arith.cmpi sgt, %jit3A, %sign3A_16 : i32
      %sign3A_18 = arith.extui %sign3A_17 : i1 to i32
      %sign3A_19 = arith.constant 0 : i32
      %sign3A_20 = arith.cmpi slt, %jit3A, %sign3A_19 : i32
      %sign3A_21 = arith.extui %sign3A_20 : i1 to i32
      %sign3A_22 = arith.subi %sign3A_18, %sign3A_21 : i32
      %ne3A = arith.cmpi ne, %sign3A_15, %sign3A_22 : i32
      %rem3A = arith.remsi %add3A_9, %jit3A : i32
      %ne3A_23 = arith.constant 0 : i32
      %ne3A_24 = arith.cmpi ne, %rem3A, %ne3A_23 : i32
      %and3A = arith.andi %ne3A, %ne3A_24 : i1
      %sub3A = arith.constant 1 : i32
      %sub3A_25 = arith.subi %div3A, %sub3A : i32
      %select_n3A = arith.select %and3A, %sub3A_25, %div3A : i32
      %mul3A_26 = arith.constant 8 : i32
      %mul3A_27 = arith.muli %mul3A_26, %select_n3A : i32
      %sub3A_28 = arith.subi %add3A_9, %mul3A_27 : i32
      %mul3A_29 = arith.constant 6400 : i32
      %mul3A_30 = arith.muli %select_n3A, %mul3A_29 : i32
      %mul3A_31 = arith.constant 800 : i32
      %mul3A_32 = arith.muli %sub3A_28, %mul3A_31 : i32
      %add3A_33 = arith.addi %mul3A_30, %mul3A_32 : i32
      %run_scoped3A = arith.constant 0 : i32
      "tpu.region"() ({
        %run_scoped3A_69 = tpu.sem_alloc : memref<!tpu.dma_semaphore, #tpu.memory_space<semaphore_mem>>
        %dma_start3A_70 = arith.constant 0 : i32
        %dma_start3A_71 = tpu.memref_slice %arg5[%run_scoped3A, %dma_start3A_70] : memref<2x800xi32, #tpu.memory_space<vmem>> -> memref<1x800xi32, #tpu.memory_space<vmem>>
        %dma_start3A_72 = tpu.memref_squeeze %dma_start3A_71 : memref<1x800xi32, #tpu.memory_space<vmem>> -> memref<800xi32, #tpu.memory_space<vmem>>
        %dma_start3A_73 = tpu.memref_slice %arg3[%add3A_33] : memref<1600000xi32, #tpu.memory_space<hbm>> -> memref<800xi32, #tpu.memory_space<hbm>>
        %dma_start3A_74 = arith.constant 0 : i32
        %dma_start3A_75 = tpu.memref_slice %arg5[%run_scoped3A, %dma_start3A_74] : memref<2x800xi32, #tpu.memory_space<vmem>> -> memref<1x800xi32, #tpu.memory_space<vmem>>
        %dma_start3A_76 = tpu.memref_squeeze %dma_start3A_75 : memref<1x800xi32, #tpu.memory_space<vmem>> -> memref<800xi32, #tpu.memory_space<vmem>>
        %dma_start3A_77 = tpu.memref_slice %arg3[%add3A_33] : memref<1600000xi32, #tpu.memory_space<hbm>> -> memref<800xi32, #tpu.memory_space<hbm>>
        tpu.enqueue_dma source(%dma_start3A_77 : memref<800xi32, #tpu.memory_space<hbm>>) target(%dma_start3A_76 : memref<800xi32, #tpu.memory_space<vmem>>) target_semaphore(%run_scoped3A_69 : memref<!tpu.dma_semaphore, #tpu.memory_space<semaphore_mem>>)
        %dma_wait3A_78 = arith.constant 0 : i32
        %dma_wait3A_79 = tpu.memref_slice %arg5[%run_scoped3A, %dma_wait3A_78] : memref<2x800xi32, #tpu.memory_space<vmem>> -> memref<1x800xi32, #tpu.memory_space<vmem>>
        %dma_wait3A_80 = tpu.memref_squeeze %dma_wait3A_79 : memref<1x800xi32, #tpu.memory_space<vmem>> -> memref<800xi32, #tpu.memory_space<vmem>>
        %dma_wait3A_81 = tpu.memref_slice %arg3[%add3A_33] : memref<1600000xi32, #tpu.memory_space<hbm>> -> memref<800xi32, #tpu.memory_space<hbm>>
        %dma_wait3A_82 = arith.constant 0 : i32
        %dma_wait3A_83 = tpu.memref_slice %arg5[%run_scoped3A, %dma_wait3A_82] : memref<2x800xi32, #tpu.memory_space<vmem>> -> memref<1x800xi32, #tpu.memory_space<vmem>>
        %dma_wait3A_84 = tpu.memref_squeeze %dma_wait3A_83 : memref<1x800xi32, #tpu.memory_space<vmem>> -> memref<800xi32, #tpu.memory_space<vmem>>
        %dma_wait3A_85 = tpu.memref_slice %arg3[%add3A_33] : memref<1600000xi32, #tpu.memory_space<hbm>> -> memref<800xi32, #tpu.memory_space<hbm>>
        tpu.wait_dma2 semaphore(%run_scoped3A_69 : memref<!tpu.dma_semaphore, #tpu.memory_space<semaphore_mem>>) src(%dma_wait3A_85 : memref<800xi32, #tpu.memory_space<hbm>>) dst(%dma_wait3A_84 : memref<800xi32, #tpu.memory_space<vmem>>)
        tpu.yield
      }) : () -> ()
      %dma_start3A = arith.constant 0 : i32
      %dma_start3A_34 = arith.constant 0 : i32
      %dma_start3A_35 = arith.constant 0 : i32
      %dma_start3A_36 = arith.constant 1 : i32
      %dma_start3A_37 = arith.constant 0 : i32
      %dma_start3A_38 = arith.constant 0 : i32
      %dma_start3A_39 = tpu.memref_slice %arg6[%dma_start3A_34, %dma_start3A_37, %dma_start3A_38] : memref<2x800x16xf32, #tpu.memory_space<vmem>> -> memref<1x800x16xf32, #tpu.memory_space<vmem>>
      %dma_start3A_40 = tpu.memref_squeeze %dma_start3A_39 : memref<1x800x16xf32, #tpu.memory_space<vmem>> -> memref<800x16xf32, #tpu.memory_space<vmem>>
      %dma_start3A_41 = arith.constant 0 : i32
      %dma_start3A_42 = tpu.memref_slice %arg5[%dma_start3A, %dma_start3A_41] : memref<2x800xi32, #tpu.memory_space<vmem>> -> memref<1x800xi32, #tpu.memory_space<vmem>>
      %dma_start3A_43 = tpu.memref_squeeze %dma_start3A_42 : memref<1x800xi32, #tpu.memory_space<vmem>> -> memref<800xi32, #tpu.memory_space<vmem>>
      %dma_start3A_44 = arith.constant 0 : i32
      %dma_start3A_45 = arith.constant 0 : i32
      %dma_start3A_46 = tpu.memref_slice %arg2[%dma_start3A_44, %dma_start3A_45] : memref<50000x16xf32, #tpu.memory_space<hbm>> -> memref<50000x16xf32, #tpu.memory_space<hbm>>
      %dma_start3A_47 = tpu.memref_slice %arg7[%dma_start3A_35, %dma_start3A_36] : memref<2x3x!tpu.dma_semaphore, #tpu.memory_space<semaphore_mem>> -> memref<1x1x!tpu.dma_semaphore, #tpu.memory_space<semaphore_mem>>
      %dma_start3A_48 = tpu.memref_squeeze %dma_start3A_47 : memref<1x1x!tpu.dma_semaphore, #tpu.memory_space<semaphore_mem>> -> memref<!tpu.dma_semaphore, #tpu.memory_space<semaphore_mem>>
      tpu.enqueue_indirect_dma source(%dma_start3A_46 : memref<50000x16xf32, #tpu.memory_space<hbm>>) target(%dma_start3A_40 : memref<800x16xf32, #tpu.memory_space<vmem>>) offsets(%dma_start3A_43 : memref<800xi32, #tpu.memory_space<vmem>>) semaphore(%dma_start3A_48 : memref<!tpu.dma_semaphore, #tpu.memory_space<semaphore_mem>>)
      %dma_wait3A = arith.constant 0 : i32
      %dma_wait3A_49 = arith.constant 0 : i32
      %dma_wait3A_50 = arith.constant 0 : i32
      %dma_wait3A_51 = arith.constant 1 : i32
      %dma_wait3A_52 = arith.constant 0 : i32
      %dma_wait3A_53 = arith.constant 0 : i32
      %dma_wait3A_54 = tpu.memref_slice %arg6[%dma_wait3A_49, %dma_wait3A_52, %dma_wait3A_53] : memref<2x800x16xf32, #tpu.memory_space<vmem>> -> memref<1x800x16xf32, #tpu.memory_space<vmem>>
      %dma_wait3A_55 = tpu.memref_squeeze %dma_wait3A_54 : memref<1x800x16xf32, #tpu.memory_space<vmem>> -> memref<800x16xf32, #tpu.memory_space<vmem>>
      %dma_wait3A_56 = arith.constant 0 : i32
      %dma_wait3A_57 = tpu.memref_slice %arg5[%dma_wait3A, %dma_wait3A_56] : memref<2x800xi32, #tpu.memory_space<vmem>> -> memref<1x800xi32, #tpu.memory_space<vmem>>
      %dma_wait3A_58 = tpu.memref_squeeze %dma_wait3A_57 : memref<1x800xi32, #tpu.memory_space<vmem>> -> memref<800xi32, #tpu.memory_space<vmem>>
      %dma_wait3A_59 = arith.constant 0 : i32
      %dma_wait3A_60 = arith.constant 0 : i32
      %dma_wait3A_61 = tpu.memref_slice %arg2[%dma_wait3A_59, %dma_wait3A_60] : memref<50000x16xf32, #tpu.memory_space<hbm>> -> memref<50000x16xf32, #tpu.memory_space<hbm>>
      %dma_wait3A_62 = tpu.memref_slice %arg7[%dma_wait3A_50, %dma_wait3A_51] : memref<2x3x!tpu.dma_semaphore, #tpu.memory_space<semaphore_mem>> -> memref<1x1x!tpu.dma_semaphore, #tpu.memory_space<semaphore_mem>>
      %dma_wait3A_63 = tpu.memref_squeeze %dma_wait3A_62 : memref<1x1x!tpu.dma_semaphore, #tpu.memory_space<semaphore_mem>> -> memref<!tpu.dma_semaphore, #tpu.memory_space<semaphore_mem>>
      tpu.wait_indirect_dma semaphore(%dma_wait3A_63 : memref<!tpu.dma_semaphore, #tpu.memory_space<semaphore_mem>>) src(%dma_wait3A_61 : memref<50000x16xf32, #tpu.memory_space<hbm>>) dst(%dma_wait3A_55 : memref<800x16xf32, #tpu.memory_space<vmem>>)
      %mul3A_64 = arith.constant 800 : i32
      %mul3A_65 = arith.muli %select_n3A, %mul3A_64 : i32
      %mul3A_66 = arith.constant 16 : i32
      %mul3A_67 = arith.muli %sub3A_28, %mul3A_66 : i32
      %run_scoped3A_68 = arith.constant 0 : i32
      "tpu.region"() ({
        %run_scoped3A_69 = tpu.sem_alloc : memref<!tpu.dma_semaphore, #tpu.memory_space<semaphore_mem>>
        %dma_start3A_70 = arith.constant 0 : i32
        %dma_start3A_71 = arith.constant 0 : i32
        %dma_start3A_72 = tpu.memref_slice %arg6[%run_scoped3A_68, %dma_start3A_70, %dma_start3A_71] : memref<2x800x16xf32, #tpu.memory_space<vmem>> -> memref<1x800x16xf32, #tpu.memory_space<vmem>>
        %dma_start3A_73 = tpu.memref_squeeze %dma_start3A_72 : memref<1x800x16xf32, #tpu.memory_space<vmem>> -> memref<800x16xf32, #tpu.memory_space<vmem>>
        %dma_start3A_74 = tpu.memref_slice %arg4[%mul3A_65, %mul3A_67] : memref<200000x128xf32, #tpu.memory_space<hbm>> -> memref<800x16xf32, #tpu.memory_space<hbm>>
        %dma_start3A_75 = tpu.memref_slice %arg4[%mul3A_65, %mul3A_67] : memref<200000x128xf32, #tpu.memory_space<hbm>> -> memref<800x16xf32, #tpu.memory_space<hbm>>
        %dma_start3A_76 = arith.constant 0 : i32
        %dma_start3A_77 = arith.constant 0 : i32
        %dma_start3A_78 = tpu.memref_slice %arg6[%run_scoped3A_68, %dma_start3A_76, %dma_start3A_77] : memref<2x800x16xf32, #tpu.memory_space<vmem>> -> memref<1x800x16xf32, #tpu.memory_space<vmem>>
        %dma_start3A_79 = tpu.memref_squeeze %dma_start3A_78 : memref<1x800x16xf32, #tpu.memory_space<vmem>> -> memref<800x16xf32, #tpu.memory_space<vmem>>
        tpu.enqueue_dma source(%dma_start3A_79 : memref<800x16xf32, #tpu.memory_space<vmem>>) target(%dma_start3A_75 : memref<800x16xf32, #tpu.memory_space<hbm>>) target_semaphore(%run_scoped3A_69 : memref<!tpu.dma_semaphore, #tpu.memory_space<semaphore_mem>>)
        %dma_wait3A_80 = arith.constant 0 : i32
        %dma_wait3A_81 = arith.constant 0 : i32
        %dma_wait3A_82 = tpu.memref_slice %arg6[%run_scoped3A_68, %dma_wait3A_80, %dma_wait3A_81] : memref<2x800x16xf32, #tpu.memory_space<vmem>> -> memref<1x800x16xf32, #tpu.memory_space<vmem>>
        %dma_wait3A_83 = tpu.memref_squeeze %dma_wait3A_82 : memref<1x800x16xf32, #tpu.memory_space<vmem>> -> memref<800x16xf32, #tpu.memory_space<vmem>>
        %dma_wait3A_84 = tpu.memref_slice %arg4[%mul3A_65, %mul3A_67] : memref<200000x128xf32, #tpu.memory_space<hbm>> -> memref<800x16xf32, #tpu.memory_space<hbm>>
        %dma_wait3A_85 = tpu.memref_slice %arg4[%mul3A_65, %mul3A_67] : memref<200000x128xf32, #tpu.memory_space<hbm>> -> memref<800x16xf32, #tpu.memory_space<hbm>>
        %dma_wait3A_86 = arith.constant 0 : i32
        %dma_wait3A_87 = arith.constant 0 : i32
        %dma_wait3A_88 = tpu.memref_slice %arg6[%run_scoped3A_68, %dma_wait3A_86, %dma_wait3A_87] : memref<2x800x16xf32, #tpu.memory_space<vmem>> -> memref<1x800x16xf32, #tpu.memory_space<vmem>>
        %dma_wait3A_89 = tpu.memref_squeeze %dma_wait3A_88 : memref<1x800x16xf32, #tpu.memory_space<vmem>> -> memref<800x16xf32, #tpu.memory_space<vmem>>
        tpu.wait_dma2 semaphore(%run_scoped3A_69 : memref<!tpu.dma_semaphore, #tpu.memory_space<semaphore_mem>>) src(%dma_wait3A_89 : memref<800x16xf32, #tpu.memory_space<vmem>>) dst(%dma_wait3A_85 : memref<800x16xf32, #tpu.memory_space<hbm>>)
        tpu.yield
      }) : () -> ()
    } else {
    }
    return
  }
}

#map = affine_map<(d0, d1) -> (0, 0)>
#map1 = affine_map<(d0, d1) -> (0)>
#map2 = affine_map<(d0, d1) -> (0, 0, 0)>
module attributes {stable_mosaic.version = 14 : i64} {
  func.func @_sc_scatter(%arg0: i32, %arg1: i32, %arg2: memref<200000x128xf32, #tpu.memory_space<hbm>>, %arg3: memref<1600000xi32, #tpu.memory_space<hbm>>, %arg4: memref<2x50000x16xf32, #tpu.memory_space<hbm>>, %arg5: memref<2x800xi32, #tpu.memory_space<vmem>>, %arg6: memref<2x800x16xf32, #tpu.memory_space<vmem>>, %arg7: memref<2000x16xf32, #tpu.memory_space<vmem>>, %arg8: memref<50000x16xf32, #tpu.memory_space<vmem_shared>>, %arg9: memref<2x3x!tpu.dma_semaphore, #tpu.memory_space<semaphore_mem>>) attributes {dimension_semantics = [#tpu.dimension_semantics<core_parallel>, #tpu.dimension_semantics<subcore_parallel>], iteration_bounds = array<i64: 2, 16>, scalar_prefetch = 0 : i64, scratch_operands = 5 : i64, tpu.core_type = #tpu.core_type<sc_vector_subcore>, window_params = [{transform_indices = #map}, {transform_indices = #map1}, {transform_indices = #map2}]} {
    %mul3A = arith.constant 2 : i32
    %mul3A_0 = arith.muli %arg1, %mul3A : i32
    %add3A = arith.addi %mul3A_0, %arg0 : i32
    %broadcast_in_dim3A = arith.constant 0.000000e+00 : f32
    %broadcast_in_dim3A_1 = vector.broadcast %broadcast_in_dim3A : f32 to vector<16xf32>
    %scan3A = arith.constant 0 : i32
    %scan3A_2 = arith.constant 0 : i32
    %scan3A_3 = arith.constant 2000 : i32
    %scan3A_4 = arith.addi %scan3A_2, %scan3A_3 : i32
    %scan3A_5 = arith.constant 1 : i32
    scf.for %scan3A_20 = %scan3A_2 to %scan3A_4 step %scan3A_5  : i32 {
      %swap3A = arith.index_cast %scan3A_20 : i32 to index
      %swap3A_21 = arith.constant 0 : index
      %swap3A_22 = tpu.vector_load %arg7[%swap3A, %swap3A_21] {strides = array<i32>} : memref<2000x16xf32, #tpu.memory_space<vmem>>, vector<1x16xf32>,
      %swap3A_23 = vector.shape_cast %swap3A_22 : vector<1x16xf32> to vector<16xf32>
      %swap3A_24 = vector.shape_cast %broadcast_in_dim3A_1 : vector<16xf32> to vector<1x16xf32>
      tpu.vector_store %arg7[%swap3A, %swap3A_21], %swap3A_24 {strides = array<i32>} : memref<2000x16xf32, #tpu.memory_space<vmem>>, vector<1x16xf32>,
    }
    %scan3A_6 = arith.constant 2000 : i32
    %mul3A_7 = arith.constant 3125 : i32
    %mul3A_8 = arith.muli %arg1, %mul3A_7 : i32
    "tpu.region"() ({
      %run_scoped3A = tpu.sem_alloc : memref<!tpu.dma_semaphore, #tpu.memory_space<semaphore_mem>>
      %dma_start3A = arith.constant 0 : i32
      %dma_start3A_20 = tpu.memref_slice %arg8[%mul3A_8, %dma_start3A] : memref<50000x16xf32, #tpu.memory_space<vmem_shared>> -> memref<2000x16xf32, #tpu.memory_space<vmem_shared>>
      %dma_start3A_21 = arith.constant 0 : i32
      %dma_start3A_22 = tpu.memref_slice %arg8[%mul3A_8, %dma_start3A_21] : memref<50000x16xf32, #tpu.memory_space<vmem_shared>> -> memref<2000x16xf32, #tpu.memory_space<vmem_shared>>
      tpu.enqueue_dma source(%arg7 : memref<2000x16xf32, #tpu.memory_space<vmem>>) target(%dma_start3A_22 : memref<2000x16xf32, #tpu.memory_space<vmem_shared>>) target_semaphore(%run_scoped3A : memref<!tpu.dma_semaphore, #tpu.memory_space<semaphore_mem>>)
      %dma_wait3A = arith.constant 0 : i32
      %dma_wait3A_23 = tpu.memref_slice %arg8[%mul3A_8, %dma_wait3A] : memref<50000x16xf32, #tpu.memory_space<vmem_shared>> -> memref<2000x16xf32, #tpu.memory_space<vmem_shared>>
      %dma_wait3A_24 = arith.constant 0 : i32
      %dma_wait3A_25 = tpu.memref_slice %arg8[%mul3A_8, %dma_wait3A_24] : memref<50000x16xf32, #tpu.memory_space<vmem_shared>> -> memref<2000x16xf32, #tpu.memory_space<vmem_shared>>
      tpu.wait_dma2 semaphore(%run_scoped3A : memref<!tpu.dma_semaphore, #tpu.memory_space<semaphore_mem>>) src(%arg7 : memref<2000x16xf32, #tpu.memory_space<vmem>>) dst(%dma_wait3A_25 : memref<2000x16xf32, #tpu.memory_space<vmem_shared>>)
      tpu.yield
    }) : () -> ()
    %add3A_9 = arith.constant 2000 : i32
    %add3A_10 = arith.addi %mul3A_8, %add3A_9 : i32
    "tpu.region"() ({
      %run_scoped3A = tpu.sem_alloc : memref<!tpu.dma_semaphore, #tpu.memory_space<semaphore_mem>>
      %dma_start3A = arith.constant 0 : i32
      %dma_start3A_20 = arith.constant 0 : i32
      %dma_start3A_21 = tpu.memref_slice %arg7[%dma_start3A, %dma_start3A_20] : memref<2000x16xf32, #tpu.memory_space<vmem>> -> memref<1125x16xf32, #tpu.memory_space<vmem>>
      %dma_start3A_22 = arith.constant 0 : i32
      %dma_start3A_23 = tpu.memref_slice %arg8[%add3A_10, %dma_start3A_22] : memref<50000x16xf32, #tpu.memory_space<vmem_shared>> -> memref<1125x16xf32, #tpu.memory_space<vmem_shared>>
      %dma_start3A_24 = arith.constant 0 : i32
      %dma_start3A_25 = tpu.memref_slice %arg8[%add3A_10, %dma_start3A_24] : memref<50000x16xf32, #tpu.memory_space<vmem_shared>> -> memref<1125x16xf32, #tpu.memory_space<vmem_shared>>
      %dma_start3A_26 = arith.constant 0 : i32
      %dma_start3A_27 = arith.constant 0 : i32
      %dma_start3A_28 = tpu.memref_slice %arg7[%dma_start3A_26, %dma_start3A_27] : memref<2000x16xf32, #tpu.memory_space<vmem>> -> memref<1125x16xf32, #tpu.memory_space<vmem>>
      tpu.enqueue_dma source(%dma_start3A_28 : memref<1125x16xf32, #tpu.memory_space<vmem>>) target(%dma_start3A_25 : memref<1125x16xf32, #tpu.memory_space<vmem_shared>>) target_semaphore(%run_scoped3A : memref<!tpu.dma_semaphore, #tpu.memory_space<semaphore_mem>>)
      %dma_wait3A = arith.constant 0 : i32
      %dma_wait3A_29 = arith.constant 0 : i32
      %dma_wait3A_30 = tpu.memref_slice %arg7[%dma_wait3A, %dma_wait3A_29] : memref<2000x16xf32, #tpu.memory_space<vmem>> -> memref<1125x16xf32, #tpu.memory_space<vmem>>
      %dma_wait3A_31 = arith.constant 0 : i32
      %dma_wait3A_32 = tpu.memref_slice %arg8[%add3A_10, %dma_wait3A_31] : memref<50000x16xf32, #tpu.memory_space<vmem_shared>> -> memref<1125x16xf32, #tpu.memory_space<vmem_shared>>
      %dma_wait3A_33 = arith.constant 0 : i32
      %dma_wait3A_34 = tpu.memref_slice %arg8[%add3A_10, %dma_wait3A_33] : memref<50000x16xf32, #tpu.memory_space<vmem_shared>> -> memref<1125x16xf32, #tpu.memory_space<vmem_shared>>
      %dma_wait3A_35 = arith.constant 0 : i32
      %dma_wait3A_36 = arith.constant 0 : i32
      %dma_wait3A_37 = tpu.memref_slice %arg7[%dma_wait3A_35, %dma_wait3A_36] : memref<2000x16xf32, #tpu.memory_space<vmem>> -> memref<1125x16xf32, #tpu.memory_space<vmem>>
      tpu.wait_dma2 semaphore(%run_scoped3A : memref<!tpu.dma_semaphore, #tpu.memory_space<semaphore_mem>>) src(%dma_wait3A_37 : memref<1125x16xf32, #tpu.memory_space<vmem>>) dst(%dma_wait3A_34 : memref<1125x16xf32, #tpu.memory_space<vmem_shared>>)
      tpu.yield
    }) : () -> ()
    %barrier3A = arith.constant 0 : index
    tpu.barrier barrier_id(%barrier3A)
    %scan3A_11 = arith.constant 0 : i32
    %scan3A_12 = arith.constant 0 : i32
    %scan3A_13 = arith.constant 31 : i32
    %scan3A_14 = arith.addi %scan3A_12, %scan3A_13 : i32
    %scan3A_15 = arith.constant 1 : i32
    scf.for %scan3A_20 = %scan3A_12 to %scan3A_14 step %scan3A_15  : i32 {
      %mul3A_21 = arith.constant 2 : i32
      %mul3A_22 = arith.muli %mul3A_21, %scan3A_20 : i32
      %mul3A_23 = arith.constant 32 : i32
      %mul3A_24 = arith.muli %mul3A_23, %mul3A_22 : i32
      %add3A_25 = arith.addi %add3A, %mul3A_24 : i32
      %jit3A = arith.constant 8 : i32
      %div3A = arith.divsi %add3A_25, %jit3A : i32
      %sign3A = arith.constant 0 : i32
      %sign3A_26 = arith.cmpi sgt, %add3A_25, %sign3A : i32
      %sign3A_27 = arith.extui %sign3A_26 : i1 to i32
      %sign3A_28 = arith.constant 0 : i32
      %sign3A_29 = arith.cmpi slt, %add3A_25, %sign3A_28 : i32
      %sign3A_30 = arith.extui %sign3A_29 : i1 to i32
      %sign3A_31 = arith.subi %sign3A_27, %sign3A_30 : i32
      %sign3A_32 = arith.constant 0 : i32
      %sign3A_33 = arith.cmpi sgt, %jit3A, %sign3A_32 : i32
      %sign3A_34 = arith.extui %sign3A_33 : i1 to i32
      %sign3A_35 = arith.constant 0 : i32
      %sign3A_36 = arith.cmpi slt, %jit3A, %sign3A_35 : i32
      %sign3A_37 = arith.extui %sign3A_36 : i1 to i32
      %sign3A_38 = arith.subi %sign3A_34, %sign3A_37 : i32
      %ne3A = arith.cmpi ne, %sign3A_31, %sign3A_38 : i32
      %rem3A = arith.remsi %add3A_25, %jit3A : i32
      %ne3A_39 = arith.constant 0 : i32
      %ne3A_40 = arith.cmpi ne, %rem3A, %ne3A_39 : i32
      %and3A = arith.andi %ne3A, %ne3A_40 : i1
      %sub3A = arith.constant 1 : i32
      %sub3A_41 = arith.subi %div3A, %sub3A : i32
      %select_n3A = arith.select %and3A, %sub3A_41, %div3A : i32
      %mul3A_42 = arith.constant 8 : i32
      %mul3A_43 = arith.muli %mul3A_42, %select_n3A : i32
      %sub3A_44 = arith.subi %add3A_25, %mul3A_43 : i32
      %mul3A_45 = arith.constant 6400 : i32
      %mul3A_46 = arith.muli %select_n3A, %mul3A_45 : i32
      %mul3A_47 = arith.constant 800 : i32
      %mul3A_48 = arith.muli %sub3A_44, %mul3A_47 : i32
      %add3A_49 = arith.addi %mul3A_46, %mul3A_48 : i32
      %mul3A_50 = arith.constant 2 : i32
      %mul3A_51 = arith.muli %mul3A_50, %scan3A_20 : i32
      %add3A_52 = arith.constant 1 : i32
      %add3A_53 = arith.addi %mul3A_51, %add3A_52 : i32
      %mul3A_54 = arith.constant 32 : i32
      %mul3A_55 = arith.muli %mul3A_54, %add3A_53 : i32
      %add3A_56 = arith.addi %add3A, %mul3A_55 : i32
      %jit3A_57 = arith.constant 8 : i32
      %div3A_58 = arith.divsi %add3A_56, %jit3A_57 : i32
      %sign3A_59 = arith.constant 0 : i32
      %sign3A_60 = arith.cmpi sgt, %add3A_56, %sign3A_59 : i32
      %sign3A_61 = arith.extui %sign3A_60 : i1 to i32
      %sign3A_62 = arith.constant 0 : i32
      %sign3A_63 = arith.cmpi slt, %add3A_56, %sign3A_62 : i32
      %sign3A_64 = arith.extui %sign3A_63 : i1 to i32
      %sign3A_65 = arith.subi %sign3A_61, %sign3A_64 : i32
      %sign3A_66 = arith.constant 0 : i32
      %sign3A_67 = arith.cmpi sgt, %jit3A_57, %sign3A_66 : i32
      %sign3A_68 = arith.extui %sign3A_67 : i1 to i32
      %sign3A_69 = arith.constant 0 : i32
      %sign3A_70 = arith.cmpi slt, %jit3A_57, %sign3A_69 : i32
      %sign3A_71 = arith.extui %sign3A_70 : i1 to i32
      %sign3A_72 = arith.subi %sign3A_68, %sign3A_71 : i32
      %ne3A_73 = arith.cmpi ne, %sign3A_65, %sign3A_72 : i32
      %rem3A_74 = arith.remsi %add3A_56, %jit3A_57 : i32
      %ne3A_75 = arith.constant 0 : i32
      %ne3A_76 = arith.cmpi ne, %rem3A_74, %ne3A_75 : i32
      %and3A_77 = arith.andi %ne3A_73, %ne3A_76 : i1
      %sub3A_78 = arith.constant 1 : i32
      %sub3A_79 = arith.subi %div3A_58, %sub3A_78 : i32
      %select_n3A_80 = arith.select %and3A_77, %sub3A_79, %div3A_58 : i32
      %mul3A_81 = arith.constant 8 : i32
      %mul3A_82 = arith.muli %mul3A_81, %select_n3A_80 : i32
      %sub3A_83 = arith.subi %add3A_56, %mul3A_82 : i32
      %mul3A_84 = arith.constant 6400 : i32
      %mul3A_85 = arith.muli %select_n3A_80, %mul3A_84 : i32
      %mul3A_86 = arith.constant 800 : i32
      %mul3A_87 = arith.muli %sub3A_83, %mul3A_86 : i32
      %add3A_88 = arith.addi %mul3A_85, %mul3A_87 : i32
      %dma_start3A = arith.constant 0 : i32
      %dma_start3A_89 = arith.constant 0 : i32
      %dma_start3A_90 = arith.constant 0 : i32
      %dma_start3A_91 = arith.constant 0 : i32
      %dma_start3A_92 = tpu.memref_slice %arg5[%dma_start3A, %dma_start3A_91] : memref<2x800xi32, #tpu.memory_space<vmem>> -> memref<1x800xi32, #tpu.memory_space<vmem>>
      %dma_start3A_93 = tpu.memref_squeeze %dma_start3A_92 : memref<1x800xi32, #tpu.memory_space<vmem>> -> memref<800xi32, #tpu.memory_space<vmem>>
      %dma_start3A_94 = tpu.memref_slice %arg3[%add3A_49] : memref<1600000xi32, #tpu.memory_space<hbm>> -> memref<800xi32, #tpu.memory_space<hbm>>
      %dma_start3A_95 = tpu.memref_slice %arg9[%dma_start3A_89, %dma_start3A_90] : memref<2x3x!tpu.dma_semaphore, #tpu.memory_space<semaphore_mem>> -> memref<1x1x!tpu.dma_semaphore, #tpu.memory_space<semaphore_mem>>
      %dma_start3A_96 = tpu.memref_squeeze %dma_start3A_95 : memref<1x1x!tpu.dma_semaphore, #tpu.memory_space<semaphore_mem>> -> memref<!tpu.dma_semaphore, #tpu.memory_space<semaphore_mem>>
      %dma_start3A_97 = arith.constant 0 : i32
      %dma_start3A_98 = tpu.memref_slice %arg5[%dma_start3A, %dma_start3A_97] : memref<2x800xi32, #tpu.memory_space<vmem>> -> memref<1x800xi32, #tpu.memory_space<vmem>>
      %dma_start3A_99 = tpu.memref_squeeze %dma_start3A_98 : memref<1x800xi32, #tpu.memory_space<vmem>> -> memref<800xi32, #tpu.memory_space<vmem>>
      %dma_start3A_100 = tpu.memref_slice %arg3[%add3A_49] : memref<1600000xi32, #tpu.memory_space<hbm>> -> memref<800xi32, #tpu.memory_space<hbm>>
      tpu.enqueue_dma source(%dma_start3A_100 : memref<800xi32, #tpu.memory_space<hbm>>) target(%dma_start3A_99 : memref<800xi32, #tpu.memory_space<vmem>>) target_semaphore(%dma_start3A_96 : memref<!tpu.dma_semaphore, #tpu.memory_space<semaphore_mem>>)
      %dma_start3A_101 = arith.constant 1 : i32
      %dma_start3A_102 = arith.constant 1 : i32
      %dma_start3A_103 = arith.constant 0 : i32
      %dma_start3A_104 = arith.constant 0 : i32
      %dma_start3A_105 = tpu.memref_slice %arg5[%dma_start3A_101, %dma_start3A_104] : memref<2x800xi32, #tpu.memory_space<vmem>> -> memref<1x800xi32, #tpu.memory_space<vmem>>
      %dma_start3A_106 = tpu.memref_squeeze %dma_start3A_105 : memref<1x800xi32, #tpu.memory_space<vmem>> -> memref<800xi32, #tpu.memory_space<vmem>>
      %dma_start3A_107 = tpu.memref_slice %arg3[%add3A_88] : memref<1600000xi32, #tpu.memory_space<hbm>> -> memref<800xi32, #tpu.memory_space<hbm>>
      %dma_start3A_108 = tpu.memref_slice %arg9[%dma_start3A_102, %dma_start3A_103] : memref<2x3x!tpu.dma_semaphore, #tpu.memory_space<semaphore_mem>> -> memref<1x1x!tpu.dma_semaphore, #tpu.memory_space<semaphore_mem>>
      %dma_start3A_109 = tpu.memref_squeeze %dma_start3A_108 : memref<1x1x!tpu.dma_semaphore, #tpu.memory_space<semaphore_mem>> -> memref<!tpu.dma_semaphore, #tpu.memory_space<semaphore_mem>>
      %dma_start3A_110 = arith.constant 0 : i32
      %dma_start3A_111 = tpu.memref_slice %arg5[%dma_start3A_101, %dma_start3A_110] : memref<2x800xi32, #tpu.memory_space<vmem>> -> memref<1x800xi32, #tpu.memory_space<vmem>>
      %dma_start3A_112 = tpu.memref_squeeze %dma_start3A_111 : memref<1x800xi32, #tpu.memory_space<vmem>> -> memref<800xi32, #tpu.memory_space<vmem>>
      %dma_start3A_113 = tpu.memref_slice %arg3[%add3A_88] : memref<1600000xi32, #tpu.memory_space<hbm>> -> memref<800xi32, #tpu.memory_space<hbm>>
      tpu.enqueue_dma source(%dma_start3A_113 : memref<800xi32, #tpu.memory_space<hbm>>) target(%dma_start3A_112 : memref<800xi32, #tpu.memory_space<vmem>>) target_semaphore(%dma_start3A_109 : memref<!tpu.dma_semaphore, #tpu.memory_space<semaphore_mem>>)
      %mul3A_114 = arith.constant 800 : i32
      %mul3A_115 = arith.muli %select_n3A, %mul3A_114 : i32
      %mul3A_116 = arith.constant 16 : i32
      %mul3A_117 = arith.muli %sub3A_44, %mul3A_116 : i32
      %dma_start3A_118 = arith.constant 0 : i32
      %dma_start3A_119 = arith.constant 0 : i32
      %dma_start3A_120 = arith.constant 1 : i32
      %dma_start3A_121 = arith.constant 0 : i32
      %dma_start3A_122 = arith.constant 0 : i32
      %dma_start3A_123 = tpu.memref_slice %arg6[%dma_start3A_118, %dma_start3A_121, %dma_start3A_122] : memref<2x800x16xf32, #tpu.memory_space<vmem>> -> memref<1x800x16xf32, #tpu.memory_space<vmem>>
      %dma_start3A_124 = tpu.memref_squeeze %dma_start3A_123 : memref<1x800x16xf32, #tpu.memory_space<vmem>> -> memref<800x16xf32, #tpu.memory_space<vmem>>
      %dma_start3A_125 = tpu.memref_slice %arg2[%mul3A_115, %mul3A_117] : memref<200000x128xf32, #tpu.memory_space<hbm>> -> memref<800x16xf32, #tpu.memory_space<hbm>>
      %dma_start3A_126 = tpu.memref_slice %arg9[%dma_start3A_119, %dma_start3A_120] : memref<2x3x!tpu.dma_semaphore, #tpu.memory_space<semaphore_mem>> -> memref<1x1x!tpu.dma_semaphore, #tpu.memory_space<semaphore_mem>>
      %dma_start3A_127 = tpu.memref_squeeze %dma_start3A_126 : memref<1x1x!tpu.dma_semaphore, #tpu.memory_space<semaphore_mem>> -> memref<!tpu.dma_semaphore, #tpu.memory_space<semaphore_mem>>
      %dma_start3A_128 = arith.constant 0 : i32
      %dma_start3A_129 = arith.constant 0 : i32
      %dma_start3A_130 = tpu.memref_slice %arg6[%dma_start3A_118, %dma_start3A_128, %dma_start3A_129] : memref<2x800x16xf32, #tpu.memory_space<vmem>> -> memref<1x800x16xf32, #tpu.memory_space<vmem>>
      %dma_start3A_131 = tpu.memref_squeeze %dma_start3A_130 : memref<1x800x16xf32, #tpu.memory_space<vmem>> -> memref<800x16xf32, #tpu.memory_space<vmem>>
      %dma_start3A_132 = tpu.memref_slice %arg2[%mul3A_115, %mul3A_117] : memref<200000x128xf32, #tpu.memory_space<hbm>> -> memref<800x16xf32, #tpu.memory_space<hbm>>
      tpu.enqueue_dma source(%dma_start3A_132 : memref<800x16xf32, #tpu.memory_space<hbm>>) target(%dma_start3A_131 : memref<800x16xf32, #tpu.memory_space<vmem>>) target_semaphore(%dma_start3A_127 : memref<!tpu.dma_semaphore, #tpu.memory_space<semaphore_mem>>)
      %mul3A_133 = arith.constant 800 : i32
      %mul3A_134 = arith.muli %select_n3A_80, %mul3A_133 : i32
      %mul3A_135 = arith.constant 16 : i32
      %mul3A_136 = arith.muli %sub3A_83, %mul3A_135 : i32
      %dma_start3A_137 = arith.constant 1 : i32
      %dma_start3A_138 = arith.constant 1 : i32
      %dma_start3A_139 = arith.constant 1 : i32
      %dma_start3A_140 = arith.constant 0 : i32
      %dma_start3A_141 = arith.constant 0 : i32
      %dma_start3A_142 = tpu.memref_slice %arg6[%dma_start3A_137, %dma_start3A_140, %dma_start3A_141] : memref<2x800x16xf32, #tpu.memory_space<vmem>> -> memref<1x800x16xf32, #tpu.memory_space<vmem>>
      %dma_start3A_143 = tpu.memref_squeeze %dma_start3A_142 : memref<1x800x16xf32, #tpu.memory_space<vmem>> -> memref<800x16xf32, #tpu.memory_space<vmem>>
      %dma_start3A_144 = tpu.memref_slice %arg2[%mul3A_134, %mul3A_136] : memref<200000x128xf32, #tpu.memory_space<hbm>> -> memref<800x16xf32, #tpu.memory_space<hbm>>
      %dma_start3A_145 = tpu.memref_slice %arg9[%dma_start3A_138, %dma_start3A_139] : memref<2x3x!tpu.dma_semaphore, #tpu.memory_space<semaphore_mem>> -> memref<1x1x!tpu.dma_semaphore, #tpu.memory_space<semaphore_mem>>
      %dma_start3A_146 = tpu.memref_squeeze %dma_start3A_145 : memref<1x1x!tpu.dma_semaphore, #tpu.memory_space<semaphore_mem>> -> memref<!tpu.dma_semaphore, #tpu.memory_space<semaphore_mem>>
      %dma_start3A_147 = arith.constant 0 : i32
      %dma_start3A_148 = arith.constant 0 : i32
      %dma_start3A_149 = tpu.memref_slice %arg6[%dma_start3A_137, %dma_start3A_147, %dma_start3A_148] : memref<2x800x16xf32, #tpu.memory_space<vmem>> -> memref<1x800x16xf32, #tpu.memory_space<vmem>>
      %dma_start3A_150 = tpu.memref_squeeze %dma_start3A_149 : memref<1x800x16xf32, #tpu.memory_space<vmem>> -> memref<800x16xf32, #tpu.memory_space<vmem>>
      %dma_start3A_151 = tpu.memref_slice %arg2[%mul3A_134, %mul3A_136] : memref<200000x128xf32, #tpu.memory_space<hbm>> -> memref<800x16xf32, #tpu.memory_space<hbm>>
      tpu.enqueue_dma source(%dma_start3A_151 : memref<800x16xf32, #tpu.memory_space<hbm>>) target(%dma_start3A_150 : memref<800x16xf32, #tpu.memory_space<vmem>>) target_semaphore(%dma_start3A_146 : memref<!tpu.dma_semaphore, #tpu.memory_space<semaphore_mem>>)
      %dma_wait3A = arith.constant 0 : i32
      %dma_wait3A_152 = arith.constant 0 : i32
      %dma_wait3A_153 = arith.constant 0 : i32
      %dma_wait3A_154 = arith.constant 0 : i32
      %dma_wait3A_155 = tpu.memref_slice %arg5[%dma_wait3A, %dma_wait3A_154] : memref<2x800xi32, #tpu.memory_space<vmem>> -> memref<1x800xi32, #tpu.memory_space<vmem>>
      %dma_wait3A_156 = tpu.memref_squeeze %dma_wait3A_155 : memref<1x800xi32, #tpu.memory_space<vmem>> -> memref<800xi32, #tpu.memory_space<vmem>>
      %dma_wait3A_157 = tpu.memref_slice %arg3[%add3A_49] : memref<1600000xi32, #tpu.memory_space<hbm>> -> memref<800xi32, #tpu.memory_space<hbm>>
      %dma_wait3A_158 = tpu.memref_slice %arg9[%dma_wait3A_152, %dma_wait3A_153] : memref<2x3x!tpu.dma_semaphore, #tpu.memory_space<semaphore_mem>> -> memref<1x1x!tpu.dma_semaphore, #tpu.memory_space<semaphore_mem>>
      %dma_wait3A_159 = tpu.memref_squeeze %dma_wait3A_158 : memref<1x1x!tpu.dma_semaphore, #tpu.memory_space<semaphore_mem>> -> memref<!tpu.dma_semaphore, #tpu.memory_space<semaphore_mem>>
      %dma_wait3A_160 = arith.constant 0 : i32
      %dma_wait3A_161 = tpu.memref_slice %arg5[%dma_wait3A, %dma_wait3A_160] : memref<2x800xi32, #tpu.memory_space<vmem>> -> memref<1x800xi32, #tpu.memory_space<vmem>>
      %dma_wait3A_162 = tpu.memref_squeeze %dma_wait3A_161 : memref<1x800xi32, #tpu.memory_space<vmem>> -> memref<800xi32, #tpu.memory_space<vmem>>
      %dma_wait3A_163 = tpu.memref_slice %arg3[%add3A_49] : memref<1600000xi32, #tpu.memory_space<hbm>> -> memref<800xi32, #tpu.memory_space<hbm>>
      tpu.wait_dma2 semaphore(%dma_wait3A_159 : memref<!tpu.dma_semaphore, #tpu.memory_space<semaphore_mem>>) src(%dma_wait3A_163 : memref<800xi32, #tpu.memory_space<hbm>>) dst(%dma_wait3A_162 : memref<800xi32, #tpu.memory_space<vmem>>)
      %dma_wait3A_164 = arith.constant 0 : i32
      %dma_wait3A_165 = arith.constant 0 : i32
      %dma_wait3A_166 = arith.constant 1 : i32
      %dma_wait3A_167 = arith.constant 0 : i32
      %dma_wait3A_168 = arith.constant 0 : i32
      %dma_wait3A_169 = tpu.memref_slice %arg6[%dma_wait3A_164, %dma_wait3A_167, %dma_wait3A_168] : memref<2x800x16xf32, #tpu.memory_space<vmem>> -> memref<1x800x16xf32, #tpu.memory_space<vmem>>
      %dma_wait3A_170 = tpu.memref_squeeze %dma_wait3A_169 : memref<1x800x16xf32, #tpu.memory_space<vmem>> -> memref<800x16xf32, #tpu.memory_space<vmem>>
      %dma_wait3A_171 = tpu.memref_slice %arg2[%mul3A_115, %mul3A_117] : memref<200000x128xf32, #tpu.memory_space<hbm>> -> memref<800x16xf32, #tpu.memory_space<hbm>>
      %dma_wait3A_172 = tpu.memref_slice %arg9[%dma_wait3A_165, %dma_wait3A_166] : memref<2x3x!tpu.dma_semaphore, #tpu.memory_space<semaphore_mem>> -> memref<1x1x!tpu.dma_semaphore, #tpu.memory_space<semaphore_mem>>
      %dma_wait3A_173 = tpu.memref_squeeze %dma_wait3A_172 : memref<1x1x!tpu.dma_semaphore, #tpu.memory_space<semaphore_mem>> -> memref<!tpu.dma_semaphore, #tpu.memory_space<semaphore_mem>>
      %dma_wait3A_174 = arith.constant 0 : i32
      %dma_wait3A_175 = arith.constant 0 : i32
      %dma_wait3A_176 = tpu.memref_slice %arg6[%dma_wait3A_164, %dma_wait3A_174, %dma_wait3A_175] : memref<2x800x16xf32, #tpu.memory_space<vmem>> -> memref<1x800x16xf32, #tpu.memory_space<vmem>>
      %dma_wait3A_177 = tpu.memref_squeeze %dma_wait3A_176 : memref<1x800x16xf32, #tpu.memory_space<vmem>> -> memref<800x16xf32, #tpu.memory_space<vmem>>
      %dma_wait3A_178 = tpu.memref_slice %arg2[%mul3A_115, %mul3A_117] : memref<200000x128xf32, #tpu.memory_space<hbm>> -> memref<800x16xf32, #tpu.memory_space<hbm>>
      tpu.wait_dma2 semaphore(%dma_wait3A_173 : memref<!tpu.dma_semaphore, #tpu.memory_space<semaphore_mem>>) src(%dma_wait3A_178 : memref<800x16xf32, #tpu.memory_space<hbm>>) dst(%dma_wait3A_177 : memref<800x16xf32, #tpu.memory_space<vmem>>)
      %dma_start3A_179 = arith.constant 0 : i32
      %dma_start3A_180 = arith.constant 0 : i32
      %dma_start3A_181 = arith.constant 0 : i32
      %dma_start3A_182 = arith.constant 2 : i32
      %dma_start3A_183 = arith.constant 0 : i32
      %dma_start3A_184 = arith.constant 0 : i32
      %dma_start3A_185 = tpu.memref_slice %arg6[%dma_start3A_179, %dma_start3A_183, %dma_start3A_184] : memref<2x800x16xf32, #tpu.memory_space<vmem>> -> memref<1x800x16xf32, #tpu.memory_space<vmem>>
      %dma_start3A_186 = tpu.memref_squeeze %dma_start3A_185 : memref<1x800x16xf32, #tpu.memory_space<vmem>> -> memref<800x16xf32, #tpu.memory_space<vmem>>
      %dma_start3A_187 = arith.constant 0 : i32
      %dma_start3A_188 = tpu.memref_slice %arg5[%dma_start3A_180, %dma_start3A_187] : memref<2x800xi32, #tpu.memory_space<vmem>> -> memref<1x800xi32, #tpu.memory_space<vmem>>
      %dma_start3A_189 = tpu.memref_squeeze %dma_start3A_188 : memref<1x800xi32, #tpu.memory_space<vmem>> -> memref<800xi32, #tpu.memory_space<vmem>>
      %dma_start3A_190 = arith.constant 0 : i32
      %dma_start3A_191 = arith.constant 0 : i32
      %dma_start3A_192 = tpu.memref_slice %arg8[%dma_start3A_190, %dma_start3A_191] : memref<50000x16xf32, #tpu.memory_space<vmem_shared>> -> memref<50000x16xf32, #tpu.memory_space<vmem_shared>>
      %dma_start3A_193 = tpu.memref_slice %arg9[%dma_start3A_181, %dma_start3A_182] : memref<2x3x!tpu.dma_semaphore, #tpu.memory_space<semaphore_mem>> -> memref<1x1x!tpu.dma_semaphore, #tpu.memory_space<semaphore_mem>>
      %dma_start3A_194 = tpu.memref_squeeze %dma_start3A_193 : memref<1x1x!tpu.dma_semaphore, #tpu.memory_space<semaphore_mem>> -> memref<!tpu.dma_semaphore, #tpu.memory_space<semaphore_mem>>
      tpu.enqueue_indirect_dma source(%dma_start3A_186 : memref<800x16xf32, #tpu.memory_space<vmem>>) target(%dma_start3A_192 : memref<50000x16xf32, #tpu.memory_space<vmem_shared>>) offsets(%dma_start3A_189 : memref<800xi32, #tpu.memory_space<vmem>>) semaphore(%dma_start3A_194 : memref<!tpu.dma_semaphore, #tpu.memory_space<semaphore_mem>>) {add = true}
      %dma_wait3A_195 = arith.constant 1 : i32
      %dma_wait3A_196 = arith.constant 1 : i32
      %dma_wait3A_197 = arith.constant 0 : i32
      %dma_wait3A_198 = arith.constant 0 : i32
      %dma_wait3A_199 = tpu.memref_slice %arg5[%dma_wait3A_195, %dma_wait3A_198] : memref<2x800xi32, #tpu.memory_space<vmem>> -> memref<1x800xi32, #tpu.memory_space<vmem>>
      %dma_wait3A_200 = tpu.memref_squeeze %dma_wait3A_199 : memref<1x800xi32, #tpu.memory_space<vmem>> -> memref<800xi32, #tpu.memory_space<vmem>>
      %dma_wait3A_201 = tpu.memref_slice %arg3[%add3A_88] : memref<1600000xi32, #tpu.memory_space<hbm>> -> memref<800xi32, #tpu.memory_space<hbm>>
      %dma_wait3A_202 = tpu.memref_slice %arg9[%dma_wait3A_196, %dma_wait3A_197] : memref<2x3x!tpu.dma_semaphore, #tpu.memory_space<semaphore_mem>> -> memref<1x1x!tpu.dma_semaphore, #tpu.memory_space<semaphore_mem>>
      %dma_wait3A_203 = tpu.memref_squeeze %dma_wait3A_202 : memref<1x1x!tpu.dma_semaphore, #tpu.memory_space<semaphore_mem>> -> memref<!tpu.dma_semaphore, #tpu.memory_space<semaphore_mem>>
      %dma_wait3A_204 = arith.constant 0 : i32
      %dma_wait3A_205 = tpu.memref_slice %arg5[%dma_wait3A_195, %dma_wait3A_204] : memref<2x800xi32, #tpu.memory_space<vmem>> -> memref<1x800xi32, #tpu.memory_space<vmem>>
      %dma_wait3A_206 = tpu.memref_squeeze %dma_wait3A_205 : memref<1x800xi32, #tpu.memory_space<vmem>> -> memref<800xi32, #tpu.memory_space<vmem>>
      %dma_wait3A_207 = tpu.memref_slice %arg3[%add3A_88] : memref<1600000xi32, #tpu.memory_space<hbm>> -> memref<800xi32, #tpu.memory_space<hbm>>
      tpu.wait_dma2 semaphore(%dma_wait3A_203 : memref<!tpu.dma_semaphore, #tpu.memory_space<semaphore_mem>>) src(%dma_wait3A_207 : memref<800xi32, #tpu.memory_space<hbm>>) dst(%dma_wait3A_206 : memref<800xi32, #tpu.memory_space<vmem>>)
      %dma_wait3A_208 = arith.constant 1 : i32
      %dma_wait3A_209 = arith.constant 1 : i32
      %dma_wait3A_210 = arith.constant 1 : i32
      %dma_wait3A_211 = arith.constant 0 : i32
      %dma_wait3A_212 = arith.constant 0 : i32
      %dma_wait3A_213 = tpu.memref_slice %arg6[%dma_wait3A_208, %dma_wait3A_211, %dma_wait3A_212] : memref<2x800x16xf32, #tpu.memory_space<vmem>> -> memref<1x800x16xf32, #tpu.memory_space<vmem>>
      %dma_wait3A_214 = tpu.memref_squeeze %dma_wait3A_213 : memref<1x800x16xf32, #tpu.memory_space<vmem>> -> memref<800x16xf32, #tpu.memory_space<vmem>>
      %dma_wait3A_215 = tpu.memref_slice %arg2[%mul3A_134, %mul3A_136] : memref<200000x128xf32, #tpu.memory_space<hbm>> -> memref<800x16xf32, #tpu.memory_space<hbm>>
      %dma_wait3A_216 = tpu.memref_slice %arg9[%dma_wait3A_209, %dma_wait3A_210] : memref<2x3x!tpu.dma_semaphore, #tpu.memory_space<semaphore_mem>> -> memref<1x1x!tpu.dma_semaphore, #tpu.memory_space<semaphore_mem>>
      %dma_wait3A_217 = tpu.memref_squeeze %dma_wait3A_216 : memref<1x1x!tpu.dma_semaphore, #tpu.memory_space<semaphore_mem>> -> memref<!tpu.dma_semaphore, #tpu.memory_space<semaphore_mem>>
      %dma_wait3A_218 = arith.constant 0 : i32
      %dma_wait3A_219 = arith.constant 0 : i32
      %dma_wait3A_220 = tpu.memref_slice %arg6[%dma_wait3A_208, %dma_wait3A_218, %dma_wait3A_219] : memref<2x800x16xf32, #tpu.memory_space<vmem>> -> memref<1x800x16xf32, #tpu.memory_space<vmem>>
      %dma_wait3A_221 = tpu.memref_squeeze %dma_wait3A_220 : memref<1x800x16xf32, #tpu.memory_space<vmem>> -> memref<800x16xf32, #tpu.memory_space<vmem>>
      %dma_wait3A_222 = tpu.memref_slice %arg2[%mul3A_134, %mul3A_136] : memref<200000x128xf32, #tpu.memory_space<hbm>> -> memref<800x16xf32, #tpu.memory_space<hbm>>
      tpu.wait_dma2 semaphore(%dma_wait3A_217 : memref<!tpu.dma_semaphore, #tpu.memory_space<semaphore_mem>>) src(%dma_wait3A_222 : memref<800x16xf32, #tpu.memory_space<hbm>>) dst(%dma_wait3A_221 : memref<800x16xf32, #tpu.memory_space<vmem>>)
      %dma_start3A_223 = arith.constant 1 : i32
      %dma_start3A_224 = arith.constant 1 : i32
      %dma_start3A_225 = arith.constant 1 : i32
      %dma_start3A_226 = arith.constant 2 : i32
      %dma_start3A_227 = arith.constant 0 : i32
      %dma_start3A_228 = arith.constant 0 : i32
      %dma_start3A_229 = tpu.memref_slice %arg6[%dma_start3A_223, %dma_start3A_227, %dma_start3A_228] : memref<2x800x16xf32, #tpu.memory_space<vmem>> -> memref<1x800x16xf32, #tpu.memory_space<vmem>>
      %dma_start3A_230 = tpu.memref_squeeze %dma_start3A_229 : memref<1x800x16xf32, #tpu.memory_space<vmem>> -> memref<800x16xf32, #tpu.memory_space<vmem>>
      %dma_start3A_231 = arith.constant 0 : i32
      %dma_start3A_232 = tpu.memref_slice %arg5[%dma_start3A_224, %dma_start3A_231] : memref<2x800xi32, #tpu.memory_space<vmem>> -> memref<1x800xi32, #tpu.memory_space<vmem>>
      %dma_start3A_233 = tpu.memref_squeeze %dma_start3A_232 : memref<1x800xi32, #tpu.memory_space<vmem>> -> memref<800xi32, #tpu.memory_space<vmem>>
      %dma_start3A_234 = arith.constant 0 : i32
      %dma_start3A_235 = arith.constant 0 : i32
      %dma_start3A_236 = tpu.memref_slice %arg8[%dma_start3A_234, %dma_start3A_235] : memref<50000x16xf32, #tpu.memory_space<vmem_shared>> -> memref<50000x16xf32, #tpu.memory_space<vmem_shared>>
      %dma_start3A_237 = tpu.memref_slice %arg9[%dma_start3A_225, %dma_start3A_226] : memref<2x3x!tpu.dma_semaphore, #tpu.memory_space<semaphore_mem>> -> memref<1x1x!tpu.dma_semaphore, #tpu.memory_space<semaphore_mem>>
      %dma_start3A_238 = tpu.memref_squeeze %dma_start3A_237 : memref<1x1x!tpu.dma_semaphore, #tpu.memory_space<semaphore_mem>> -> memref<!tpu.dma_semaphore, #tpu.memory_space<semaphore_mem>>
      tpu.enqueue_indirect_dma source(%dma_start3A_230 : memref<800x16xf32, #tpu.memory_space<vmem>>) target(%dma_start3A_236 : memref<50000x16xf32, #tpu.memory_space<vmem_shared>>) offsets(%dma_start3A_233 : memref<800xi32, #tpu.memory_space<vmem>>) semaphore(%dma_start3A_238 : memref<!tpu.dma_semaphore, #tpu.memory_space<semaphore_mem>>) {add = true}
      %dma_wait3A_239 = arith.constant 0 : i32
      %dma_wait3A_240 = arith.constant 0 : i32
      %dma_wait3A_241 = arith.constant 0 : i32
      %dma_wait3A_242 = arith.constant 2 : i32
      %dma_wait3A_243 = arith.constant 0 : i32
      %dma_wait3A_244 = arith.constant 0 : i32
      %dma_wait3A_245 = tpu.memref_slice %arg6[%dma_wait3A_239, %dma_wait3A_243, %dma_wait3A_244] : memref<2x800x16xf32, #tpu.memory_space<vmem>> -> memref<1x800x16xf32, #tpu.memory_space<vmem>>
      %dma_wait3A_246 = tpu.memref_squeeze %dma_wait3A_245 : memref<1x800x16xf32, #tpu.memory_space<vmem>> -> memref<800x16xf32, #tpu.memory_space<vmem>>
      %dma_wait3A_247 = arith.constant 0 : i32
      %dma_wait3A_248 = tpu.memref_slice %arg5[%dma_wait3A_240, %dma_wait3A_247] : memref<2x800xi32, #tpu.memory_space<vmem>> -> memref<1x800xi32, #tpu.memory_space<vmem>>
      %dma_wait3A_249 = tpu.memref_squeeze %dma_wait3A_248 : memref<1x800xi32, #tpu.memory_space<vmem>> -> memref<800xi32, #tpu.memory_space<vmem>>
      %dma_wait3A_250 = arith.constant 0 : i32
      %dma_wait3A_251 = arith.constant 0 : i32
      %dma_wait3A_252 = tpu.memref_slice %arg8[%dma_wait3A_250, %dma_wait3A_251] : memref<50000x16xf32, #tpu.memory_space<vmem_shared>> -> memref<50000x16xf32, #tpu.memory_space<vmem_shared>>
      %dma_wait3A_253 = tpu.memref_slice %arg9[%dma_wait3A_241, %dma_wait3A_242] : memref<2x3x!tpu.dma_semaphore, #tpu.memory_space<semaphore_mem>> -> memref<1x1x!tpu.dma_semaphore, #tpu.memory_space<semaphore_mem>>
      %dma_wait3A_254 = tpu.memref_squeeze %dma_wait3A_253 : memref<1x1x!tpu.dma_semaphore, #tpu.memory_space<semaphore_mem>> -> memref<!tpu.dma_semaphore, #tpu.memory_space<semaphore_mem>>
      tpu.wait_indirect_dma semaphore(%dma_wait3A_254 : memref<!tpu.dma_semaphore, #tpu.memory_space<semaphore_mem>>) src(%dma_wait3A_246 : memref<800x16xf32, #tpu.memory_space<vmem>>) dst(%dma_wait3A_252 : memref<50000x16xf32, #tpu.memory_space<vmem_shared>>)
      %dma_wait3A_255 = arith.constant 1 : i32
      %dma_wait3A_256 = arith.constant 1 : i32
      %dma_wait3A_257 = arith.constant 1 : i32
      %dma_wait3A_258 = arith.constant 2 : i32
      %dma_wait3A_259 = arith.constant 0 : i32
      %dma_wait3A_260 = arith.constant 0 : i32
      %dma_wait3A_261 = tpu.memref_slice %arg6[%dma_wait3A_255, %dma_wait3A_259, %dma_wait3A_260] : memref<2x800x16xf32, #tpu.memory_space<vmem>> -> memref<1x800x16xf32, #tpu.memory_space<vmem>>
      %dma_wait3A_262 = tpu.memref_squeeze %dma_wait3A_261 : memref<1x800x16xf32, #tpu.memory_space<vmem>> -> memref<800x16xf32, #tpu.memory_space<vmem>>
      %dma_wait3A_263 = arith.constant 0 : i32
      %dma_wait3A_264 = tpu.memref_slice %arg5[%dma_wait3A_256, %dma_wait3A_263] : memref<2x800xi32, #tpu.memory_space<vmem>> -> memref<1x800xi32, #tpu.memory_space<vmem>>
      %dma_wait3A_265 = tpu.memref_squeeze %dma_wait3A_264 : memref<1x800xi32, #tpu.memory_space<vmem>> -> memref<800xi32, #tpu.memory_space<vmem>>
      %dma_wait3A_266 = arith.constant 0 : i32
      %dma_wait3A_267 = arith.constant 0 : i32
      %dma_wait3A_268 = tpu.memref_slice %arg8[%dma_wait3A_266, %dma_wait3A_267] : memref<50000x16xf32, #tpu.memory_space<vmem_shared>> -> memref<50000x16xf32, #tpu.memory_space<vmem_shared>>
      %dma_wait3A_269 = tpu.memref_slice %arg9[%dma_wait3A_257, %dma_wait3A_258] : memref<2x3x!tpu.dma_semaphore, #tpu.memory_space<semaphore_mem>> -> memref<1x1x!tpu.dma_semaphore, #tpu.memory_space<semaphore_mem>>
      %dma_wait3A_270 = tpu.memref_squeeze %dma_wait3A_269 : memref<1x1x!tpu.dma_semaphore, #tpu.memory_space<semaphore_mem>> -> memref<!tpu.dma_semaphore, #tpu.memory_space<semaphore_mem>>
      tpu.wait_indirect_dma semaphore(%dma_wait3A_270 : memref<!tpu.dma_semaphore, #tpu.memory_space<semaphore_mem>>) src(%dma_wait3A_262 : memref<800x16xf32, #tpu.memory_space<vmem>>) dst(%dma_wait3A_268 : memref<50000x16xf32, #tpu.memory_space<vmem_shared>>)
    }
    %scan3A_16 = arith.constant 31 : i32
    %lt3A = arith.constant 16 : i32
    %lt3A_17 = arith.cmpi slt, %add3A, %lt3A : i32
    %convert_element_type3A = arith.extui %lt3A_17 : i1 to i32
    %cond3A = arith.constant 0 : i32
    %cond3A_18 = arith.cmpi ne, %convert_element_type3A, %cond3A : i32
    scf.if %cond3A_18 {
      %add3A_20 = arith.constant 1984 : i32
      %add3A_21 = arith.addi %add3A, %add3A_20 : i32
      %jit3A = arith.constant 8 : i32
      %div3A = arith.divsi %add3A_21, %jit3A : i32
      %sign3A = arith.constant 0 : i32
      %sign3A_22 = arith.cmpi sgt, %add3A_21, %sign3A : i32
      %sign3A_23 = arith.extui %sign3A_22 : i1 to i32
      %sign3A_24 = arith.constant 0 : i32
      %sign3A_25 = arith.cmpi slt, %add3A_21, %sign3A_24 : i32
      %sign3A_26 = arith.extui %sign3A_25 : i1 to i32
      %sign3A_27 = arith.subi %sign3A_23, %sign3A_26 : i32
      %sign3A_28 = arith.constant 0 : i32
      %sign3A_29 = arith.cmpi sgt, %jit3A, %sign3A_28 : i32
      %sign3A_30 = arith.extui %sign3A_29 : i1 to i32
      %sign3A_31 = arith.constant 0 : i32
      %sign3A_32 = arith.cmpi slt, %jit3A, %sign3A_31 : i32
      %sign3A_33 = arith.extui %sign3A_32 : i1 to i32
      %sign3A_34 = arith.subi %sign3A_30, %sign3A_33 : i32
      %ne3A = arith.cmpi ne, %sign3A_27, %sign3A_34 : i32
      %rem3A = arith.remsi %add3A_21, %jit3A : i32
      %ne3A_35 = arith.constant 0 : i32
      %ne3A_36 = arith.cmpi ne, %rem3A, %ne3A_35 : i32
      %and3A = arith.andi %ne3A, %ne3A_36 : i1
      %sub3A = arith.constant 1 : i32
      %sub3A_37 = arith.subi %div3A, %sub3A : i32
      %select_n3A = arith.select %and3A, %sub3A_37, %div3A : i32
      %mul3A_38 = arith.constant 8 : i32
      %mul3A_39 = arith.muli %mul3A_38, %select_n3A : i32
      %sub3A_40 = arith.subi %add3A_21, %mul3A_39 : i32
      %mul3A_41 = arith.constant 6400 : i32
      %mul3A_42 = arith.muli %select_n3A, %mul3A_41 : i32
      %mul3A_43 = arith.constant 800 : i32
      %mul3A_44 = arith.muli %sub3A_40, %mul3A_43 : i32
      %add3A_45 = arith.addi %mul3A_42, %mul3A_44 : i32
      %run_scoped3A = arith.constant 0 : i32
      "tpu.region"() ({
        %run_scoped3A_53 = tpu.sem_alloc : memref<!tpu.dma_semaphore, #tpu.memory_space<semaphore_mem>>
        %dma_start3A = arith.constant 0 : i32
        %dma_start3A_54 = tpu.memref_slice %arg5[%run_scoped3A, %dma_start3A] : memref<2x800xi32, #tpu.memory_space<vmem>> -> memref<1x800xi32, #tpu.memory_space<vmem>>
        %dma_start3A_55 = tpu.memref_squeeze %dma_start3A_54 : memref<1x800xi32, #tpu.memory_space<vmem>> -> memref<800xi32, #tpu.memory_space<vmem>>
        %dma_start3A_56 = tpu.memref_slice %arg3[%add3A_45] : memref<1600000xi32, #tpu.memory_space<hbm>> -> memref<800xi32, #tpu.memory_space<hbm>>
        %dma_start3A_57 = arith.constant 0 : i32
        %dma_start3A_58 = tpu.memref_slice %arg5[%run_scoped3A, %dma_start3A_57] : memref<2x800xi32, #tpu.memory_space<vmem>> -> memref<1x800xi32, #tpu.memory_space<vmem>>
        %dma_start3A_59 = tpu.memref_squeeze %dma_start3A_58 : memref<1x800xi32, #tpu.memory_space<vmem>> -> memref<800xi32, #tpu.memory_space<vmem>>
        %dma_start3A_60 = tpu.memref_slice %arg3[%add3A_45] : memref<1600000xi32, #tpu.memory_space<hbm>> -> memref<800xi32, #tpu.memory_space<hbm>>
        tpu.enqueue_dma source(%dma_start3A_60 : memref<800xi32, #tpu.memory_space<hbm>>) target(%dma_start3A_59 : memref<800xi32, #tpu.memory_space<vmem>>) target_semaphore(%run_scoped3A_53 : memref<!tpu.dma_semaphore, #tpu.memory_space<semaphore_mem>>)
        %dma_wait3A = arith.constant 0 : i32
        %dma_wait3A_61 = tpu.memref_slice %arg5[%run_scoped3A, %dma_wait3A] : memref<2x800xi32, #tpu.memory_space<vmem>> -> memref<1x800xi32, #tpu.memory_space<vmem>>
        %dma_wait3A_62 = tpu.memref_squeeze %dma_wait3A_61 : memref<1x800xi32, #tpu.memory_space<vmem>> -> memref<800xi32, #tpu.memory_space<vmem>>
        %dma_wait3A_63 = tpu.memref_slice %arg3[%add3A_45] : memref<1600000xi32, #tpu.memory_space<hbm>> -> memref<800xi32, #tpu.memory_space<hbm>>
        %dma_wait3A_64 = arith.constant 0 : i32
        %dma_wait3A_65 = tpu.memref_slice %arg5[%run_scoped3A, %dma_wait3A_64] : memref<2x800xi32, #tpu.memory_space<vmem>> -> memref<1x800xi32, #tpu.memory_space<vmem>>
        %dma_wait3A_66 = tpu.memref_squeeze %dma_wait3A_65 : memref<1x800xi32, #tpu.memory_space<vmem>> -> memref<800xi32, #tpu.memory_space<vmem>>
        %dma_wait3A_67 = tpu.memref_slice %arg3[%add3A_45] : memref<1600000xi32, #tpu.memory_space<hbm>> -> memref<800xi32, #tpu.memory_space<hbm>>
        tpu.wait_dma2 semaphore(%run_scoped3A_53 : memref<!tpu.dma_semaphore, #tpu.memory_space<semaphore_mem>>) src(%dma_wait3A_67 : memref<800xi32, #tpu.memory_space<hbm>>) dst(%dma_wait3A_66 : memref<800xi32, #tpu.memory_space<vmem>>)
        tpu.yield
      }) : () -> ()
      %mul3A_46 = arith.constant 800 : i32
      %mul3A_47 = arith.muli %select_n3A, %mul3A_46 : i32
      %mul3A_48 = arith.constant 16 : i32
      %mul3A_49 = arith.muli %sub3A_40, %mul3A_48 : i32
      %run_scoped3A_50 = arith.constant 0 : i32
      "tpu.region"() ({
        %run_scoped3A_53 = tpu.sem_alloc : memref<!tpu.dma_semaphore, #tpu.memory_space<semaphore_mem>>
        %dma_start3A = arith.constant 0 : i32
        %dma_start3A_54 = arith.constant 0 : i32
        %dma_start3A_55 = tpu.memref_slice %arg6[%run_scoped3A_50, %dma_start3A, %dma_start3A_54] : memref<2x800x16xf32, #tpu.memory_space<vmem>> -> memref<1x800x16xf32, #tpu.memory_space<vmem>>
        %dma_start3A_56 = tpu.memref_squeeze %dma_start3A_55 : memref<1x800x16xf32, #tpu.memory_space<vmem>> -> memref<800x16xf32, #tpu.memory_space<vmem>>
        %dma_start3A_57 = tpu.memref_slice %arg2[%mul3A_47, %mul3A_49] : memref<200000x128xf32, #tpu.memory_space<hbm>> -> memref<800x16xf32, #tpu.memory_space<hbm>>
        %dma_start3A_58 = arith.constant 0 : i32
        %dma_start3A_59 = arith.constant 0 : i32
        %dma_start3A_60 = tpu.memref_slice %arg6[%run_scoped3A_50, %dma_start3A_58, %dma_start3A_59] : memref<2x800x16xf32, #tpu.memory_space<vmem>> -> memref<1x800x16xf32, #tpu.memory_space<vmem>>
        %dma_start3A_61 = tpu.memref_squeeze %dma_start3A_60 : memref<1x800x16xf32, #tpu.memory_space<vmem>> -> memref<800x16xf32, #tpu.memory_space<vmem>>
        %dma_start3A_62 = tpu.memref_slice %arg2[%mul3A_47, %mul3A_49] : memref<200000x128xf32, #tpu.memory_space<hbm>> -> memref<800x16xf32, #tpu.memory_space<hbm>>
        tpu.enqueue_dma source(%dma_start3A_62 : memref<800x16xf32, #tpu.memory_space<hbm>>) target(%dma_start3A_61 : memref<800x16xf32, #tpu.memory_space<vmem>>) target_semaphore(%run_scoped3A_53 : memref<!tpu.dma_semaphore, #tpu.memory_space<semaphore_mem>>)
        %dma_wait3A = arith.constant 0 : i32
        %dma_wait3A_63 = arith.constant 0 : i32
        %dma_wait3A_64 = tpu.memref_slice %arg6[%run_scoped3A_50, %dma_wait3A, %dma_wait3A_63] : memref<2x800x16xf32, #tpu.memory_space<vmem>> -> memref<1x800x16xf32, #tpu.memory_space<vmem>>
        %dma_wait3A_65 = tpu.memref_squeeze %dma_wait3A_64 : memref<1x800x16xf32, #tpu.memory_space<vmem>> -> memref<800x16xf32, #tpu.memory_space<vmem>>
        %dma_wait3A_66 = tpu.memref_slice %arg2[%mul3A_47, %mul3A_49] : memref<200000x128xf32, #tpu.memory_space<hbm>> -> memref<800x16xf32, #tpu.memory_space<hbm>>
        %dma_wait3A_67 = arith.constant 0 : i32
        %dma_wait3A_68 = arith.constant 0 : i32
        %dma_wait3A_69 = tpu.memref_slice %arg6[%run_scoped3A_50, %dma_wait3A_67, %dma_wait3A_68] : memref<2x800x16xf32, #tpu.memory_space<vmem>> -> memref<1x800x16xf32, #tpu.memory_space<vmem>>
        %dma_wait3A_70 = tpu.memref_squeeze %dma_wait3A_69 : memref<1x800x16xf32, #tpu.memory_space<vmem>> -> memref<800x16xf32, #tpu.memory_space<vmem>>
        %dma_wait3A_71 = tpu.memref_slice %arg2[%mul3A_47, %mul3A_49] : memref<200000x128xf32, #tpu.memory_space<hbm>> -> memref<800x16xf32, #tpu.memory_space<hbm>>
        tpu.wait_dma2 semaphore(%run_scoped3A_53 : memref<!tpu.dma_semaphore, #tpu.memory_space<semaphore_mem>>) src(%dma_wait3A_71 : memref<800x16xf32, #tpu.memory_space<hbm>>) dst(%dma_wait3A_70 : memref<800x16xf32, #tpu.memory_space<vmem>>)
        tpu.yield
      }) : () -> ()
      %run_scoped3A_51 = arith.constant 0 : i32
      %run_scoped3A_52 = arith.constant 0 : i32
      "tpu.region"() ({
        %run_scoped3A_53 = tpu.sem_alloc : memref<!tpu.dma_semaphore, #tpu.memory_space<semaphore_mem>>
        %dma_start3A = arith.constant 0 : i32
        %dma_start3A_54 = arith.constant 0 : i32
        %dma_start3A_55 = tpu.memref_slice %arg6[%run_scoped3A_51, %dma_start3A, %dma_start3A_54] : memref<2x800x16xf32, #tpu.memory_space<vmem>> -> memref<1x800x16xf32, #tpu.memory_space<vmem>>
        %dma_start3A_56 = tpu.memref_squeeze %dma_start3A_55 : memref<1x800x16xf32, #tpu.memory_space<vmem>> -> memref<800x16xf32, #tpu.memory_space<vmem>>
        %dma_start3A_57 = arith.constant 0 : i32
        %dma_start3A_58 = tpu.memref_slice %arg5[%run_scoped3A_52, %dma_start3A_57] : memref<2x800xi32, #tpu.memory_space<vmem>> -> memref<1x800xi32, #tpu.memory_space<vmem>>
        %dma_start3A_59 = tpu.memref_squeeze %dma_start3A_58 : memref<1x800xi32, #tpu.memory_space<vmem>> -> memref<800xi32, #tpu.memory_space<vmem>>
        %dma_start3A_60 = arith.constant 0 : i32
        %dma_start3A_61 = arith.constant 0 : i32
        %dma_start3A_62 = tpu.memref_slice %arg8[%dma_start3A_60, %dma_start3A_61] : memref<50000x16xf32, #tpu.memory_space<vmem_shared>> -> memref<50000x16xf32, #tpu.memory_space<vmem_shared>>
        tpu.enqueue_indirect_dma source(%dma_start3A_56 : memref<800x16xf32, #tpu.memory_space<vmem>>) target(%dma_start3A_62 : memref<50000x16xf32, #tpu.memory_space<vmem_shared>>) offsets(%dma_start3A_59 : memref<800xi32, #tpu.memory_space<vmem>>) semaphore(%run_scoped3A_53 : memref<!tpu.dma_semaphore, #tpu.memory_space<semaphore_mem>>) {add = true}
        %dma_wait3A = arith.constant 0 : i32
        %dma_wait3A_63 = arith.constant 0 : i32
        %dma_wait3A_64 = tpu.memref_slice %arg6[%run_scoped3A_51, %dma_wait3A, %dma_wait3A_63] : memref<2x800x16xf32, #tpu.memory_space<vmem>> -> memref<1x800x16xf32, #tpu.memory_space<vmem>>
        %dma_wait3A_65 = tpu.memref_squeeze %dma_wait3A_64 : memref<1x800x16xf32, #tpu.memory_space<vmem>> -> memref<800x16xf32, #tpu.memory_space<vmem>>
        %dma_wait3A_66 = arith.constant 0 : i32
        %dma_wait3A_67 = tpu.memref_slice %arg5[%run_scoped3A_52, %dma_wait3A_66] : memref<2x800xi32, #tpu.memory_space<vmem>> -> memref<1x800xi32, #tpu.memory_space<vmem>>
        %dma_wait3A_68 = tpu.memref_squeeze %dma_wait3A_67 : memref<1x800xi32, #tpu.memory_space<vmem>> -> memref<800xi32, #tpu.memory_space<vmem>>
        %dma_wait3A_69 = arith.constant 0 : i32
        %dma_wait3A_70 = arith.constant 0 : i32
        %dma_wait3A_71 = tpu.memref_slice %arg8[%dma_wait3A_69, %dma_wait3A_70] : memref<50000x16xf32, #tpu.memory_space<vmem_shared>> -> memref<50000x16xf32, #tpu.memory_space<vmem_shared>>
        tpu.wait_indirect_dma semaphore(%run_scoped3A_53 : memref<!tpu.dma_semaphore, #tpu.memory_space<semaphore_mem>>) src(%dma_wait3A_65 : memref<800x16xf32, #tpu.memory_space<vmem>>) dst(%dma_wait3A_71 : memref<50000x16xf32, #tpu.memory_space<vmem_shared>>)
        tpu.yield
      }) : () -> ()
    } else {
    }
    %barrier3A_19 = arith.constant 0 : index
    tpu.barrier barrier_id(%barrier3A_19)
    "tpu.region"() ({
      %run_scoped3A = tpu.sem_alloc : memref<!tpu.dma_semaphore, #tpu.memory_space<semaphore_mem>>
      %dma_start3A = arith.constant 0 : i32
      %dma_start3A_20 = tpu.memref_slice %arg4[%arg0, %mul3A_8, %dma_start3A] : memref<2x50000x16xf32, #tpu.memory_space<hbm>> -> memref<1x3125x16xf32, #tpu.memory_space<hbm>>
      %dma_start3A_21 = tpu.memref_squeeze %dma_start3A_20 : memref<1x3125x16xf32, #tpu.memory_space<hbm>> -> memref<3125x16xf32, #tpu.memory_space<hbm>>
      %dma_start3A_22 = arith.constant 0 : i32
      %dma_start3A_23 = tpu.memref_slice %arg8[%mul3A_8, %dma_start3A_22] : memref<50000x16xf32, #tpu.memory_space<vmem_shared>> -> memref<3125x16xf32, #tpu.memory_space<vmem_shared>>
      tpu.enqueue_dma source(%dma_start3A_23 : memref<3125x16xf32, #tpu.memory_space<vmem_shared>>) target(%dma_start3A_21 : memref<3125x16xf32, #tpu.memory_space<hbm>>) target_semaphore(%run_scoped3A : memref<!tpu.dma_semaphore, #tpu.memory_space<semaphore_mem>>)
      %dma_wait3A = arith.constant 0 : i32
      %dma_wait3A_24 = tpu.memref_slice %arg4[%arg0, %mul3A_8, %dma_wait3A] : memref<2x50000x16xf32, #tpu.memory_space<hbm>> -> memref<1x3125x16xf32, #tpu.memory_space<hbm>>
      %dma_wait3A_25 = tpu.memref_squeeze %dma_wait3A_24 : memref<1x3125x16xf32, #tpu.memory_space<hbm>> -> memref<3125x16xf32, #tpu.memory_space<hbm>>
      %dma_wait3A_26 = arith.constant 0 : i32
      %dma_wait3A_27 = tpu.memref_slice %arg8[%mul3A_8, %dma_wait3A_26] : memref<50000x16xf32, #tpu.memory_space<vmem_shared>> -> memref<3125x16xf32, #tpu.memory_space<vmem_shared>>
      tpu.wait_dma2 semaphore(%run_scoped3A : memref<!tpu.dma_semaphore, #tpu.memory_space<semaphore_mem>>) src(%dma_wait3A_27 : memref<3125x16xf32, #tpu.memory_space<vmem_shared>>) dst(%dma_wait3A_25 : memref<3125x16xf32, #tpu.memory_space<hbm>>)
      tpu.yield
    }) : () -> ()
    return
  }
}

#map = affine_map<(d0, d1) -> (0, 0)>
#map1 = affine_map<(d0, d1) -> (0)>
module attributes {stable_mosaic.version = 14 : i64} {
  func.func @_sc_gather(%arg0: i32, %arg1: i32, %arg2: memref<50000x16xf32, #tpu.memory_space<hbm>>, %arg3: memref<1600000xi32, #tpu.memory_space<hbm>>, %arg4: memref<200000x128xf32, #tpu.memory_space<hbm>>, %arg5: memref<2x800xi32, #tpu.memory_space<vmem>>, %arg6: memref<2x800x16xf32, #tpu.memory_space<vmem>>, %arg7: memref<2x3x!tpu.dma_semaphore, #tpu.memory_space<semaphore_mem>>) attributes {dimension_semantics = [#tpu.dimension_semantics<core_parallel>, #tpu.dimension_semantics<subcore_parallel>], iteration_bounds = array<i64: 2, 16>, scalar_prefetch = 0 : i64, scratch_operands = 3 : i64, tpu.core_type = #tpu.core_type<sc_vector_subcore>, window_params = [{transform_indices = #map}, {transform_indices = #map1}, {transform_indices = #map}]} {
    %mul3A = arith.constant 2 : i32
    %mul3A_0 = arith.muli %arg1, %mul3A : i32
    %add3A = arith.addi %mul3A_0, %arg0 : i32
    %scan3A = arith.constant 0 : i32
    %scan3A_1 = arith.constant 0 : i32
    %scan3A_2 = arith.constant 31 : i32
    %scan3A_3 = arith.addi %scan3A_1, %scan3A_2 : i32
    %scan3A_4 = arith.constant 1 : i32
    scf.for %scan3A_8 = %scan3A_1 to %scan3A_3 step %scan3A_4  : i32 {
      %mul3A_9 = arith.constant 2 : i32
      %mul3A_10 = arith.muli %mul3A_9, %scan3A_8 : i32
      %mul3A_11 = arith.constant 32 : i32
      %mul3A_12 = arith.muli %mul3A_11, %mul3A_10 : i32
      %add3A_13 = arith.addi %add3A, %mul3A_12 : i32
      %jit3A = arith.constant 8 : i32
      %div3A = arith.divsi %add3A_13, %jit3A : i32
      %sign3A = arith.constant 0 : i32
      %sign3A_14 = arith.cmpi sgt, %add3A_13, %sign3A : i32
      %sign3A_15 = arith.extui %sign3A_14 : i1 to i32
      %sign3A_16 = arith.constant 0 : i32
      %sign3A_17 = arith.cmpi slt, %add3A_13, %sign3A_16 : i32
      %sign3A_18 = arith.extui %sign3A_17 : i1 to i32
      %sign3A_19 = arith.subi %sign3A_15, %sign3A_18 : i32
      %sign3A_20 = arith.constant 0 : i32
      %sign3A_21 = arith.cmpi sgt, %jit3A, %sign3A_20 : i32
      %sign3A_22 = arith.extui %sign3A_21 : i1 to i32
      %sign3A_23 = arith.constant 0 : i32
      %sign3A_24 = arith.cmpi slt, %jit3A, %sign3A_23 : i32
      %sign3A_25 = arith.extui %sign3A_24 : i1 to i32
      %sign3A_26 = arith.subi %sign3A_22, %sign3A_25 : i32
      %ne3A = arith.cmpi ne, %sign3A_19, %sign3A_26 : i32
      %rem3A = arith.remsi %add3A_13, %jit3A : i32
      %ne3A_27 = arith.constant 0 : i32
      %ne3A_28 = arith.cmpi ne, %rem3A, %ne3A_27 : i32
      %and3A = arith.andi %ne3A, %ne3A_28 : i1
      %sub3A = arith.constant 1 : i32
      %sub3A_29 = arith.subi %div3A, %sub3A : i32
      %select_n3A = arith.select %and3A, %sub3A_29, %div3A : i32
      %mul3A_30 = arith.constant 8 : i32
      %mul3A_31 = arith.muli %mul3A_30, %select_n3A : i32
      %sub3A_32 = arith.subi %add3A_13, %mul3A_31 : i32
      %mul3A_33 = arith.constant 6400 : i32
      %mul3A_34 = arith.muli %select_n3A, %mul3A_33 : i32
      %mul3A_35 = arith.constant 800 : i32
      %mul3A_36 = arith.muli %sub3A_32, %mul3A_35 : i32
      %add3A_37 = arith.addi %mul3A_34, %mul3A_36 : i32
      %mul3A_38 = arith.constant 2 : i32
      %mul3A_39 = arith.muli %mul3A_38, %scan3A_8 : i32
      %add3A_40 = arith.constant 1 : i32
      %add3A_41 = arith.addi %mul3A_39, %add3A_40 : i32
      %mul3A_42 = arith.constant 32 : i32
      %mul3A_43 = arith.muli %mul3A_42, %add3A_41 : i32
      %add3A_44 = arith.addi %add3A, %mul3A_43 : i32
      %jit3A_45 = arith.constant 8 : i32
      %div3A_46 = arith.divsi %add3A_44, %jit3A_45 : i32
      %sign3A_47 = arith.constant 0 : i32
      %sign3A_48 = arith.cmpi sgt, %add3A_44, %sign3A_47 : i32
      %sign3A_49 = arith.extui %sign3A_48 : i1 to i32
      %sign3A_50 = arith.constant 0 : i32
      %sign3A_51 = arith.cmpi slt, %add3A_44, %sign3A_50 : i32
      %sign3A_52 = arith.extui %sign3A_51 : i1 to i32
      %sign3A_53 = arith.subi %sign3A_49, %sign3A_52 : i32
      %sign3A_54 = arith.constant 0 : i32
      %sign3A_55 = arith.cmpi sgt, %jit3A_45, %sign3A_54 : i32
      %sign3A_56 = arith.extui %sign3A_55 : i1 to i32
      %sign3A_57 = arith.constant 0 : i32
      %sign3A_58 = arith.cmpi slt, %jit3A_45, %sign3A_57 : i32
      %sign3A_59 = arith.extui %sign3A_58 : i1 to i32
      %sign3A_60 = arith.subi %sign3A_56, %sign3A_59 : i32
      %ne3A_61 = arith.cmpi ne, %sign3A_53, %sign3A_60 : i32
      %rem3A_62 = arith.remsi %add3A_44, %jit3A_45 : i32
      %ne3A_63 = arith.constant 0 : i32
      %ne3A_64 = arith.cmpi ne, %rem3A_62, %ne3A_63 : i32
      %and3A_65 = arith.andi %ne3A_61, %ne3A_64 : i1
      %sub3A_66 = arith.constant 1 : i32
      %sub3A_67 = arith.subi %div3A_46, %sub3A_66 : i32
      %select_n3A_68 = arith.select %and3A_65, %sub3A_67, %div3A_46 : i32
      %mul3A_69 = arith.constant 8 : i32
      %mul3A_70 = arith.muli %mul3A_69, %select_n3A_68 : i32
      %sub3A_71 = arith.subi %add3A_44, %mul3A_70 : i32
      %mul3A_72 = arith.constant 6400 : i32
      %mul3A_73 = arith.muli %select_n3A_68, %mul3A_72 : i32
      %mul3A_74 = arith.constant 800 : i32
      %mul3A_75 = arith.muli %sub3A_71, %mul3A_74 : i32
      %add3A_76 = arith.addi %mul3A_73, %mul3A_75 : i32
      %dma_start3A = arith.constant 0 : i32
      %dma_start3A_77 = arith.constant 0 : i32
      %dma_start3A_78 = arith.constant 0 : i32
      %dma_start3A_79 = arith.constant 0 : i32
      %dma_start3A_80 = tpu.memref_slice %arg5[%dma_start3A, %dma_start3A_79] : memref<2x800xi32, #tpu.memory_space<vmem>> -> memref<1x800xi32, #tpu.memory_space<vmem>>
      %dma_start3A_81 = tpu.memref_squeeze %dma_start3A_80 : memref<1x800xi32, #tpu.memory_space<vmem>> -> memref<800xi32, #tpu.memory_space<vmem>>
      %dma_start3A_82 = tpu.memref_slice %arg3[%add3A_37] : memref<1600000xi32, #tpu.memory_space<hbm>> -> memref<800xi32, #tpu.memory_space<hbm>>
      %dma_start3A_83 = tpu.memref_slice %arg7[%dma_start3A_77, %dma_start3A_78] : memref<2x3x!tpu.dma_semaphore, #tpu.memory_space<semaphore_mem>> -> memref<1x1x!tpu.dma_semaphore, #tpu.memory_space<semaphore_mem>>
      %dma_start3A_84 = tpu.memref_squeeze %dma_start3A_83 : memref<1x1x!tpu.dma_semaphore, #tpu.memory_space<semaphore_mem>> -> memref<!tpu.dma_semaphore, #tpu.memory_space<semaphore_mem>>
      %dma_start3A_85 = arith.constant 0 : i32
      %dma_start3A_86 = tpu.memref_slice %arg5[%dma_start3A, %dma_start3A_85] : memref<2x800xi32, #tpu.memory_space<vmem>> -> memref<1x800xi32, #tpu.memory_space<vmem>>
      %dma_start3A_87 = tpu.memref_squeeze %dma_start3A_86 : memref<1x800xi32, #tpu.memory_space<vmem>> -> memref<800xi32, #tpu.memory_space<vmem>>
      %dma_start3A_88 = tpu.memref_slice %arg3[%add3A_37] : memref<1600000xi32, #tpu.memory_space<hbm>> -> memref<800xi32, #tpu.memory_space<hbm>>
      tpu.enqueue_dma source(%dma_start3A_88 : memref<800xi32, #tpu.memory_space<hbm>>) target(%dma_start3A_87 : memref<800xi32, #tpu.memory_space<vmem>>) target_semaphore(%dma_start3A_84 : memref<!tpu.dma_semaphore, #tpu.memory_space<semaphore_mem>>)
      %dma_start3A_89 = arith.constant 1 : i32
      %dma_start3A_90 = arith.constant 1 : i32
      %dma_start3A_91 = arith.constant 0 : i32
      %dma_start3A_92 = arith.constant 0 : i32
      %dma_start3A_93 = tpu.memref_slice %arg5[%dma_start3A_89, %dma_start3A_92] : memref<2x800xi32, #tpu.memory_space<vmem>> -> memref<1x800xi32, #tpu.memory_space<vmem>>
      %dma_start3A_94 = tpu.memref_squeeze %dma_start3A_93 : memref<1x800xi32, #tpu.memory_space<vmem>> -> memref<800xi32, #tpu.memory_space<vmem>>
      %dma_start3A_95 = tpu.memref_slice %arg3[%add3A_76] : memref<1600000xi32, #tpu.memory_space<hbm>> -> memref<800xi32, #tpu.memory_space<hbm>>
      %dma_start3A_96 = tpu.memref_slice %arg7[%dma_start3A_90, %dma_start3A_91] : memref<2x3x!tpu.dma_semaphore, #tpu.memory_space<semaphore_mem>> -> memref<1x1x!tpu.dma_semaphore, #tpu.memory_space<semaphore_mem>>
      %dma_start3A_97 = tpu.memref_squeeze %dma_start3A_96 : memref<1x1x!tpu.dma_semaphore, #tpu.memory_space<semaphore_mem>> -> memref<!tpu.dma_semaphore, #tpu.memory_space<semaphore_mem>>
      %dma_start3A_98 = arith.constant 0 : i32
      %dma_start3A_99 = tpu.memref_slice %arg5[%dma_start3A_89, %dma_start3A_98] : memref<2x800xi32, #tpu.memory_space<vmem>> -> memref<1x800xi32, #tpu.memory_space<vmem>>
      %dma_start3A_100 = tpu.memref_squeeze %dma_start3A_99 : memref<1x800xi32, #tpu.memory_space<vmem>> -> memref<800xi32, #tpu.memory_space<vmem>>
      %dma_start3A_101 = tpu.memref_slice %arg3[%add3A_76] : memref<1600000xi32, #tpu.memory_space<hbm>> -> memref<800xi32, #tpu.memory_space<hbm>>
      tpu.enqueue_dma source(%dma_start3A_101 : memref<800xi32, #tpu.memory_space<hbm>>) target(%dma_start3A_100 : memref<800xi32, #tpu.memory_space<vmem>>) target_semaphore(%dma_start3A_97 : memref<!tpu.dma_semaphore, #tpu.memory_space<semaphore_mem>>)
      %dma_wait3A = arith.constant 0 : i32
      %dma_wait3A_102 = arith.constant 0 : i32
      %dma_wait3A_103 = arith.constant 0 : i32
      %dma_wait3A_104 = arith.constant 0 : i32
      %dma_wait3A_105 = tpu.memref_slice %arg5[%dma_wait3A, %dma_wait3A_104] : memref<2x800xi32, #tpu.memory_space<vmem>> -> memref<1x800xi32, #tpu.memory_space<vmem>>
      %dma_wait3A_106 = tpu.memref_squeeze %dma_wait3A_105 : memref<1x800xi32, #tpu.memory_space<vmem>> -> memref<800xi32, #tpu.memory_space<vmem>>
      %dma_wait3A_107 = tpu.memref_slice %arg3[%add3A_37] : memref<1600000xi32, #tpu.memory_space<hbm>> -> memref<800xi32, #tpu.memory_space<hbm>>
      %dma_wait3A_108 = tpu.memref_slice %arg7[%dma_wait3A_102, %dma_wait3A_103] : memref<2x3x!tpu.dma_semaphore, #tpu.memory_space<semaphore_mem>> -> memref<1x1x!tpu.dma_semaphore, #tpu.memory_space<semaphore_mem>>
      %dma_wait3A_109 = tpu.memref_squeeze %dma_wait3A_108 : memref<1x1x!tpu.dma_semaphore, #tpu.memory_space<semaphore_mem>> -> memref<!tpu.dma_semaphore, #tpu.memory_space<semaphore_mem>>
      %dma_wait3A_110 = arith.constant 0 : i32
      %dma_wait3A_111 = tpu.memref_slice %arg5[%dma_wait3A, %dma_wait3A_110] : memref<2x800xi32, #tpu.memory_space<vmem>> -> memref<1x800xi32, #tpu.memory_space<vmem>>
      %dma_wait3A_112 = tpu.memref_squeeze %dma_wait3A_111 : memref<1x800xi32, #tpu.memory_space<vmem>> -> memref<800xi32, #tpu.memory_space<vmem>>
      %dma_wait3A_113 = tpu.memref_slice %arg3[%add3A_37] : memref<1600000xi32, #tpu.memory_space<hbm>> -> memref<800xi32, #tpu.memory_space<hbm>>
      tpu.wait_dma2 semaphore(%dma_wait3A_109 : memref<!tpu.dma_semaphore, #tpu.memory_space<semaphore_mem>>) src(%dma_wait3A_113 : memref<800xi32, #tpu.memory_space<hbm>>) dst(%dma_wait3A_112 : memref<800xi32, #tpu.memory_space<vmem>>)
      %dma_start3A_114 = arith.constant 0 : i32
      %dma_start3A_115 = arith.constant 0 : i32
      %dma_start3A_116 = arith.constant 0 : i32
      %dma_start3A_117 = arith.constant 1 : i32
      %dma_start3A_118 = arith.constant 0 : i32
      %dma_start3A_119 = arith.constant 0 : i32
      %dma_start3A_120 = tpu.memref_slice %arg6[%dma_start3A_115, %dma_start3A_118, %dma_start3A_119] : memref<2x800x16xf32, #tpu.memory_space<vmem>> -> memref<1x800x16xf32, #tpu.memory_space<vmem>>
      %dma_start3A_121 = tpu.memref_squeeze %dma_start3A_120 : memref<1x800x16xf32, #tpu.memory_space<vmem>> -> memref<800x16xf32, #tpu.memory_space<vmem>>
      %dma_start3A_122 = arith.constant 0 : i32
      %dma_start3A_123 = tpu.memref_slice %arg5[%dma_start3A_114, %dma_start3A_122] : memref<2x800xi32, #tpu.memory_space<vmem>> -> memref<1x800xi32, #tpu.memory_space<vmem>>
      %dma_start3A_124 = tpu.memref_squeeze %dma_start3A_123 : memref<1x800xi32, #tpu.memory_space<vmem>> -> memref<800xi32, #tpu.memory_space<vmem>>
      %dma_start3A_125 = arith.constant 0 : i32
      %dma_start3A_126 = arith.constant 0 : i32
      %dma_start3A_127 = tpu.memref_slice %arg2[%dma_start3A_125, %dma_start3A_126] : memref<50000x16xf32, #tpu.memory_space<hbm>> -> memref<50000x16xf32, #tpu.memory_space<hbm>>
      %dma_start3A_128 = tpu.memref_slice %arg7[%dma_start3A_116, %dma_start3A_117] : memref<2x3x!tpu.dma_semaphore, #tpu.memory_space<semaphore_mem>> -> memref<1x1x!tpu.dma_semaphore, #tpu.memory_space<semaphore_mem>>
      %dma_start3A_129 = tpu.memref_squeeze %dma_start3A_128 : memref<1x1x!tpu.dma_semaphore, #tpu.memory_space<semaphore_mem>> -> memref<!tpu.dma_semaphore, #tpu.memory_space<semaphore_mem>>
      tpu.enqueue_indirect_dma source(%dma_start3A_127 : memref<50000x16xf32, #tpu.memory_space<hbm>>) target(%dma_start3A_121 : memref<800x16xf32, #tpu.memory_space<vmem>>) offsets(%dma_start3A_124 : memref<800xi32, #tpu.memory_space<vmem>>) semaphore(%dma_start3A_129 : memref<!tpu.dma_semaphore, #tpu.memory_space<semaphore_mem>>)
      %dma_wait3A_130 = arith.constant 1 : i32
      %dma_wait3A_131 = arith.constant 1 : i32
      %dma_wait3A_132 = arith.constant 0 : i32
      %dma_wait3A_133 = arith.constant 0 : i32
      %dma_wait3A_134 = tpu.memref_slice %arg5[%dma_wait3A_130, %dma_wait3A_133] : memref<2x800xi32, #tpu.memory_space<vmem>> -> memref<1x800xi32, #tpu.memory_space<vmem>>
      %dma_wait3A_135 = tpu.memref_squeeze %dma_wait3A_134 : memref<1x800xi32, #tpu.memory_space<vmem>> -> memref<800xi32, #tpu.memory_space<vmem>>
      %dma_wait3A_136 = tpu.memref_slice %arg3[%add3A_76] : memref<1600000xi32, #tpu.memory_space<hbm>> -> memref<800xi32, #tpu.memory_space<hbm>>
      %dma_wait3A_137 = tpu.memref_slice %arg7[%dma_wait3A_131, %dma_wait3A_132] : memref<2x3x!tpu.dma_semaphore, #tpu.memory_space<semaphore_mem>> -> memref<1x1x!tpu.dma_semaphore, #tpu.memory_space<semaphore_mem>>
      %dma_wait3A_138 = tpu.memref_squeeze %dma_wait3A_137 : memref<1x1x!tpu.dma_semaphore, #tpu.memory_space<semaphore_mem>> -> memref<!tpu.dma_semaphore, #tpu.memory_space<semaphore_mem>>
      %dma_wait3A_139 = arith.constant 0 : i32
      %dma_wait3A_140 = tpu.memref_slice %arg5[%dma_wait3A_130, %dma_wait3A_139] : memref<2x800xi32, #tpu.memory_space<vmem>> -> memref<1x800xi32, #tpu.memory_space<vmem>>
      %dma_wait3A_141 = tpu.memref_squeeze %dma_wait3A_140 : memref<1x800xi32, #tpu.memory_space<vmem>> -> memref<800xi32, #tpu.memory_space<vmem>>
      %dma_wait3A_142 = tpu.memref_slice %arg3[%add3A_76] : memref<1600000xi32, #tpu.memory_space<hbm>> -> memref<800xi32, #tpu.memory_space<hbm>>
      tpu.wait_dma2 semaphore(%dma_wait3A_138 : memref<!tpu.dma_semaphore, #tpu.memory_space<semaphore_mem>>) src(%dma_wait3A_142 : memref<800xi32, #tpu.memory_space<hbm>>) dst(%dma_wait3A_141 : memref<800xi32, #tpu.memory_space<vmem>>)
      %dma_start3A_143 = arith.constant 1 : i32
      %dma_start3A_144 = arith.constant 1 : i32
      %dma_start3A_145 = arith.constant 1 : i32
      %dma_start3A_146 = arith.constant 1 : i32
      %dma_start3A_147 = arith.constant 0 : i32
      %dma_start3A_148 = arith.constant 0 : i32
      %dma_start3A_149 = tpu.memref_slice %arg6[%dma_start3A_144, %dma_start3A_147, %dma_start3A_148] : memref<2x800x16xf32, #tpu.memory_space<vmem>> -> memref<1x800x16xf32, #tpu.memory_space<vmem>>
      %dma_start3A_150 = tpu.memref_squeeze %dma_start3A_149 : memref<1x800x16xf32, #tpu.memory_space<vmem>> -> memref<800x16xf32, #tpu.memory_space<vmem>>
      %dma_start3A_151 = arith.constant 0 : i32
      %dma_start3A_152 = tpu.memref_slice %arg5[%dma_start3A_143, %dma_start3A_151] : memref<2x800xi32, #tpu.memory_space<vmem>> -> memref<1x800xi32, #tpu.memory_space<vmem>>
      %dma_start3A_153 = tpu.memref_squeeze %dma_start3A_152 : memref<1x800xi32, #tpu.memory_space<vmem>> -> memref<800xi32, #tpu.memory_space<vmem>>
      %dma_start3A_154 = arith.constant 0 : i32
      %dma_start3A_155 = arith.constant 0 : i32
      %dma_start3A_156 = tpu.memref_slice %arg2[%dma_start3A_154, %dma_start3A_155] : memref<50000x16xf32, #tpu.memory_space<hbm>> -> memref<50000x16xf32, #tpu.memory_space<hbm>>
      %dma_start3A_157 = tpu.memref_slice %arg7[%dma_start3A_145, %dma_start3A_146] : memref<2x3x!tpu.dma_semaphore, #tpu.memory_space<semaphore_mem>> -> memref<1x1x!tpu.dma_semaphore, #tpu.memory_space<semaphore_mem>>
      %dma_start3A_158 = tpu.memref_squeeze %dma_start3A_157 : memref<1x1x!tpu.dma_semaphore, #tpu.memory_space<semaphore_mem>> -> memref<!tpu.dma_semaphore, #tpu.memory_space<semaphore_mem>>
      tpu.enqueue_indirect_dma source(%dma_start3A_156 : memref<50000x16xf32, #tpu.memory_space<hbm>>) target(%dma_start3A_150 : memref<800x16xf32, #tpu.memory_space<vmem>>) offsets(%dma_start3A_153 : memref<800xi32, #tpu.memory_space<vmem>>) semaphore(%dma_start3A_158 : memref<!tpu.dma_semaphore, #tpu.memory_space<semaphore_mem>>)
      %dma_wait3A_159 = arith.constant 0 : i32
      %dma_wait3A_160 = arith.constant 0 : i32
      %dma_wait3A_161 = arith.constant 0 : i32
      %dma_wait3A_162 = arith.constant 1 : i32
      %dma_wait3A_163 = arith.constant 0 : i32
      %dma_wait3A_164 = arith.constant 0 : i32
      %dma_wait3A_165 = tpu.memref_slice %arg6[%dma_wait3A_160, %dma_wait3A_163, %dma_wait3A_164] : memref<2x800x16xf32, #tpu.memory_space<vmem>> -> memref<1x800x16xf32, #tpu.memory_space<vmem>>
      %dma_wait3A_166 = tpu.memref_squeeze %dma_wait3A_165 : memref<1x800x16xf32, #tpu.memory_space<vmem>> -> memref<800x16xf32, #tpu.memory_space<vmem>>
      %dma_wait3A_167 = arith.constant 0 : i32
      %dma_wait3A_168 = tpu.memref_slice %arg5[%dma_wait3A_159, %dma_wait3A_167] : memref<2x800xi32, #tpu.memory_space<vmem>> -> memref<1x800xi32, #tpu.memory_space<vmem>>
      %dma_wait3A_169 = tpu.memref_squeeze %dma_wait3A_168 : memref<1x800xi32, #tpu.memory_space<vmem>> -> memref<800xi32, #tpu.memory_space<vmem>>
      %dma_wait3A_170 = arith.constant 0 : i32
      %dma_wait3A_171 = arith.constant 0 : i32
      %dma_wait3A_172 = tpu.memref_slice %arg2[%dma_wait3A_170, %dma_wait3A_171] : memref<50000x16xf32, #tpu.memory_space<hbm>> -> memref<50000x16xf32, #tpu.memory_space<hbm>>
      %dma_wait3A_173 = tpu.memref_slice %arg7[%dma_wait3A_161, %dma_wait3A_162] : memref<2x3x!tpu.dma_semaphore, #tpu.memory_space<semaphore_mem>> -> memref<1x1x!tpu.dma_semaphore, #tpu.memory_space<semaphore_mem>>
      %dma_wait3A_174 = tpu.memref_squeeze %dma_wait3A_173 : memref<1x1x!tpu.dma_semaphore, #tpu.memory_space<semaphore_mem>> -> memref<!tpu.dma_semaphore, #tpu.memory_space<semaphore_mem>>
      tpu.wait_indirect_dma semaphore(%dma_wait3A_174 : memref<!tpu.dma_semaphore, #tpu.memory_space<semaphore_mem>>) src(%dma_wait3A_172 : memref<50000x16xf32, #tpu.memory_space<hbm>>) dst(%dma_wait3A_166 : memref<800x16xf32, #tpu.memory_space<vmem>>)
      %mul3A_175 = arith.constant 800 : i32
      %mul3A_176 = arith.muli %select_n3A, %mul3A_175 : i32
      %mul3A_177 = arith.constant 16 : i32
      %mul3A_178 = arith.muli %sub3A_32, %mul3A_177 : i32
      %dma_start3A_179 = arith.constant 0 : i32
      %dma_start3A_180 = arith.constant 0 : i32
      %dma_start3A_181 = arith.constant 2 : i32
      %dma_start3A_182 = arith.constant 0 : i32
      %dma_start3A_183 = arith.constant 0 : i32
      %dma_start3A_184 = tpu.memref_slice %arg6[%dma_start3A_179, %dma_start3A_182, %dma_start3A_183] : memref<2x800x16xf32, #tpu.memory_space<vmem>> -> memref<1x800x16xf32, #tpu.memory_space<vmem>>
      %dma_start3A_185 = tpu.memref_squeeze %dma_start3A_184 : memref<1x800x16xf32, #tpu.memory_space<vmem>> -> memref<800x16xf32, #tpu.memory_space<vmem>>
      %dma_start3A_186 = tpu.memref_slice %arg4[%mul3A_176, %mul3A_178] : memref<200000x128xf32, #tpu.memory_space<hbm>> -> memref<800x16xf32, #tpu.memory_space<hbm>>
      %dma_start3A_187 = tpu.memref_slice %arg7[%dma_start3A_180, %dma_start3A_181] : memref<2x3x!tpu.dma_semaphore, #tpu.memory_space<semaphore_mem>> -> memref<1x1x!tpu.dma_semaphore, #tpu.memory_space<semaphore_mem>>
      %dma_start3A_188 = tpu.memref_squeeze %dma_start3A_187 : memref<1x1x!tpu.dma_semaphore, #tpu.memory_space<semaphore_mem>> -> memref<!tpu.dma_semaphore, #tpu.memory_space<semaphore_mem>>
      %dma_start3A_189 = tpu.memref_slice %arg4[%mul3A_176, %mul3A_178] : memref<200000x128xf32, #tpu.memory_space<hbm>> -> memref<800x16xf32, #tpu.memory_space<hbm>>
      %dma_start3A_190 = arith.constant 0 : i32
      %dma_start3A_191 = arith.constant 0 : i32
      %dma_start3A_192 = tpu.memref_slice %arg6[%dma_start3A_179, %dma_start3A_190, %dma_start3A_191] : memref<2x800x16xf32, #tpu.memory_space<vmem>> -> memref<1x800x16xf32, #tpu.memory_space<vmem>>
      %dma_start3A_193 = tpu.memref_squeeze %dma_start3A_192 : memref<1x800x16xf32, #tpu.memory_space<vmem>> -> memref<800x16xf32, #tpu.memory_space<vmem>>
      tpu.enqueue_dma source(%dma_start3A_193 : memref<800x16xf32, #tpu.memory_space<vmem>>) target(%dma_start3A_189 : memref<800x16xf32, #tpu.memory_space<hbm>>) target_semaphore(%dma_start3A_188 : memref<!tpu.dma_semaphore, #tpu.memory_space<semaphore_mem>>)
      %dma_wait3A_194 = arith.constant 1 : i32
      %dma_wait3A_195 = arith.constant 1 : i32
      %dma_wait3A_196 = arith.constant 1 : i32
      %dma_wait3A_197 = arith.constant 1 : i32
      %dma_wait3A_198 = arith.constant 0 : i32
      %dma_wait3A_199 = arith.constant 0 : i32
      %dma_wait3A_200 = tpu.memref_slice %arg6[%dma_wait3A_195, %dma_wait3A_198, %dma_wait3A_199] : memref<2x800x16xf32, #tpu.memory_space<vmem>> -> memref<1x800x16xf32, #tpu.memory_space<vmem>>
      %dma_wait3A_201 = tpu.memref_squeeze %dma_wait3A_200 : memref<1x800x16xf32, #tpu.memory_space<vmem>> -> memref<800x16xf32, #tpu.memory_space<vmem>>
      %dma_wait3A_202 = arith.constant 0 : i32
      %dma_wait3A_203 = tpu.memref_slice %arg5[%dma_wait3A_194, %dma_wait3A_202] : memref<2x800xi32, #tpu.memory_space<vmem>> -> memref<1x800xi32, #tpu.memory_space<vmem>>
      %dma_wait3A_204 = tpu.memref_squeeze %dma_wait3A_203 : memref<1x800xi32, #tpu.memory_space<vmem>> -> memref<800xi32, #tpu.memory_space<vmem>>
      %dma_wait3A_205 = arith.constant 0 : i32
      %dma_wait3A_206 = arith.constant 0 : i32
      %dma_wait3A_207 = tpu.memref_slice %arg2[%dma_wait3A_205, %dma_wait3A_206] : memref<50000x16xf32, #tpu.memory_space<hbm>> -> memref<50000x16xf32, #tpu.memory_space<hbm>>
      %dma_wait3A_208 = tpu.memref_slice %arg7[%dma_wait3A_196, %dma_wait3A_197] : memref<2x3x!tpu.dma_semaphore, #tpu.memory_space<semaphore_mem>> -> memref<1x1x!tpu.dma_semaphore, #tpu.memory_space<semaphore_mem>>
      %dma_wait3A_209 = tpu.memref_squeeze %dma_wait3A_208 : memref<1x1x!tpu.dma_semaphore, #tpu.memory_space<semaphore_mem>> -> memref<!tpu.dma_semaphore, #tpu.memory_space<semaphore_mem>>
      tpu.wait_indirect_dma semaphore(%dma_wait3A_209 : memref<!tpu.dma_semaphore, #tpu.memory_space<semaphore_mem>>) src(%dma_wait3A_207 : memref<50000x16xf32, #tpu.memory_space<hbm>>) dst(%dma_wait3A_201 : memref<800x16xf32, #tpu.memory_space<vmem>>)
      %mul3A_210 = arith.constant 800 : i32
      %mul3A_211 = arith.muli %select_n3A_68, %mul3A_210 : i32
      %mul3A_212 = arith.constant 16 : i32
      %mul3A_213 = arith.muli %sub3A_71, %mul3A_212 : i32
      %dma_start3A_214 = arith.constant 1 : i32
      %dma_start3A_215 = arith.constant 1 : i32
      %dma_start3A_216 = arith.constant 2 : i32
      %dma_start3A_217 = arith.constant 0 : i32
      %dma_start3A_218 = arith.constant 0 : i32
      %dma_start3A_219 = tpu.memref_slice %arg6[%dma_start3A_214, %dma_start3A_217, %dma_start3A_218] : memref<2x800x16xf32, #tpu.memory_space<vmem>> -> memref<1x800x16xf32, #tpu.memory_space<vmem>>
      %dma_start3A_220 = tpu.memref_squeeze %dma_start3A_219 : memref<1x800x16xf32, #tpu.memory_space<vmem>> -> memref<800x16xf32, #tpu.memory_space<vmem>>
      %dma_start3A_221 = tpu.memref_slice %arg4[%mul3A_211, %mul3A_213] : memref<200000x128xf32, #tpu.memory_space<hbm>> -> memref<800x16xf32, #tpu.memory_space<hbm>>
      %dma_start3A_222 = tpu.memref_slice %arg7[%dma_start3A_215, %dma_start3A_216] : memref<2x3x!tpu.dma_semaphore, #tpu.memory_space<semaphore_mem>> -> memref<1x1x!tpu.dma_semaphore, #tpu.memory_space<semaphore_mem>>
      %dma_start3A_223 = tpu.memref_squeeze %dma_start3A_222 : memref<1x1x!tpu.dma_semaphore, #tpu.memory_space<semaphore_mem>> -> memref<!tpu.dma_semaphore, #tpu.memory_space<semaphore_mem>>
      %dma_start3A_224 = tpu.memref_slice %arg4[%mul3A_211, %mul3A_213] : memref<200000x128xf32, #tpu.memory_space<hbm>> -> memref<800x16xf32, #tpu.memory_space<hbm>>
      %dma_start3A_225 = arith.constant 0 : i32
      %dma_start3A_226 = arith.constant 0 : i32
      %dma_start3A_227 = tpu.memref_slice %arg6[%dma_start3A_214, %dma_start3A_225, %dma_start3A_226] : memref<2x800x16xf32, #tpu.memory_space<vmem>> -> memref<1x800x16xf32, #tpu.memory_space<vmem>>
      %dma_start3A_228 = tpu.memref_squeeze %dma_start3A_227 : memref<1x800x16xf32, #tpu.memory_space<vmem>> -> memref<800x16xf32, #tpu.memory_space<vmem>>
      tpu.enqueue_dma source(%dma_start3A_228 : memref<800x16xf32, #tpu.memory_space<vmem>>) target(%dma_start3A_224 : memref<800x16xf32, #tpu.memory_space<hbm>>) target_semaphore(%dma_start3A_223 : memref<!tpu.dma_semaphore, #tpu.memory_space<semaphore_mem>>)
      %dma_wait3A_229 = arith.constant 0 : i32
      %dma_wait3A_230 = arith.constant 0 : i32
      %dma_wait3A_231 = arith.constant 2 : i32
      %dma_wait3A_232 = arith.constant 0 : i32
      %dma_wait3A_233 = arith.constant 0 : i32
      %dma_wait3A_234 = tpu.memref_slice %arg6[%dma_wait3A_229, %dma_wait3A_232, %dma_wait3A_233] : memref<2x800x16xf32, #tpu.memory_space<vmem>> -> memref<1x800x16xf32, #tpu.memory_space<vmem>>
      %dma_wait3A_235 = tpu.memref_squeeze %dma_wait3A_234 : memref<1x800x16xf32, #tpu.memory_space<vmem>> -> memref<800x16xf32, #tpu.memory_space<vmem>>
      %dma_wait3A_236 = tpu.memref_slice %arg4[%mul3A_176, %mul3A_178] : memref<200000x128xf32, #tpu.memory_space<hbm>> -> memref<800x16xf32, #tpu.memory_space<hbm>>
      %dma_wait3A_237 = tpu.memref_slice %arg7[%dma_wait3A_230, %dma_wait3A_231] : memref<2x3x!tpu.dma_semaphore, #tpu.memory_space<semaphore_mem>> -> memref<1x1x!tpu.dma_semaphore, #tpu.memory_space<semaphore_mem>>
      %dma_wait3A_238 = tpu.memref_squeeze %dma_wait3A_237 : memref<1x1x!tpu.dma_semaphore, #tpu.memory_space<semaphore_mem>> -> memref<!tpu.dma_semaphore, #tpu.memory_space<semaphore_mem>>
      %dma_wait3A_239 = tpu.memref_slice %arg4[%mul3A_176, %mul3A_178] : memref<200000x128xf32, #tpu.memory_space<hbm>> -> memref<800x16xf32, #tpu.memory_space<hbm>>
      %dma_wait3A_240 = arith.constant 0 : i32
      %dma_wait3A_241 = arith.constant 0 : i32
      %dma_wait3A_242 = tpu.memref_slice %arg6[%dma_wait3A_229, %dma_wait3A_240, %dma_wait3A_241] : memref<2x800x16xf32, #tpu.memory_space<vmem>> -> memref<1x800x16xf32, #tpu.memory_space<vmem>>
      %dma_wait3A_243 = tpu.memref_squeeze %dma_wait3A_242 : memref<1x800x16xf32, #tpu.memory_space<vmem>> -> memref<800x16xf32, #tpu.memory_space<vmem>>
      tpu.wait_dma2 semaphore(%dma_wait3A_238 : memref<!tpu.dma_semaphore, #tpu.memory_space<semaphore_mem>>) src(%dma_wait3A_243 : memref<800x16xf32, #tpu.memory_space<vmem>>) dst(%dma_wait3A_239 : memref<800x16xf32, #tpu.memory_space<hbm>>)
      %dma_wait3A_244 = arith.constant 1 : i32
      %dma_wait3A_245 = arith.constant 1 : i32
      %dma_wait3A_246 = arith.constant 2 : i32
      %dma_wait3A_247 = arith.constant 0 : i32
      %dma_wait3A_248 = arith.constant 0 : i32
      %dma_wait3A_249 = tpu.memref_slice %arg6[%dma_wait3A_244, %dma_wait3A_247, %dma_wait3A_248] : memref<2x800x16xf32, #tpu.memory_space<vmem>> -> memref<1x800x16xf32, #tpu.memory_space<vmem>>
      %dma_wait3A_250 = tpu.memref_squeeze %dma_wait3A_249 : memref<1x800x16xf32, #tpu.memory_space<vmem>> -> memref<800x16xf32, #tpu.memory_space<vmem>>
      %dma_wait3A_251 = tpu.memref_slice %arg4[%mul3A_211, %mul3A_213] : memref<200000x128xf32, #tpu.memory_space<hbm>> -> memref<800x16xf32, #tpu.memory_space<hbm>>
      %dma_wait3A_252 = tpu.memref_slice %arg7[%dma_wait3A_245, %dma_wait3A_246] : memref<2x3x!tpu.dma_semaphore, #tpu.memory_space<semaphore_mem>> -> memref<1x1x!tpu.dma_semaphore, #tpu.memory_space<semaphore_mem>>
      %dma_wait3A_253 = tpu.memref_squeeze %dma_wait3A_252 : memref<1x1x!tpu.dma_semaphore, #tpu.memory_space<semaphore_mem>> -> memref<!tpu.dma_semaphore, #tpu.memory_space<semaphore_mem>>
      %dma_wait3A_254 = tpu.memref_slice %arg4[%mul3A_211, %mul3A_213] : memref<200000x128xf32, #tpu.memory_space<hbm>> -> memref<800x16xf32, #tpu.memory_space<hbm>>
      %dma_wait3A_255 = arith.constant 0 : i32
      %dma_wait3A_256 = arith.constant 0 : i32
      %dma_wait3A_257 = tpu.memref_slice %arg6[%dma_wait3A_244, %dma_wait3A_255, %dma_wait3A_256] : memref<2x800x16xf32, #tpu.memory_space<vmem>> -> memref<1x800x16xf32, #tpu.memory_space<vmem>>
      %dma_wait3A_258 = tpu.memref_squeeze %dma_wait3A_257 : memref<1x800x16xf32, #tpu.memory_space<vmem>> -> memref<800x16xf32, #tpu.memory_space<vmem>>
      tpu.wait_dma2 semaphore(%dma_wait3A_253 : memref<!tpu.dma_semaphore, #tpu.memory_space<semaphore_mem>>) src(%dma_wait3A_258 : memref<800x16xf32, #tpu.memory_space<vmem>>) dst(%dma_wait3A_254 : memref<800x16xf32, #tpu.memory_space<hbm>>)
    }
    %scan3A_5 = arith.constant 31 : i32
    %lt3A = arith.constant 16 : i32
    %lt3A_6 = arith.cmpi slt, %add3A, %lt3A : i32
    %convert_element_type3A = arith.extui %lt3A_6 : i1 to i32
    %cond3A = arith.constant 0 : i32
    %cond3A_7 = arith.cmpi ne, %convert_element_type3A, %cond3A : i32
    scf.if %cond3A_7 {
      %add3A_8 = arith.constant 1984 : i32
      %add3A_9 = arith.addi %add3A, %add3A_8 : i32
      %jit3A = arith.constant 8 : i32
      %div3A = arith.divsi %add3A_9, %jit3A : i32
      %sign3A = arith.constant 0 : i32
      %sign3A_10 = arith.cmpi sgt, %add3A_9, %sign3A : i32
      %sign3A_11 = arith.extui %sign3A_10 : i1 to i32
      %sign3A_12 = arith.constant 0 : i32
      %sign3A_13 = arith.cmpi slt, %add3A_9, %sign3A_12 : i32
      %sign3A_14 = arith.extui %sign3A_13 : i1 to i32
      %sign3A_15 = arith.subi %sign3A_11, %sign3A_14 : i32
      %sign3A_16 = arith.constant 0 : i32
      %sign3A_17 = arith.cmpi sgt, %jit3A, %sign3A_16 : i32
      %sign3A_18 = arith.extui %sign3A_17 : i1 to i32
      %sign3A_19 = arith.constant 0 : i32
      %sign3A_20 = arith.cmpi slt, %jit3A, %sign3A_19 : i32
      %sign3A_21 = arith.extui %sign3A_20 : i1 to i32
      %sign3A_22 = arith.subi %sign3A_18, %sign3A_21 : i32
      %ne3A = arith.cmpi ne, %sign3A_15, %sign3A_22 : i32
      %rem3A = arith.remsi %add3A_9, %jit3A : i32
      %ne3A_23 = arith.constant 0 : i32
      %ne3A_24 = arith.cmpi ne, %rem3A, %ne3A_23 : i32
      %and3A = arith.andi %ne3A, %ne3A_24 : i1
      %sub3A = arith.constant 1 : i32
      %sub3A_25 = arith.subi %div3A, %sub3A : i32
      %select_n3A = arith.select %and3A, %sub3A_25, %div3A : i32
      %mul3A_26 = arith.constant 8 : i32
      %mul3A_27 = arith.muli %mul3A_26, %select_n3A : i32
      %sub3A_28 = arith.subi %add3A_9, %mul3A_27 : i32
      %mul3A_29 = arith.constant 6400 : i32
      %mul3A_30 = arith.muli %select_n3A, %mul3A_29 : i32
      %mul3A_31 = arith.constant 800 : i32
      %mul3A_32 = arith.muli %sub3A_28, %mul3A_31 : i32
      %add3A_33 = arith.addi %mul3A_30, %mul3A_32 : i32
      %run_scoped3A = arith.constant 0 : i32
      "tpu.region"() ({
        %run_scoped3A_69 = tpu.sem_alloc : memref<!tpu.dma_semaphore, #tpu.memory_space<semaphore_mem>>
        %dma_start3A_70 = arith.constant 0 : i32
        %dma_start3A_71 = tpu.memref_slice %arg5[%run_scoped3A, %dma_start3A_70] : memref<2x800xi32, #tpu.memory_space<vmem>> -> memref<1x800xi32, #tpu.memory_space<vmem>>
        %dma_start3A_72 = tpu.memref_squeeze %dma_start3A_71 : memref<1x800xi32, #tpu.memory_space<vmem>> -> memref<800xi32, #tpu.memory_space<vmem>>
        %dma_start3A_73 = tpu.memref_slice %arg3[%add3A_33] : memref<1600000xi32, #tpu.memory_space<hbm>> -> memref<800xi32, #tpu.memory_space<hbm>>
        %dma_start3A_74 = arith.constant 0 : i32
        %dma_start3A_75 = tpu.memref_slice %arg5[%run_scoped3A, %dma_start3A_74] : memref<2x800xi32, #tpu.memory_space<vmem>> -> memref<1x800xi32, #tpu.memory_space<vmem>>
        %dma_start3A_76 = tpu.memref_squeeze %dma_start3A_75 : memref<1x800xi32, #tpu.memory_space<vmem>> -> memref<800xi32, #tpu.memory_space<vmem>>
        %dma_start3A_77 = tpu.memref_slice %arg3[%add3A_33] : memref<1600000xi32, #tpu.memory_space<hbm>> -> memref<800xi32, #tpu.memory_space<hbm>>
        tpu.enqueue_dma source(%dma_start3A_77 : memref<800xi32, #tpu.memory_space<hbm>>) target(%dma_start3A_76 : memref<800xi32, #tpu.memory_space<vmem>>) target_semaphore(%run_scoped3A_69 : memref<!tpu.dma_semaphore, #tpu.memory_space<semaphore_mem>>)
        %dma_wait3A_78 = arith.constant 0 : i32
        %dma_wait3A_79 = tpu.memref_slice %arg5[%run_scoped3A, %dma_wait3A_78] : memref<2x800xi32, #tpu.memory_space<vmem>> -> memref<1x800xi32, #tpu.memory_space<vmem>>
        %dma_wait3A_80 = tpu.memref_squeeze %dma_wait3A_79 : memref<1x800xi32, #tpu.memory_space<vmem>> -> memref<800xi32, #tpu.memory_space<vmem>>
        %dma_wait3A_81 = tpu.memref_slice %arg3[%add3A_33] : memref<1600000xi32, #tpu.memory_space<hbm>> -> memref<800xi32, #tpu.memory_space<hbm>>
        %dma_wait3A_82 = arith.constant 0 : i32
        %dma_wait3A_83 = tpu.memref_slice %arg5[%run_scoped3A, %dma_wait3A_82] : memref<2x800xi32, #tpu.memory_space<vmem>> -> memref<1x800xi32, #tpu.memory_space<vmem>>
        %dma_wait3A_84 = tpu.memref_squeeze %dma_wait3A_83 : memref<1x800xi32, #tpu.memory_space<vmem>> -> memref<800xi32, #tpu.memory_space<vmem>>
        %dma_wait3A_85 = tpu.memref_slice %arg3[%add3A_33] : memref<1600000xi32, #tpu.memory_space<hbm>> -> memref<800xi32, #tpu.memory_space<hbm>>
        tpu.wait_dma2 semaphore(%run_scoped3A_69 : memref<!tpu.dma_semaphore, #tpu.memory_space<semaphore_mem>>) src(%dma_wait3A_85 : memref<800xi32, #tpu.memory_space<hbm>>) dst(%dma_wait3A_84 : memref<800xi32, #tpu.memory_space<vmem>>)
        tpu.yield
      }) : () -> ()
      %dma_start3A = arith.constant 0 : i32
      %dma_start3A_34 = arith.constant 0 : i32
      %dma_start3A_35 = arith.constant 0 : i32
      %dma_start3A_36 = arith.constant 1 : i32
      %dma_start3A_37 = arith.constant 0 : i32
      %dma_start3A_38 = arith.constant 0 : i32
      %dma_start3A_39 = tpu.memref_slice %arg6[%dma_start3A_34, %dma_start3A_37, %dma_start3A_38] : memref<2x800x16xf32, #tpu.memory_space<vmem>> -> memref<1x800x16xf32, #tpu.memory_space<vmem>>
      %dma_start3A_40 = tpu.memref_squeeze %dma_start3A_39 : memref<1x800x16xf32, #tpu.memory_space<vmem>> -> memref<800x16xf32, #tpu.memory_space<vmem>>
      %dma_start3A_41 = arith.constant 0 : i32
      %dma_start3A_42 = tpu.memref_slice %arg5[%dma_start3A, %dma_start3A_41] : memref<2x800xi32, #tpu.memory_space<vmem>> -> memref<1x800xi32, #tpu.memory_space<vmem>>
      %dma_start3A_43 = tpu.memref_squeeze %dma_start3A_42 : memref<1x800xi32, #tpu.memory_space<vmem>> -> memref<800xi32, #tpu.memory_space<vmem>>
      %dma_start3A_44 = arith.constant 0 : i32
      %dma_start3A_45 = arith.constant 0 : i32
      %dma_start3A_46 = tpu.memref_slice %arg2[%dma_start3A_44, %dma_start3A_45] : memref<50000x16xf32, #tpu.memory_space<hbm>> -> memref<50000x16xf32, #tpu.memory_space<hbm>>
      %dma_start3A_47 = tpu.memref_slice %arg7[%dma_start3A_35, %dma_start3A_36] : memref<2x3x!tpu.dma_semaphore, #tpu.memory_space<semaphore_mem>> -> memref<1x1x!tpu.dma_semaphore, #tpu.memory_space<semaphore_mem>>
      %dma_start3A_48 = tpu.memref_squeeze %dma_start3A_47 : memref<1x1x!tpu.dma_semaphore, #tpu.memory_space<semaphore_mem>> -> memref<!tpu.dma_semaphore, #tpu.memory_space<semaphore_mem>>
      tpu.enqueue_indirect_dma source(%dma_start3A_46 : memref<50000x16xf32, #tpu.memory_space<hbm>>) target(%dma_start3A_40 : memref<800x16xf32, #tpu.memory_space<vmem>>) offsets(%dma_start3A_43 : memref<800xi32, #tpu.memory_space<vmem>>) semaphore(%dma_start3A_48 : memref<!tpu.dma_semaphore, #tpu.memory_space<semaphore_mem>>)
      %dma_wait3A = arith.constant 0 : i32
      %dma_wait3A_49 = arith.constant 0 : i32
      %dma_wait3A_50 = arith.constant 0 : i32
      %dma_wait3A_51 = arith.constant 1 : i32
      %dma_wait3A_52 = arith.constant 0 : i32
      %dma_wait3A_53 = arith.constant 0 : i32
      %dma_wait3A_54 = tpu.memref_slice %arg6[%dma_wait3A_49, %dma_wait3A_52, %dma_wait3A_53] : memref<2x800x16xf32, #tpu.memory_space<vmem>> -> memref<1x800x16xf32, #tpu.memory_space<vmem>>
      %dma_wait3A_55 = tpu.memref_squeeze %dma_wait3A_54 : memref<1x800x16xf32, #tpu.memory_space<vmem>> -> memref<800x16xf32, #tpu.memory_space<vmem>>
      %dma_wait3A_56 = arith.constant 0 : i32
      %dma_wait3A_57 = tpu.memref_slice %arg5[%dma_wait3A, %dma_wait3A_56] : memref<2x800xi32, #tpu.memory_space<vmem>> -> memref<1x800xi32, #tpu.memory_space<vmem>>
      %dma_wait3A_58 = tpu.memref_squeeze %dma_wait3A_57 : memref<1x800xi32, #tpu.memory_space<vmem>> -> memref<800xi32, #tpu.memory_space<vmem>>
      %dma_wait3A_59 = arith.constant 0 : i32
      %dma_wait3A_60 = arith.constant 0 : i32
      %dma_wait3A_61 = tpu.memref_slice %arg2[%dma_wait3A_59, %dma_wait3A_60] : memref<50000x16xf32, #tpu.memory_space<hbm>> -> memref<50000x16xf32, #tpu.memory_space<hbm>>
      %dma_wait3A_62 = tpu.memref_slice %arg7[%dma_wait3A_50, %dma_wait3A_51] : memref<2x3x!tpu.dma_semaphore, #tpu.memory_space<semaphore_mem>> -> memref<1x1x!tpu.dma_semaphore, #tpu.memory_space<semaphore_mem>>
      %dma_wait3A_63 = tpu.memref_squeeze %dma_wait3A_62 : memref<1x1x!tpu.dma_semaphore, #tpu.memory_space<semaphore_mem>> -> memref<!tpu.dma_semaphore, #tpu.memory_space<semaphore_mem>>
      tpu.wait_indirect_dma semaphore(%dma_wait3A_63 : memref<!tpu.dma_semaphore, #tpu.memory_space<semaphore_mem>>) src(%dma_wait3A_61 : memref<50000x16xf32, #tpu.memory_space<hbm>>) dst(%dma_wait3A_55 : memref<800x16xf32, #tpu.memory_space<vmem>>)
      %mul3A_64 = arith.constant 800 : i32
      %mul3A_65 = arith.muli %select_n3A, %mul3A_64 : i32
      %mul3A_66 = arith.constant 16 : i32
      %mul3A_67 = arith.muli %sub3A_28, %mul3A_66 : i32
      %run_scoped3A_68 = arith.constant 0 : i32
      "tpu.region"() ({
        %run_scoped3A_69 = tpu.sem_alloc : memref<!tpu.dma_semaphore, #tpu.memory_space<semaphore_mem>>
        %dma_start3A_70 = arith.constant 0 : i32
        %dma_start3A_71 = arith.constant 0 : i32
        %dma_start3A_72 = tpu.memref_slice %arg6[%run_scoped3A_68, %dma_start3A_70, %dma_start3A_71] : memref<2x800x16xf32, #tpu.memory_space<vmem>> -> memref<1x800x16xf32, #tpu.memory_space<vmem>>
        %dma_start3A_73 = tpu.memref_squeeze %dma_start3A_72 : memref<1x800x16xf32, #tpu.memory_space<vmem>> -> memref<800x16xf32, #tpu.memory_space<vmem>>
        %dma_start3A_74 = tpu.memref_slice %arg4[%mul3A_65, %mul3A_67] : memref<200000x128xf32, #tpu.memory_space<hbm>> -> memref<800x16xf32, #tpu.memory_space<hbm>>
        %dma_start3A_75 = tpu.memref_slice %arg4[%mul3A_65, %mul3A_67] : memref<200000x128xf32, #tpu.memory_space<hbm>> -> memref<800x16xf32, #tpu.memory_space<hbm>>
        %dma_start3A_76 = arith.constant 0 : i32
        %dma_start3A_77 = arith.constant 0 : i32
        %dma_start3A_78 = tpu.memref_slice %arg6[%run_scoped3A_68, %dma_start3A_76, %dma_start3A_77] : memref<2x800x16xf32, #tpu.memory_space<vmem>> -> memref<1x800x16xf32, #tpu.memory_space<vmem>>
        %dma_start3A_79 = tpu.memref_squeeze %dma_start3A_78 : memref<1x800x16xf32, #tpu.memory_space<vmem>> -> memref<800x16xf32, #tpu.memory_space<vmem>>
        tpu.enqueue_dma source(%dma_start3A_79 : memref<800x16xf32, #tpu.memory_space<vmem>>) target(%dma_start3A_75 : memref<800x16xf32, #tpu.memory_space<hbm>>) target_semaphore(%run_scoped3A_69 : memref<!tpu.dma_semaphore, #tpu.memory_space<semaphore_mem>>)
        %dma_wait3A_80 = arith.constant 0 : i32
        %dma_wait3A_81 = arith.constant 0 : i32
        %dma_wait3A_82 = tpu.memref_slice %arg6[%run_scoped3A_68, %dma_wait3A_80, %dma_wait3A_81] : memref<2x800x16xf32, #tpu.memory_space<vmem>> -> memref<1x800x16xf32, #tpu.memory_space<vmem>>
        %dma_wait3A_83 = tpu.memref_squeeze %dma_wait3A_82 : memref<1x800x16xf32, #tpu.memory_space<vmem>> -> memref<800x16xf32, #tpu.memory_space<vmem>>
        %dma_wait3A_84 = tpu.memref_slice %arg4[%mul3A_65, %mul3A_67] : memref<200000x128xf32, #tpu.memory_space<hbm>> -> memref<800x16xf32, #tpu.memory_space<hbm>>
        %dma_wait3A_85 = tpu.memref_slice %arg4[%mul3A_65, %mul3A_67] : memref<200000x128xf32, #tpu.memory_space<hbm>> -> memref<800x16xf32, #tpu.memory_space<hbm>>
        %dma_wait3A_86 = arith.constant 0 : i32
        %dma_wait3A_87 = arith.constant 0 : i32
        %dma_wait3A_88 = tpu.memref_slice %arg6[%run_scoped3A_68, %dma_wait3A_86, %dma_wait3A_87] : memref<2x800x16xf32, #tpu.memory_space<vmem>> -> memref<1x800x16xf32, #tpu.memory_space<vmem>>
        %dma_wait3A_89 = tpu.memref_squeeze %dma_wait3A_88 : memref<1x800x16xf32, #tpu.memory_space<vmem>> -> memref<800x16xf32, #tpu.memory_space<vmem>>
        tpu.wait_dma2 semaphore(%run_scoped3A_69 : memref<!tpu.dma_semaphore, #tpu.memory_space<semaphore_mem>>) src(%dma_wait3A_89 : memref<800x16xf32, #tpu.memory_space<vmem>>) dst(%dma_wait3A_85 : memref<800x16xf32, #tpu.memory_space<hbm>>)
        tpu.yield
      }) : () -> ()
    } else {
    }
    return
  }
}

#map = affine_map<(d0, d1) -> (0, 0)>
#map1 = affine_map<(d0, d1) -> (0)>
#map2 = affine_map<(d0, d1) -> (0, 0, 0)>
module attributes {stable_mosaic.version = 14 : i64} {
  func.func @_sc_scatter(%arg0: i32, %arg1: i32, %arg2: memref<200000x128xf32, #tpu.memory_space<hbm>>, %arg3: memref<1600000xi32, #tpu.memory_space<hbm>>, %arg4: memref<2x50000x16xf32, #tpu.memory_space<hbm>>, %arg5: memref<2x800xi32, #tpu.memory_space<vmem>>, %arg6: memref<2x800x16xf32, #tpu.memory_space<vmem>>, %arg7: memref<2000x16xf32, #tpu.memory_space<vmem>>, %arg8: memref<50000x16xf32, #tpu.memory_space<vmem_shared>>, %arg9: memref<2x3x!tpu.dma_semaphore, #tpu.memory_space<semaphore_mem>>) attributes {dimension_semantics = [#tpu.dimension_semantics<core_parallel>, #tpu.dimension_semantics<subcore_parallel>], iteration_bounds = array<i64: 2, 16>, scalar_prefetch = 0 : i64, scratch_operands = 5 : i64, tpu.core_type = #tpu.core_type<sc_vector_subcore>, window_params = [{transform_indices = #map}, {transform_indices = #map1}, {transform_indices = #map2}]} {
    %mul3A = arith.constant 2 : i32
    %mul3A_0 = arith.muli %arg1, %mul3A : i32
    %add3A = arith.addi %mul3A_0, %arg0 : i32
    %broadcast_in_dim3A = arith.constant 0.000000e+00 : f32
    %broadcast_in_dim3A_1 = vector.broadcast %broadcast_in_dim3A : f32 to vector<16xf32>
    %scan3A = arith.constant 0 : i32
    %scan3A_2 = arith.constant 0 : i32
    %scan3A_3 = arith.constant 2000 : i32
    %scan3A_4 = arith.addi %scan3A_2, %scan3A_3 : i32
    %scan3A_5 = arith.constant 1 : i32
    scf.for %scan3A_20 = %scan3A_2 to %scan3A_4 step %scan3A_5  : i32 {
      %swap3A = arith.index_cast %scan3A_20 : i32 to index
      %swap3A_21 = arith.constant 0 : index
      %swap3A_22 = tpu.vector_load %arg7[%swap3A, %swap3A_21] {strides = array<i32>} : memref<2000x16xf32, #tpu.memory_space<vmem>>, vector<1x16xf32>,
      %swap3A_23 = vector.shape_cast %swap3A_22 : vector<1x16xf32> to vector<16xf32>
      %swap3A_24 = vector.shape_cast %broadcast_in_dim3A_1 : vector<16xf32> to vector<1x16xf32>
      tpu.vector_store %arg7[%swap3A, %swap3A_21], %swap3A_24 {strides = array<i32>} : memref<2000x16xf32, #tpu.memory_space<vmem>>, vector<1x16xf32>,
    }
    %scan3A_6 = arith.constant 2000 : i32
    %mul3A_7 = arith.constant 3125 : i32
    %mul3A_8 = arith.muli %arg1, %mul3A_7 : i32
    "tpu.region"() ({
      %run_scoped3A = tpu.sem_alloc : memref<!tpu.dma_semaphore, #tpu.memory_space<semaphore_mem>>
      %dma_start3A = arith.constant 0 : i32
      %dma_start3A_20 = tpu.memref_slice %arg8[%mul3A_8, %dma_start3A] : memref<50000x16xf32, #tpu.memory_space<vmem_shared>> -> memref<2000x16xf32, #tpu.memory_space<vmem_shared>>
      %dma_start3A_21 = arith.constant 0 : i32
      %dma_start3A_22 = tpu.memref_slice %arg8[%mul3A_8, %dma_start3A_21] : memref<50000x16xf32, #tpu.memory_space<vmem_shared>> -> memref<2000x16xf32, #tpu.memory_space<vmem_shared>>
      tpu.enqueue_dma source(%arg7 : memref<2000x16xf32, #tpu.memory_space<vmem>>) target(%dma_start3A_22 : memref<2000x16xf32, #tpu.memory_space<vmem_shared>>) target_semaphore(%run_scoped3A : memref<!tpu.dma_semaphore, #tpu.memory_space<semaphore_mem>>)
      %dma_wait3A = arith.constant 0 : i32
      %dma_wait3A_23 = tpu.memref_slice %arg8[%mul3A_8, %dma_wait3A] : memref<50000x16xf32, #tpu.memory_space<vmem_shared>> -> memref<2000x16xf32, #tpu.memory_space<vmem_shared>>
      %dma_wait3A_24 = arith.constant 0 : i32
      %dma_wait3A_25 = tpu.memref_slice %arg8[%mul3A_8, %dma_wait3A_24] : memref<50000x16xf32, #tpu.memory_space<vmem_shared>> -> memref<2000x16xf32, #tpu.memory_space<vmem_shared>>
      tpu.wait_dma2 semaphore(%run_scoped3A : memref<!tpu.dma_semaphore, #tpu.memory_space<semaphore_mem>>) src(%arg7 : memref<2000x16xf32, #tpu.memory_space<vmem>>) dst(%dma_wait3A_25 : memref<2000x16xf32, #tpu.memory_space<vmem_shared>>)
      tpu.yield
    }) : () -> ()
    %add3A_9 = arith.constant 2000 : i32
    %add3A_10 = arith.addi %mul3A_8, %add3A_9 : i32
    "tpu.region"() ({
      %run_scoped3A = tpu.sem_alloc : memref<!tpu.dma_semaphore, #tpu.memory_space<semaphore_mem>>
      %dma_start3A = arith.constant 0 : i32
      %dma_start3A_20 = arith.constant 0 : i32
      %dma_start3A_21 = tpu.memref_slice %arg7[%dma_start3A, %dma_start3A_20] : memref<2000x16xf32, #tpu.memory_space<vmem>> -> memref<1125x16xf32, #tpu.memory_space<vmem>>
      %dma_start3A_22 = arith.constant 0 : i32
      %dma_start3A_23 = tpu.memref_slice %arg8[%add3A_10, %dma_start3A_22] : memref<50000x16xf32, #tpu.memory_space<vmem_shared>> -> memref<1125x16xf32, #tpu.memory_space<vmem_shared>>
      %dma_start3A_24 = arith.constant 0 : i32
      %dma_start3A_25 = tpu.memref_slice %arg8[%add3A_10, %dma_start3A_24] : memref<50000x16xf32, #tpu.memory_space<vmem_shared>> -> memref<1125x16xf32, #tpu.memory_space<vmem_shared>>
      %dma_start3A_26 = arith.constant 0 : i32
      %dma_start3A_27 = arith.constant 0 : i32
      %dma_start3A_28 = tpu.memref_slice %arg7[%dma_start3A_26, %dma_start3A_27] : memref<2000x16xf32, #tpu.memory_space<vmem>> -> memref<1125x16xf32, #tpu.memory_space<vmem>>
      tpu.enqueue_dma source(%dma_start3A_28 : memref<1125x16xf32, #tpu.memory_space<vmem>>) target(%dma_start3A_25 : memref<1125x16xf32, #tpu.memory_space<vmem_shared>>) target_semaphore(%run_scoped3A : memref<!tpu.dma_semaphore, #tpu.memory_space<semaphore_mem>>)
      %dma_wait3A = arith.constant 0 : i32
      %dma_wait3A_29 = arith.constant 0 : i32
      %dma_wait3A_30 = tpu.memref_slice %arg7[%dma_wait3A, %dma_wait3A_29] : memref<2000x16xf32, #tpu.memory_space<vmem>> -> memref<1125x16xf32, #tpu.memory_space<vmem>>
      %dma_wait3A_31 = arith.constant 0 : i32
      %dma_wait3A_32 = tpu.memref_slice %arg8[%add3A_10, %dma_wait3A_31] : memref<50000x16xf32, #tpu.memory_space<vmem_shared>> -> memref<1125x16xf32, #tpu.memory_space<vmem_shared>>
      %dma_wait3A_33 = arith.constant 0 : i32
      %dma_wait3A_34 = tpu.memref_slice %arg8[%add3A_10, %dma_wait3A_33] : memref<50000x16xf32, #tpu.memory_space<vmem_shared>> -> memref<1125x16xf32, #tpu.memory_space<vmem_shared>>
      %dma_wait3A_35 = arith.constant 0 : i32
      %dma_wait3A_36 = arith.constant 0 : i32
      %dma_wait3A_37 = tpu.memref_slice %arg7[%dma_wait3A_35, %dma_wait3A_36] : memref<2000x16xf32, #tpu.memory_space<vmem>> -> memref<1125x16xf32, #tpu.memory_space<vmem>>
      tpu.wait_dma2 semaphore(%run_scoped3A : memref<!tpu.dma_semaphore, #tpu.memory_space<semaphore_mem>>) src(%dma_wait3A_37 : memref<1125x16xf32, #tpu.memory_space<vmem>>) dst(%dma_wait3A_34 : memref<1125x16xf32, #tpu.memory_space<vmem_shared>>)
      tpu.yield
    }) : () -> ()
    %barrier3A = arith.constant 0 : index
    tpu.barrier barrier_id(%barrier3A)
    %scan3A_11 = arith.constant 0 : i32
    %scan3A_12 = arith.constant 0 : i32
    %scan3A_13 = arith.constant 31 : i32
    %scan3A_14 = arith.addi %scan3A_12, %scan3A_13 : i32
    %scan3A_15 = arith.constant 1 : i32
    scf.for %scan3A_20 = %scan3A_12 to %scan3A_14 step %scan3A_15  : i32 {
      %mul3A_21 = arith.constant 2 : i32
      %mul3A_22 = arith.muli %mul3A_21, %scan3A_20 : i32
      %mul3A_23 = arith.constant 32 : i32
      %mul3A_24 = arith.muli %mul3A_23, %mul3A_22 : i32
      %add3A_25 = arith.addi %add3A, %mul3A_24 : i32
      %jit3A = arith.constant 8 : i32
      %div3A = arith.divsi %add3A_25, %jit3A : i32
      %sign3A = arith.constant 0 : i32
      %sign3A_26 = arith.cmpi sgt, %add3A_25, %sign3A : i32
      %sign3A_27 = arith.extui %sign3A_26 : i1 to i32
      %sign3A_28 = arith.constant 0 : i32
      %sign3A_29 = arith.cmpi slt, %add3A_25, %sign3A_28 : i32
      %sign3A_30 = arith.extui %sign3A_29 : i1 to i32
      %sign3A_31 = arith.subi %sign3A_27, %sign3A_30 : i32
      %sign3A_32 = arith.constant 0 : i32
      %sign3A_33 = arith.cmpi sgt, %jit3A, %sign3A_32 : i32
      %sign3A_34 = arith.extui %sign3A_33 : i1 to i32
      %sign3A_35 = arith.constant 0 : i32
      %sign3A_36 = arith.cmpi slt, %jit3A, %sign3A_35 : i32
      %sign3A_37 = arith.extui %sign3A_36 : i1 to i32
      %sign3A_38 = arith.subi %sign3A_34, %sign3A_37 : i32
      %ne3A = arith.cmpi ne, %sign3A_31, %sign3A_38 : i32
      %rem3A = arith.remsi %add3A_25, %jit3A : i32
      %ne3A_39 = arith.constant 0 : i32
      %ne3A_40 = arith.cmpi ne, %rem3A, %ne3A_39 : i32
      %and3A = arith.andi %ne3A, %ne3A_40 : i1
      %sub3A = arith.constant 1 : i32
      %sub3A_41 = arith.subi %div3A, %sub3A : i32
      %select_n3A = arith.select %and3A, %sub3A_41, %div3A : i32
      %mul3A_42 = arith.constant 8 : i32
      %mul3A_43 = arith.muli %mul3A_42, %select_n3A : i32
      %sub3A_44 = arith.subi %add3A_25, %mul3A_43 : i32
      %mul3A_45 = arith.constant 6400 : i32
      %mul3A_46 = arith.muli %select_n3A, %mul3A_45 : i32
      %mul3A_47 = arith.constant 800 : i32
      %mul3A_48 = arith.muli %sub3A_44, %mul3A_47 : i32
      %add3A_49 = arith.addi %mul3A_46, %mul3A_48 : i32
      %mul3A_50 = arith.constant 2 : i32
      %mul3A_51 = arith.muli %mul3A_50, %scan3A_20 : i32
      %add3A_52 = arith.constant 1 : i32
      %add3A_53 = arith.addi %mul3A_51, %add3A_52 : i32
      %mul3A_54 = arith.constant 32 : i32
      %mul3A_55 = arith.muli %mul3A_54, %add3A_53 : i32
      %add3A_56 = arith.addi %add3A, %mul3A_55 : i32
      %jit3A_57 = arith.constant 8 : i32
      %div3A_58 = arith.divsi %add3A_56, %jit3A_57 : i32
      %sign3A_59 = arith.constant 0 : i32
      %sign3A_60 = arith.cmpi sgt, %add3A_56, %sign3A_59 : i32
      %sign3A_61 = arith.extui %sign3A_60 : i1 to i32
      %sign3A_62 = arith.constant 0 : i32
      %sign3A_63 = arith.cmpi slt, %add3A_56, %sign3A_62 : i32
      %sign3A_64 = arith.extui %sign3A_63 : i1 to i32
      %sign3A_65 = arith.subi %sign3A_61, %sign3A_64 : i32
      %sign3A_66 = arith.constant 0 : i32
      %sign3A_67 = arith.cmpi sgt, %jit3A_57, %sign3A_66 : i32
      %sign3A_68 = arith.extui %sign3A_67 : i1 to i32
      %sign3A_69 = arith.constant 0 : i32
      %sign3A_70 = arith.cmpi slt, %jit3A_57, %sign3A_69 : i32
      %sign3A_71 = arith.extui %sign3A_70 : i1 to i32
      %sign3A_72 = arith.subi %sign3A_68, %sign3A_71 : i32
      %ne3A_73 = arith.cmpi ne, %sign3A_65, %sign3A_72 : i32
      %rem3A_74 = arith.remsi %add3A_56, %jit3A_57 : i32
      %ne3A_75 = arith.constant 0 : i32
      %ne3A_76 = arith.cmpi ne, %rem3A_74, %ne3A_75 : i32
      %and3A_77 = arith.andi %ne3A_73, %ne3A_76 : i1
      %sub3A_78 = arith.constant 1 : i32
      %sub3A_79 = arith.subi %div3A_58, %sub3A_78 : i32
      %select_n3A_80 = arith.select %and3A_77, %sub3A_79, %div3A_58 : i32
      %mul3A_81 = arith.constant 8 : i32
      %mul3A_82 = arith.muli %mul3A_81, %select_n3A_80 : i32
      %sub3A_83 = arith.subi %add3A_56, %mul3A_82 : i32
      %mul3A_84 = arith.constant 6400 : i32
      %mul3A_85 = arith.muli %select_n3A_80, %mul3A_84 : i32
      %mul3A_86 = arith.constant 800 : i32
      %mul3A_87 = arith.muli %sub3A_83, %mul3A_86 : i32
      %add3A_88 = arith.addi %mul3A_85, %mul3A_87 : i32
      %dma_start3A = arith.constant 0 : i32
      %dma_start3A_89 = arith.constant 0 : i32
      %dma_start3A_90 = arith.constant 0 : i32
      %dma_start3A_91 = arith.constant 0 : i32
      %dma_start3A_92 = tpu.memref_slice %arg5[%dma_start3A, %dma_start3A_91] : memref<2x800xi32, #tpu.memory_space<vmem>> -> memref<1x800xi32, #tpu.memory_space<vmem>>
      %dma_start3A_93 = tpu.memref_squeeze %dma_start3A_92 : memref<1x800xi32, #tpu.memory_space<vmem>> -> memref<800xi32, #tpu.memory_space<vmem>>
      %dma_start3A_94 = tpu.memref_slice %arg3[%add3A_49] : memref<1600000xi32, #tpu.memory_space<hbm>> -> memref<800xi32, #tpu.memory_space<hbm>>
      %dma_start3A_95 = tpu.memref_slice %arg9[%dma_start3A_89, %dma_start3A_90] : memref<2x3x!tpu.dma_semaphore, #tpu.memory_space<semaphore_mem>> -> memref<1x1x!tpu.dma_semaphore, #tpu.memory_space<semaphore_mem>>
      %dma_start3A_96 = tpu.memref_squeeze %dma_start3A_95 : memref<1x1x!tpu.dma_semaphore, #tpu.memory_space<semaphore_mem>> -> memref<!tpu.dma_semaphore, #tpu.memory_space<semaphore_mem>>
      %dma_start3A_97 = arith.constant 0 : i32
      %dma_start3A_98 = tpu.memref_slice %arg5[%dma_start3A, %dma_start3A_97] : memref<2x800xi32, #tpu.memory_space<vmem>> -> memref<1x800xi32, #tpu.memory_space<vmem>>
      %dma_start3A_99 = tpu.memref_squeeze %dma_start3A_98 : memref<1x800xi32, #tpu.memory_space<vmem>> -> memref<800xi32, #tpu.memory_space<vmem>>
      %dma_start3A_100 = tpu.memref_slice %arg3[%add3A_49] : memref<1600000xi32, #tpu.memory_space<hbm>> -> memref<800xi32, #tpu.memory_space<hbm>>
      tpu.enqueue_dma source(%dma_start3A_100 : memref<800xi32, #tpu.memory_space<hbm>>) target(%dma_start3A_99 : memref<800xi32, #tpu.memory_space<vmem>>) target_semaphore(%dma_start3A_96 : memref<!tpu.dma_semaphore, #tpu.memory_space<semaphore_mem>>)
      %dma_start3A_101 = arith.constant 1 : i32
      %dma_start3A_102 = arith.constant 1 : i32
      %dma_start3A_103 = arith.constant 0 : i32
      %dma_start3A_104 = arith.constant 0 : i32
      %dma_start3A_105 = tpu.memref_slice %arg5[%dma_start3A_101, %dma_start3A_104] : memref<2x800xi32, #tpu.memory_space<vmem>> -> memref<1x800xi32, #tpu.memory_space<vmem>>
      %dma_start3A_106 = tpu.memref_squeeze %dma_start3A_105 : memref<1x800xi32, #tpu.memory_space<vmem>> -> memref<800xi32, #tpu.memory_space<vmem>>
      %dma_start3A_107 = tpu.memref_slice %arg3[%add3A_88] : memref<1600000xi32, #tpu.memory_space<hbm>> -> memref<800xi32, #tpu.memory_space<hbm>>
      %dma_start3A_108 = tpu.memref_slice %arg9[%dma_start3A_102, %dma_start3A_103] : memref<2x3x!tpu.dma_semaphore, #tpu.memory_space<semaphore_mem>> -> memref<1x1x!tpu.dma_semaphore, #tpu.memory_space<semaphore_mem>>
      %dma_start3A_109 = tpu.memref_squeeze %dma_start3A_108 : memref<1x1x!tpu.dma_semaphore, #tpu.memory_space<semaphore_mem>> -> memref<!tpu.dma_semaphore, #tpu.memory_space<semaphore_mem>>
      %dma_start3A_110 = arith.constant 0 : i32
      %dma_start3A_111 = tpu.memref_slice %arg5[%dma_start3A_101, %dma_start3A_110] : memref<2x800xi32, #tpu.memory_space<vmem>> -> memref<1x800xi32, #tpu.memory_space<vmem>>
      %dma_start3A_112 = tpu.memref_squeeze %dma_start3A_111 : memref<1x800xi32, #tpu.memory_space<vmem>> -> memref<800xi32, #tpu.memory_space<vmem>>
      %dma_start3A_113 = tpu.memref_slice %arg3[%add3A_88] : memref<1600000xi32, #tpu.memory_space<hbm>> -> memref<800xi32, #tpu.memory_space<hbm>>
      tpu.enqueue_dma source(%dma_start3A_113 : memref<800xi32, #tpu.memory_space<hbm>>) target(%dma_start3A_112 : memref<800xi32, #tpu.memory_space<vmem>>) target_semaphore(%dma_start3A_109 : memref<!tpu.dma_semaphore, #tpu.memory_space<semaphore_mem>>)
      %mul3A_114 = arith.constant 800 : i32
      %mul3A_115 = arith.muli %select_n3A, %mul3A_114 : i32
      %mul3A_116 = arith.constant 16 : i32
      %mul3A_117 = arith.muli %sub3A_44, %mul3A_116 : i32
      %dma_start3A_118 = arith.constant 0 : i32
      %dma_start3A_119 = arith.constant 0 : i32
      %dma_start3A_120 = arith.constant 1 : i32
      %dma_start3A_121 = arith.constant 0 : i32
      %dma_start3A_122 = arith.constant 0 : i32
      %dma_start3A_123 = tpu.memref_slice %arg6[%dma_start3A_118, %dma_start3A_121, %dma_start3A_122] : memref<2x800x16xf32, #tpu.memory_space<vmem>> -> memref<1x800x16xf32, #tpu.memory_space<vmem>>
      %dma_start3A_124 = tpu.memref_squeeze %dma_start3A_123 : memref<1x800x16xf32, #tpu.memory_space<vmem>> -> memref<800x16xf32, #tpu.memory_space<vmem>>
      %dma_start3A_125 = tpu.memref_slice %arg2[%mul3A_115, %mul3A_117] : memref<200000x128xf32, #tpu.memory_space<hbm>> -> memref<800x16xf32, #tpu.memory_space<hbm>>
      %dma_start3A_126 = tpu.memref_slice %arg9[%dma_start3A_119, %dma_start3A_120] : memref<2x3x!tpu.dma_semaphore, #tpu.memory_space<semaphore_mem>> -> memref<1x1x!tpu.dma_semaphore, #tpu.memory_space<semaphore_mem>>
      %dma_start3A_127 = tpu.memref_squeeze %dma_start3A_126 : memref<1x1x!tpu.dma_semaphore, #tpu.memory_space<semaphore_mem>> -> memref<!tpu.dma_semaphore, #tpu.memory_space<semaphore_mem>>
      %dma_start3A_128 = arith.constant 0 : i32
      %dma_start3A_129 = arith.constant 0 : i32
      %dma_start3A_130 = tpu.memref_slice %arg6[%dma_start3A_118, %dma_start3A_128, %dma_start3A_129] : memref<2x800x16xf32, #tpu.memory_space<vmem>> -> memref<1x800x16xf32, #tpu.memory_space<vmem>>
      %dma_start3A_131 = tpu.memref_squeeze %dma_start3A_130 : memref<1x800x16xf32, #tpu.memory_space<vmem>> -> memref<800x16xf32, #tpu.memory_space<vmem>>
      %dma_start3A_132 = tpu.memref_slice %arg2[%mul3A_115, %mul3A_117] : memref<200000x128xf32, #tpu.memory_space<hbm>> -> memref<800x16xf32, #tpu.memory_space<hbm>>
      tpu.enqueue_dma source(%dma_start3A_132 : memref<800x16xf32, #tpu.memory_space<hbm>>) target(%dma_start3A_131 : memref<800x16xf32, #tpu.memory_space<vmem>>) target_semaphore(%dma_start3A_127 : memref<!tpu.dma_semaphore, #tpu.memory_space<semaphore_mem>>)
      %mul3A_133 = arith.constant 800 : i32
      %mul3A_134 = arith.muli %select_n3A_80, %mul3A_133 : i32
      %mul3A_135 = arith.constant 16 : i32
      %mul3A_136 = arith.muli %sub3A_83, %mul3A_135 : i32
      %dma_start3A_137 = arith.constant 1 : i32
      %dma_start3A_138 = arith.constant 1 : i32
      %dma_start3A_139 = arith.constant 1 : i32
      %dma_start3A_140 = arith.constant 0 : i32
      %dma_start3A_141 = arith.constant 0 : i32
      %dma_start3A_142 = tpu.memref_slice %arg6[%dma_start3A_137, %dma_start3A_140, %dma_start3A_141] : memref<2x800x16xf32, #tpu.memory_space<vmem>> -> memref<1x800x16xf32, #tpu.memory_space<vmem>>
      %dma_start3A_143 = tpu.memref_squeeze %dma_start3A_142 : memref<1x800x16xf32, #tpu.memory_space<vmem>> -> memref<800x16xf32, #tpu.memory_space<vmem>>
      %dma_start3A_144 = tpu.memref_slice %arg2[%mul3A_134, %mul3A_136] : memref<200000x128xf32, #tpu.memory_space<hbm>> -> memref<800x16xf32, #tpu.memory_space<hbm>>
      %dma_start3A_145 = tpu.memref_slice %arg9[%dma_start3A_138, %dma_start3A_139] : memref<2x3x!tpu.dma_semaphore, #tpu.memory_space<semaphore_mem>> -> memref<1x1x!tpu.dma_semaphore, #tpu.memory_space<semaphore_mem>>
      %dma_start3A_146 = tpu.memref_squeeze %dma_start3A_145 : memref<1x1x!tpu.dma_semaphore, #tpu.memory_space<semaphore_mem>> -> memref<!tpu.dma_semaphore, #tpu.memory_space<semaphore_mem>>
      %dma_start3A_147 = arith.constant 0 : i32
      %dma_start3A_148 = arith.constant 0 : i32
      %dma_start3A_149 = tpu.memref_slice %arg6[%dma_start3A_137, %dma_start3A_147, %dma_start3A_148] : memref<2x800x16xf32, #tpu.memory_space<vmem>> -> memref<1x800x16xf32, #tpu.memory_space<vmem>>
      %dma_start3A_150 = tpu.memref_squeeze %dma_start3A_149 : memref<1x800x16xf32, #tpu.memory_space<vmem>> -> memref<800x16xf32, #tpu.memory_space<vmem>>
      %dma_start3A_151 = tpu.memref_slice %arg2[%mul3A_134, %mul3A_136] : memref<200000x128xf32, #tpu.memory_space<hbm>> -> memref<800x16xf32, #tpu.memory_space<hbm>>
      tpu.enqueue_dma source(%dma_start3A_151 : memref<800x16xf32, #tpu.memory_space<hbm>>) target(%dma_start3A_150 : memref<800x16xf32, #tpu.memory_space<vmem>>) target_semaphore(%dma_start3A_146 : memref<!tpu.dma_semaphore, #tpu.memory_space<semaphore_mem>>)
      %dma_wait3A = arith.constant 0 : i32
      %dma_wait3A_152 = arith.constant 0 : i32
      %dma_wait3A_153 = arith.constant 0 : i32
      %dma_wait3A_154 = arith.constant 0 : i32
      %dma_wait3A_155 = tpu.memref_slice %arg5[%dma_wait3A, %dma_wait3A_154] : memref<2x800xi32, #tpu.memory_space<vmem>> -> memref<1x800xi32, #tpu.memory_space<vmem>>
      %dma_wait3A_156 = tpu.memref_squeeze %dma_wait3A_155 : memref<1x800xi32, #tpu.memory_space<vmem>> -> memref<800xi32, #tpu.memory_space<vmem>>
      %dma_wait3A_157 = tpu.memref_slice %arg3[%add3A_49] : memref<1600000xi32, #tpu.memory_space<hbm>> -> memref<800xi32, #tpu.memory_space<hbm>>
      %dma_wait3A_158 = tpu.memref_slice %arg9[%dma_wait3A_152, %dma_wait3A_153] : memref<2x3x!tpu.dma_semaphore, #tpu.memory_space<semaphore_mem>> -> memref<1x1x!tpu.dma_semaphore, #tpu.memory_space<semaphore_mem>>
      %dma_wait3A_159 = tpu.memref_squeeze %dma_wait3A_158 : memref<1x1x!tpu.dma_semaphore, #tpu.memory_space<semaphore_mem>> -> memref<!tpu.dma_semaphore, #tpu.memory_space<semaphore_mem>>
      %dma_wait3A_160 = arith.constant 0 : i32
      %dma_wait3A_161 = tpu.memref_slice %arg5[%dma_wait3A, %dma_wait3A_160] : memref<2x800xi32, #tpu.memory_space<vmem>> -> memref<1x800xi32, #tpu.memory_space<vmem>>
      %dma_wait3A_162 = tpu.memref_squeeze %dma_wait3A_161 : memref<1x800xi32, #tpu.memory_space<vmem>> -> memref<800xi32, #tpu.memory_space<vmem>>
      %dma_wait3A_163 = tpu.memref_slice %arg3[%add3A_49] : memref<1600000xi32, #tpu.memory_space<hbm>> -> memref<800xi32, #tpu.memory_space<hbm>>
      tpu.wait_dma2 semaphore(%dma_wait3A_159 : memref<!tpu.dma_semaphore, #tpu.memory_space<semaphore_mem>>) src(%dma_wait3A_163 : memref<800xi32, #tpu.memory_space<hbm>>) dst(%dma_wait3A_162 : memref<800xi32, #tpu.memory_space<vmem>>)
      %dma_wait3A_164 = arith.constant 0 : i32
      %dma_wait3A_165 = arith.constant 0 : i32
      %dma_wait3A_166 = arith.constant 1 : i32
      %dma_wait3A_167 = arith.constant 0 : i32
      %dma_wait3A_168 = arith.constant 0 : i32
      %dma_wait3A_169 = tpu.memref_slice %arg6[%dma_wait3A_164, %dma_wait3A_167, %dma_wait3A_168] : memref<2x800x16xf32, #tpu.memory_space<vmem>> -> memref<1x800x16xf32, #tpu.memory_space<vmem>>
      %dma_wait3A_170 = tpu.memref_squeeze %dma_wait3A_169 : memref<1x800x16xf32, #tpu.memory_space<vmem>> -> memref<800x16xf32, #tpu.memory_space<vmem>>
      %dma_wait3A_171 = tpu.memref_slice %arg2[%mul3A_115, %mul3A_117] : memref<200000x128xf32, #tpu.memory_space<hbm>> -> memref<800x16xf32, #tpu.memory_space<hbm>>
      %dma_wait3A_172 = tpu.memref_slice %arg9[%dma_wait3A_165, %dma_wait3A_166] : memref<2x3x!tpu.dma_semaphore, #tpu.memory_space<semaphore_mem>> -> memref<1x1x!tpu.dma_semaphore, #tpu.memory_space<semaphore_mem>>
      %dma_wait3A_173 = tpu.memref_squeeze %dma_wait3A_172 : memref<1x1x!tpu.dma_semaphore, #tpu.memory_space<semaphore_mem>> -> memref<!tpu.dma_semaphore, #tpu.memory_space<semaphore_mem>>
      %dma_wait3A_174 = arith.constant 0 : i32
      %dma_wait3A_175 = arith.constant 0 : i32
      %dma_wait3A_176 = tpu.memref_slice %arg6[%dma_wait3A_164, %dma_wait3A_174, %dma_wait3A_175] : memref<2x800x16xf32, #tpu.memory_space<vmem>> -> memref<1x800x16xf32, #tpu.memory_space<vmem>>
      %dma_wait3A_177 = tpu.memref_squeeze %dma_wait3A_176 : memref<1x800x16xf32, #tpu.memory_space<vmem>> -> memref<800x16xf32, #tpu.memory_space<vmem>>
      %dma_wait3A_178 = tpu.memref_slice %arg2[%mul3A_115, %mul3A_117] : memref<200000x128xf32, #tpu.memory_space<hbm>> -> memref<800x16xf32, #tpu.memory_space<hbm>>
      tpu.wait_dma2 semaphore(%dma_wait3A_173 : memref<!tpu.dma_semaphore, #tpu.memory_space<semaphore_mem>>) src(%dma_wait3A_178 : memref<800x16xf32, #tpu.memory_space<hbm>>) dst(%dma_wait3A_177 : memref<800x16xf32, #tpu.memory_space<vmem>>)
      %dma_start3A_179 = arith.constant 0 : i32
      %dma_start3A_180 = arith.constant 0 : i32
      %dma_start3A_181 = arith.constant 0 : i32
      %dma_start3A_182 = arith.constant 2 : i32
      %dma_start3A_183 = arith.constant 0 : i32
      %dma_start3A_184 = arith.constant 0 : i32
      %dma_start3A_185 = tpu.memref_slice %arg6[%dma_start3A_179, %dma_start3A_183, %dma_start3A_184] : memref<2x800x16xf32, #tpu.memory_space<vmem>> -> memref<1x800x16xf32, #tpu.memory_space<vmem>>
      %dma_start3A_186 = tpu.memref_squeeze %dma_start3A_185 : memref<1x800x16xf32, #tpu.memory_space<vmem>> -> memref<800x16xf32, #tpu.memory_space<vmem>>
      %dma_start3A_187 = arith.constant 0 : i32
      %dma_start3A_188 = tpu.memref_slice %arg5[%dma_start3A_180, %dma_start3A_187] : memref<2x800xi32, #tpu.memory_space<vmem>> -> memref<1x800xi32, #tpu.memory_space<vmem>>
      %dma_start3A_189 = tpu.memref_squeeze %dma_start3A_188 : memref<1x800xi32, #tpu.memory_space<vmem>> -> memref<800xi32, #tpu.memory_space<vmem>>
      %dma_start3A_190 = arith.constant 0 : i32
      %dma_start3A_191 = arith.constant 0 : i32
      %dma_start3A_192 = tpu.memref_slice %arg8[%dma_start3A_190, %dma_start3A_191] : memref<50000x16xf32, #tpu.memory_space<vmem_shared>> -> memref<50000x16xf32, #tpu.memory_space<vmem_shared>>
      %dma_start3A_193 = tpu.memref_slice %arg9[%dma_start3A_181, %dma_start3A_182] : memref<2x3x!tpu.dma_semaphore, #tpu.memory_space<semaphore_mem>> -> memref<1x1x!tpu.dma_semaphore, #tpu.memory_space<semaphore_mem>>
      %dma_start3A_194 = tpu.memref_squeeze %dma_start3A_193 : memref<1x1x!tpu.dma_semaphore, #tpu.memory_space<semaphore_mem>> -> memref<!tpu.dma_semaphore, #tpu.memory_space<semaphore_mem>>
      tpu.enqueue_indirect_dma source(%dma_start3A_186 : memref<800x16xf32, #tpu.memory_space<vmem>>) target(%dma_start3A_192 : memref<50000x16xf32, #tpu.memory_space<vmem_shared>>) offsets(%dma_start3A_189 : memref<800xi32, #tpu.memory_space<vmem>>) semaphore(%dma_start3A_194 : memref<!tpu.dma_semaphore, #tpu.memory_space<semaphore_mem>>) {add = true}
      %dma_wait3A_195 = arith.constant 1 : i32
      %dma_wait3A_196 = arith.constant 1 : i32
      %dma_wait3A_197 = arith.constant 0 : i32
      %dma_wait3A_198 = arith.constant 0 : i32
      %dma_wait3A_199 = tpu.memref_slice %arg5[%dma_wait3A_195, %dma_wait3A_198] : memref<2x800xi32, #tpu.memory_space<vmem>> -> memref<1x800xi32, #tpu.memory_space<vmem>>
      %dma_wait3A_200 = tpu.memref_squeeze %dma_wait3A_199 : memref<1x800xi32, #tpu.memory_space<vmem>> -> memref<800xi32, #tpu.memory_space<vmem>>
      %dma_wait3A_201 = tpu.memref_slice %arg3[%add3A_88] : memref<1600000xi32, #tpu.memory_space<hbm>> -> memref<800xi32, #tpu.memory_space<hbm>>
      %dma_wait3A_202 = tpu.memref_slice %arg9[%dma_wait3A_196, %dma_wait3A_197] : memref<2x3x!tpu.dma_semaphore, #tpu.memory_space<semaphore_mem>> -> memref<1x1x!tpu.dma_semaphore, #tpu.memory_space<semaphore_mem>>
      %dma_wait3A_203 = tpu.memref_squeeze %dma_wait3A_202 : memref<1x1x!tpu.dma_semaphore, #tpu.memory_space<semaphore_mem>> -> memref<!tpu.dma_semaphore, #tpu.memory_space<semaphore_mem>>
      %dma_wait3A_204 = arith.constant 0 : i32
      %dma_wait3A_205 = tpu.memref_slice %arg5[%dma_wait3A_195, %dma_wait3A_204] : memref<2x800xi32, #tpu.memory_space<vmem>> -> memref<1x800xi32, #tpu.memory_space<vmem>>
      %dma_wait3A_206 = tpu.memref_squeeze %dma_wait3A_205 : memref<1x800xi32, #tpu.memory_space<vmem>> -> memref<800xi32, #tpu.memory_space<vmem>>
      %dma_wait3A_207 = tpu.memref_slice %arg3[%add3A_88] : memref<1600000xi32, #tpu.memory_space<hbm>> -> memref<800xi32, #tpu.memory_space<hbm>>
      tpu.wait_dma2 semaphore(%dma_wait3A_203 : memref<!tpu.dma_semaphore, #tpu.memory_space<semaphore_mem>>) src(%dma_wait3A_207 : memref<800xi32, #tpu.memory_space<hbm>>) dst(%dma_wait3A_206 : memref<800xi32, #tpu.memory_space<vmem>>)
      %dma_wait3A_208 = arith.constant 1 : i32
      %dma_wait3A_209 = arith.constant 1 : i32
      %dma_wait3A_210 = arith.constant 1 : i32
      %dma_wait3A_211 = arith.constant 0 : i32
      %dma_wait3A_212 = arith.constant 0 : i32
      %dma_wait3A_213 = tpu.memref_slice %arg6[%dma_wait3A_208, %dma_wait3A_211, %dma_wait3A_212] : memref<2x800x16xf32, #tpu.memory_space<vmem>> -> memref<1x800x16xf32, #tpu.memory_space<vmem>>
      %dma_wait3A_214 = tpu.memref_squeeze %dma_wait3A_213 : memref<1x800x16xf32, #tpu.memory_space<vmem>> -> memref<800x16xf32, #tpu.memory_space<vmem>>
      %dma_wait3A_215 = tpu.memref_slice %arg2[%mul3A_134, %mul3A_136] : memref<200000x128xf32, #tpu.memory_space<hbm>> -> memref<800x16xf32, #tpu.memory_space<hbm>>
      %dma_wait3A_216 = tpu.memref_slice %arg9[%dma_wait3A_209, %dma_wait3A_210] : memref<2x3x!tpu.dma_semaphore, #tpu.memory_space<semaphore_mem>> -> memref<1x1x!tpu.dma_semaphore, #tpu.memory_space<semaphore_mem>>
      %dma_wait3A_217 = tpu.memref_squeeze %dma_wait3A_216 : memref<1x1x!tpu.dma_semaphore, #tpu.memory_space<semaphore_mem>> -> memref<!tpu.dma_semaphore, #tpu.memory_space<semaphore_mem>>
      %dma_wait3A_218 = arith.constant 0 : i32
      %dma_wait3A_219 = arith.constant 0 : i32
      %dma_wait3A_220 = tpu.memref_slice %arg6[%dma_wait3A_208, %dma_wait3A_218, %dma_wait3A_219] : memref<2x800x16xf32, #tpu.memory_space<vmem>> -> memref<1x800x16xf32, #tpu.memory_space<vmem>>
      %dma_wait3A_221 = tpu.memref_squeeze %dma_wait3A_220 : memref<1x800x16xf32, #tpu.memory_space<vmem>> -> memref<800x16xf32, #tpu.memory_space<vmem>>
      %dma_wait3A_222 = tpu.memref_slice %arg2[%mul3A_134, %mul3A_136] : memref<200000x128xf32, #tpu.memory_space<hbm>> -> memref<800x16xf32, #tpu.memory_space<hbm>>
      tpu.wait_dma2 semaphore(%dma_wait3A_217 : memref<!tpu.dma_semaphore, #tpu.memory_space<semaphore_mem>>) src(%dma_wait3A_222 : memref<800x16xf32, #tpu.memory_space<hbm>>) dst(%dma_wait3A_221 : memref<800x16xf32, #tpu.memory_space<vmem>>)
      %dma_start3A_223 = arith.constant 1 : i32
      %dma_start3A_224 = arith.constant 1 : i32
      %dma_start3A_225 = arith.constant 1 : i32
      %dma_start3A_226 = arith.constant 2 : i32
      %dma_start3A_227 = arith.constant 0 : i32
      %dma_start3A_228 = arith.constant 0 : i32
      %dma_start3A_229 = tpu.memref_slice %arg6[%dma_start3A_223, %dma_start3A_227, %dma_start3A_228] : memref<2x800x16xf32, #tpu.memory_space<vmem>> -> memref<1x800x16xf32, #tpu.memory_space<vmem>>
      %dma_start3A_230 = tpu.memref_squeeze %dma_start3A_229 : memref<1x800x16xf32, #tpu.memory_space<vmem>> -> memref<800x16xf32, #tpu.memory_space<vmem>>
      %dma_start3A_231 = arith.constant 0 : i32
      %dma_start3A_232 = tpu.memref_slice %arg5[%dma_start3A_224, %dma_start3A_231] : memref<2x800xi32, #tpu.memory_space<vmem>> -> memref<1x800xi32, #tpu.memory_space<vmem>>
      %dma_start3A_233 = tpu.memref_squeeze %dma_start3A_232 : memref<1x800xi32, #tpu.memory_space<vmem>> -> memref<800xi32, #tpu.memory_space<vmem>>
      %dma_start3A_234 = arith.constant 0 : i32
      %dma_start3A_235 = arith.constant 0 : i32
      %dma_start3A_236 = tpu.memref_slice %arg8[%dma_start3A_234, %dma_start3A_235] : memref<50000x16xf32, #tpu.memory_space<vmem_shared>> -> memref<50000x16xf32, #tpu.memory_space<vmem_shared>>
      %dma_start3A_237 = tpu.memref_slice %arg9[%dma_start3A_225, %dma_start3A_226] : memref<2x3x!tpu.dma_semaphore, #tpu.memory_space<semaphore_mem>> -> memref<1x1x!tpu.dma_semaphore, #tpu.memory_space<semaphore_mem>>
      %dma_start3A_238 = tpu.memref_squeeze %dma_start3A_237 : memref<1x1x!tpu.dma_semaphore, #tpu.memory_space<semaphore_mem>> -> memref<!tpu.dma_semaphore, #tpu.memory_space<semaphore_mem>>
      tpu.enqueue_indirect_dma source(%dma_start3A_230 : memref<800x16xf32, #tpu.memory_space<vmem>>) target(%dma_start3A_236 : memref<50000x16xf32, #tpu.memory_space<vmem_shared>>) offsets(%dma_start3A_233 : memref<800xi32, #tpu.memory_space<vmem>>) semaphore(%dma_start3A_238 : memref<!tpu.dma_semaphore, #tpu.memory_space<semaphore_mem>>) {add = true}
      %dma_wait3A_239 = arith.constant 0 : i32
      %dma_wait3A_240 = arith.constant 0 : i32
      %dma_wait3A_241 = arith.constant 0 : i32
      %dma_wait3A_242 = arith.constant 2 : i32
      %dma_wait3A_243 = arith.constant 0 : i32
      %dma_wait3A_244 = arith.constant 0 : i32
      %dma_wait3A_245 = tpu.memref_slice %arg6[%dma_wait3A_239, %dma_wait3A_243, %dma_wait3A_244] : memref<2x800x16xf32, #tpu.memory_space<vmem>> -> memref<1x800x16xf32, #tpu.memory_space<vmem>>
      %dma_wait3A_246 = tpu.memref_squeeze %dma_wait3A_245 : memref<1x800x16xf32, #tpu.memory_space<vmem>> -> memref<800x16xf32, #tpu.memory_space<vmem>>
      %dma_wait3A_247 = arith.constant 0 : i32
      %dma_wait3A_248 = tpu.memref_slice %arg5[%dma_wait3A_240, %dma_wait3A_247] : memref<2x800xi32, #tpu.memory_space<vmem>> -> memref<1x800xi32, #tpu.memory_space<vmem>>
      %dma_wait3A_249 = tpu.memref_squeeze %dma_wait3A_248 : memref<1x800xi32, #tpu.memory_space<vmem>> -> memref<800xi32, #tpu.memory_space<vmem>>
      %dma_wait3A_250 = arith.constant 0 : i32
      %dma_wait3A_251 = arith.constant 0 : i32
      %dma_wait3A_252 = tpu.memref_slice %arg8[%dma_wait3A_250, %dma_wait3A_251] : memref<50000x16xf32, #tpu.memory_space<vmem_shared>> -> memref<50000x16xf32, #tpu.memory_space<vmem_shared>>
      %dma_wait3A_253 = tpu.memref_slice %arg9[%dma_wait3A_241, %dma_wait3A_242] : memref<2x3x!tpu.dma_semaphore, #tpu.memory_space<semaphore_mem>> -> memref<1x1x!tpu.dma_semaphore, #tpu.memory_space<semaphore_mem>>
      %dma_wait3A_254 = tpu.memref_squeeze %dma_wait3A_253 : memref<1x1x!tpu.dma_semaphore, #tpu.memory_space<semaphore_mem>> -> memref<!tpu.dma_semaphore, #tpu.memory_space<semaphore_mem>>
      tpu.wait_indirect_dma semaphore(%dma_wait3A_254 : memref<!tpu.dma_semaphore, #tpu.memory_space<semaphore_mem>>) src(%dma_wait3A_246 : memref<800x16xf32, #tpu.memory_space<vmem>>) dst(%dma_wait3A_252 : memref<50000x16xf32, #tpu.memory_space<vmem_shared>>)
      %dma_wait3A_255 = arith.constant 1 : i32
      %dma_wait3A_256 = arith.constant 1 : i32
      %dma_wait3A_257 = arith.constant 1 : i32
      %dma_wait3A_258 = arith.constant 2 : i32
      %dma_wait3A_259 = arith.constant 0 : i32
      %dma_wait3A_260 = arith.constant 0 : i32
      %dma_wait3A_261 = tpu.memref_slice %arg6[%dma_wait3A_255, %dma_wait3A_259, %dma_wait3A_260] : memref<2x800x16xf32, #tpu.memory_space<vmem>> -> memref<1x800x16xf32, #tpu.memory_space<vmem>>
      %dma_wait3A_262 = tpu.memref_squeeze %dma_wait3A_261 : memref<1x800x16xf32, #tpu.memory_space<vmem>> -> memref<800x16xf32, #tpu.memory_space<vmem>>
      %dma_wait3A_263 = arith.constant 0 : i32
      %dma_wait3A_264 = tpu.memref_slice %arg5[%dma_wait3A_256, %dma_wait3A_263] : memref<2x800xi32, #tpu.memory_space<vmem>> -> memref<1x800xi32, #tpu.memory_space<vmem>>
      %dma_wait3A_265 = tpu.memref_squeeze %dma_wait3A_264 : memref<1x800xi32, #tpu.memory_space<vmem>> -> memref<800xi32, #tpu.memory_space<vmem>>
      %dma_wait3A_266 = arith.constant 0 : i32
      %dma_wait3A_267 = arith.constant 0 : i32
      %dma_wait3A_268 = tpu.memref_slice %arg8[%dma_wait3A_266, %dma_wait3A_267] : memref<50000x16xf32, #tpu.memory_space<vmem_shared>> -> memref<50000x16xf32, #tpu.memory_space<vmem_shared>>
      %dma_wait3A_269 = tpu.memref_slice %arg9[%dma_wait3A_257, %dma_wait3A_258] : memref<2x3x!tpu.dma_semaphore, #tpu.memory_space<semaphore_mem>> -> memref<1x1x!tpu.dma_semaphore, #tpu.memory_space<semaphore_mem>>
      %dma_wait3A_270 = tpu.memref_squeeze %dma_wait3A_269 : memref<1x1x!tpu.dma_semaphore, #tpu.memory_space<semaphore_mem>> -> memref<!tpu.dma_semaphore, #tpu.memory_space<semaphore_mem>>
      tpu.wait_indirect_dma semaphore(%dma_wait3A_270 : memref<!tpu.dma_semaphore, #tpu.memory_space<semaphore_mem>>) src(%dma_wait3A_262 : memref<800x16xf32, #tpu.memory_space<vmem>>) dst(%dma_wait3A_268 : memref<50000x16xf32, #tpu.memory_space<vmem_shared>>)
    }
    %scan3A_16 = arith.constant 31 : i32
    %lt3A = arith.constant 16 : i32
    %lt3A_17 = arith.cmpi slt, %add3A, %lt3A : i32
    %convert_element_type3A = arith.extui %lt3A_17 : i1 to i32
    %cond3A = arith.constant 0 : i32
    %cond3A_18 = arith.cmpi ne, %convert_element_type3A, %cond3A : i32
    scf.if %cond3A_18 {
      %add3A_20 = arith.constant 1984 : i32
      %add3A_21 = arith.addi %add3A, %add3A_20 : i32
      %jit3A = arith.constant 8 : i32
      %div3A = arith.divsi %add3A_21, %jit3A : i32
      %sign3A = arith.constant 0 : i32
      %sign3A_22 = arith.cmpi sgt, %add3A_21, %sign3A : i32
      %sign3A_23 = arith.extui %sign3A_22 : i1 to i32
      %sign3A_24 = arith.constant 0 : i32
      %sign3A_25 = arith.cmpi slt, %add3A_21, %sign3A_24 : i32
      %sign3A_26 = arith.extui %sign3A_25 : i1 to i32
      %sign3A_27 = arith.subi %sign3A_23, %sign3A_26 : i32
      %sign3A_28 = arith.constant 0 : i32
      %sign3A_29 = arith.cmpi sgt, %jit3A, %sign3A_28 : i32
      %sign3A_30 = arith.extui %sign3A_29 : i1 to i32
      %sign3A_31 = arith.constant 0 : i32
      %sign3A_32 = arith.cmpi slt, %jit3A, %sign3A_31 : i32
      %sign3A_33 = arith.extui %sign3A_32 : i1 to i32
      %sign3A_34 = arith.subi %sign3A_30, %sign3A_33 : i32
      %ne3A = arith.cmpi ne, %sign3A_27, %sign3A_34 : i32
      %rem3A = arith.remsi %add3A_21, %jit3A : i32
      %ne3A_35 = arith.constant 0 : i32
      %ne3A_36 = arith.cmpi ne, %rem3A, %ne3A_35 : i32
      %and3A = arith.andi %ne3A, %ne3A_36 : i1
      %sub3A = arith.constant 1 : i32
      %sub3A_37 = arith.subi %div3A, %sub3A : i32
      %select_n3A = arith.select %and3A, %sub3A_37, %div3A : i32
      %mul3A_38 = arith.constant 8 : i32
      %mul3A_39 = arith.muli %mul3A_38, %select_n3A : i32
      %sub3A_40 = arith.subi %add3A_21, %mul3A_39 : i32
      %mul3A_41 = arith.constant 6400 : i32
      %mul3A_42 = arith.muli %select_n3A, %mul3A_41 : i32
      %mul3A_43 = arith.constant 800 : i32
      %mul3A_44 = arith.muli %sub3A_40, %mul3A_43 : i32
      %add3A_45 = arith.addi %mul3A_42, %mul3A_44 : i32
      %run_scoped3A = arith.constant 0 : i32
      "tpu.region"() ({
        %run_scoped3A_53 = tpu.sem_alloc : memref<!tpu.dma_semaphore, #tpu.memory_space<semaphore_mem>>
        %dma_start3A = arith.constant 0 : i32
        %dma_start3A_54 = tpu.memref_slice %arg5[%run_scoped3A, %dma_start3A] : memref<2x800xi32, #tpu.memory_space<vmem>> -> memref<1x800xi32, #tpu.memory_space<vmem>>
        %dma_start3A_55 = tpu.memref_squeeze %dma_start3A_54 : memref<1x800xi32, #tpu.memory_space<vmem>> -> memref<800xi32, #tpu.memory_space<vmem>>
        %dma_start3A_56 = tpu.memref_slice %arg3[%add3A_45] : memref<1600000xi32, #tpu.memory_space<hbm>> -> memref<800xi32, #tpu.memory_space<hbm>>
        %dma_start3A_57 = arith.constant 0 : i32
        %dma_start3A_58 = tpu.memref_slice %arg5[%run_scoped3A, %dma_start3A_57] : memref<2x800xi32, #tpu.memory_space<vmem>> -> memref<1x800xi32, #tpu.memory_space<vmem>>
        %dma_start3A_59 = tpu.memref_squeeze %dma_start3A_58 : memref<1x800xi32, #tpu.memory_space<vmem>> -> memref<800xi32, #tpu.memory_space<vmem>>
        %dma_start3A_60 = tpu.memref_slice %arg3[%add3A_45] : memref<1600000xi32, #tpu.memory_space<hbm>> -> memref<800xi32, #tpu.memory_space<hbm>>
        tpu.enqueue_dma source(%dma_start3A_60 : memref<800xi32, #tpu.memory_space<hbm>>) target(%dma_start3A_59 : memref<800xi32, #tpu.memory_space<vmem>>) target_semaphore(%run_scoped3A_53 : memref<!tpu.dma_semaphore, #tpu.memory_space<semaphore_mem>>)
        %dma_wait3A = arith.constant 0 : i32
        %dma_wait3A_61 = tpu.memref_slice %arg5[%run_scoped3A, %dma_wait3A] : memref<2x800xi32, #tpu.memory_space<vmem>> -> memref<1x800xi32, #tpu.memory_space<vmem>>
        %dma_wait3A_62 = tpu.memref_squeeze %dma_wait3A_61 : memref<1x800xi32, #tpu.memory_space<vmem>> -> memref<800xi32, #tpu.memory_space<vmem>>
        %dma_wait3A_63 = tpu.memref_slice %arg3[%add3A_45] : memref<1600000xi32, #tpu.memory_space<hbm>> -> memref<800xi32, #tpu.memory_space<hbm>>
        %dma_wait3A_64 = arith.constant 0 : i32
        %dma_wait3A_65 = tpu.memref_slice %arg5[%run_scoped3A, %dma_wait3A_64] : memref<2x800xi32, #tpu.memory_space<vmem>> -> memref<1x800xi32, #tpu.memory_space<vmem>>
        %dma_wait3A_66 = tpu.memref_squeeze %dma_wait3A_65 : memref<1x800xi32, #tpu.memory_space<vmem>> -> memref<800xi32, #tpu.memory_space<vmem>>
        %dma_wait3A_67 = tpu.memref_slice %arg3[%add3A_45] : memref<1600000xi32, #tpu.memory_space<hbm>> -> memref<800xi32, #tpu.memory_space<hbm>>
        tpu.wait_dma2 semaphore(%run_scoped3A_53 : memref<!tpu.dma_semaphore, #tpu.memory_space<semaphore_mem>>) src(%dma_wait3A_67 : memref<800xi32, #tpu.memory_space<hbm>>) dst(%dma_wait3A_66 : memref<800xi32, #tpu.memory_space<vmem>>)
        tpu.yield
      }) : () -> ()
      %mul3A_46 = arith.constant 800 : i32
      %mul3A_47 = arith.muli %select_n3A, %mul3A_46 : i32
      %mul3A_48 = arith.constant 16 : i32
      %mul3A_49 = arith.muli %sub3A_40, %mul3A_48 : i32
      %run_scoped3A_50 = arith.constant 0 : i32
      "tpu.region"() ({
        %run_scoped3A_53 = tpu.sem_alloc : memref<!tpu.dma_semaphore, #tpu.memory_space<semaphore_mem>>
        %dma_start3A = arith.constant 0 : i32
        %dma_start3A_54 = arith.constant 0 : i32
        %dma_start3A_55 = tpu.memref_slice %arg6[%run_scoped3A_50, %dma_start3A, %dma_start3A_54] : memref<2x800x16xf32, #tpu.memory_space<vmem>> -> memref<1x800x16xf32, #tpu.memory_space<vmem>>
        %dma_start3A_56 = tpu.memref_squeeze %dma_start3A_55 : memref<1x800x16xf32, #tpu.memory_space<vmem>> -> memref<800x16xf32, #tpu.memory_space<vmem>>
        %dma_start3A_57 = tpu.memref_slice %arg2[%mul3A_47, %mul3A_49] : memref<200000x128xf32, #tpu.memory_space<hbm>> -> memref<800x16xf32, #tpu.memory_space<hbm>>
        %dma_start3A_58 = arith.constant 0 : i32
        %dma_start3A_59 = arith.constant 0 : i32
        %dma_start3A_60 = tpu.memref_slice %arg6[%run_scoped3A_50, %dma_start3A_58, %dma_start3A_59] : memref<2x800x16xf32, #tpu.memory_space<vmem>> -> memref<1x800x16xf32, #tpu.memory_space<vmem>>
        %dma_start3A_61 = tpu.memref_squeeze %dma_start3A_60 : memref<1x800x16xf32, #tpu.memory_space<vmem>> -> memref<800x16xf32, #tpu.memory_space<vmem>>
        %dma_start3A_62 = tpu.memref_slice %arg2[%mul3A_47, %mul3A_49] : memref<200000x128xf32, #tpu.memory_space<hbm>> -> memref<800x16xf32, #tpu.memory_space<hbm>>
        tpu.enqueue_dma source(%dma_start3A_62 : memref<800x16xf32, #tpu.memory_space<hbm>>) target(%dma_start3A_61 : memref<800x16xf32, #tpu.memory_space<vmem>>) target_semaphore(%run_scoped3A_53 : memref<!tpu.dma_semaphore, #tpu.memory_space<semaphore_mem>>)
        %dma_wait3A = arith.constant 0 : i32
        %dma_wait3A_63 = arith.constant 0 : i32
        %dma_wait3A_64 = tpu.memref_slice %arg6[%run_scoped3A_50, %dma_wait3A, %dma_wait3A_63] : memref<2x800x16xf32, #tpu.memory_space<vmem>> -> memref<1x800x16xf32, #tpu.memory_space<vmem>>
        %dma_wait3A_65 = tpu.memref_squeeze %dma_wait3A_64 : memref<1x800x16xf32, #tpu.memory_space<vmem>> -> memref<800x16xf32, #tpu.memory_space<vmem>>
        %dma_wait3A_66 = tpu.memref_slice %arg2[%mul3A_47, %mul3A_49] : memref<200000x128xf32, #tpu.memory_space<hbm>> -> memref<800x16xf32, #tpu.memory_space<hbm>>
        %dma_wait3A_67 = arith.constant 0 : i32
        %dma_wait3A_68 = arith.constant 0 : i32
        %dma_wait3A_69 = tpu.memref_slice %arg6[%run_scoped3A_50, %dma_wait3A_67, %dma_wait3A_68] : memref<2x800x16xf32, #tpu.memory_space<vmem>> -> memref<1x800x16xf32, #tpu.memory_space<vmem>>
        %dma_wait3A_70 = tpu.memref_squeeze %dma_wait3A_69 : memref<1x800x16xf32, #tpu.memory_space<vmem>> -> memref<800x16xf32, #tpu.memory_space<vmem>>
        %dma_wait3A_71 = tpu.memref_slice %arg2[%mul3A_47, %mul3A_49] : memref<200000x128xf32, #tpu.memory_space<hbm>> -> memref<800x16xf32, #tpu.memory_space<hbm>>
        tpu.wait_dma2 semaphore(%run_scoped3A_53 : memref<!tpu.dma_semaphore, #tpu.memory_space<semaphore_mem>>) src(%dma_wait3A_71 : memref<800x16xf32, #tpu.memory_space<hbm>>) dst(%dma_wait3A_70 : memref<800x16xf32, #tpu.memory_space<vmem>>)
        tpu.yield
      }) : () -> ()
      %run_scoped3A_51 = arith.constant 0 : i32
      %run_scoped3A_52 = arith.constant 0 : i32
      "tpu.region"() ({
        %run_scoped3A_53 = tpu.sem_alloc : memref<!tpu.dma_semaphore, #tpu.memory_space<semaphore_mem>>
        %dma_start3A = arith.constant 0 : i32
        %dma_start3A_54 = arith.constant 0 : i32
        %dma_start3A_55 = tpu.memref_slice %arg6[%run_scoped3A_51, %dma_start3A, %dma_start3A_54] : memref<2x800x16xf32, #tpu.memory_space<vmem>> -> memref<1x800x16xf32, #tpu.memory_space<vmem>>
        %dma_start3A_56 = tpu.memref_squeeze %dma_start3A_55 : memref<1x800x16xf32, #tpu.memory_space<vmem>> -> memref<800x16xf32, #tpu.memory_space<vmem>>
        %dma_start3A_57 = arith.constant 0 : i32
        %dma_start3A_58 = tpu.memref_slice %arg5[%run_scoped3A_52, %dma_start3A_57] : memref<2x800xi32, #tpu.memory_space<vmem>> -> memref<1x800xi32, #tpu.memory_space<vmem>>
        %dma_start3A_59 = tpu.memref_squeeze %dma_start3A_58 : memref<1x800xi32, #tpu.memory_space<vmem>> -> memref<800xi32, #tpu.memory_space<vmem>>
        %dma_start3A_60 = arith.constant 0 : i32
        %dma_start3A_61 = arith.constant 0 : i32
        %dma_start3A_62 = tpu.memref_slice %arg8[%dma_start3A_60, %dma_start3A_61] : memref<50000x16xf32, #tpu.memory_space<vmem_shared>> -> memref<50000x16xf32, #tpu.memory_space<vmem_shared>>
        tpu.enqueue_indirect_dma source(%dma_start3A_56 : memref<800x16xf32, #tpu.memory_space<vmem>>) target(%dma_start3A_62 : memref<50000x16xf32, #tpu.memory_space<vmem_shared>>) offsets(%dma_start3A_59 : memref<800xi32, #tpu.memory_space<vmem>>) semaphore(%run_scoped3A_53 : memref<!tpu.dma_semaphore, #tpu.memory_space<semaphore_mem>>) {add = true}
        %dma_wait3A = arith.constant 0 : i32
        %dma_wait3A_63 = arith.constant 0 : i32
        %dma_wait3A_64 = tpu.memref_slice %arg6[%run_scoped3A_51, %dma_wait3A, %dma_wait3A_63] : memref<2x800x16xf32, #tpu.memory_space<vmem>> -> memref<1x800x16xf32, #tpu.memory_space<vmem>>
        %dma_wait3A_65 = tpu.memref_squeeze %dma_wait3A_64 : memref<1x800x16xf32, #tpu.memory_space<vmem>> -> memref<800x16xf32, #tpu.memory_space<vmem>>
        %dma_wait3A_66 = arith.constant 0 : i32
        %dma_wait3A_67 = tpu.memref_slice %arg5[%run_scoped3A_52, %dma_wait3A_66] : memref<2x800xi32, #tpu.memory_space<vmem>> -> memref<1x800xi32, #tpu.memory_space<vmem>>
        %dma_wait3A_68 = tpu.memref_squeeze %dma_wait3A_67 : memref<1x800xi32, #tpu.memory_space<vmem>> -> memref<800xi32, #tpu.memory_space<vmem>>
        %dma_wait3A_69 = arith.constant 0 : i32
        %dma_wait3A_70 = arith.constant 0 : i32
        %dma_wait3A_71 = tpu.memref_slice %arg8[%dma_wait3A_69, %dma_wait3A_70] : memref<50000x16xf32, #tpu.memory_space<vmem_shared>> -> memref<50000x16xf32, #tpu.memory_space<vmem_shared>>
        tpu.wait_indirect_dma semaphore(%run_scoped3A_53 : memref<!tpu.dma_semaphore, #tpu.memory_space<semaphore_mem>>) src(%dma_wait3A_65 : memref<800x16xf32, #tpu.memory_space<vmem>>) dst(%dma_wait3A_71 : memref<50000x16xf32, #tpu.memory_space<vmem_shared>>)
        tpu.yield
      }) : () -> ()
    } else {
    }
    %barrier3A_19 = arith.constant 0 : index
    tpu.barrier barrier_id(%barrier3A_19)
    "tpu.region"() ({
      %run_scoped3A = tpu.sem_alloc : memref<!tpu.dma_semaphore, #tpu.memory_space<semaphore_mem>>
      %dma_start3A = arith.constant 0 : i32
      %dma_start3A_20 = tpu.memref_slice %arg4[%arg0, %mul3A_8, %dma_start3A] : memref<2x50000x16xf32, #tpu.memory_space<hbm>> -> memref<1x3125x16xf32, #tpu.memory_space<hbm>>
      %dma_start3A_21 = tpu.memref_squeeze %dma_start3A_20 : memref<1x3125x16xf32, #tpu.memory_space<hbm>> -> memref<3125x16xf32, #tpu.memory_space<hbm>>
      %dma_start3A_22 = arith.constant 0 : i32
      %dma_start3A_23 = tpu.memref_slice %arg8[%mul3A_8, %dma_start3A_22] : memref<50000x16xf32, #tpu.memory_space<vmem_shared>> -> memref<3125x16xf32, #tpu.memory_space<vmem_shared>>
      tpu.enqueue_dma source(%dma_start3A_23 : memref<3125x16xf32, #tpu.memory_space<vmem_shared>>) target(%dma_start3A_21 : memref<3125x16xf32, #tpu.memory_space<hbm>>) target_semaphore(%run_scoped3A : memref<!tpu.dma_semaphore, #tpu.memory_space<semaphore_mem>>)
      %dma_wait3A = arith.constant 0 : i32
      %dma_wait3A_24 = tpu.memref_slice %arg4[%arg0, %mul3A_8, %dma_wait3A] : memref<2x50000x16xf32, #tpu.memory_space<hbm>> -> memref<1x3125x16xf32, #tpu.memory_space<hbm>>
      %dma_wait3A_25 = tpu.memref_squeeze %dma_wait3A_24 : memref<1x3125x16xf32, #tpu.memory_space<hbm>> -> memref<3125x16xf32, #tpu.memory_space<hbm>>
      %dma_wait3A_26 = arith.constant 0 : i32
      %dma_wait3A_27 = tpu.memref_slice %arg8[%mul3A_8, %dma_wait3A_26] : memref<50000x16xf32, #tpu.memory_space<vmem_shared>> -> memref<3125x16xf32, #tpu.memory_space<vmem_shared>>
      tpu.wait_dma2 semaphore(%run_scoped3A : memref<!tpu.dma_semaphore, #tpu.memory_space<semaphore_mem>>) src(%dma_wait3A_27 : memref<3125x16xf32, #tpu.memory_space<vmem_shared>>) dst(%dma_wait3A_25 : memref<3125x16xf32, #tpu.memory_space<hbm>>)
      tpu.yield
    }) : () -> ()
    return
  }
}

module attributes {stable_mosaic.version = 14 : i64} {
  func.func @_h0_body(%arg0: i32, %arg1: memref<5000x1xf32, #tpu.memory_space<vmem>>, %arg2: memref<1x16xf32, #tpu.memory_space<vmem>>, %arg3: memref<1x16xf32, #tpu.memory_space<vmem>>, %arg4: memref<5000x16xf32, #tpu.memory_space<vmem>>) attributes {dimension_semantics = [#tpu.dimension_semantics<arbitrary>], iteration_bounds = array<i64: 10>, scalar_prefetch = 0 : i64, scratch_operands = 0 : i64, tpu.core_type = #tpu.core_type<tc>, window_params = [{transform_indices = @transform_0, window_bounds = array<i64: 5000, 1>}, {pipeline_mode = #tpu.pipeline_mode<synchronous>, transform_indices = @transform_1, window_bounds = array<i64: 1, 16>}, {pipeline_mode = #tpu.pipeline_mode<synchronous>, transform_indices = @transform_2, window_bounds = array<i64: 1, 16>}, {transform_indices = @transform_3, window_bounds = array<i64: 5000, 16>}]} {
    %get3A = arith.constant 0 : index
    %get3A_0 = arith.constant 0 : index
    %get3A_1 = vector.load %arg1[%get3A, %get3A_0] : memref<5000x1xf32, #tpu.memory_space<vmem>>, vector<5000x1xf32>
    %get3A_2 = arith.constant 0 : index
    %get3A_3 = arith.constant 0 : index
    %get3A_4 = vector.load %arg2[%get3A_2, %get3A_3] : memref<1x16xf32, #tpu.memory_space<vmem>>, vector<1x16xf32>
    %mul3A = vector.broadcast %get3A_1 : vector<5000x1xf32> to vector<5000x16xf32>
    %mul3A_5 = vector.broadcast %get3A_4 : vector<1x16xf32> to vector<5000x16xf32>
    %mul3A_6 = arith.mulf %mul3A, %mul3A_5 : vector<5000x16xf32>
    %get3A_7 = arith.constant 0 : index
    %get3A_8 = arith.constant 0 : index
    %get3A_9 = vector.load %arg3[%get3A_7, %get3A_8] : memref<1x16xf32, #tpu.memory_space<vmem>>, vector<1x16xf32>
    %add3A = vector.broadcast %get3A_9 : vector<1x16xf32> to vector<5000x16xf32>
    %add3A_10 = arith.addf %mul3A_6, %add3A : vector<5000x16xf32>
    %swap3A = arith.constant 0 : index
    %swap3A_11 = arith.constant 0 : index
    %swap3A_12 = vector.load %arg4[%swap3A, %swap3A_11] : memref<5000x16xf32, #tpu.memory_space<vmem>>, vector<5000x16xf32>
    tpu.vector_store %arg4[%swap3A, %swap3A_11], %add3A_10 {strides = array<i32>} : memref<5000x16xf32, #tpu.memory_space<vmem>>, vector<5000x16xf32>,
    return
  }
  func.func @transform_0(%arg0: i32) -> (i32, i32) {
    %c0_i32 = arith.constant 0 : i32
    %c0_i32_0 = arith.constant 0 : i32
    return %arg0, %c0_i32 : i32, i32
  }
  func.func @transform_1(%arg0: i32) -> (i32, i32) {
    %c0_i32 = arith.constant 0 : i32
    %c0_i32_0 = arith.constant 0 : i32
    %c0_i32_1 = arith.constant 0 : i32
    return %c0_i32, %c0_i32_0 : i32, i32
  }
  func.func @transform_2(%arg0: i32) -> (i32, i32) {
    %c0_i32 = arith.constant 0 : i32
    %c0_i32_0 = arith.constant 0 : i32
    %c0_i32_1 = arith.constant 0 : i32
    return %c0_i32, %c0_i32_0 : i32, i32
  }
  func.func @transform_3(%arg0: i32) -> (i32, i32) {
    %c0_i32 = arith.constant 0 : i32
    %c0_i32_0 = arith.constant 0 : i32
    return %arg0, %c0_i32 : i32, i32
  }
}

module attributes {stable_mosaic.version = 14 : i64} {
  func.func @_msg_body(%arg0: i32, %arg1: memref<4x6400xf32, #tpu.memory_space<vmem>>, %arg2: memref<800x128xf32, #tpu.memory_space<vmem>>, %arg3: memref<8x128xbf16, #tpu.memory_space<vmem>>, %arg4: memref<1x128xf32, #tpu.memory_space<vmem>>, %arg5: memref<128x128xbf16, #tpu.memory_space<vmem>>, %arg6: memref<1x128xf32, #tpu.memory_space<vmem>>, %arg7: memref<128x512xbf16, #tpu.memory_space<vmem>>, %arg8: memref<1x512xf32, #tpu.memory_space<vmem>>, %arg9: memref<32x512xbf16, #tpu.memory_space<vmem>>, %arg10: memref<512x32xbf16, #tpu.memory_space<vmem>>, %arg11: memref<800x128xf32, #tpu.memory_space<vmem>>) attributes {dimension_semantics = [#tpu.dimension_semantics<arbitrary>], iteration_bounds = array<i64: 250>, scalar_prefetch = 0 : i64, scratch_operands = 0 : i64, tpu.core_type = #tpu.core_type<tc>, window_params = [{transform_indices = @transform_0, window_bounds = array<i64: 4, 6400>}, {transform_indices = @transform_1, window_bounds = array<i64: 800, 128>}, {pipeline_mode = #tpu.pipeline_mode<synchronous>, transform_indices = @transform_2, window_bounds = array<i64: 8, 128>}, {pipeline_mode = #tpu.pipeline_mode<synchronous>, transform_indices = @transform_3, window_bounds = array<i64: 1, 128>}, {pipeline_mode = #tpu.pipeline_mode<synchronous>, transform_indices = @transform_4, window_bounds = array<i64: 128, 128>}, {pipeline_mode = #tpu.pipeline_mode<synchronous>, transform_indices = @transform_5, window_bounds = array<i64: 1, 128>}, {pipeline_mode = #tpu.pipeline_mode<synchronous>, transform_indices = @transform_6, window_bounds = array<i64: 128, 512>}, {pipeline_mode = #tpu.pipeline_mode<synchronous>, transform_indices = @transform_7, window_bounds = array<i64: 1, 512>}, {pipeline_mode = #tpu.pipeline_mode<synchronous>, transform_indices = @transform_8, window_bounds = array<i64: 32, 512>}, {pipeline_mode = #tpu.pipeline_mode<synchronous>, transform_indices = @transform_9, window_bounds = array<i64: 512, 32>}, {transform_indices = @transform_10, window_bounds = array<i64: 800, 128>}]} {
    %get3A = arith.constant 0 : index
    %get3A_0 = arith.constant 0 : index
    %get3A_1 = vector.load %arg2[%get3A, %get3A_0] : memref<800x128xf32, #tpu.memory_space<vmem>>, vector<800x128xf32>
    %slice3A = vector.extract_strided_slice %get3A_1 {offsets = [0, 0], sizes = [800, 16], strides = [1, 1]} : vector<800x128xf32> to vector<800x16xf32>
    %slice3A_2 = vector.extract_strided_slice %get3A_1 {offsets = [0, 16], sizes = [800, 16], strides = [1, 1]} : vector<800x128xf32> to vector<800x16xf32>
    %slice3A_3 = vector.extract_strided_slice %get3A_1 {offsets = [0, 32], sizes = [800, 16], strides = [1, 1]} : vector<800x128xf32> to vector<800x16xf32>
    %slice3A_4 = vector.extract_strided_slice %get3A_1 {offsets = [0, 48], sizes = [800, 16], strides = [1, 1]} : vector<800x128xf32> to vector<800x16xf32>
    %concatenate3A = tpu.concatenate %slice3A, %slice3A_2, %slice3A_3, %slice3A_4 in 0 : vector<800x16xf32>, vector<800x16xf32>, vector<800x16xf32>, vector<800x16xf32> -> vector<3200x16xf32>
    %slice3A_5 = vector.extract_strided_slice %get3A_1 {offsets = [0, 64], sizes = [800, 16], strides = [1, 1]} : vector<800x128xf32> to vector<800x16xf32>
    %slice3A_6 = vector.extract_strided_slice %get3A_1 {offsets = [0, 80], sizes = [800, 16], strides = [1, 1]} : vector<800x128xf32> to vector<800x16xf32>
    %slice3A_7 = vector.extract_strided_slice %get3A_1 {offsets = [0, 96], sizes = [800, 16], strides = [1, 1]} : vector<800x128xf32> to vector<800x16xf32>
    %slice3A_8 = vector.extract_strided_slice %get3A_1 {offsets = [0, 112], sizes = [800, 16], strides = [1, 1]} : vector<800x128xf32> to vector<800x16xf32>
    %concatenate3A_9 = tpu.concatenate %slice3A_5, %slice3A_6, %slice3A_7, %slice3A_8 in 0 : vector<800x16xf32>, vector<800x16xf32>, vector<800x16xf32>, vector<800x16xf32> -> vector<3200x16xf32>
    %concatenate3A_10 = tpu.concatenate %concatenate3A, %concatenate3A_9 in 1 : vector<3200x16xf32>, vector<3200x16xf32> -> vector<3200x32xf32>
    %get3A_11 = arith.constant 0 : index
    %get3A_12 = arith.constant 0 : index
    %get3A_13 = vector.load %arg1[%get3A_11, %get3A_12] : memref<4x6400xf32, #tpu.memory_space<vmem>>, vector<4x6400xf32>
    %slice3A_14 = vector.extract_strided_slice %get3A_13 {offsets = [0, 0], sizes = [4, 3200], strides = [1, 1]} : vector<4x6400xf32> to vector<4x3200xf32>
    %slice3A_15 = vector.extract_strided_slice %get3A_13 {offsets = [0, 3200], sizes = [4, 3200], strides = [1, 1]} : vector<4x6400xf32> to vector<4x3200xf32>
    %concatenate3A_16 = tpu.concatenate %slice3A_14, %slice3A_15 in 0 : vector<4x3200xf32>, vector<4x3200xf32> -> vector<8x3200xf32>
    %convert_element_type3A = arith.truncf %concatenate3A_16 : vector<8x3200xf32> to vector<8x3200xbf16>
    %get3A_17 = arith.constant 0 : index
    %get3A_18 = arith.constant 0 : index
    %get3A_19 = vector.load %arg3[%get3A_17, %get3A_18] : memref<8x128xbf16, #tpu.memory_space<vmem>>, vector<8x128xbf16>
    %dot_general3A = arith.constant dense<0.000000e+00> : vector<3200x128xf32>
    %dot_general3A_20 = tpu.matmul %convert_element_type3A, %get3A_19, %dot_general3A {dimension_numbers = #tpu.dot_dimension_numbers<[0], [0], [1], [1], [0, 1, 1, 1], [], []>, transpose_lhs_hint = false} : vector<8x3200xbf16>, vector<8x128xbf16>, vector<3200x128xf32> -> vector<3200x128xf32>
    %get3A_21 = arith.constant 0 : index
    %get3A_22 = arith.constant 0 : index
    %get3A_23 = vector.load %arg4[%get3A_21, %get3A_22] : memref<1x128xf32, #tpu.memory_space<vmem>>, vector<1x128xf32>
    %add3A = vector.broadcast %get3A_23 : vector<1x128xf32> to vector<3200x128xf32>
    %add3A_24 = arith.addf %dot_general3A_20, %add3A : vector<3200x128xf32>
    %max3A = arith.constant 0.000000e+00 : f32
    %max3A_25 = vector.broadcast %max3A : f32 to vector<3200x128xf32>
    %max3A_26 = arith.maximumf %add3A_24, %max3A_25 : vector<3200x128xf32>
    %convert_element_type3A_27 = arith.truncf %max3A_26 : vector<3200x128xf32> to vector<3200x128xbf16>
    %get3A_28 = arith.constant 0 : index
    %get3A_29 = arith.constant 0 : index
    %get3A_30 = vector.load %arg5[%get3A_28, %get3A_29] : memref<128x128xbf16, #tpu.memory_space<vmem>>, vector<128x128xbf16>
    %dot_general3A_31 = arith.constant dense<0.000000e+00> : vector<3200x128xf32>
    %dot_general3A_32 = tpu.matmul %convert_element_type3A_27, %get3A_30, %dot_general3A_31 {dimension_numbers = #tpu.dot_dimension_numbers<[1], [0], [0], [1], [0, 0, 1, 1], [], []>, transpose_lhs_hint = false} : vector<3200x128xbf16>, vector<128x128xbf16>, vector<3200x128xf32> -> vector<3200x128xf32>
    %get3A_33 = arith.constant 0 : index
    %get3A_34 = arith.constant 0 : index
    %get3A_35 = vector.load %arg6[%get3A_33, %get3A_34] : memref<1x128xf32, #tpu.memory_space<vmem>>, vector<1x128xf32>
    %add3A_36 = vector.broadcast %get3A_35 : vector<1x128xf32> to vector<3200x128xf32>
    %add3A_37 = arith.addf %dot_general3A_32, %add3A_36 : vector<3200x128xf32>
    %max3A_38 = arith.constant 0.000000e+00 : f32
    %max3A_39 = vector.broadcast %max3A_38 : f32 to vector<3200x128xf32>
    %max3A_40 = arith.maximumf %add3A_37, %max3A_39 : vector<3200x128xf32>
    %convert_element_type3A_41 = arith.truncf %max3A_40 : vector<3200x128xf32> to vector<3200x128xbf16>
    %get3A_42 = arith.constant 0 : index
    %get3A_43 = arith.constant 0 : index
    %get3A_44 = vector.load %arg7[%get3A_42, %get3A_43] : memref<128x512xbf16, #tpu.memory_space<vmem>>, vector<128x512xbf16>
    %dot_general3A_45 = arith.constant dense<0.000000e+00> : vector<3200x512xf32>
    %dot_general3A_46 = tpu.matmul %convert_element_type3A_41, %get3A_44, %dot_general3A_45 {dimension_numbers = #tpu.dot_dimension_numbers<[1], [0], [0], [1], [0, 0, 1, 1], [], []>, transpose_lhs_hint = false} : vector<3200x128xbf16>, vector<128x512xbf16>, vector<3200x512xf32> -> vector<3200x512xf32>
    %get3A_47 = arith.constant 0 : index
    %get3A_48 = arith.constant 0 : index
    %get3A_49 = vector.load %arg8[%get3A_47, %get3A_48] : memref<1x512xf32, #tpu.memory_space<vmem>>, vector<1x512xf32>
    %add3A_50 = vector.broadcast %get3A_49 : vector<1x512xf32> to vector<3200x512xf32>
    %add3A_51 = arith.addf %dot_general3A_46, %add3A_50 : vector<3200x512xf32>
    %convert_element_type3A_52 = arith.truncf %concatenate3A_10 : vector<3200x32xf32> to vector<3200x32xbf16>
    %get3A_53 = arith.constant 0 : index
    %get3A_54 = arith.constant 0 : index
    %get3A_55 = vector.load %arg9[%get3A_53, %get3A_54] : memref<32x512xbf16, #tpu.memory_space<vmem>>, vector<32x512xbf16>
    %dot_general3A_56 = arith.constant dense<0.000000e+00> : vector<3200x512xf32>
    %dot_general3A_57 = tpu.matmul %convert_element_type3A_52, %get3A_55, %dot_general3A_56 {dimension_numbers = #tpu.dot_dimension_numbers<[1], [0], [0], [1], [0, 0, 1, 1], [], []>, transpose_lhs_hint = false} : vector<3200x32xbf16>, vector<32x512xbf16>, vector<3200x512xf32> -> vector<3200x512xf32>
    %mul3A = arith.mulf %add3A_51, %dot_general3A_57 : vector<3200x512xf32>
    %convert_element_type3A_58 = arith.truncf %mul3A : vector<3200x512xf32> to vector<3200x512xbf16>
    %get3A_59 = arith.constant 0 : index
    %get3A_60 = arith.constant 0 : index
    %get3A_61 = vector.load %arg10[%get3A_59, %get3A_60] : memref<512x32xbf16, #tpu.memory_space<vmem>>, vector<512x32xbf16>
    %dot_general3A_62 = arith.constant dense<0.000000e+00> : vector<3200x32xf32>
    %dot_general3A_63 = tpu.matmul %convert_element_type3A_58, %get3A_61, %dot_general3A_62 {dimension_numbers = #tpu.dot_dimension_numbers<[1], [0], [0], [1], [0, 0, 1, 1], [], []>, transpose_lhs_hint = false} : vector<3200x512xbf16>, vector<512x32xbf16>, vector<3200x32xf32> -> vector<3200x32xf32>
    %slice3A_64 = vector.extract_strided_slice %dot_general3A_63 {offsets = [0, 0], sizes = [800, 16], strides = [1, 1]} : vector<3200x32xf32> to vector<800x16xf32>
    %swap3A = arith.constant 0 : index
    %swap3A_65 = arith.constant 0 : index
    %swap3A_66 = vector.load %arg11[%swap3A, %swap3A_65] : memref<800x128xf32, #tpu.memory_space<vmem>>, vector<800x16xf32>
    tpu.vector_store %arg11[%swap3A, %swap3A_65], %slice3A_64 {strides = array<i32>} : memref<800x128xf32, #tpu.memory_space<vmem>>, vector<800x16xf32>,
    %slice3A_67 = vector.extract_strided_slice %dot_general3A_63 {offsets = [800, 0], sizes = [800, 16], strides = [1, 1]} : vector<3200x32xf32> to vector<800x16xf32>
    %swap3A_68 = arith.constant 0 : index
    %swap3A_69 = arith.constant 16 : index
    %swap3A_70 = vector.load %arg11[%swap3A_68, %swap3A_69] : memref<800x128xf32, #tpu.memory_space<vmem>>, vector<800x16xf32>
    tpu.vector_store %arg11[%swap3A_68, %swap3A_69], %slice3A_67 {strides = array<i32>} : memref<800x128xf32, #tpu.memory_space<vmem>>, vector<800x16xf32>,
    %slice3A_71 = vector.extract_strided_slice %dot_general3A_63 {offsets = [1600, 0], sizes = [800, 16], strides = [1, 1]} : vector<3200x32xf32> to vector<800x16xf32>
    %swap3A_72 = arith.constant 0 : index
    %swap3A_73 = arith.constant 32 : index
    %swap3A_74 = vector.load %arg11[%swap3A_72, %swap3A_73] : memref<800x128xf32, #tpu.memory_space<vmem>>, vector<800x16xf32>
    tpu.vector_store %arg11[%swap3A_72, %swap3A_73], %slice3A_71 {strides = array<i32>} : memref<800x128xf32, #tpu.memory_space<vmem>>, vector<800x16xf32>,
    %slice3A_75 = vector.extract_strided_slice %dot_general3A_63 {offsets = [2400, 0], sizes = [800, 16], strides = [1, 1]} : vector<3200x32xf32> to vector<800x16xf32>
    %swap3A_76 = arith.constant 0 : index
    %swap3A_77 = arith.constant 48 : index
    %swap3A_78 = vector.load %arg11[%swap3A_76, %swap3A_77] : memref<800x128xf32, #tpu.memory_space<vmem>>, vector<800x16xf32>
    tpu.vector_store %arg11[%swap3A_76, %swap3A_77], %slice3A_75 {strides = array<i32>} : memref<800x128xf32, #tpu.memory_space<vmem>>, vector<800x16xf32>,
    %slice3A_79 = vector.extract_strided_slice %dot_general3A_63 {offsets = [0, 16], sizes = [800, 16], strides = [1, 1]} : vector<3200x32xf32> to vector<800x16xf32>
    %swap3A_80 = arith.constant 0 : index
    %swap3A_81 = arith.constant 64 : index
    %swap3A_82 = vector.load %arg11[%swap3A_80, %swap3A_81] : memref<800x128xf32, #tpu.memory_space<vmem>>, vector<800x16xf32>
    tpu.vector_store %arg11[%swap3A_80, %swap3A_81], %slice3A_79 {strides = array<i32>} : memref<800x128xf32, #tpu.memory_space<vmem>>, vector<800x16xf32>,
    %slice3A_83 = vector.extract_strided_slice %dot_general3A_63 {offsets = [800, 16], sizes = [800, 16], strides = [1, 1]} : vector<3200x32xf32> to vector<800x16xf32>
    %swap3A_84 = arith.constant 0 : index
    %swap3A_85 = arith.constant 80 : index
    %swap3A_86 = vector.load %arg11[%swap3A_84, %swap3A_85] : memref<800x128xf32, #tpu.memory_space<vmem>>, vector<800x16xf32>
    tpu.vector_store %arg11[%swap3A_84, %swap3A_85], %slice3A_83 {strides = array<i32>} : memref<800x128xf32, #tpu.memory_space<vmem>>, vector<800x16xf32>,
    %slice3A_87 = vector.extract_strided_slice %dot_general3A_63 {offsets = [1600, 16], sizes = [800, 16], strides = [1, 1]} : vector<3200x32xf32> to vector<800x16xf32>
    %swap3A_88 = arith.constant 0 : index
    %swap3A_89 = arith.constant 96 : index
    %swap3A_90 = vector.load %arg11[%swap3A_88, %swap3A_89] : memref<800x128xf32, #tpu.memory_space<vmem>>, vector<800x16xf32>
    tpu.vector_store %arg11[%swap3A_88, %swap3A_89], %slice3A_87 {strides = array<i32>} : memref<800x128xf32, #tpu.memory_space<vmem>>, vector<800x16xf32>,
    %slice3A_91 = vector.extract_strided_slice %dot_general3A_63 {offsets = [2400, 16], sizes = [800, 16], strides = [1, 1]} : vector<3200x32xf32> to vector<800x16xf32>
    %swap3A_92 = arith.constant 0 : index
    %swap3A_93 = arith.constant 112 : index
    %swap3A_94 = vector.load %arg11[%swap3A_92, %swap3A_93] : memref<800x128xf32, #tpu.memory_space<vmem>>, vector<800x16xf32>
    tpu.vector_store %arg11[%swap3A_92, %swap3A_93], %slice3A_91 {strides = array<i32>} : memref<800x128xf32, #tpu.memory_space<vmem>>, vector<800x16xf32>,
    return
  }
  func.func @transform_0(%arg0: i32) -> (i32, i32) {
    %c0_i32 = arith.constant 0 : i32
    %c0_i32_0 = arith.constant 0 : i32
    return %c0_i32, %arg0 : i32, i32
  }
  func.func @transform_1(%arg0: i32) -> (i32, i32) {
    %c0_i32 = arith.constant 0 : i32
    %c0_i32_0 = arith.constant 0 : i32
    return %arg0, %c0_i32 : i32, i32
  }
  func.func @transform_2(%arg0: i32) -> (i32, i32) {
    %c0_i32 = arith.constant 0 : i32
    %c0_i32_0 = arith.constant 0 : i32
    %c0_i32_1 = arith.constant 0 : i32
    return %c0_i32, %c0_i32_0 : i32, i32
  }
  func.func @transform_3(%arg0: i32) -> (i32, i32) {
    %c0_i32 = arith.constant 0 : i32
    %c0_i32_0 = arith.constant 0 : i32
    %c0_i32_1 = arith.constant 0 : i32
    return %c0_i32, %c0_i32_0 : i32, i32
  }
  func.func @transform_4(%arg0: i32) -> (i32, i32) {
    %c0_i32 = arith.constant 0 : i32
    %c0_i32_0 = arith.constant 0 : i32
    %c0_i32_1 = arith.constant 0 : i32
    return %c0_i32, %c0_i32_0 : i32, i32
  }
  func.func @transform_5(%arg0: i32) -> (i32, i32) {
    %c0_i32 = arith.constant 0 : i32
    %c0_i32_0 = arith.constant 0 : i32
    %c0_i32_1 = arith.constant 0 : i32
    return %c0_i32, %c0_i32_0 : i32, i32
  }
  func.func @transform_6(%arg0: i32) -> (i32, i32) {
    %c0_i32 = arith.constant 0 : i32
    %c0_i32_0 = arith.constant 0 : i32
    %c0_i32_1 = arith.constant 0 : i32
    return %c0_i32, %c0_i32_0 : i32, i32
  }
  func.func @transform_7(%arg0: i32) -> (i32, i32) {
    %c0_i32 = arith.constant 0 : i32
    %c0_i32_0 = arith.constant 0 : i32
    %c0_i32_1 = arith.constant 0 : i32
    return %c0_i32, %c0_i32_0 : i32, i32
  }
  func.func @transform_8(%arg0: i32) -> (i32, i32) {
    %c0_i32 = arith.constant 0 : i32
    %c0_i32_0 = arith.constant 0 : i32
    %c0_i32_1 = arith.constant 0 : i32
    return %c0_i32, %c0_i32_0 : i32, i32
  }
  func.func @transform_9(%arg0: i32) -> (i32, i32) {
    %c0_i32 = arith.constant 0 : i32
    %c0_i32_0 = arith.constant 0 : i32
    %c0_i32_1 = arith.constant 0 : i32
    return %c0_i32, %c0_i32_0 : i32, i32
  }
  func.func @transform_10(%arg0: i32) -> (i32, i32) {
    %c0_i32 = arith.constant 0 : i32
    %c0_i32_0 = arith.constant 0 : i32
    return %arg0, %c0_i32 : i32, i32
  }
}

module attributes {stable_mosaic.version = 14 : i64} {
  func.func @_upd_body(%arg0: i32, %arg1: memref<2x5000x16xf32, #tpu.memory_space<vmem>>, %arg2: memref<2x5000x16xf32, #tpu.memory_space<vmem>>, %arg3: memref<5000x16xf32, #tpu.memory_space<vmem>>, %arg4: memref<16x16xf32, #tpu.memory_space<vmem>>, %arg5: memref<1x16xf32, #tpu.memory_space<vmem>>, %arg6: memref<16x1xf32, #tpu.memory_space<vmem>>, %arg7: memref<1x1xf32, #tpu.memory_space<vmem>>, %arg8: memref<5000x16xf32, #tpu.memory_space<vmem>>) attributes {dimension_semantics = [#tpu.dimension_semantics<arbitrary>], iteration_bounds = array<i64: 10>, scalar_prefetch = 0 : i64, scratch_operands = 0 : i64, tpu.core_type = #tpu.core_type<tc>, window_params = [{transform_indices = @transform_0, window_bounds = array<i64: 2, 5000, 16>}, {transform_indices = @transform_1, window_bounds = array<i64: 2, 5000, 16>}, {transform_indices = @transform_2, window_bounds = array<i64: 5000, 16>}, {pipeline_mode = #tpu.pipeline_mode<synchronous>, transform_indices = @transform_3, window_bounds = array<i64: 16, 16>}, {pipeline_mode = #tpu.pipeline_mode<synchronous>, transform_indices = @transform_4, window_bounds = array<i64: 1, 16>}, {pipeline_mode = #tpu.pipeline_mode<synchronous>, transform_indices = @transform_5, window_bounds = array<i64: 16, 1>}, {pipeline_mode = #tpu.pipeline_mode<synchronous>, transform_indices = @transform_6, window_bounds = array<i64: 1, 1>}, {transform_indices = @transform_7, window_bounds = array<i64: 5000, 16>}]} {
    %get3A = arith.constant 0 : index
    %get3A_0 = arith.constant 0 : index
    %get3A_1 = arith.constant 0 : index
    %get3A_2 = vector.load %arg1[%get3A, %get3A_0, %get3A_1] : memref<2x5000x16xf32, #tpu.memory_space<vmem>>, vector<1x5000x16xf32>
    %get3A_3 = vector.shape_cast %get3A_2 : vector<1x5000x16xf32> to vector<5000x16xf32>
    %get3A_4 = arith.constant 1 : index
    %get3A_5 = arith.constant 0 : index
    %get3A_6 = arith.constant 0 : index
    %get3A_7 = vector.load %arg1[%get3A_4, %get3A_5, %get3A_6] : memref<2x5000x16xf32, #tpu.memory_space<vmem>>, vector<1x5000x16xf32>
    %get3A_8 = vector.shape_cast %get3A_7 : vector<1x5000x16xf32> to vector<5000x16xf32>
    %add3A = arith.addf %get3A_3, %get3A_8 : vector<5000x16xf32>
    %get3A_9 = arith.constant 0 : index
    %get3A_10 = arith.constant 0 : index
    %get3A_11 = arith.constant 0 : index
    %get3A_12 = vector.load %arg2[%get3A_9, %get3A_10, %get3A_11] : memref<2x5000x16xf32, #tpu.memory_space<vmem>>, vector<1x5000x16xf32>
    %get3A_13 = vector.shape_cast %get3A_12 : vector<1x5000x16xf32> to vector<5000x16xf32>
    %get3A_14 = arith.constant 1 : index
    %get3A_15 = arith.constant 0 : index
    %get3A_16 = arith.constant 0 : index
    %get3A_17 = vector.load %arg2[%get3A_14, %get3A_15, %get3A_16] : memref<2x5000x16xf32, #tpu.memory_space<vmem>>, vector<1x5000x16xf32>
    %get3A_18 = vector.shape_cast %get3A_17 : vector<1x5000x16xf32> to vector<5000x16xf32>
    %add3A_19 = arith.addf %get3A_13, %get3A_18 : vector<5000x16xf32>
    %max3A = arith.constant 1.000000e+00 : f32
    %max3A_20 = vector.broadcast %max3A : f32 to vector<5000x16xf32>
    %max3A_21 = arith.maximumf %add3A_19, %max3A_20 : vector<5000x16xf32>
    %get3A_22 = arith.constant 0 : index
    %get3A_23 = arith.constant 0 : index
    %get3A_24 = vector.load %arg3[%get3A_22, %get3A_23] : memref<5000x16xf32, #tpu.memory_space<vmem>>, vector<5000x16xf32>
    %get3A_25 = arith.constant 0 : index
    %get3A_26 = arith.constant 0 : index
    %get3A_27 = vector.load %arg4[%get3A_25, %get3A_26] : memref<16x16xf32, #tpu.memory_space<vmem>>, vector<16x16xf32>
    %dot_general3A = arith.constant dense<0.000000e+00> : vector<5000x16xf32>
    %dot_general3A_28 = tpu.matmul %get3A_24, %get3A_27, %dot_general3A {dimension_numbers = #tpu.dot_dimension_numbers<[1], [0], [0], [1], [0, 0, 1, 1], [], []>, transpose_lhs_hint = false} : vector<5000x16xf32>, vector<16x16xf32>, vector<5000x16xf32> -> vector<5000x16xf32>
    %div3A = arith.divf %add3A, %max3A_21 : vector<5000x16xf32>
    %add3A_29 = arith.addf %div3A, %dot_general3A_28 : vector<5000x16xf32>
    %get3A_30 = arith.constant 0 : index
    %get3A_31 = arith.constant 0 : index
    %get3A_32 = vector.load %arg5[%get3A_30, %get3A_31] : memref<1x16xf32, #tpu.memory_space<vmem>>, vector<1x16xf32>
    %add3A_33 = vector.broadcast %get3A_32 : vector<1x16xf32> to vector<5000x16xf32>
    %add3A_34 = arith.addf %add3A_29, %add3A_33 : vector<5000x16xf32>
    %max3A_35 = arith.constant 0.000000e+00 : f32
    %max3A_36 = vector.broadcast %max3A_35 : f32 to vector<5000x16xf32>
    %max3A_37 = arith.maximumf %add3A_34, %max3A_36 : vector<5000x16xf32>
    %swap3A = arith.constant 0 : index
    %swap3A_38 = arith.constant 0 : index
    %swap3A_39 = vector.load %arg8[%swap3A, %swap3A_38] : memref<5000x16xf32, #tpu.memory_space<vmem>>, vector<5000x16xf32>
    tpu.vector_store %arg8[%swap3A, %swap3A_38], %max3A_37 {strides = array<i32>} : memref<5000x16xf32, #tpu.memory_space<vmem>>, vector<5000x16xf32>,
    return
  }
  func.func @transform_0(%arg0: i32) -> (i32, i32, i32) {
    %c0_i32 = arith.constant 0 : i32
    %c0_i32_0 = arith.constant 0 : i32
    %c0_i32_1 = arith.constant 0 : i32
    return %c0_i32, %arg0, %c0_i32_0 : i32, i32, i32
  }
  func.func @transform_1(%arg0: i32) -> (i32, i32, i32) {
    %c0_i32 = arith.constant 0 : i32
    %c0_i32_0 = arith.constant 0 : i32
    %c0_i32_1 = arith.constant 0 : i32
    return %c0_i32, %arg0, %c0_i32_0 : i32, i32, i32
  }
  func.func @transform_2(%arg0: i32) -> (i32, i32) {
    %c0_i32 = arith.constant 0 : i32
    %c0_i32_0 = arith.constant 0 : i32
    return %arg0, %c0_i32 : i32, i32
  }
  func.func @transform_3(%arg0: i32) -> (i32, i32) {
    %c0_i32 = arith.constant 0 : i32
    %c0_i32_0 = arith.constant 0 : i32
    %c0_i32_1 = arith.constant 0 : i32
    return %c0_i32, %c0_i32_0 : i32, i32
  }
  func.func @transform_4(%arg0: i32) -> (i32, i32) {
    %c0_i32 = arith.constant 0 : i32
    %c0_i32_0 = arith.constant 0 : i32
    %c0_i32_1 = arith.constant 0 : i32
    return %c0_i32, %c0_i32_0 : i32, i32
  }
  func.func @transform_5(%arg0: i32) -> (i32, i32) {
    %c0_i32 = arith.constant 0 : i32
    %c0_i32_0 = arith.constant 0 : i32
    %c0_i32_1 = arith.constant 0 : i32
    return %c0_i32, %c0_i32_0 : i32, i32
  }
  func.func @transform_6(%arg0: i32) -> (i32, i32) {
    %c0_i32 = arith.constant 0 : i32
    %c0_i32_0 = arith.constant 0 : i32
    %c0_i32_1 = arith.constant 0 : i32
    return %c0_i32, %c0_i32_0 : i32, i32
  }
  func.func @transform_7(%arg0: i32) -> (i32, i32) {
    %c0_i32 = arith.constant 0 : i32
    %c0_i32_0 = arith.constant 0 : i32
    return %arg0, %c0_i32 : i32, i32
  }
}

module attributes {stable_mosaic.version = 14 : i64} {
  func.func @_upd_body(%arg0: i32, %arg1: memref<2x5000x16xf32, #tpu.memory_space<vmem>>, %arg2: memref<2x5000x16xf32, #tpu.memory_space<vmem>>, %arg3: memref<5000x16xf32, #tpu.memory_space<vmem>>, %arg4: memref<16x16xf32, #tpu.memory_space<vmem>>, %arg5: memref<1x16xf32, #tpu.memory_space<vmem>>, %arg6: memref<16x1xf32, #tpu.memory_space<vmem>>, %arg7: memref<1x1xf32, #tpu.memory_space<vmem>>, %arg8: memref<5000x1xf32, #tpu.memory_space<vmem>>) attributes {dimension_semantics = [#tpu.dimension_semantics<arbitrary>], iteration_bounds = array<i64: 10>, scalar_prefetch = 0 : i64, scratch_operands = 0 : i64, tpu.core_type = #tpu.core_type<tc>, window_params = [{transform_indices = @transform_0, window_bounds = array<i64: 2, 5000, 16>}, {transform_indices = @transform_1, window_bounds = array<i64: 2, 5000, 16>}, {transform_indices = @transform_2, window_bounds = array<i64: 5000, 16>}, {pipeline_mode = #tpu.pipeline_mode<synchronous>, transform_indices = @transform_3, window_bounds = array<i64: 16, 16>}, {pipeline_mode = #tpu.pipeline_mode<synchronous>, transform_indices = @transform_4, window_bounds = array<i64: 1, 16>}, {pipeline_mode = #tpu.pipeline_mode<synchronous>, transform_indices = @transform_5, window_bounds = array<i64: 16, 1>}, {pipeline_mode = #tpu.pipeline_mode<synchronous>, transform_indices = @transform_6, window_bounds = array<i64: 1, 1>}, {transform_indices = @transform_7, window_bounds = array<i64: 5000, 1>}]} {
    %get3A = arith.constant 0 : index
    %get3A_0 = arith.constant 0 : index
    %get3A_1 = arith.constant 0 : index
    %get3A_2 = vector.load %arg1[%get3A, %get3A_0, %get3A_1] : memref<2x5000x16xf32, #tpu.memory_space<vmem>>, vector<1x5000x16xf32>
    %get3A_3 = vector.shape_cast %get3A_2 : vector<1x5000x16xf32> to vector<5000x16xf32>
    %get3A_4 = arith.constant 1 : index
    %get3A_5 = arith.constant 0 : index
    %get3A_6 = arith.constant 0 : index
    %get3A_7 = vector.load %arg1[%get3A_4, %get3A_5, %get3A_6] : memref<2x5000x16xf32, #tpu.memory_space<vmem>>, vector<1x5000x16xf32>
    %get3A_8 = vector.shape_cast %get3A_7 : vector<1x5000x16xf32> to vector<5000x16xf32>
    %add3A = arith.addf %get3A_3, %get3A_8 : vector<5000x16xf32>
    %get3A_9 = arith.constant 0 : index
    %get3A_10 = arith.constant 0 : index
    %get3A_11 = arith.constant 0 : index
    %get3A_12 = vector.load %arg2[%get3A_9, %get3A_10, %get3A_11] : memref<2x5000x16xf32, #tpu.memory_space<vmem>>, vector<1x5000x16xf32>
    %get3A_13 = vector.shape_cast %get3A_12 : vector<1x5000x16xf32> to vector<5000x16xf32>
    %get3A_14 = arith.constant 1 : index
    %get3A_15 = arith.constant 0 : index
    %get3A_16 = arith.constant 0 : index
    %get3A_17 = vector.load %arg2[%get3A_14, %get3A_15, %get3A_16] : memref<2x5000x16xf32, #tpu.memory_space<vmem>>, vector<1x5000x16xf32>
    %get3A_18 = vector.shape_cast %get3A_17 : vector<1x5000x16xf32> to vector<5000x16xf32>
    %add3A_19 = arith.addf %get3A_13, %get3A_18 : vector<5000x16xf32>
    %max3A = arith.constant 1.000000e+00 : f32
    %max3A_20 = vector.broadcast %max3A : f32 to vector<5000x16xf32>
    %max3A_21 = arith.maximumf %add3A_19, %max3A_20 : vector<5000x16xf32>
    %get3A_22 = arith.constant 0 : index
    %get3A_23 = arith.constant 0 : index
    %get3A_24 = vector.load %arg3[%get3A_22, %get3A_23] : memref<5000x16xf32, #tpu.memory_space<vmem>>, vector<5000x16xf32>
    %get3A_25 = arith.constant 0 : index
    %get3A_26 = arith.constant 0 : index
    %get3A_27 = vector.load %arg4[%get3A_25, %get3A_26] : memref<16x16xf32, #tpu.memory_space<vmem>>, vector<16x16xf32>
    %dot_general3A = arith.constant dense<0.000000e+00> : vector<5000x16xf32>
    %dot_general3A_28 = tpu.matmul %get3A_24, %get3A_27, %dot_general3A {dimension_numbers = #tpu.dot_dimension_numbers<[1], [0], [0], [1], [0, 0, 1, 1], [], []>, transpose_lhs_hint = false} : vector<5000x16xf32>, vector<16x16xf32>, vector<5000x16xf32> -> vector<5000x16xf32>
    %div3A = arith.divf %add3A, %max3A_21 : vector<5000x16xf32>
    %add3A_29 = arith.addf %div3A, %dot_general3A_28 : vector<5000x16xf32>
    %get3A_30 = arith.constant 0 : index
    %get3A_31 = arith.constant 0 : index
    %get3A_32 = vector.load %arg5[%get3A_30, %get3A_31] : memref<1x16xf32, #tpu.memory_space<vmem>>, vector<1x16xf32>
    %add3A_33 = vector.broadcast %get3A_32 : vector<1x16xf32> to vector<5000x16xf32>
    %add3A_34 = arith.addf %add3A_29, %add3A_33 : vector<5000x16xf32>
    %max3A_35 = arith.constant 0.000000e+00 : f32
    %max3A_36 = vector.broadcast %max3A_35 : f32 to vector<5000x16xf32>
    %max3A_37 = arith.maximumf %add3A_34, %max3A_36 : vector<5000x16xf32>
    %get3A_38 = arith.constant 0 : index
    %get3A_39 = arith.constant 0 : index
    %get3A_40 = vector.load %arg6[%get3A_38, %get3A_39] : memref<16x1xf32, #tpu.memory_space<vmem>>, vector<16x1xf32>
    %dot_general3A_41 = arith.constant dense<0.000000e+00> : vector<5000x1xf32>
    %dot_general3A_42 = tpu.matmul %max3A_37, %get3A_40, %dot_general3A_41 {dimension_numbers = #tpu.dot_dimension_numbers<[1], [0], [0], [1], [0, 0, 1, 1], [], []>, transpose_lhs_hint = false} : vector<5000x16xf32>, vector<16x1xf32>, vector<5000x1xf32> -> vector<5000x1xf32>
    %get3A_43 = arith.constant 0 : index
    %get3A_44 = arith.constant 0 : index
    %get3A_45 = vector.load %arg7[%get3A_43, %get3A_44] : memref<1x1xf32, #tpu.memory_space<vmem>>, vector<1x1xf32>
    %add3A_46 = vector.broadcast %get3A_45 : vector<1x1xf32> to vector<5000x1xf32>
    %add3A_47 = arith.addf %dot_general3A_42, %add3A_46 : vector<5000x1xf32>
    %swap3A = arith.constant 0 : index
    %swap3A_48 = arith.constant 0 : index
    %swap3A_49 = vector.load %arg8[%swap3A, %swap3A_48] : memref<5000x1xf32, #tpu.memory_space<vmem>>, vector<5000x1xf32>
    tpu.vector_store %arg8[%swap3A, %swap3A_48], %add3A_47 {strides = array<i32>} : memref<5000x1xf32, #tpu.memory_space<vmem>>, vector<5000x1xf32>,
    return
  }
  func.func @transform_0(%arg0: i32) -> (i32, i32, i32) {
    %c0_i32 = arith.constant 0 : i32
    %c0_i32_0 = arith.constant 0 : i32
    %c0_i32_1 = arith.constant 0 : i32
    return %c0_i32, %arg0, %c0_i32_0 : i32, i32, i32
  }
  func.func @transform_1(%arg0: i32) -> (i32, i32, i32) {
    %c0_i32 = arith.constant 0 : i32
    %c0_i32_0 = arith.constant 0 : i32
    %c0_i32_1 = arith.constant 0 : i32
    return %c0_i32, %arg0, %c0_i32_0 : i32, i32, i32
  }
  func.func @transform_2(%arg0: i32) -> (i32, i32) {
    %c0_i32 = arith.constant 0 : i32
    %c0_i32_0 = arith.constant 0 : i32
    return %arg0, %c0_i32 : i32, i32
  }
  func.func @transform_3(%arg0: i32) -> (i32, i32) {
    %c0_i32 = arith.constant 0 : i32
    %c0_i32_0 = arith.constant 0 : i32
    %c0_i32_1 = arith.constant 0 : i32
    return %c0_i32, %c0_i32_0 : i32, i32
  }
  func.func @transform_4(%arg0: i32) -> (i32, i32) {
    %c0_i32 = arith.constant 0 : i32
    %c0_i32_0 = arith.constant 0 : i32
    %c0_i32_1 = arith.constant 0 : i32
    return %c0_i32, %c0_i32_0 : i32, i32
  }
  func.func @transform_5(%arg0: i32) -> (i32, i32) {
    %c0_i32 = arith.constant 0 : i32
    %c0_i32_0 = arith.constant 0 : i32
    %c0_i32_1 = arith.constant 0 : i32
    return %c0_i32, %c0_i32_0 : i32, i32
  }
  func.func @transform_6(%arg0: i32) -> (i32, i32) {
    %c0_i32 = arith.constant 0 : i32
    %c0_i32_0 = arith.constant 0 : i32
    %c0_i32_1 = arith.constant 0 : i32
    return %c0_i32, %c0_i32_0 : i32, i32
  }
  func.func @transform_7(%arg0: i32) -> (i32, i32) {
    %c0_i32 = arith.constant 0 : i32
    %c0_i32_0 = arith.constant 0 : i32
    return %arg0, %c0_i32 : i32, i32
  }
}

</mosaic_0001>

<sc_bundles>
// kernel: kernel.12.cloned.1.call-start
scs
__scs_entry_jumppad:
0x0: {  	(pc) =	sbr.rel $0x88, $3  }
0x1: {  	(tag) =	ssettag $0x0;
	lr =	simm.s32 $0x1  }
0x2: {  	[smem:$0x3F92] =	sst lr;
	_ =	strace $0xD0000000  }
0x3: {  	_ = 	snop  }
0x4: {  	_ = 	snop  }
0x5: {  	_ = 	snop  }
0x6: {  	_ = 	snop  }
0x7: {  	_ = 	snop  }
__scs_overlays_trampoline_lowered:
0x8: {  	[smem:$0x3FA1] =	sst s0  }
0x9: {  	[smem:$0x3FA2] =	sst s1  }
0xa: {  	[smem:$0x3FA3] =	sst s2  }
0xb: {  	[smem:$0x3FA4] =	sst s3  }
0xc: {  	[smem:$0x3FA5] =	sst s4  }
0xd: {  	[smem:$0x3FA6] =	sst s5  }
0xe: {  	[smem:$0x3FA7] =	sst s6  }
0xf: {  	[smem:$0x3FA8] =	sst s7  }
0x10: {  	[smem:$0x3FA9] =	sst s8  }
0x11: {  	[smem:$0x3FAA] =	sst s9;
	s0 =	simm.s32 @!p0 $0x0  }
0x12: {  	s1 =	sld [smem:$0x3F90];
	s0 =	simm.s32 @p0 $0x1  }
0x13: {  	[smem:$0x3FAB] =	sst s0;
	s0 =	simm.s32 @!p1 $0x0  }
0x14: {  	s2 =	sld [smem:$0x3F8F];
	s0 =	simm.s32 @p1 $0x1  }
0x15: {  	[smem:$0x3FAC] =	sst s0;
	s0 =	simm.s32 @!p2 $0x0  }
0x16: {  	s3 =	sld [smem:$0x3FDB];
	s0 =	simm.s32 @p2 $0x1  }
0x17: {  	s4 =	simm.s32 $0x1BF5;
	[smem:$0x3FAE] =	sst s0  }
0x18: {  	s0 =	sld [smem:$0x3F91];
	_ =	swait.ge [sflag:s4], $0x0  }
0x19: {  	s7 =	sld [smem:$0x3F92]  }
0x1a: {  	s8 =	sadd.s32 $0xFFFFE003, lr  }
0x1b: {  	s9 =	sadd.s32 $0xFFFFFEF7, lr;
	s5 =	simm.s32 $0xFFFFFFFF;
	p2 =	slt.u32 s8, $0xFFFFF086  }
0x1c: {  	p1 =	slt.u32 s9, $0xF7A;
	s5 =	simm.s32 @!p2 $0x0  }
0x1d: {  	s5 =	simm.s32 @p1 $0x1;
	p0 =	seq.s32 s7, s2  }
0x1e: {  	s7 =	smul.u32 @!p0 $0xF7A, s2;
	p2 =	seq.s32 @!p0 s5, $0x0  }
0x1f: {  	s9 =	smul.u32 $0xF7A, s1;
	s8 =	simm.s32 @!p0 $0x1BF5;
	p2 =	por !p2, p0  }
0x20: {  	[sflag:s8] =	ssyncset.s32 @!p0 $0xFFFFF086;
	s6 =	sadd.s32 @!p0 s3, s7;
	s7 =	simm.s32 @!p0 $0x108  }
0x21: {  	s3 =	sadd.s32 s3, s9;
	s6 =	sadd.s32 @!p0 $0x88, s6;
	s7 =	simm.s32 @p2 $0x1082  }
0x22: {  	[simem:s7], [sflag:s8] =	dma.local @!p0 [hbm:s6], $0xF7A  }
0x23: {  	s9 =	sor.u32 $0xD0000000, s2;
	s6 =	simm.s32 $0x108;
	_ =	swait.ge @!p0 [sflag:s8], $0x0  }
0x24: {  	s3 =	sadd.s32 $0x88, s3;
	s6 =	simm.s32 @!p1 $0x1082;
	[sflag:s4] =	ssyncset.s32 $0xFFFFF086  }
0x25: {  	[simem:s6], [sflag:s4] =	dma.local [hbm:s3], $0xF7A  }
0x26: {  	[smem:$0x3F92] =	sst s1;
	(tag) =	ssettag s2;
	_ =	strace s9  }
0x27: {  	s1 =	sld [smem:$0x3FA2]  }
0x28: {  	s2 =	sld [smem:$0x3FA3]  }
0x29: {  	s4 =	sld [smem:$0x3FA5]  }
0x2a: {  	p0 =	seq.s32 s5, $0x0;
	s5 =	sld [smem:$0x3FA6]  }
0x2b: {  	s6 =	sld [smem:$0x3FA7]  }
0x2c: {  	s7 =	sld [smem:$0x3FA8]  }
0x2d: {  	s3 =	simm.s32 $0x108;
	s8 =	sld [smem:$0x3FA9]  }
0x2e: {  	s3 =	simm.s32 @!p0 $0x1082;
	s9 =	sld [smem:$0x3FAA]  }
0x2f: {  	lr =	sadd.s32 s0, s3;
	s0 =	sld [smem:$0x3FA1]  }
0x30: {  	s3 =	sld [smem:$0x3FA4]  }
0x31: {  	[smem:$0x3FAD] =	sst s10  }
0x32: {  	s10 =	sld [smem:$0x3FAB];
	_ =	sdelay $0x3  }
0x33: {  	p0 =	seq.s32 s10, $0x1;
	s10 =	sld [smem:$0x3FAD];
	_ =	sdelay $0x3  }
0x34: {  	[smem:$0x3FAD] =	sst s10  }
0x35: {  	s10 =	sld [smem:$0x3FAC];
	_ =	sdelay $0x3  }
0x36: {  	p1 =	seq.s32 s10, $0x1;
	s10 =	sld [smem:$0x3FAD];
	_ =	sdelay $0x3  }
0x37: {  	[smem:$0x3FAD] =	sst s10  }
0x38: {  	s10 =	sld [smem:$0x3FAE]  }
0x39: {  	_ = 	snop;
	(pc) =	sbr.ind lr, $3  }
0x3a: {  	_ = 	snop  }
0x3b: {  	_ = 	snop  }
0x3c: {  	p2 =	seq.s32 s10, $0x1;
	s10 =	sld [smem:$0x3FAD]  }
0x3d: {  	_ =	shalt  }
0x3e: {  	_ =	shalt  }
0x3f: {  	_ =	shalt  }
0x40: {  	_ =	shalt  }
0x41: {  	_ =	shalt  }
0x42: {  	_ =	shalt  }
0x43: {  	_ =	shalt  }
0x44: {  	_ =	shalt  }
0x45: {  	_ =	shalt  }
0x46: {  	_ =	shalt  }
0x47: {  	_ =	shalt  }
0x48: {  	_ =	shalt  }
0x49: {  	_ =	shalt  }
0x4a: {  	_ =	shalt  }
0x4b: {  	_ =	shalt  }
0x4c: {  	_ =	shalt  }
0x4d: {  	_ =	shalt  }
0x4e: {  	_ =	shalt  }
0x4f: {  	_ =	shalt  }
0x50: {  	_ =	shalt  }
0x51: {  	_ =	shalt  }
0x52: {  	_ =	shalt  }
0x53: {  	_ =	shalt  }
0x54: {  	_ =	shalt  }
0x55: {  	_ =	shalt  }
0x56: {  	_ =	shalt  }
0x57: {  	_ =	shalt  }
0x58: {  	_ =	shalt  }
0x59: {  	_ =	shalt  }
0x5a: {  	_ =	shalt  }
0x5b: {  	_ =	shalt  }
0x5c: {  	_ =	shalt  }
0x5d: {  	_ =	shalt  }
0x5e: {  	_ =	shalt  }
0x5f: {  	_ =	shalt  }
0x60: {  	_ =	shalt  }
0x61: {  	_ =	shalt  }
0x62: {  	_ =	shalt  }
0x63: {  	_ =	shalt  }
0x64: {  	_ =	shalt  }
0x65: {  	_ =	shalt  }
0x66: {  	_ =	shalt  }
0x67: {  	_ =	shalt  }
0x68: {  	_ =	shalt  }
0x69: {  	_ =	shalt  }
0x6a: {  	_ =	shalt  }
0x6b: {  	_ =	shalt  }
0x6c: {  	_ =	shalt  }
0x6d: {  	_ =	shalt  }
0x6e: {  	_ =	shalt  }
0x6f: {  	_ =	shalt  }
0x70: {  	_ =	shalt  }
0x71: {  	_ =	shalt  }
0x72: {  	_ =	shalt  }
0x73: {  	_ =	shalt  }
0x74: {  	_ =	shalt  }
0x75: {  	_ =	shalt  }
0x76: {  	_ =	shalt  }
0x77: {  	_ =	shalt  }
0x78: {  	_ =	shalt  }
0x79: {  	_ =	shalt  }
0x7a: {  	_ =	shalt  }
0x7b: {  	_ =	shalt  }
0x7c: {  	_ =	shalt  }
0x7d: {  	_ =	shalt  }
0x7e: {  	_ =	shalt  }
0x7f: {  	_ =	shalt  }
0x80: {  	_ =	shalt  }
0x81: {  	_ =	shalt  }
0x82: {  	_ =	shalt  }
0x83: {  	_ =	shalt  }
0x84: {  	_ =	shalt  }
0x85: {  	_ =	shalt  }
0x86: {  	_ =	shalt  }
0x87: {  	_ =	shalt  }
.Lfunc_end0:
.L_simem_size_0:
called_computation_lowered:
.L_overlay_start_0:
0x88: {  	s2 =	sld [smem:$0x3FD9]  }
0x89: {  	s3 =	sld [smem:$0x3FFE];
	_ =	sdelay $0x1  }
0x8a: {  	s1 =	srdreg.scid  }
0x8b: {  	s0 =	sand.u32 $0x1, s1  }
0x8c: {  	s17 =	sshll.u32 s0, $0xA;
	s2 =	sadd.s32 s3, s2  }
0x8d: {  	s2 =	sadd.s32 s2, s17  }
0x8e: {  	[smem:$0x3FB9] =	sst s2  }
0x8f: {  	_ = 	snop  }
0x90: {  	(tm) =	ssettm $0x1  }
0x91: {  	s18 =	sld [smem:$0x3FFB];
	_ =	sdelay $0x3  }
0x92: {  	_ =	strace s18  }
0x93: {  	s2 =	sld [smem:$0x3FFC];
	_ =	sdelay $0x3  }
0x94: {  	_ =	strace s2  }
0x95: {  	s2 =	sld [smem:$0x3FFD];
	_ =	sdelay $0x3  }
0x96: {  	_ =	strace s2  }
0x97: {  	_ =	strace $0x8FFFFFFF  }
0x98: {  	s19 =	sld [smem:$0x3FDB];
	_ =	sdelay $0x1  }
0x99: {  	s20 =	simm.s32 $_scs_section_size  }
0x9a: {  	s4 =	simm.s32 $_size__tile_overlayer_lowered;
	s5 =	simm.s32 $_tile_overlayer_lowered  }
0x9b: {  	s6 =	simm.s32 $0x1BFF;
	s21 =	sshll.u32 s5, $0x1;
	s3 =	sadd.s32 s20, s19  }
0x9c: {  	s22 =	simm.s32 $0x0;
	s4 =	sshll.u32 s4, $0x1;
	s5 =	sadd.s32 s21, s3  }
0x9d: {  	[timem:s22], [sflag:s6] =	dma.local [hbm:s5], s4  }
0x9e: {  	_ =	swait.ge [sflag:s6], s4  }
0x9f: {  	s4 =	ssub.s32 $0x0, s4;
	[sflag:s6] =	ssyncset.done $0x0  }
0xa0: {  	[sflag:s6] =	ssyncadd.s32 s4;
	_ =	sdelay $0x1  }
0xa1: {  	s23 =	simm.s32 $0x1B8B  }
0xa2: {  	_ =	swait.ge [sflag:s23], $0x1  }
0xa3: {  	[sflag:s23] =	ssyncset.done $0x0  }
0xa4: {  	[sflag:s23] =	ssyncadd.s32 $0xFFFFFFFF  }
0xa5: {  	s4 =	sld [smem:$0x0]  }
0xa6: {  	s5 =	sand.u32 $0xFFFFFFFE, s1  }
0xa7: {  	p0 =	sne.s32 s1, s5  }
0xa8: {  	s5 =	sshll.u32 @p0 s5, $0xE  }
0xa9: {  	s5 =	sadd.s32 @p0 $0x11B8D, s5;
	s6 =	sshll.u32 @p0 s4, $0x11  }
0xaa: {  	s5 =	sor.u32 @p0 s6, s5  }
0xab: {  	[sflag:s5] =	ssyncadd.remote.s32 @p0 $0x1;
	_ =	sdelay $0x1  }
0xac: {  	s5 =	simm.s32 @p0 $0x1B8D  }
0xad: {  	_ =	swait.eq @p0 [sflag:s5], $0x1  }
0xae: {  	[sflag:s5] =	ssyncadd.s32 @p0 $0xFFFFFFFF  }
0xaf: {  	s6 =	sshll.u32 @!p0 s1, $0xE  }
0xb0: {  	s6 =	sor.u32 @!p0 $0x4000, s6;
	s5 =	simm.s32 @!p0 $0x1B8D  }
0xb1: {  	s4 =	sshll.u32 @!p0 s4, $0x11;
	s6 =	sadd.s32 @!p0 $0x11B8D, s6;
	_ =	swait.eq @!p0 [sflag:s5], $0x1  }
0xb2: {  	s4 =	sor.u32 @!p0 s4, s6;
	[sflag:s5] =	ssyncadd.s32 @!p0 $0xFFFFFFFF  }
0xb3: {  	s25 =	simm.s32 $0x1B8E;
	s24 =	sld [smem:$0x3FFE];
	[sflag:s4] =	ssyncadd.remote.s32 @!p0 $0x1  }
0xb4: {  	s26 =	simm.s32 $execute0_lowered;
	[smem:$0x3FD2] =	sst s25  }
0xb5: {  	s5 =	sshll.u32 s26, $0x1;
	_ =	strace $0x80000049;
	[dreg:$0x1] =	wrdreg $0xFFFFFFFF  }
0xb6: {  	s28 =	simm.s32 $_size_execute0_lowered;
	s3 =	sadd.s32 s3, s5;
	[dreg:$0x0] =	wrdreg $0x0  }
0xb7: {  	s5 =	sshll.u32 s28, $0x1;
	[dreg:$0x2] =	wrdreg s3  }
0xb8: {  	[dreg:$0x3] =	wrdreg s5  }
0xb9: {  	[dreg:$0x4] =	wrdreg $0xC0  }
0xba: {  	_ =	task [dreg:s22], $0x5FFFF  }
0xbb: {  	[dreg:$0x1] =	wrdreg $0xFFFFFFFF  }
0xbc: {  	[dreg:$0x0] =	wrdreg $0x60  }
0xbd: {  	[dreg:$0x2] =	wrdreg s24  }
0xbe: {  	[dreg:$0x3] =	wrdreg $0x84D00  }
0xbf: {  	[dreg:$0x4] =	wrdreg $0x9  }
0xc0: {  	_ =	task.clear_ibuf [dreg:s22], $0x5FFFF;
	_ =	strace $0x90000049  }
0xc1: {  	s29 =	simm.s32 $0x9;
	_ =	strace $0x8000004B  }
0xc2: {  	_ =	swait.ge [sflag:s29], $0x1  }
0xc3: {  	[sflag:s29] =	ssyncadd.s32 $0xFFFFFFFF  }
0xc4: {  	_ =	strace $0x9000004B  }
0xc5: {  	_ =	sfence  }
0xc6: {  	s30 =	sld [smem:$0x0];
	_ =	sdelay $0x2  }
0xc7: {  	s31 =	sshll.u32 s1, $0xD;
	s1 =	sshrl.u32 s1, $0x2  }
0xc8: {  	s4 =	sand.u32 $0x4000, s31;
	s1 =	sadd.s32 s1, s30  }
0xc9: {  	s0 =	sor.u32 s4, s0;
	s1 =	sshll.u32 s1, $0x11  }
0xca: {  	s0 =	sor.u32 s1, s0  }
0xcb: {  	s0 =	sadd.s32 $0x8F2B, s0  }
0xcc: {  	[sflag:s0] =	ssyncadd.remote.s32 $0x1  }
0xcd: {  	_ =	sfence.sel $0xFFFF  }
0xce: {  	[dreg:$0x0] =	wrdreg $0xFFFFFFFF;
	(pc) =	sbr.abs _section_cstart, $3  }
0xcf: {  	[dreg:$0x1] =	wrdreg $0xFFFFFFFF  }
0xd0: {  	_ =	task.clear_ibuf [dreg:s22], $0x2FFFF;
	_ =	strace $0x9FFFFFFF  }
0xd1: {  	(tm) =	ssettm $0x7FFFFFFF  }
tec
execute0_lowered:
.L_overlay_start_1:
0x0: {  	(tag) =	ssettag $0x1  }
0x1: {  	s1 =	srdreg.scid;
	s0 =	stileid.u32  }
0x2: {  	s4 =	rddreg [dreg:$0x0];
	s6 =	smul.u32 $0x186A0, s0  }
0x3: {  	s2 =	rddreg [dreg:$0x1];
	s8 =	smul.u32 $0xC350, s0  }
0x4: {  	s3 =	simm.s32 $0x0;
	s5 =	sand.u32 $0x1, s1;
	s9 =	smul.u32 $0x30D40, s0  }
0x5: {  	s13 =	simm.s32 $0x0;
	s1 =	rddreg [dreg:$0x2];
	s7 =	smul.u32 $0xC350, s5  }
0x6: {  	[smem:$0x7FF] =	sst s3;
	s11 =	sshll.u32 s0, $0x6;
	s26 =	smul.u32 $0xC3500, s5  }
0x7: {  	_ =	strace $0x8000004A;
	s5 =	ssub.s32 $0x2, s5;
	s11 =	sor.u32 $0x1C01, s11  }
0x8: {  	s29 =	sshrl.u32 s9, $0x2;
	s30 =	sshrl.u32 s5, $0x1;
	s9 =	simm.s32 $0x7D0  }
0x9: {  	s6 =	sadd.s32 s7, s6;
	s28 =	sadd.s32 s8, s26;
	s7 =	sadd.s32 s29, s2  }
0xa: {  	s31 =	ssub.s32 s5, s30;
	s6 =	sshrl.u32 s6, $0x3;
	s5 =	sadd.s32 $0x7D00, s7  }
0xb: {  	s7 =	smax.u32 s31, $0x1;
	s10 =	sadd.s32 s6, s4;
	s6 =	sshrl.u32 s28, $0x3  }
0xc: {  	s6 =	sadd.s32 s6, s4;
	s4 =	sadd.s32 s8, s2;
	s8 =	sadd.s32 $0x35C00, s10  }
0xd: {  	v0 =	vimm.f32 $0.0e+00;
	v1 =	vimm.f32 $1.000000000e+00;
	s10 =	simm.s32 $0x1;
	s6 =	sadd.s32 $0x7F200, s6;
	s12 =	sshrl.u32 s4, $0x3  }
.LBB2_1:
0xe: {  	s14 =	simm.s32 $0x40;
	s15 =	simm.s32 $0x0  }
.LBB2_2:
0xf: {  	p0 =	sne.s32 s14, $0x1F3C0;
	[tilespmem:s15+$0x7D0] =	vst v0;
	s15 =	smov.u32 s14;
	s14 =	sadd.s32 $0x40, s14  }
.Ltmp0:
0x10: {  	(pc) =	sbr.rel @p0 .LBB2_2-.Ltmp0, $2  }
0x11: {  	_ =	sdelay $0x2  }
0x12: {  	s15 =	sshra.s32 s15, $0x2  }
0x13: {  	[tilespmem:s15+$0x7D0] =	vst v0  }
0x14: {  	[spmem:s4] =	stream.linear.scatter [tilespmem:s9], [sflag:$0x1], $0x7D00, $0x38;
	[tilespmem:$0x14820] =	vst v63  }
0x15: {  	_ =	swait.ge [sflag:s10], $0x7D00  }
0x16: {  	[sflag:s10] =	ssyncset.done $0x0  }
0x17: {  	[sflag:s10] =	ssyncadd.s32 $0xFFFF8300  }
0x18: {  	[spmem:s5] =	stream.linear.scatter [tilespmem:s9], [sflag:$0x1], $0x4650, $0x38;
	[tilespmem:$0x14820] =	vst v63  }
0x19: {  	_ =	swait.ge [sflag:s10], $0x4650  }
0x1a: {  	[sflag:s10] =	ssyncset.done $0x0  }
0x1b: {  	[sflag:s10] =	ssyncadd.s32 $0xFFFFB9B0  }
0x1c: {  	s14 =	simm.s32 $0x40;
	s15 =	simm.s32 $0x0;
	[bflag:$0x0] =	sbarrier.arrive $0xFFFF  }
.LBB2_4:
0x1d: {  	p0 =	sne.s32 s14, $0x1F3C0;
	[tilespmem:s15+$0x7D0] =	vst v1;
	s15 =	smov.u32 s14;
	s14 =	sadd.s32 $0x40, s14  }
.Ltmp1:
0x1e: {  	(pc) =	sbr.rel @p0 .LBB2_4-.Ltmp1, $2  }
0x1f: {  	_ =	sdelay $0x2  }
0x20: {  	s15 =	sshra.s32 s15, $0x2  }
0x21: {  	[tilespmem:s15+$0x7D0] =	vst v1;
	s14 =	sadd.s32 $0x0, s8  }
0x22: {  	[tilespmem:s3], [sflag:$0x1] =	stream.linear.gather [hbm4b:s14+s3], $0x7D0, $0x38;
	[tilespmem:$0x14820] =	vst v63  }
0x23: {  	_ =	swait.ge [sflag:s10], $0x7D0  }
0x24: {  	[sflag:s10] =	ssyncset.done $0x0  }
0x25: {  	[sflag:s10] =	ssyncadd.s32 $0xFFFFF830  }
0x26: {  	[spmem:s2] =	stream.indirect.scatter.add.f32 [tilespmem:s9], [sflag:$0x1], $0x10, s3, s9, $0xb8;
	[tilespmem:$0x14820] =	vst v63  }
0x27: {  	_ =	swait.ge [sflag:s10], $0x7D00  }
0x28: {  	s15 =	simm.s32 $0x1F4;
	s14 =	simm.s32 $0xFA;
	[sflag:s10] =	ssyncset.done $0x0  }
.LBB2_6:
0x29: {  	s16 =	sadd.s32 s14, s8  }
0x2a: {  	[sflag:s10] =	ssyncadd.s32 $0xFFFF8300;
	s14 =	smov.u32 s15;
	s17 =	sadd.s32 $0xFA, s15  }
0x2b: {  	[tilespmem:s3], [sflag:$0x1] =	stream.linear.gather [hbm4b:s16+s3], $0x7D0, $0x38;
	[tilespmem:$0x14820] =	vst v63  }
0x2c: {  	p0 =	sne.s32 s15, $0x1770;
	_ =	swait.ge [sflag:s10], $0x7D0  }
.Ltmp2:
0x2d: {  	[sflag:s10] =	ssyncset.done $0x0;
	(pc) =	sbr.rel @p0 .LBB2_6-.Ltmp2, $4  }
0x2e: {  	[sflag:s10] =	ssyncadd.s32 $0xFFFFF830  }
0x2f: {  	[spmem:s2] =	stream.indirect.scatter.add.f32 [tilespmem:s9], [sflag:$0x1], $0x10, s3, s9, $0xb8;
	[tilespmem:$0x14820] =	vst v63  }
0x30: {  	_ =	swait.ge [sflag:s10], $0x7D00  }
0x31: {  	s15 =	smov.u32 s17;
	[sflag:s10] =	ssyncset.done $0x0  }
0x32: {  	s14 =	sadd.s32 s14, s8;
	[sflag:s10] =	ssyncadd.s32 $0xFFFF8300  }
0x33: {  	[tilespmem:s3], [sflag:$0x1] =	stream.linear.gather [hbm4b:s14+s3], $0x7D0, $0x38;
	[tilespmem:$0x14820] =	vst v63  }
0x34: {  	_ =	swait.ge [sflag:s10], $0x7D0  }
0x35: {  	[sflag:s10] =	ssyncset.done $0x0  }
0x36: {  	[sflag:s10] =	ssyncadd.s32 $0xFFFFF830  }
0x37: {  	[spmem:s2] =	stream.indirect.scatter.add.f32 [tilespmem:s9], [sflag:$0x1], $0x10, s3, s9, $0xb8;
	[tilespmem:$0x14820] =	vst v63  }
0x38: {  	_ =	swait.ge [sflag:s10], $0x7D00  }
0x39: {  	s13 =	sadd.s32 $0x1, s13;
	[sflag:s10] =	ssyncset.done $0x0  }
0x3a: {  	p0 =	sne.s32 s13, s7;
	[sflag:s10] =	ssyncadd.s32 $0xFFFF8300  }
.Ltmp3:
0x3b: {  	[bflag:$0x0] =	sbarrier.arrive $0xFFFF;
	(pc) =	sbr.rel @p0 .LBB2_1-.Ltmp3, $4  }
0x3c: {  	[hbm:s6], [sflag:s11] =	dma.local [spmem:s12], $0x186A  }
0x3d: {  	_ =	swait.ge [sflag:s10], $0x186A  }
0x3e: {  	[sflag:s10] =	ssyncset.done $0x0  }
0x3f: {  	[sflag:s10] =	ssyncadd.s32 $0xFFFFE796  }
0x40: {  	_ =	sfence.sel $0x180000  }
0x41: {  	[bflag:$0x0] =	sbarrier.arrive $0xFFFF  }
0x42: {  	p0 =	sne.s32 s0, $0x0;
	_ =	strace $0x9000004A  }
0x43: {  	s0 =	sadd.s32 @!p0 $0x100000, s1;
	[bflag:$0x2] =	sbarrier.arrive $0xFFFF  }
0x44: {  	[sflag:s0] =	ssyncadd.tile.s32 @!p0 $0x1;
	_ =	shalt  }
.Lfunc_end2:
_tile_overlayer_lowered:
.L_overlay_start_2:
0x45: {  	(tag) =	ssettag $0x2  }
0x46: {  	s0 =	rddreg [dreg:$0x0];
	s2 =	stileid.u32  }
0x47: {  	s1 =	rddreg [dreg:$0x1];
	p0 =	sne.s32 s2, $0x0  }
0x48: {  	s3 =	rddreg [dreg:$0x2];
	[bflag:$0x3] =	sbarrier.arrive $0xFFFF;
	s2 =	simm.s32 @!p0 $0x1C01  }
0x49: {  	[timem:s3], [sflag:s2] =	dma.local @!p0 [hbm:s0], s1  }
0x4a: {  	s0 =	simm.s32 @!p0 $0x1  }
0x4b: {  	_ =	swait.ge @!p0 [sflag:s0], s1  }
0x4c: {  	s1 =	ssub.s32 @!p0 $0x0, s1;
	[sflag:s0] =	ssyncset.done @!p0 $0x0  }
0x4d: {  	[sflag:s0] =	ssyncadd.s32 @!p0 s1  }
0x4e: {  	[bflag:$0x3] =	sbarrier.arrive $0xFFFF  }
0x4f: {  	_ =	shalt  }

// kernel: kernel.15.cloned.1.call-start
scs
__scs_entry_jumppad:
0x0: {  	(pc) =	sbr.rel $0x88, $3  }
0x1: {  	(tag) =	ssettag $0x0;
	lr =	simm.s32 $0x1  }
0x2: {  	[smem:$0x3F92] =	sst lr;
	_ =	strace $0xD0000000  }
0x3: {  	_ = 	snop  }
0x4: {  	_ = 	snop  }
0x5: {  	_ = 	snop  }
0x6: {  	_ = 	snop  }
0x7: {  	_ = 	snop  }
__scs_overlays_trampoline_lowered:
0x8: {  	[smem:$0x3FA1] =	sst s0  }
0x9: {  	[smem:$0x3FA2] =	sst s1  }
0xa: {  	[smem:$0x3FA3] =	sst s2  }
0xb: {  	[smem:$0x3FA4] =	sst s3  }
0xc: {  	[smem:$0x3FA5] =	sst s4  }
0xd: {  	[smem:$0x3FA6] =	sst s5  }
0xe: {  	[smem:$0x3FA7] =	sst s6  }
0xf: {  	[smem:$0x3FA8] =	sst s7  }
0x10: {  	[smem:$0x3FA9] =	sst s8  }
0x11: {  	[smem:$0x3FAA] =	sst s9;
	s0 =	simm.s32 @!p0 $0x0  }
0x12: {  	s1 =	sld [smem:$0x3F90];
	s0 =	simm.s32 @p0 $0x1  }
0x13: {  	[smem:$0x3FAB] =	sst s0;
	s0 =	simm.s32 @!p1 $0x0  }
0x14: {  	s2 =	sld [smem:$0x3F8F];
	s0 =	simm.s32 @p1 $0x1  }
0x15: {  	[smem:$0x3FAC] =	sst s0;
	s0 =	simm.s32 @!p2 $0x0  }
0x16: {  	s3 =	sld [smem:$0x3FDB];
	s0 =	simm.s32 @p2 $0x1  }
0x17: {  	s4 =	simm.s32 $0x1BF5;
	[smem:$0x3FAE] =	sst s0  }
0x18: {  	s0 =	sld [smem:$0x3F91];
	_ =	swait.ge [sflag:s4], $0x0  }
0x19: {  	s7 =	sld [smem:$0x3F92]  }
0x1a: {  	s8 =	sadd.s32 $0xFFFFE003, lr  }
0x1b: {  	s9 =	sadd.s32 $0xFFFFFEF7, lr;
	s5 =	simm.s32 $0xFFFFFFFF;
	p2 =	slt.u32 s8, $0xFFFFF086  }
0x1c: {  	p1 =	slt.u32 s9, $0xF7A;
	s5 =	simm.s32 @!p2 $0x0  }
0x1d: {  	s5 =	simm.s32 @p1 $0x1;
	p0 =	seq.s32 s7, s2  }
0x1e: {  	s7 =	smul.u32 @!p0 $0xF7A, s2;
	p2 =	seq.s32 @!p0 s5, $0x0  }
0x1f: {  	s9 =	smul.u32 $0xF7A, s1;
	s8 =	simm.s32 @!p0 $0x1BF5;
	p2 =	por !p2, p0  }
0x20: {  	[sflag:s8] =	ssyncset.s32 @!p0 $0xFFFFF086;
	s6 =	sadd.s32 @!p0 s3, s7;
	s7 =	simm.s32 @!p0 $0x108  }
0x21: {  	s3 =	sadd.s32 s3, s9;
	s6 =	sadd.s32 @!p0 $0x88, s6;
	s7 =	simm.s32 @p2 $0x1082  }
0x22: {  	[simem:s7], [sflag:s8] =	dma.local @!p0 [hbm:s6], $0xF7A  }
0x23: {  	s9 =	sor.u32 $0xD0000000, s2;
	s6 =	simm.s32 $0x108;
	_ =	swait.ge @!p0 [sflag:s8], $0x0  }
0x24: {  	s3 =	sadd.s32 $0x88, s3;
	s6 =	simm.s32 @!p1 $0x1082;
	[sflag:s4] =	ssyncset.s32 $0xFFFFF086  }
0x25: {  	[simem:s6], [sflag:s4] =	dma.local [hbm:s3], $0xF7A  }
0x26: {  	[smem:$0x3F92] =	sst s1;
	(tag) =	ssettag s2;
	_ =	strace s9  }
0x27: {  	s1 =	sld [smem:$0x3FA2]  }
0x28: {  	s2 =	sld [smem:$0x3FA3]  }
0x29: {  	s4 =	sld [smem:$0x3FA5]  }
0x2a: {  	p0 =	seq.s32 s5, $0x0;
	s5 =	sld [smem:$0x3FA6]  }
0x2b: {  	s6 =	sld [smem:$0x3FA7]  }
0x2c: {  	s7 =	sld [smem:$0x3FA8]  }
0x2d: {  	s3 =	simm.s32 $0x108;
	s8 =	sld [smem:$0x3FA9]  }
0x2e: {  	s3 =	simm.s32 @!p0 $0x1082;
	s9 =	sld [smem:$0x3FAA]  }
0x2f: {  	lr =	sadd.s32 s0, s3;
	s0 =	sld [smem:$0x3FA1]  }
0x30: {  	s3 =	sld [smem:$0x3FA4]  }
0x31: {  	[smem:$0x3FAD] =	sst s10  }
0x32: {  	s10 =	sld [smem:$0x3FAB];
	_ =	sdelay $0x3  }
0x33: {  	p0 =	seq.s32 s10, $0x1;
	s10 =	sld [smem:$0x3FAD];
	_ =	sdelay $0x3  }
0x34: {  	[smem:$0x3FAD] =	sst s10  }
0x35: {  	s10 =	sld [smem:$0x3FAC];
	_ =	sdelay $0x3  }
0x36: {  	p1 =	seq.s32 s10, $0x1;
	s10 =	sld [smem:$0x3FAD];
	_ =	sdelay $0x3  }
0x37: {  	[smem:$0x3FAD] =	sst s10  }
0x38: {  	s10 =	sld [smem:$0x3FAE]  }
0x39: {  	_ = 	snop;
	(pc) =	sbr.ind lr, $3  }
0x3a: {  	_ = 	snop  }
0x3b: {  	_ = 	snop  }
0x3c: {  	p2 =	seq.s32 s10, $0x1;
	s10 =	sld [smem:$0x3FAD]  }
0x3d: {  	_ =	shalt  }
0x3e: {  	_ =	shalt  }
0x3f: {  	_ =	shalt  }
0x40: {  	_ =	shalt  }
0x41: {  	_ =	shalt  }
0x42: {  	_ =	shalt  }
0x43: {  	_ =	shalt  }
0x44: {  	_ =	shalt  }
0x45: {  	_ =	shalt  }
0x46: {  	_ =	shalt  }
0x47: {  	_ =	shalt  }
0x48: {  	_ =	shalt  }
0x49: {  	_ =	shalt  }
0x4a: {  	_ =	shalt  }
0x4b: {  	_ =	shalt  }
0x4c: {  	_ =	shalt  }
0x4d: {  	_ =	shalt  }
0x4e: {  	_ =	shalt  }
0x4f: {  	_ =	shalt  }
0x50: {  	_ =	shalt  }
0x51: {  	_ =	shalt  }
0x52: {  	_ =	shalt  }
0x53: {  	_ =	shalt  }
0x54: {  	_ =	shalt  }
0x55: {  	_ =	shalt  }
0x56: {  	_ =	shalt  }
0x57: {  	_ =	shalt  }
0x58: {  	_ =	shalt  }
0x59: {  	_ =	shalt  }
0x5a: {  	_ =	shalt  }
0x5b: {  	_ =	shalt  }
0x5c: {  	_ =	shalt  }
0x5d: {  	_ =	shalt  }
0x5e: {  	_ =	shalt  }
0x5f: {  	_ =	shalt  }
0x60: {  	_ =	shalt  }
0x61: {  	_ =	shalt  }
0x62: {  	_ =	shalt  }
0x63: {  	_ =	shalt  }
0x64: {  	_ =	shalt  }
0x65: {  	_ =	shalt  }
0x66: {  	_ =	shalt  }
0x67: {  	_ =	shalt  }
0x68: {  	_ =	shalt  }
0x69: {  	_ =	shalt  }
0x6a: {  	_ =	shalt  }
0x6b: {  	_ =	shalt  }
0x6c: {  	_ =	shalt  }
0x6d: {  	_ =	shalt  }
0x6e: {  	_ =	shalt  }
0x6f: {  	_ =	shalt  }
0x70: {  	_ =	shalt  }
0x71: {  	_ =	shalt  }
0x72: {  	_ =	shalt  }
0x73: {  	_ =	shalt  }
0x74: {  	_ =	shalt  }
0x75: {  	_ =	shalt  }
0x76: {  	_ =	shalt  }
0x77: {  	_ =	shalt  }
0x78: {  	_ =	shalt  }
0x79: {  	_ =	shalt  }
0x7a: {  	_ =	shalt  }
0x7b: {  	_ =	shalt  }
0x7c: {  	_ =	shalt  }
0x7d: {  	_ =	shalt  }
0x7e: {  	_ =	shalt  }
0x7f: {  	_ =	shalt  }
0x80: {  	_ =	shalt  }
0x81: {  	_ =	shalt  }
0x82: {  	_ =	shalt  }
0x83: {  	_ =	shalt  }
0x84: {  	_ =	shalt  }
0x85: {  	_ =	shalt  }
0x86: {  	_ =	shalt  }
0x87: {  	_ =	shalt  }
.Lfunc_end0:
.L_simem_size_0:
called_computation.1_lowered:
.L_overlay_start_0:
0x88: {  	s2 =	sld [smem:$0x3FD9]  }
0x89: {  	s3 =	sld [smem:$0x3FFE];
	_ =	sdelay $0x1  }
0x8a: {  	s1 =	srdreg.scid  }
0x8b: {  	s0 =	sand.u32 $0x1, s1  }
0x8c: {  	s16 =	sshll.u32 s0, $0xA;
	s2 =	sadd.s32 s3, s2  }
0x8d: {  	s2 =	sadd.s32 s2, s16  }
0x8e: {  	[smem:$0x3FB9] =	sst s2  }
0x8f: {  	_ = 	snop  }
0x90: {  	(tm) =	ssettm $0x1  }
0x91: {  	s17 =	sld [smem:$0x3FFB];
	_ =	sdelay $0x3  }
0x92: {  	_ =	strace s17  }
0x93: {  	s2 =	sld [smem:$0x3FFC];
	_ =	sdelay $0x3  }
0x94: {  	_ =	strace s2  }
0x95: {  	s2 =	sld [smem:$0x3FFD];
	_ =	sdelay $0x3  }
0x96: {  	_ =	strace s2  }
0x97: {  	_ =	strace $0x8FFFFFFF  }
0x98: {  	s18 =	sld [smem:$0x3FDB];
	_ =	sdelay $0x1  }
0x99: {  	s19 =	simm.s32 $_scs_section_size  }
0x9a: {  	s4 =	simm.s32 $_size__tile_overlayer_lowered;
	s5 =	simm.s32 $_tile_overlayer_lowered  }
0x9b: {  	s22 =	simm.s32 $0x1BFF;
	s21 =	sshll.u32 s5, $0x1;
	s2 =	sadd.s32 s19, s18  }
0x9c: {  	s6 =	simm.s32 $0x0;
	s20 =	sshll.u32 s4, $0x1;
	s4 =	sadd.s32 s21, s2  }
0x9d: {  	[timem:s6], [sflag:s22] =	dma.local [hbm:s4], s20  }
0x9e: {  	_ =	swait.ge [sflag:s22], s20  }
0x9f: {  	s3 =	ssub.s32 $0x0, s20;
	[sflag:s22] =	ssyncset.done $0x0  }
0xa0: {  	[sflag:s22] =	ssyncadd.s32 s3;
	_ =	sdelay $0x1  }
0xa1: {  	s23 =	simm.s32 $0x1B8B  }
0xa2: {  	_ =	swait.ge [sflag:s23], $0x1  }
0xa3: {  	[sflag:s23] =	ssyncset.done $0x0  }
0xa4: {  	s25 =	simm.s32 $0x1B8E;
	s24 =	sld [smem:$0x3FFE];
	[sflag:s23] =	ssyncadd.s32 $0xFFFFFFFF  }
0xa5: {  	s26 =	simm.s32 $execute0_lowered;
	[smem:$0x3FD2] =	sst s25  }
0xa6: {  	s4 =	sshll.u32 s26, $0x1;
	_ =	strace $0x80000046;
	[dreg:$0x1] =	wrdreg $0xFFFFFFFF  }
0xa7: {  	s28 =	simm.s32 $_size_execute0_lowered;
	s2 =	sadd.s32 s2, s4;
	[dreg:$0x0] =	wrdreg $0x0  }
0xa8: {  	s4 =	sshll.u32 s28, $0x1;
	[dreg:$0x2] =	wrdreg s2  }
0xa9: {  	[dreg:$0x3] =	wrdreg s4  }
0xaa: {  	[dreg:$0x4] =	wrdreg $0xC0  }
0xab: {  	_ =	task [dreg:s6], $0x5FFFF  }
0xac: {  	[dreg:$0x1] =	wrdreg $0xFFFFFFFF  }
0xad: {  	[dreg:$0x0] =	wrdreg $0x60  }
0xae: {  	[dreg:$0x2] =	wrdreg s24  }
0xaf: {  	[dreg:$0x3] =	wrdreg $0xA  }
0xb0: {  	_ =	task.clear_ibuf [dreg:s6], $0x4FFFF;
	_ =	strace $0x90000046  }
0xb1: {  	s29 =	simm.s32 $0xA;
	_ =	strace $0x80000048  }
0xb2: {  	_ =	swait.ge [sflag:s29], $0x1  }
0xb3: {  	[sflag:s29] =	ssyncadd.s32 $0xFFFFFFFF  }
0xb4: {  	_ =	strace $0x90000048  }
0xb5: {  	_ =	sfence  }
0xb6: {  	s30 =	sld [smem:$0x0];
	_ =	sdelay $0x2  }
0xb7: {  	s31 =	sshll.u32 s1, $0xD;
	s1 =	sshrl.u32 s1, $0x2  }
0xb8: {  	s3 =	sand.u32 $0x4000, s31;
	s1 =	sadd.s32 s1, s30  }
0xb9: {  	s0 =	sor.u32 s3, s0;
	s1 =	sshll.u32 s1, $0x11  }
0xba: {  	s0 =	sor.u32 s1, s0  }
0xbb: {  	s0 =	sadd.s32 $0x8F2B, s0  }
0xbc: {  	[sflag:s0] =	ssyncadd.remote.s32 $0x1  }
0xbd: {  	_ =	sfence.sel $0xFFFF  }
0xbe: {  	[dreg:$0x0] =	wrdreg $0xFFFFFFFF;
	(pc) =	sbr.abs _section_cstart, $3  }
0xbf: {  	[dreg:$0x1] =	wrdreg $0xFFFFFFFF  }
0xc0: {  	_ =	task.clear_ibuf [dreg:s6], $0x2FFFF;
	_ =	strace $0x9FFFFFFF  }
0xc1: {  	(tm) =	ssettm $0x7FFFFFFF  }
tec
execute0_lowered:
.L_overlay_start_1:
0x0: {  	(tag) =	ssettag $0x1  }
0x1: {  	s1 =	srdreg.scid  }
0x2: {  	s0 =	stileid.u32;
	s4 =	rddreg [dreg:$0x0];
	s2 =	simm.s32 $0x0  }
0x3: {  	s19 =	simm.s32 $0x10;
	s20 =	simm.s32 $0x80;
	s21 =	simm.s32 $0x5  }
0x4: {  	s10 =	sand.u32 $0x1, s1;
	s11 =	sshll.u32 s0, $0x1;
	s25 =	smul.u32 $0xC8, s0  }
0x5: {  	s7 =	sshrl.u32 s0, $0x2;
	[smem:$0x7FF] =	sst s2;
	s28 =	smul.u32 $0x640, s0  }
0x6: {  	s12 =	sadd.s32 $0x4E00, s4;
	s29 =	sshll.u32 s0, $0x5;
	s16 =	smul.u32 $0x1900, s7  }
0x7: {  	p1 =	sgt.u32 s0, $0x7;
	s3 =	sor.u32 s10, s11;
	s24 =	smul.u32 $0x19000, s7  }
0x8: {  	s5 =	sor.u32 $0xF8, s7;
	_ =	strace $0x80000047;
	s26 =	smul.u32 $0x64, s10  }
0x9: {  	s9 =	ssub.s32 $0x2, s10;
	s18 =	smul.u32 $0x320, s10;
	s30 =	sshll.u32 s10, $0x4  }
0xa: {  	s10 =	sshrl.u32 s11, $0x3;
	s13 =	sand.u32 $0x7, s3;
	s6 =	smul.u32 $0x1900, s5  }
0xb: {  	s3 =	sadd.s32 $0x66A00, s4;
	s5 =	smul.u32 $0x19000, s5;
	s4 =	sadd.s32 $0x1ED600, s4  }
0xc: {  	s14 =	sshrl.u32 s9, $0x1;
	s11 =	sor.u32 s30, s29;
	s8 =	smul.u32 $0x320, s13  }
0xd: {  	s15 =	sshll.u32 s13, $0x4;
	s9 =	ssub.s32 s9, s14;
	p0 =	sne.s32 s13, $0x0  }
0xe: {  	s13 =	simm.s32 $0x320;
	s5 =	sor.u32 s5, s15;
	s7 =	smax.u32 s9, $0x1  }
0xf: {  	s14 =	sor.u32 s15, s24;
	s9 =	sadd.s32 s26, s25;
	s15 =	simm.s32 $0x640  }
0x10: {  	s24 =	simm.s32 $0x0;
	s6 =	sadd.s32 s6, s8;
	s22 =	sshrl.u32 s5, $0x3  }
0x11: {  	s8 =	sadd.s32 s8, s16;
	s14 =	sadd.s32 $0x64000, s14;
	s16 =	sadd.s32 s18, s28  }
0x12: {  	s18 =	simm.s32 $0x2;
	s6 =	sshrl.u32 s6, $0x3;
	s8 =	sadd.s32 $0x6400, s8  }
0x13: {  	s14 =	sshrl.u32 s14, $0x3;
	s31 =	sshrl.u32 s16, $0x3;
	s16 =	simm.s32 $0x4  }
0x14: {  	s23 =	sadd.s32 s12, s6;
	s6 =	sadd.s32 s4, s22;
	s8 =	sshrl.u32 s8, $0x3  }
0x15: {  	s22 =	simm.s32 $0x3;
	[dreg:$0x3] =	wrdreg s23;
	s17 =	sadd.s32 s8, s12  }
0x16: {  	s8 =	sadd.s32 s14, s4;
	s12 =	sadd.s32 s31, s12;
	s14 =	simm.s32 $0x1  }
0x17: {  	s23 =	simm.s32 $0x6;
	[dreg:$0x2] =	wrdreg s17;
	s17 =	simm.s32 $0x3840  }
.LBB2_1:
0x18: {  	s25 =	rddreg [dreg:$0x2];
	s26 =	sadd.s32 $0x0, s12  }
0x19: {  	[tilespmem:s2], [sflag:$0x1] =	stream.linear.gather [hbm4b:s26+s2], $0x320, $0x38;
	[tilespmem:$0x6A40] =	vst v63  }
0x1a: {  	s30 =	sadd.s32 $0x0, s9;
	s25 =	sadd.s32 $0x0, s25  }
0x1b: {  	[tilespmem:s13], [sflag:$0x4] =	stream.linear.gather [hbm4b:s25+s2], $0x320, $0x38;
	[tilespmem:$0x6A40] =	vst v63  }
0x1c: {  	p2 =	seq.s32 s30, $0x0;
	_ =	swait.ge [sflag:s14], $0x320  }
0x1d: {  	p2 =	por !p0, !p2;
	[sflag:s14] =	ssyncset.done $0x0  }
0x1e: {  	p2 =	por !p2, !p2;
	s25 =	simm.s32 $0x1;
	[sflag:s14] =	ssyncadd.s32 $0xFFFFFCE0  }
0x1f: {  	[tilespmem:s15], [sflag:$0x2] =	stream.indirect.gather [hbm4b:s3+s13], $0x10, s2, s13, $0xb8;
	[tilespmem:$0x6A40] =	vst v63  }
0x20: {  	s25 =	simm.s32 @!p2 $0x0;
	_ =	swait.ge [sflag:s16], $0x320  }
0x21: {  	s25 =	ssub.s32 s10, s25;
	[sflag:s16] =	ssyncset.done $0x0  }
0x22: {  	s25 =	smul.u32 $0x18F80, s25;
	[sflag:s16] =	ssyncadd.s32 $0xFFFFFCE0  }
0x23: {  	[tilespmem:s17], [sflag:$0x5] =	stream.indirect.gather [hbm4b:s3+s13], $0x10, s13, s13, $0xb8;
	[tilespmem:$0x6A40] =	vst v63  }
0x24: {  	s25 =	sadd.s32 s25, s11;
	_ =	swait.ge [sflag:s18], $0x3200  }
0x25: {  	s25 =	sshrl.u32 s25, $0x3;
	[sflag:s18] =	ssyncset.done $0x0  }
0x26: {  	s25 =	sadd.s32 s4, s25;
	[sflag:s18] =	ssyncadd.s32 $0xFFFFCE00  }
0x27: {  	[hbm4b:s25+s19] =	stream.strided.scatter [tilespmem:s15], [sflag:$0x3], $0x3200, s20, s19, $0x38;
	[tilespmem:$0x6A40] =	vst v63  }
0x28: {  	_ =	swait.ge [sflag:s21], $0x3200  }
0x29: {  	s29 =	simm.s32 $0x1900;
	[sflag:s21] =	ssyncset.done $0x0  }
0x2a: {  	s31 =	simm.s32 $0x3200;
	s28 =	sadd.s32 $0x8, s10;
	[sflag:s21] =	ssyncadd.s32 $0xFFFFCE00  }
0x2b: {  	[hbm4b:s8+s19] =	stream.strided.scatter [tilespmem:s17], [sflag:$0x6], $0x3200, s20, s19, $0x38;
	[tilespmem:$0x6A40] =	vst v63  }
0x2c: {  	s26 =	sadd.s32 $0x400, s11;
	s25 =	sadd.s32 $0x19000, s8;
	_ =	swait.ge [sflag:s22], $0x3200  }
.LBB2_2:
0x2d: {  	[sflag:s22] =	ssyncset.done $0x0  }
0x2e: {  	[sflag:s22] =	ssyncadd.s32 $0xFFFFCE00  }
0x2f: {  	s1 =	sadd.s32 s29, s12;
	s0 =	smov.u32 s31;
	_ =	swait.ge [sflag:s23], $0x3200  }
0x30: {  	s30 =	sadd.s32 $0x1900, s31;
	p2 =	sne.s32 s31, $0x2EE00;
	[sflag:s23] =	ssyncset.done $0x0  }
0x31: {  	s5 =	sadd.s32 s29, s9;
	s31 =	rddreg [dreg:$0x2];
	[sflag:s23] =	ssyncadd.s32 $0xFFFFCE00  }
0x32: {  	[tilespmem:s2], [sflag:$0x1] =	stream.linear.gather [hbm4b:s1+s2], $0x320, $0x38;
	[tilespmem:$0x6A40] =	vst v63  }
0x33: {  	p3 =	seq.s32 s5, $0x0;
	s5 =	sadd.s32 s29, s31  }
0x34: {  	[tilespmem:s13], [sflag:$0x4] =	stream.linear.gather [hbm4b:s5+s2], $0x320, $0x38;
	[tilespmem:$0x6A40] =	vst v63  }
0x35: {  	p3 =	por !p0, !p3;
	_ =	swait.ge [sflag:s14], $0x320  }
0x36: {  	p3 =	por !p3, !p3;
	[sflag:s14] =	ssyncset.done $0x0  }
0x37: {  	s29 =	smov.u32 s0;
	s0 =	simm.s32 $0x1;
	[sflag:s14] =	ssyncadd.s32 $0xFFFFFCE0  }
0x38: {  	[tilespmem:s15], [sflag:$0x2] =	stream.indirect.gather [hbm4b:s3+s13], $0x10, s2, s13, $0xb8;
	[tilespmem:$0x6A40] =	vst v63  }
0x39: {  	s0 =	simm.s32 @!p3 $0x0;
	_ =	swait.ge [sflag:s16], $0x320  }
0x3a: {  	s0 =	ssub.s32 s28, s0;
	[sflag:s16] =	ssyncset.done $0x0  }
0x3b: {  	s0 =	smul.u32 $0x18F80, s0;
	[sflag:s16] =	ssyncadd.s32 $0xFFFFFCE0  }
0x3c: {  	[tilespmem:s17], [sflag:$0x5] =	stream.indirect.gather [hbm4b:s3+s13], $0x10, s13, s13, $0xb8;
	[tilespmem:$0x6A40] =	vst v63  }
0x3d: {  	s0 =	sadd.s32 s0, s26;
	_ =	swait.ge [sflag:s18], $0x3200  }
0x3e: {  	s0 =	sshrl.u32 s0, $0x3;
	[sflag:s18] =	ssyncset.done $0x0  }
0x3f: {  	s0 =	sadd.s32 s4, s0;
	[sflag:s18] =	ssyncadd.s32 $0xFFFFCE00  }
0x40: {  	[hbm4b:s0+s19] =	stream.strided.scatter [tilespmem:s15], [sflag:$0x3], $0x3200, s20, s19, $0x38;
	[tilespmem:$0x6A40] =	vst v63  }
.Ltmp0:
0x41: {  	_ =	swait.ge [sflag:s21], $0x3200;
	(pc) =	sbr.rel @p2 .LBB2_2-.Ltmp0, $4  }
0x42: {  	[sflag:s21] =	ssyncset.done $0x0  }
0x43: {  	s31 =	smov.u32 s30;
	s28 =	sadd.s32 $0x8, s28;
	[sflag:s21] =	ssyncadd.s32 $0xFFFFCE00  }
0x44: {  	[hbm4b:s25+s19] =	stream.strided.scatter [tilespmem:s17], [sflag:$0x6], $0x3200, s20, s19, $0x38;
	[tilespmem:$0x6A40] =	vst v63  }
0x45: {  	s26 =	sadd.s32 $0x400, s26;
	s25 =	sadd.s32 $0x19000, s25;
	_ =	swait.ge [sflag:s22], $0x3200  }
0x46: {  	[sflag:s22] =	ssyncset.done $0x0  }
0x47: {  	[sflag:s22] =	ssyncadd.s32 $0xFFFFCE00  }
0x48: {  	_ =	swait.ge [sflag:s23], $0x3200  }
0x49: {  	[sflag:s23] =	ssyncset.done $0x0  }
0x4a: {  	s1 =	sadd.s32 s29, s12;
	s0 =	rddreg [dreg:$0x2];
	[sflag:s23] =	ssyncadd.s32 $0xFFFFCE00  }
0x4b: {  	[tilespmem:s2], [sflag:$0x1] =	stream.linear.gather [hbm4b:s1+s2], $0x320, $0x38;
	[tilespmem:$0x6A40] =	vst v63  }
0x4c: {  	s31 =	sadd.s32 s29, s9;
	s0 =	sadd.s32 s29, s0  }
0x4d: {  	[tilespmem:s13], [sflag:$0x4] =	stream.linear.gather [hbm4b:s0+s2], $0x320, $0x38;
	[tilespmem:$0x6A40] =	vst v63  }
0x4e: {  	p2 =	seq.s32 s31, $0x0;
	_ =	swait.ge [sflag:s14], $0x320  }
0x4f: {  	p2 =	por !p0, !p2;
	[sflag:s14] =	ssyncset.done $0x0  }
0x50: {  	p2 =	por !p2, !p2;
	s0 =	simm.s32 $0x1;
	[sflag:s14] =	ssyncadd.s32 $0xFFFFFCE0  }
0x51: {  	[tilespmem:s15], [sflag:$0x2] =	stream.indirect.gather [hbm4b:s3+s13], $0x10, s2, s13, $0xb8;
	[tilespmem:$0x6A40] =	vst v63  }
0x52: {  	s0 =	simm.s32 @!p2 $0x0;
	_ =	swait.ge [sflag:s16], $0x320  }
0x53: {  	s0 =	ssub.s32 s28, s0;
	[sflag:s16] =	ssyncset.done $0x0  }
0x54: {  	s0 =	smul.u32 $0x18F80, s0;
	[sflag:s16] =	ssyncadd.s32 $0xFFFFFCE0  }
0x55: {  	[tilespmem:s17], [sflag:$0x5] =	stream.indirect.gather [hbm4b:s3+s13], $0x10, s13, s13, $0xb8;
	[tilespmem:$0x6A40] =	vst v63  }
0x56: {  	s0 =	sadd.s32 s0, s26;
	_ =	swait.ge [sflag:s18], $0x3200  }
0x57: {  	s0 =	sshrl.u32 s0, $0x3;
	[sflag:s18] =	ssyncset.done $0x0  }
0x58: {  	s0 =	sadd.s32 s4, s0;
	[sflag:s18] =	ssyncadd.s32 $0xFFFFCE00  }
0x59: {  	[hbm4b:s0+s19] =	stream.strided.scatter [tilespmem:s15], [sflag:$0x3], $0x3200, s20, s19, $0x38;
	[tilespmem:$0x6A40] =	vst v63  }
0x5a: {  	_ =	swait.ge [sflag:s21], $0x3200  }
0x5b: {  	[sflag:s21] =	ssyncset.done $0x0  }
0x5c: {  	[sflag:s21] =	ssyncadd.s32 $0xFFFFCE00  }
0x5d: {  	[hbm4b:s25+s19] =	stream.strided.scatter [tilespmem:s17], [sflag:$0x6], $0x3200, s20, s19, $0x38;
	[tilespmem:$0x6A40] =	vst v63  }
0x5e: {  	_ =	swait.ge [sflag:s22], $0x3200  }
0x5f: {  	[sflag:s22] =	ssyncset.done $0x0  }
0x60: {  	[sflag:s22] =	ssyncadd.s32 $0xFFFFCE00  }
0x61: {  	_ =	swait.ge [sflag:s23], $0x3200  }
0x62: {  	[sflag:s23] =	ssyncset.done $0x0  }
0x63: {  	s0 =	simm.s32 @!p1 $0x0;
	s1 =	rddreg [dreg:$0x3];
	[sflag:s23] =	ssyncadd.s32 $0xFFFFCE00  }
0x64: {  	[tilespmem:s0], [sflag:$0x7] =	stream.linear.gather @!p1 [hbm4b:s1+s0], $0x320, $0x38;
	[tilespmem:$0x6A40] =	vst v63  }
0x65: {  	s1 =	simm.s32 @!p1 $0x7  }
0x66: {  	_ =	swait.ge @!p1 [sflag:s1], $0x320  }
0x67: {  	[sflag:s1] =	ssyncset.done @!p1 $0x0  }
0x68: {  	s5 =	simm.s32 @!p1 $0x320;
	s25 =	simm.s32 @!p1 $0x640;
	[sflag:s1] =	ssyncadd.s32 @!p1 $0xFFFFFCE0  }
0x69: {  	[tilespmem:s25], [sflag:$0x2] =	stream.indirect.gather @!p1 [hbm4b:s3+s5], $0x10, s0, s5, $0xb8;
	[tilespmem:$0x6A40] =	vst v63  }
0x6a: {  	s0 =	simm.s32 @!p1 $0x2  }
0x6b: {  	s24 =	sadd.s32 $0x1, s24;
	_ =	swait.ge @!p1 [sflag:s0], $0x3200  }
0x6c: {  	p2 =	sne.s32 s24, s7;
	s5 =	simm.s32 @!p1 $0x80;
	[sflag:s0] =	ssyncset.done @!p1 $0x0  }
.Ltmp1:
0x6d: {  	[sflag:s0] =	ssyncadd.s32 @!p1 $0xFFFFCE00;
	s0 =	simm.s32 @!p1 $0x10;
	(pc) =	sbr.rel @p2 .LBB2_1-.Ltmp1, $4  }
0x6e: {  	[hbm4b:s6+s0] =	stream.strided.scatter @!p1 [tilespmem:s25], [sflag:$0x7], $0x3200, s5, s0, $0x38;
	[tilespmem:$0x6A40] =	vst v63  }
0x6f: {  	_ =	swait.ge @!p1 [sflag:s1], $0x3200  }
0x70: {  	[sflag:s1] =	ssyncset.done @!p1 $0x0  }
0x71: {  	[sflag:s1] =	ssyncadd.s32 @!p1 $0xFFFFCE00  }
0x72: {  	_ =	sfence.sel $0x180000  }
0x73: {  	[bflag:$0x0] =	sbarrier.arrive $0xFFFF  }
0x74: {  	_ =	strace $0x90000047  }
0x75: {  	s0 =	stileid.u32;
	[bflag:$0x2] =	sbarrier.arrive $0xFFFF  }
0x76: {  	p0 =	sne.s32 s0, $0x0;
	s0 =	rddreg [dreg:$0x1]  }
0x77: {  	s0 =	sadd.s32 @!p0 $0x100000, s0  }
0x78: {  	[sflag:s0] =	ssyncadd.tile.s32 @!p0 $0x1;
	_ =	shalt  }
.Lfunc_end2:
_tile_overlayer_lowered:
.L_overlay_start_2:
0x79: {  	(tag) =	ssettag $0x2  }
0x7a: {  	s0 =	rddreg [dreg:$0x0];
	s2 =	stileid.u32  }
0x7b: {  	s1 =	rddreg [dreg:$0x1];
	p0 =	sne.s32 s2, $0x0  }
0x7c: {  	s3 =	rddreg [dreg:$0x2];
	[bflag:$0x3] =	sbarrier.arrive $0xFFFF;
	s2 =	simm.s32 @!p0 $0x1C07  }
0x7d: {  	[timem:s3], [sflag:s2] =	dma.local @!p0 [hbm:s0], s1  }
0x7e: {  	s0 =	simm.s32 @!p0 $0x7  }
0x7f: {  	_ =	swait.ge @!p0 [sflag:s0], s1  }
0x80: {  	s1 =	ssub.s32 @!p0 $0x0, s1;
	[sflag:s0] =	ssyncset.done @!p0 $0x0  }
0x81: {  	[sflag:s0] =	ssyncadd.s32 @!p0 s1  }
0x82: {  	[bflag:$0x3] =	sbarrier.arrive $0xFFFF  }
0x83: {  	_ =	shalt  }

// kernel: kernel.18.cloned.1.call-start
scs
__scs_entry_jumppad:
0x0: {  	(pc) =	sbr.rel $0x88, $3  }
0x1: {  	(tag) =	ssettag $0x0;
	lr =	simm.s32 $0x1  }
0x2: {  	[smem:$0x3F92] =	sst lr;
	_ =	strace $0xD0000000  }
0x3: {  	_ = 	snop  }
0x4: {  	_ = 	snop  }
0x5: {  	_ = 	snop  }
0x6: {  	_ = 	snop  }
0x7: {  	_ = 	snop  }
__scs_overlays_trampoline_lowered:
0x8: {  	[smem:$0x3FA1] =	sst s0  }
0x9: {  	[smem:$0x3FA2] =	sst s1  }
0xa: {  	[smem:$0x3FA3] =	sst s2  }
0xb: {  	[smem:$0x3FA4] =	sst s3  }
0xc: {  	[smem:$0x3FA5] =	sst s4  }
0xd: {  	[smem:$0x3FA6] =	sst s5  }
0xe: {  	[smem:$0x3FA7] =	sst s6  }
0xf: {  	[smem:$0x3FA8] =	sst s7  }
0x10: {  	[smem:$0x3FA9] =	sst s8  }
0x11: {  	[smem:$0x3FAA] =	sst s9;
	s0 =	simm.s32 @!p0 $0x0  }
0x12: {  	s1 =	sld [smem:$0x3F90];
	s0 =	simm.s32 @p0 $0x1  }
0x13: {  	[smem:$0x3FAB] =	sst s0;
	s0 =	simm.s32 @!p1 $0x0  }
0x14: {  	s2 =	sld [smem:$0x3F8F];
	s0 =	simm.s32 @p1 $0x1  }
0x15: {  	[smem:$0x3FAC] =	sst s0;
	s0 =	simm.s32 @!p2 $0x0  }
0x16: {  	s3 =	sld [smem:$0x3FDB];
	s0 =	simm.s32 @p2 $0x1  }
0x17: {  	s4 =	simm.s32 $0x1BF5;
	[smem:$0x3FAE] =	sst s0  }
0x18: {  	s0 =	sld [smem:$0x3F91];
	_ =	swait.ge [sflag:s4], $0x0  }
0x19: {  	s7 =	sld [smem:$0x3F92]  }
0x1a: {  	s8 =	sadd.s32 $0xFFFFE003, lr  }
0x1b: {  	s9 =	sadd.s32 $0xFFFFFEF7, lr;
	s5 =	simm.s32 $0xFFFFFFFF;
	p2 =	slt.u32 s8, $0xFFFFF086  }
0x1c: {  	p1 =	slt.u32 s9, $0xF7A;
	s5 =	simm.s32 @!p2 $0x0  }
0x1d: {  	s5 =	simm.s32 @p1 $0x1;
	p0 =	seq.s32 s7, s2  }
0x1e: {  	s7 =	smul.u32 @!p0 $0xF7A, s2;
	p2 =	seq.s32 @!p0 s5, $0x0  }
0x1f: {  	s9 =	smul.u32 $0xF7A, s1;
	s8 =	simm.s32 @!p0 $0x1BF5;
	p2 =	por !p2, p0  }
0x20: {  	[sflag:s8] =	ssyncset.s32 @!p0 $0xFFFFF086;
	s6 =	sadd.s32 @!p0 s3, s7;
	s7 =	simm.s32 @!p0 $0x108  }
0x21: {  	s3 =	sadd.s32 s3, s9;
	s6 =	sadd.s32 @!p0 $0x88, s6;
	s7 =	simm.s32 @p2 $0x1082  }
0x22: {  	[simem:s7], [sflag:s8] =	dma.local @!p0 [hbm:s6], $0xF7A  }
0x23: {  	s9 =	sor.u32 $0xD0000000, s2;
	s6 =	simm.s32 $0x108;
	_ =	swait.ge @!p0 [sflag:s8], $0x0  }
0x24: {  	s3 =	sadd.s32 $0x88, s3;
	s6 =	simm.s32 @!p1 $0x1082;
	[sflag:s4] =	ssyncset.s32 $0xFFFFF086  }
0x25: {  	[simem:s6], [sflag:s4] =	dma.local [hbm:s3], $0xF7A  }
0x26: {  	[smem:$0x3F92] =	sst s1;
	(tag) =	ssettag s2;
	_ =	strace s9  }
0x27: {  	s1 =	sld [smem:$0x3FA2]  }
0x28: {  	s2 =	sld [smem:$0x3FA3]  }
0x29: {  	s4 =	sld [smem:$0x3FA5]  }
0x2a: {  	p0 =	seq.s32 s5, $0x0;
	s5 =	sld [smem:$0x3FA6]  }
0x2b: {  	s6 =	sld [smem:$0x3FA7]  }
0x2c: {  	s7 =	sld [smem:$0x3FA8]  }
0x2d: {  	s3 =	simm.s32 $0x108;
	s8 =	sld [smem:$0x3FA9]  }
0x2e: {  	s3 =	simm.s32 @!p0 $0x1082;
	s9 =	sld [smem:$0x3FAA]  }
0x2f: {  	lr =	sadd.s32 s0, s3;
	s0 =	sld [smem:$0x3FA1]  }
0x30: {  	s3 =	sld [smem:$0x3FA4]  }
0x31: {  	[smem:$0x3FAD] =	sst s10  }
0x32: {  	s10 =	sld [smem:$0x3FAB];
	_ =	sdelay $0x3  }
0x33: {  	p0 =	seq.s32 s10, $0x1;
	s10 =	sld [smem:$0x3FAD];
	_ =	sdelay $0x3  }
0x34: {  	[smem:$0x3FAD] =	sst s10  }
0x35: {  	s10 =	sld [smem:$0x3FAC];
	_ =	sdelay $0x3  }
0x36: {  	p1 =	seq.s32 s10, $0x1;
	s10 =	sld [smem:$0x3FAD];
	_ =	sdelay $0x3  }
0x37: {  	[smem:$0x3FAD] =	sst s10  }
0x38: {  	s10 =	sld [smem:$0x3FAE]  }
0x39: {  	_ = 	snop;
	(pc) =	sbr.ind lr, $3  }
0x3a: {  	_ = 	snop  }
0x3b: {  	_ = 	snop  }
0x3c: {  	p2 =	seq.s32 s10, $0x1;
	s10 =	sld [smem:$0x3FAD]  }
0x3d: {  	_ =	shalt  }
0x3e: {  	_ =	shalt  }
0x3f: {  	_ =	shalt  }
0x40: {  	_ =	shalt  }
0x41: {  	_ =	shalt  }
0x42: {  	_ =	shalt  }
0x43: {  	_ =	shalt  }
0x44: {  	_ =	shalt  }
0x45: {  	_ =	shalt  }
0x46: {  	_ =	shalt  }
0x47: {  	_ =	shalt  }
0x48: {  	_ =	shalt  }
0x49: {  	_ =	shalt  }
0x4a: {  	_ =	shalt  }
0x4b: {  	_ =	shalt  }
0x4c: {  	_ =	shalt  }
0x4d: {  	_ =	shalt  }
0x4e: {  	_ =	shalt  }
0x4f: {  	_ =	shalt  }
0x50: {  	_ =	shalt  }
0x51: {  	_ =	shalt  }
0x52: {  	_ =	shalt  }
0x53: {  	_ =	shalt  }
0x54: {  	_ =	shalt  }
0x55: {  	_ =	shalt  }
0x56: {  	_ =	shalt  }
0x57: {  	_ =	shalt  }
0x58: {  	_ =	shalt  }
0x59: {  	_ =	shalt  }
0x5a: {  	_ =	shalt  }
0x5b: {  	_ =	shalt  }
0x5c: {  	_ =	shalt  }
0x5d: {  	_ =	shalt  }
0x5e: {  	_ =	shalt  }
0x5f: {  	_ =	shalt  }
0x60: {  	_ =	shalt  }
0x61: {  	_ =	shalt  }
0x62: {  	_ =	shalt  }
0x63: {  	_ =	shalt  }
0x64: {  	_ =	shalt  }
0x65: {  	_ =	shalt  }
0x66: {  	_ =	shalt  }
0x67: {  	_ =	shalt  }
0x68: {  	_ =	shalt  }
0x69: {  	_ =	shalt  }
0x6a: {  	_ =	shalt  }
0x6b: {  	_ =	shalt  }
0x6c: {  	_ =	shalt  }
0x6d: {  	_ =	shalt  }
0x6e: {  	_ =	shalt  }
0x6f: {  	_ =	shalt  }
0x70: {  	_ =	shalt  }
0x71: {  	_ =	shalt  }
0x72: {  	_ =	shalt  }
0x73: {  	_ =	shalt  }
0x74: {  	_ =	shalt  }
0x75: {  	_ =	shalt  }
0x76: {  	_ =	shalt  }
0x77: {  	_ =	shalt  }
0x78: {  	_ =	shalt  }
0x79: {  	_ =	shalt  }
0x7a: {  	_ =	shalt  }
0x7b: {  	_ =	shalt  }
0x7c: {  	_ =	shalt  }
0x7d: {  	_ =	shalt  }
0x7e: {  	_ =	shalt  }
0x7f: {  	_ =	shalt  }
0x80: {  	_ =	shalt  }
0x81: {  	_ =	shalt  }
0x82: {  	_ =	shalt  }
0x83: {  	_ =	shalt  }
0x84: {  	_ =	shalt  }
0x85: {  	_ =	shalt  }
0x86: {  	_ =	shalt  }
0x87: {  	_ =	shalt  }
.Lfunc_end0:
.L_simem_size_0:
called_computation.2_lowered:
.L_overlay_start_0:
0x88: {  	s2 =	sld [smem:$0x3FD9]  }
0x89: {  	s3 =	sld [smem:$0x3FFE];
	_ =	sdelay $0x1  }
0x8a: {  	s1 =	srdreg.scid  }
0x8b: {  	s0 =	sand.u32 $0x1, s1  }
0x8c: {  	s17 =	sshll.u32 s0, $0xA;
	s2 =	sadd.s32 s3, s2  }
0x8d: {  	s2 =	sadd.s32 s2, s17  }
0x8e: {  	[smem:$0x3FB9] =	sst s2  }
0x8f: {  	_ = 	snop  }
0x90: {  	(tm) =	ssettm $0x1  }
0x91: {  	s18 =	sld [smem:$0x3FFB];
	_ =	sdelay $0x3  }
0x92: {  	_ =	strace s18  }
0x93: {  	s2 =	sld [smem:$0x3FFC];
	_ =	sdelay $0x3  }
0x94: {  	_ =	strace s2  }
0x95: {  	s2 =	sld [smem:$0x3FFD];
	_ =	sdelay $0x3  }
0x96: {  	_ =	strace s2  }
0x97: {  	_ =	strace $0x8FFFFFFF  }
0x98: {  	s19 =	sld [smem:$0x3FDB];
	_ =	sdelay $0x1  }
0x99: {  	s20 =	simm.s32 $_scs_section_size  }
0x9a: {  	s4 =	simm.s32 $_size__tile_overlayer_lowered;
	s5 =	simm.s32 $_tile_overlayer_lowered  }
0x9b: {  	s6 =	simm.s32 $0x1BFF;
	s21 =	sshll.u32 s5, $0x1;
	s3 =	sadd.s32 s20, s19  }
0x9c: {  	s22 =	simm.s32 $0x0;
	s4 =	sshll.u32 s4, $0x1;
	s5 =	sadd.s32 s21, s3  }
0x9d: {  	[timem:s22], [sflag:s6] =	dma.local [hbm:s5], s4  }
0x9e: {  	_ =	swait.ge [sflag:s6], s4  }
0x9f: {  	s4 =	ssub.s32 $0x0, s4;
	[sflag:s6] =	ssyncset.done $0x0  }
0xa0: {  	[sflag:s6] =	ssyncadd.s32 s4;
	_ =	sdelay $0x1  }
0xa1: {  	s23 =	simm.s32 $0x1B8B  }
0xa2: {  	_ =	swait.ge [sflag:s23], $0x1  }
0xa3: {  	[sflag:s23] =	ssyncset.done $0x0  }
0xa4: {  	[sflag:s23] =	ssyncadd.s32 $0xFFFFFFFF  }
0xa5: {  	s4 =	sld [smem:$0x0]  }
0xa6: {  	s5 =	sand.u32 $0xFFFFFFFE, s1  }
0xa7: {  	p0 =	sne.s32 s1, s5  }
0xa8: {  	s5 =	sshll.u32 @p0 s5, $0xE  }
0xa9: {  	s5 =	sadd.s32 @p0 $0x11B8D, s5;
	s6 =	sshll.u32 @p0 s4, $0x11  }
0xaa: {  	s5 =	sor.u32 @p0 s6, s5  }
0xab: {  	[sflag:s5] =	ssyncadd.remote.s32 @p0 $0x1;
	_ =	sdelay $0x1  }
0xac: {  	s5 =	simm.s32 @p0 $0x1B8D  }
0xad: {  	_ =	swait.eq @p0 [sflag:s5], $0x1  }
0xae: {  	[sflag:s5] =	ssyncadd.s32 @p0 $0xFFFFFFFF  }
0xaf: {  	s6 =	sshll.u32 @!p0 s1, $0xE  }
0xb0: {  	s6 =	sor.u32 @!p0 $0x4000, s6;
	s5 =	simm.s32 @!p0 $0x1B8D  }
0xb1: {  	s4 =	sshll.u32 @!p0 s4, $0x11;
	s6 =	sadd.s32 @!p0 $0x11B8D, s6;
	_ =	swait.eq @!p0 [sflag:s5], $0x1  }
0xb2: {  	s4 =	sor.u32 @!p0 s4, s6;
	[sflag:s5] =	ssyncadd.s32 @!p0 $0xFFFFFFFF  }
0xb3: {  	s25 =	simm.s32 $0x1B8E;
	s24 =	sld [smem:$0x3FFE];
	[sflag:s4] =	ssyncadd.remote.s32 @!p0 $0x1  }
0xb4: {  	s26 =	simm.s32 $execute0_lowered;
	[smem:$0x3FD2] =	sst s25  }
0xb5: {  	s5 =	sshll.u32 s26, $0x1;
	_ =	strace $0x8000004C;
	[dreg:$0x1] =	wrdreg $0xFFFFFFFF  }
0xb6: {  	s28 =	simm.s32 $_size_execute0_lowered;
	s3 =	sadd.s32 s3, s5;
	[dreg:$0x0] =	wrdreg $0x0  }
0xb7: {  	s5 =	sshll.u32 s28, $0x1;
	[dreg:$0x2] =	wrdreg s3  }
0xb8: {  	[dreg:$0x3] =	wrdreg s5  }
0xb9: {  	[dreg:$0x4] =	wrdreg $0xC0  }
0xba: {  	_ =	task [dreg:s22], $0x5FFFF  }
0xbb: {  	[dreg:$0x1] =	wrdreg $0xFFFFFFFF  }
0xbc: {  	[dreg:$0x0] =	wrdreg $0x60  }
0xbd: {  	[dreg:$0x2] =	wrdreg s24  }
0xbe: {  	[dreg:$0x3] =	wrdreg $0xE7400  }
0xbf: {  	[dreg:$0x4] =	wrdreg $0xA  }
0xc0: {  	_ =	task.clear_ibuf [dreg:s22], $0x5FFFF;
	_ =	strace $0x9000004C  }
0xc1: {  	s29 =	simm.s32 $0xA;
	_ =	strace $0x8000004E  }
0xc2: {  	_ =	swait.ge [sflag:s29], $0x1  }
0xc3: {  	[sflag:s29] =	ssyncadd.s32 $0xFFFFFFFF  }
0xc4: {  	_ =	strace $0x9000004E  }
0xc5: {  	_ =	sfence  }
0xc6: {  	s30 =	sld [smem:$0x0];
	_ =	sdelay $0x2  }
0xc7: {  	s31 =	sshll.u32 s1, $0xD;
	s1 =	sshrl.u32 s1, $0x2  }
0xc8: {  	s4 =	sand.u32 $0x4000, s31;
	s1 =	sadd.s32 s1, s30  }
0xc9: {  	s0 =	sor.u32 s4, s0;
	s1 =	sshll.u32 s1, $0x11  }
0xca: {  	s0 =	sor.u32 s1, s0  }
0xcb: {  	s0 =	sadd.s32 $0x8F2B, s0  }
0xcc: {  	[sflag:s0] =	ssyncadd.remote.s32 $0x1  }
0xcd: {  	_ =	sfence.sel $0xFFFF  }
0xce: {  	[dreg:$0x0] =	wrdreg $0xFFFFFFFF;
	(pc) =	sbr.abs _section_cstart, $3  }
0xcf: {  	[dreg:$0x1] =	wrdreg $0xFFFFFFFF  }
0xd0: {  	_ =	task.clear_ibuf [dreg:s22], $0x2FFFF;
	_ =	strace $0x9FFFFFFF  }
0xd1: {  	(tm) =	ssettm $0x7FFFFFFF  }
tec
execute0_lowered:
.L_overlay_start_1:
0x0: {  	(tag) =	ssettag $0x1  }
0x1: {  	s0 =	rddreg [dreg:$0x0]  }
0x2: {  	s2 =	rddreg [dreg:$0x1];
	s16 =	stileid.u32  }
0x3: {  	s1 =	srdreg.scid;
	s5 =	smul.u32 $0xC350, s16  }
0x4: {  	s3 =	simm.s32 $0x0;
	s28 =	simm.s32 $0x3;
	s10 =	smul.u32 $0x30D40, s16  }
0x5: {  	s29 =	simm.s32 $0x6;
	s30 =	simm.s32 $0x0;
	s21 =	smul.u32 $0xC8, s16  }
0x6: {  	s1 =	sand.u32 $0x1, s1;
	[smem:$0x7FF] =	sst s3;
	s23 =	smul.u32 $0x640, s16  }
0x7: {  	s4 =	sadd.s32 $0x4FAA00, s0;
	s11 =	sshrl.u32 s16, $0x2;
	s6 =	smul.u32 $0xC3500, s1  }
0x8: {  	s7 =	sshll.u32 s16, $0x1;
	s8 =	sadd.s32 $0x35C00, s0;
	s17 =	smul.u32 $0x1900, s11  }
0x9: {  	p1 =	sgt.u32 s16, $0x7;
	_ =	strace $0x8000004D;
	s19 =	smul.u32 $0x19000, s11  }
0xa: {  	s9 =	sor.u32 s1, s7;
	s14 =	sor.u32 $0xF8, s11;
	s22 =	smul.u32 $0x64, s1  }
0xb: {  	s12 =	ssub.s32 $0x2, s1;
	s9 =	sand.u32 $0x7, s9;
	s15 =	smul.u32 $0x1900, s14  }
0xc: {  	s25 =	sshrl.u32 s12, $0x1;
	s10 =	sshrl.u32 s10, $0x2;
	s26 =	smul.u32 $0x19000, s14  }
0xd: {  	s6 =	sadd.s32 s5, s6;
	s13 =	smul.u32 $0x320, s9;
	s5 =	sadd.s32 s5, s2  }
0xe: {  	s10 =	sadd.s32 s10, s2;
	s31 =	sshll.u32 s9, $0x4;
	s6 =	sshrl.u32 s6, $0x3  }
0xf: {  	p0 =	sne.s32 s9, $0x0;
	s10 =	sadd.s32 $0x7D00, s10;
	s0 =	sadd.s32 s6, s0  }
0x10: {  	s6 =	ssub.s32 s12, s25;
	[dreg:$0x4] =	wrdreg s10;
	s15 =	sadd.s32 s15, s13  }
0x11: {  	s12 =	sor.u32 s26, s31;
	s20 =	sadd.s32 s13, s17;
	s25 =	smul.u32 $0x320, s1  }
0x12: {  	s13 =	sshrl.u32 s7, $0x3;
	s1 =	sshll.u32 s1, $0x4;
	s17 =	simm.s32 $0x7  }
0x13: {  	s10 =	sshrl.u32 s15, $0x3;
	s12 =	sshrl.u32 s12, $0x3;
	s0 =	sadd.s32 $0xB2000, s0  }
0x14: {  	s6 =	smax.u32 s6, $0x1;
	s10 =	sadd.s32 s8, s10;
	[dreg:$0x7] =	wrdreg s0  }
0x15: {  	s18 =	sadd.s32 s4, s12;
	s0 =	sadd.s32 $0x6400, s20;
	[dreg:$0x8] =	wrdreg s6  }
0x16: {  	s12 =	sadd.s32 s22, s21;
	s26 =	sadd.s32 s25, s23;
	s20 =	simm.s32 $0x10  }
0x17: {  	s21 =	simm.s32 $0x80;
	s22 =	simm.s32 $0x640;
	[dreg:$0x5] =	wrdreg s10  }
0x18: {  	s23 =	simm.s32 $0x3840;
	s25 =	simm.s32 $0x4;
	[dreg:$0x6] =	wrdreg s18  }
0x19: {  	s10 =	sor.u32 s31, s19;
	s0 =	sshrl.u32 s0, $0x3;
	s31 =	sshll.u32 s16, $0x5  }
0x1a: {  	s18 =	simm.s32 $0x320;
	s19 =	simm.s32 $0x1;
	s10 =	sadd.s32 $0x64000, s10  }
0x1b: {  	s0 =	sadd.s32 s0, s8;
	s14 =	sor.u32 s1, s31;
	s24 =	sshrl.u32 s10, $0x3  }
0x1c: {  	[dreg:$0x3] =	wrdreg s0;
	s0 =	sshrl.u32 s26, $0x3;
	s26 =	simm.s32 $0x5  }
0x1d: {  	v0 =	vimm.f32 $0.0e+00;
	s11 =	sadd.s32 s24, s4;
	s15 =	sadd.s32 s0, s8;
	s24 =	simm.s32 $0x2  }
.LBB2_1:
0x1e: {  	s0 =	simm.s32 $0x40;
	s1 =	simm.s32 $0x0  }
.LBB2_2:
0x1f: {  	p2 =	sne.s32 s0, $0x1F3C0;
	[tilespmem:s1+$0x6A40] =	vst v0;
	s1 =	smov.u32 s0;
	s0 =	sadd.s32 $0x40, s0  }
.Ltmp0:
0x20: {  	(pc) =	sbr.rel @p2 .LBB2_2-.Ltmp0, $2  }
0x21: {  	_ =	sdelay $0x2  }
0x22: {  	s1 =	sshra.s32 s1, $0x2  }
0x23: {  	[tilespmem:s1+$0x6A40] =	vst v0;
	s8 =	simm.s32 $0x6A40  }
0x24: {  	[spmem:s5] =	stream.linear.scatter [tilespmem:s8], [sflag:$0x7], $0x7D00, $0x38;
	[tilespmem:$0x1AA90] =	vst v63  }
0x25: {  	s9 =	sadd.s32 $0x0, s12;
	_ =	swait.ge [sflag:s17], $0x7D00  }
0x26: {  	p2 =	seq.s32 s9, $0x0;
	[sflag:s17] =	ssyncset.done $0x0  }
0x27: {  	p2 =	por !p0, !p2;
	s0 =	rddreg [dreg:$0x4];
	[sflag:s17] =	ssyncadd.s32 $0xFFFF8300  }
0x28: {  	[spmem:s0] =	stream.linear.scatter [tilespmem:s8], [sflag:$0x7], $0x4650, $0x38;
	[tilespmem:$0x1AA90] =	vst v63  }
0x29: {  	p2 =	por !p2, !p2;
	s0 =	simm.s32 $0x1  }
0x2a: {  	_ =	swait.ge [sflag:s17], $0x4650;
	s0 =	simm.s32 @!p2 $0x0  }
0x2b: {  	[sflag:s17] =	ssyncset.done $0x0;
	s0 =	ssub.s32 s13, s0  }
0x2c: {  	[sflag:s17] =	ssyncadd.s32 $0xFFFFB9B0;
	s0 =	smul.u32 $0x18F80, s0  }
0x2d: {  	[bflag:$0x0] =	sbarrier.arrive $0xFFFF  }
0x2e: {  	s6 =	sadd.s32 $0x0, s15;
	s10 =	rddreg [dreg:$0x3];
	s0 =	sadd.s32 s0, s14  }
0x2f: {  	[tilespmem:s3], [sflag:$0x1] =	stream.linear.gather [hbm4b:s6+s3], $0x320, $0x38;
	[tilespmem:$0x1AA90] =	vst v63  }
0x30: {  	s0 =	sshrl.u32 s0, $0x3;
	s1 =	sadd.s32 $0x0, s10  }
0x31: {  	[tilespmem:s18], [sflag:$0x4] =	stream.linear.gather [hbm4b:s1+s3], $0x320, $0x38;
	[tilespmem:$0x1AA90] =	vst v63  }
0x32: {  	s0 =	sadd.s32 s4, s0  }
0x33: {  	[tilespmem:s22], [sflag:$0x2] =	stream.strided.gather [hbm4b:s0+s20], $0x3200, s21, s20, $0x38;
	[tilespmem:$0x1AA90] =	vst v63  }
0x34: {  	_ = 	snop  }
0x35: {  	[tilespmem:s23], [sflag:$0x5] =	stream.strided.gather [hbm4b:s11+s20], $0x3200, s21, s20, $0x38;
	[tilespmem:$0x1AA90] =	vst v63  }
0x36: {  	_ =	swait.ge [sflag:s19], $0x320  }
0x37: {  	[sflag:s19] =	ssyncset.done $0x0  }
0x38: {  	[sflag:s19] =	ssyncadd.s32 $0xFFFFFCE0  }
0x39: {  	_ =	swait.ge [sflag:s24], $0x3200  }
0x3a: {  	s16 =	sadd.s32 $0x1900, s12;
	[sflag:s24] =	ssyncset.done $0x0  }
0x3b: {  	s31 =	simm.s32 $0x1900;
	p6 =	seq.s32 s16, $0x0;
	[sflag:s24] =	ssyncadd.s32 $0xFFFFCE00  }
0x3c: {  	[spmem:s2] =	stream.indirect.scatter.add.f32 [tilespmem:s22], [sflag:$0x3], $0x10, s3, s18, $0xb8;
	[tilespmem:$0x1AA90] =	vst v63  }
0x3d: {  	s7 =	simm.s32 $0x3200;
	p2 =	por !p0, !p6;
	_ =	swait.ge [sflag:s25], $0x320  }
0x3e: {  	s8 =	simm.s32 $0x1;
	p2 =	por !p2, !p2;
	[sflag:s25] =	ssyncset.done $0x0  }
0x3f: {  	s8 =	simm.s32 @!p2 $0x0;
	s6 =	sadd.s32 $0x8, s13;
	[sflag:s25] =	ssyncadd.s32 $0xFFFFFCE0  }
0x40: {  	s1 =	sadd.s32 $0x400, s14;
	s0 =	sadd.s32 $0x19000, s11;
	_ =	swait.ge [sflag:s26], $0x3200  }
.LBB2_4:
0x41: {  	[sflag:s26] =	ssyncset.done $0x0  }
0x42: {  	[sflag:s26] =	ssyncadd.s32 $0xFFFFCE00  }
0x43: {  	[spmem:s2] =	stream.indirect.scatter.add.f32 [tilespmem:s23], [sflag:$0x6], $0x10, s18, s18, $0xb8;
	[tilespmem:$0x1AA90] =	vst v63  }
0x44: {  	_ =	swait.ge [sflag:s28], $0x3200  }
0x45: {  	[sflag:s28] =	ssyncset.done $0x0  }
0x46: {  	s8 =	ssub.s32 s6, s8;
	s10 =	smov.u32 s7;
	[sflag:s28] =	ssyncadd.s32 $0xFFFFCE00  }
0x47: {  	s9 =	sadd.s32 $0x1900, s7;
	s8 =	smul.u32 $0x18F80, s8;
	_ =	swait.ge [sflag:s29], $0x3200  }
0x48: {  	p2 =	sne.s32 s7, $0x2EE00;
	s16 =	sadd.s32 s31, s15;
	[sflag:s29] =	ssyncset.done $0x0  }
0x49: {  	s7 =	sadd.s32 s8, s1;
	s8 =	rddreg [dreg:$0x3];
	[sflag:s29] =	ssyncadd.s32 $0xFFFFCE00  }
0x4a: {  	[tilespmem:s3], [sflag:$0x1] =	stream.linear.gather [hbm4b:s16+s3], $0x320, $0x38;
	[tilespmem:$0x1AA90] =	vst v63  }
0x4b: {  	s7 =	sshrl.u32 s7, $0x3;
	s8 =	sadd.s32 s31, s8  }
0x4c: {  	[tilespmem:s18], [sflag:$0x4] =	stream.linear.gather [hbm4b:s8+s3], $0x320, $0x38;
	[tilespmem:$0x1AA90] =	vst v63  }
0x4d: {  	s7 =	sadd.s32 s4, s7  }
0x4e: {  	[tilespmem:s22], [sflag:$0x2] =	stream.strided.gather [hbm4b:s7+s20], $0x3200, s21, s20, $0x38;
	[tilespmem:$0x1AA90] =	vst v63  }
0x4f: {  	_ = 	snop  }
0x50: {  	[tilespmem:s23], [sflag:$0x5] =	stream.strided.gather [hbm4b:s0+s20], $0x3200, s21, s20, $0x38;
	[tilespmem:$0x1AA90] =	vst v63  }
0x51: {  	_ =	swait.ge [sflag:s19], $0x320  }
0x52: {  	[sflag:s19] =	ssyncset.done $0x0  }
0x53: {  	[sflag:s19] =	ssyncadd.s32 $0xFFFFFCE0  }
0x54: {  	_ =	swait.ge [sflag:s24], $0x3200  }
0x55: {  	s31 =	smov.u32 s10;
	[sflag:s24] =	ssyncset.done $0x0  }
0x56: {  	s16 =	sadd.s32 s31, s12;
	[sflag:s24] =	ssyncadd.s32 $0xFFFFCE00  }
0x57: {  	[spmem:s2] =	stream.indirect.scatter.add.f32 [tilespmem:s22], [sflag:$0x3], $0x10, s3, s18, $0xb8;
	[tilespmem:$0x1AA90] =	vst v63  }
.Ltmp1:
0x58: {  	p3 =	seq.s32 s16, $0x0;
	(pc) =	sbr.rel @p2 .LBB2_4-.Ltmp1, $4  }
0x59: {  	s6 =	sadd.s32 $0x8, s6;
	p3 =	por !p0, !p3;
	_ =	swait.ge [sflag:s25], $0x320  }
0x5a: {  	s8 =	simm.s32 $0x1;
	p3 =	por !p3, !p3;
	[sflag:s25] =	ssyncset.done $0x0  }
0x5b: {  	s1 =	sadd.s32 $0x400, s1;
	s8 =	simm.s32 @!p3 $0x0;
	[sflag:s25] =	ssyncadd.s32 $0xFFFFFCE0  }
0x5c: {  	s7 =	smov.u32 s9;
	s0 =	sadd.s32 $0x19000, s0;
	_ =	swait.ge [sflag:s26], $0x3200  }
0x5d: {  	[sflag:s26] =	ssyncset.done $0x0  }
0x5e: {  	[sflag:s26] =	ssyncadd.s32 $0xFFFFCE00  }
0x5f: {  	[spmem:s2] =	stream.indirect.scatter.add.f32 [tilespmem:s23], [sflag:$0x6], $0x10, s18, s18, $0xb8;
	[tilespmem:$0x1AA90] =	vst v63  }
0x60: {  	_ =	swait.ge [sflag:s28], $0x3200  }
0x61: {  	[sflag:s28] =	ssyncset.done $0x0  }
0x62: {  	s6 =	ssub.s32 s6, s8;
	[sflag:s28] =	ssyncadd.s32 $0xFFFFCE00  }
0x63: {  	s6 =	smul.u32 $0x18F80, s6;
	_ =	swait.ge [sflag:s29], $0x3200  }
0x64: {  	s16 =	sadd.s32 s31, s15;
	[sflag:s29] =	ssyncset.done $0x0  }
0x65: {  	s1 =	sadd.s32 s6, s1;
	s7 =	rddreg [dreg:$0x3];
	[sflag:s29] =	ssyncadd.s32 $0xFFFFCE00  }
0x66: {  	[tilespmem:s3], [sflag:$0x1] =	stream.linear.gather [hbm4b:s16+s3], $0x320, $0x38;
	[tilespmem:$0x1AA90] =	vst v63  }
0x67: {  	s1 =	sshrl.u32 s1, $0x3;
	s8 =	sadd.s32 s31, s7  }
0x68: {  	[tilespmem:s18], [sflag:$0x4] =	stream.linear.gather [hbm4b:s8+s3], $0x320, $0x38;
	[tilespmem:$0x1AA90] =	vst v63  }
0x69: {  	s1 =	sadd.s32 s4, s1  }
0x6a: {  	[tilespmem:s22], [sflag:$0x2] =	stream.strided.gather [hbm4b:s1+s20], $0x3200, s21, s20, $0x38;
	[tilespmem:$0x1AA90] =	vst v63  }
0x6b: {  	_ = 	snop  }
0x6c: {  	[tilespmem:s23], [sflag:$0x5] =	stream.strided.gather [hbm4b:s0+s20], $0x3200, s21, s20, $0x38;
	[tilespmem:$0x1AA90] =	vst v63  }
0x6d: {  	_ =	swait.ge [sflag:s19], $0x320  }
0x6e: {  	[sflag:s19] =	ssyncset.done $0x0  }
0x6f: {  	[sflag:s19] =	ssyncadd.s32 $0xFFFFFCE0  }
0x70: {  	_ =	swait.ge [sflag:s24], $0x3200  }
0x71: {  	[sflag:s24] =	ssyncset.done $0x0  }
0x72: {  	[sflag:s24] =	ssyncadd.s32 $0xFFFFCE00  }
0x73: {  	[spmem:s2] =	stream.indirect.scatter.add.f32 [tilespmem:s22], [sflag:$0x3], $0x10, s3, s18, $0xb8;
	[tilespmem:$0x1AA90] =	vst v63  }
0x74: {  	_ =	swait.ge [sflag:s25], $0x320  }
0x75: {  	[sflag:s25] =	ssyncset.done $0x0  }
0x76: {  	[sflag:s25] =	ssyncadd.s32 $0xFFFFFCE0  }
0x77: {  	_ =	swait.ge [sflag:s26], $0x3200  }
0x78: {  	[sflag:s26] =	ssyncset.done $0x0  }
0x79: {  	[sflag:s26] =	ssyncadd.s32 $0xFFFFCE00  }
0x7a: {  	[spmem:s2] =	stream.indirect.scatter.add.f32 [tilespmem:s23], [sflag:$0x6], $0x10, s18, s18, $0xb8;
	[tilespmem:$0x1AA90] =	vst v63  }
0x7b: {  	_ =	swait.ge [sflag:s28], $0x3200  }
0x7c: {  	[sflag:s28] =	ssyncset.done $0x0  }
0x7d: {  	[sflag:s28] =	ssyncadd.s32 $0xFFFFCE00  }
0x7e: {  	_ =	swait.ge [sflag:s29], $0x3200  }
0x7f: {  	[sflag:s29] =	ssyncset.done $0x0  }
0x80: {  	s0 =	simm.s32 @!p1 $0x0;
	s1 =	rddreg [dreg:$0x5];
	[sflag:s29] =	ssyncadd.s32 $0xFFFFCE00  }
0x81: {  	[tilespmem:s0], [sflag:$0x7] =	stream.linear.gather @!p1 [hbm4b:s1+s0], $0x320, $0x38;
	[tilespmem:$0x1AA90] =	vst v63  }
0x82: {  	s1 =	simm.s32 @!p1 $0x7  }
0x83: {  	_ =	swait.ge @!p1 [sflag:s1], $0x320  }
0x84: {  	s6 =	simm.s32 @!p1 $0x10;
	s7 =	simm.s32 @!p1 $0x80;
	[sflag:s1] =	ssyncset.done @!p1 $0x0  }
0x85: {  	s8 =	simm.s32 @!p1 $0x640;
	s9 =	rddreg [dreg:$0x6];
	[sflag:s1] =	ssyncadd.s32 @!p1 $0xFFFFFCE0  }
0x86: {  	[tilespmem:s8], [sflag:$0x7] =	stream.strided.gather @!p1 [hbm4b:s9+s6], $0x3200, s7, s6, $0x38;
	[tilespmem:$0x1AA90] =	vst v63  }
0x87: {  	_ =	swait.ge @!p1 [sflag:s1], $0x3200  }
0x88: {  	[sflag:s1] =	ssyncset.done @!p1 $0x0  }
0x89: {  	s6 =	simm.s32 @!p1 $0x320;
	[sflag:s1] =	ssyncadd.s32 @!p1 $0xFFFFCE00  }
0x8a: {  	[spmem:s2] =	stream.indirect.scatter.add.f32 @!p1 [tilespmem:s8], [sflag:$0x7], $0x10, s0, s6, $0xb8;
	[tilespmem:$0x1AA90] =	vst v63  }
0x8b: {  	_ =	swait.ge @!p1 [sflag:s1], $0x3200  }
0x8c: {  	[sflag:s1] =	ssyncset.done @!p1 $0x0  }
0x8d: {  	s9 =	stileid.u32;
	[sflag:s1] =	ssyncadd.s32 @!p1 $0xFFFFCE00  }
0x8e: {  	s0 =	sshll.u32 s9, $0x6;
	[bflag:$0x0] =	sbarrier.arrive $0xFFFF  }
0x8f: {  	s10 =	sshrl.u32 s5, $0x3;
	s0 =	sor.u32 $0x1C07, s0;
	s16 =	rddreg [dreg:$0x7]  }
0x90: {  	[hbm:s16], [sflag:s0] =	dma.local [spmem:s10], $0x186A  }
0x91: {  	_ =	swait.ge [sflag:s17], $0x186A  }
0x92: {  	s30 =	sadd.s32 $0x1, s30;
	s31 =	rddreg [dreg:$0x8]  }
0x93: {  	p2 =	sne.s32 s30, s31  }
.Ltmp2:
0x94: {  	_ = 	snop;
	(pc) =	sbr.rel @p2 .LBB2_1-.Ltmp2, $3  }
0x95: {  	_ =	sdelay $0x1  }
0x96: {  	[sflag:s17] =	ssyncset.done $0x0  }
0x97: {  	[sflag:s17] =	ssyncadd.s32 $0xFFFFE796  }
0x98: {  	_ =	sfence.sel $0x180000  }
0x99: {  	[bflag:$0x0] =	sbarrier.arrive $0xFFFF  }
0x9a: {  	_ =	strace $0x9000004D  }
0x9b: {  	s0 =	stileid.u32;
	[bflag:$0x2] =	sbarrier.arrive $0xFFFF  }
0x9c: {  	p0 =	sne.s32 s0, $0x0;
	s0 =	rddreg [dreg:$0x2]  }
0x9d: {  	s0 =	sadd.s32 @!p0 $0x100000, s0  }
0x9e: {  	[sflag:s0] =	ssyncadd.tile.s32 @!p0 $0x1;
	_ =	shalt  }
.Lfunc_end2:
_tile_overlayer_lowered:
.L_overlay_start_2:
0x9f: {  	(tag) =	ssettag $0x2  }
0xa0: {  	s0 =	rddreg [dreg:$0x0];
	s2 =	stileid.u32  }
0xa1: {  	s1 =	rddreg [dreg:$0x1];
	p0 =	sne.s32 s2, $0x0  }
0xa2: {  	s3 =	rddreg [dreg:$0x2];
	[bflag:$0x3] =	sbarrier.arrive $0xFFFF;
	s2 =	simm.s32 @!p0 $0x1C07  }
0xa3: {  	[timem:s3], [sflag:s2] =	dma.local @!p0 [hbm:s0], s1  }
0xa4: {  	s0 =	simm.s32 @!p0 $0x7  }
0xa5: {  	_ =	swait.ge @!p0 [sflag:s0], s1  }
0xa6: {  	s1 =	ssub.s32 @!p0 $0x0, s1;
	[sflag:s0] =	ssyncset.done @!p0 $0x0  }
0xa7: {  	[sflag:s0] =	ssyncadd.s32 @!p0 s1  }
0xa8: {  	[bflag:$0x3] =	sbarrier.arrive $0xFFFF  }
0xa9: {  	_ =	shalt  }

// kernel: kernel.21.cloned.1.call-start
scs
__scs_entry_jumppad:
0x0: {  	(pc) =	sbr.rel $0x88, $3  }
0x1: {  	(tag) =	ssettag $0x0;
	lr =	simm.s32 $0x1  }
0x2: {  	[smem:$0x3F92] =	sst lr;
	_ =	strace $0xD0000000  }
0x3: {  	_ = 	snop  }
0x4: {  	_ = 	snop  }
0x5: {  	_ = 	snop  }
0x6: {  	_ = 	snop  }
0x7: {  	_ = 	snop  }
__scs_overlays_trampoline_lowered:
0x8: {  	[smem:$0x3FA1] =	sst s0  }
0x9: {  	[smem:$0x3FA2] =	sst s1  }
0xa: {  	[smem:$0x3FA3] =	sst s2  }
0xb: {  	[smem:$0x3FA4] =	sst s3  }
0xc: {  	[smem:$0x3FA5] =	sst s4  }
0xd: {  	[smem:$0x3FA6] =	sst s5  }
0xe: {  	[smem:$0x3FA7] =	sst s6  }
0xf: {  	[smem:$0x3FA8] =	sst s7  }
0x10: {  	[smem:$0x3FA9] =	sst s8  }
0x11: {  	[smem:$0x3FAA] =	sst s9;
	s0 =	simm.s32 @!p0 $0x0  }
0x12: {  	s1 =	sld [smem:$0x3F90];
	s0 =	simm.s32 @p0 $0x1  }
0x13: {  	[smem:$0x3FAB] =	sst s0;
	s0 =	simm.s32 @!p1 $0x0  }
0x14: {  	s2 =	sld [smem:$0x3F8F];
	s0 =	simm.s32 @p1 $0x1  }
0x15: {  	[smem:$0x3FAC] =	sst s0;
	s0 =	simm.s32 @!p2 $0x0  }
0x16: {  	s3 =	sld [smem:$0x3FDB];
	s0 =	simm.s32 @p2 $0x1  }
0x17: {  	s4 =	simm.s32 $0x1BF5;
	[smem:$0x3FAE] =	sst s0  }
0x18: {  	s0 =	sld [smem:$0x3F91];
	_ =	swait.ge [sflag:s4], $0x0  }
0x19: {  	s7 =	sld [smem:$0x3F92]  }
0x1a: {  	s8 =	sadd.s32 $0xFFFFE003, lr  }
0x1b: {  	s9 =	sadd.s32 $0xFFFFFEF7, lr;
	s5 =	simm.s32 $0xFFFFFFFF;
	p2 =	slt.u32 s8, $0xFFFFF086  }
0x1c: {  	p1 =	slt.u32 s9, $0xF7A;
	s5 =	simm.s32 @!p2 $0x0  }
0x1d: {  	s5 =	simm.s32 @p1 $0x1;
	p0 =	seq.s32 s7, s2  }
0x1e: {  	s7 =	smul.u32 @!p0 $0xF7A, s2;
	p2 =	seq.s32 @!p0 s5, $0x0  }
0x1f: {  	s9 =	smul.u32 $0xF7A, s1;
	s8 =	simm.s32 @!p0 $0x1BF5;
	p2 =	por !p2, p0  }
0x20: {  	[sflag:s8] =	ssyncset.s32 @!p0 $0xFFFFF086;
	s6 =	sadd.s32 @!p0 s3, s7;
	s7 =	simm.s32 @!p0 $0x108  }
0x21: {  	s3 =	sadd.s32 s3, s9;
	s6 =	sadd.s32 @!p0 $0x88, s6;
	s7 =	simm.s32 @p2 $0x1082  }
0x22: {  	[simem:s7], [sflag:s8] =	dma.local @!p0 [hbm:s6], $0xF7A  }
0x23: {  	s9 =	sor.u32 $0xD0000000, s2;
	s6 =	simm.s32 $0x108;
	_ =	swait.ge @!p0 [sflag:s8], $0x0  }
0x24: {  	s3 =	sadd.s32 $0x88, s3;
	s6 =	simm.s32 @!p1 $0x1082;
	[sflag:s4] =	ssyncset.s32 $0xFFFFF086  }
0x25: {  	[simem:s6], [sflag:s4] =	dma.local [hbm:s3], $0xF7A  }
0x26: {  	[smem:$0x3F92] =	sst s1;
	(tag) =	ssettag s2;
	_ =	strace s9  }
0x27: {  	s1 =	sld [smem:$0x3FA2]  }
0x28: {  	s2 =	sld [smem:$0x3FA3]  }
0x29: {  	s4 =	sld [smem:$0x3FA5]  }
0x2a: {  	p0 =	seq.s32 s5, $0x0;
	s5 =	sld [smem:$0x3FA6]  }
0x2b: {  	s6 =	sld [smem:$0x3FA7]  }
0x2c: {  	s7 =	sld [smem:$0x3FA8]  }
0x2d: {  	s3 =	simm.s32 $0x108;
	s8 =	sld [smem:$0x3FA9]  }
0x2e: {  	s3 =	simm.s32 @!p0 $0x1082;
	s9 =	sld [smem:$0x3FAA]  }
0x2f: {  	lr =	sadd.s32 s0, s3;
	s0 =	sld [smem:$0x3FA1]  }
0x30: {  	s3 =	sld [smem:$0x3FA4]  }
0x31: {  	[smem:$0x3FAD] =	sst s10  }
0x32: {  	s10 =	sld [smem:$0x3FAB];
	_ =	sdelay $0x3  }
0x33: {  	p0 =	seq.s32 s10, $0x1;
	s10 =	sld [smem:$0x3FAD];
	_ =	sdelay $0x3  }
0x34: {  	[smem:$0x3FAD] =	sst s10  }
0x35: {  	s10 =	sld [smem:$0x3FAC];
	_ =	sdelay $0x3  }
0x36: {  	p1 =	seq.s32 s10, $0x1;
	s10 =	sld [smem:$0x3FAD];
	_ =	sdelay $0x3  }
0x37: {  	[smem:$0x3FAD] =	sst s10  }
0x38: {  	s10 =	sld [smem:$0x3FAE]  }
0x39: {  	_ = 	snop;
	(pc) =	sbr.ind lr, $3  }
0x3a: {  	_ = 	snop  }
0x3b: {  	_ = 	snop  }
0x3c: {  	p2 =	seq.s32 s10, $0x1;
	s10 =	sld [smem:$0x3FAD]  }
0x3d: {  	_ =	shalt  }
0x3e: {  	_ =	shalt  }
0x3f: {  	_ =	shalt  }
0x40: {  	_ =	shalt  }
0x41: {  	_ =	shalt  }
0x42: {  	_ =	shalt  }
0x43: {  	_ =	shalt  }
0x44: {  	_ =	shalt  }
0x45: {  	_ =	shalt  }
0x46: {  	_ =	shalt  }
0x47: {  	_ =	shalt  }
0x48: {  	_ =	shalt  }
0x49: {  	_ =	shalt  }
0x4a: {  	_ =	shalt  }
0x4b: {  	_ =	shalt  }
0x4c: {  	_ =	shalt  }
0x4d: {  	_ =	shalt  }
0x4e: {  	_ =	shalt  }
0x4f: {  	_ =	shalt  }
0x50: {  	_ =	shalt  }
0x51: {  	_ =	shalt  }
0x52: {  	_ =	shalt  }
0x53: {  	_ =	shalt  }
0x54: {  	_ =	shalt  }
0x55: {  	_ =	shalt  }
0x56: {  	_ =	shalt  }
0x57: {  	_ =	shalt  }
0x58: {  	_ =	shalt  }
0x59: {  	_ =	shalt  }
0x5a: {  	_ =	shalt  }
0x5b: {  	_ =	shalt  }
0x5c: {  	_ =	shalt  }
0x5d: {  	_ =	shalt  }
0x5e: {  	_ =	shalt  }
0x5f: {  	_ =	shalt  }
0x60: {  	_ =	shalt  }
0x61: {  	_ =	shalt  }
0x62: {  	_ =	shalt  }
0x63: {  	_ =	shalt  }
0x64: {  	_ =	shalt  }
0x65: {  	_ =	shalt  }
0x66: {  	_ =	shalt  }
0x67: {  	_ =	shalt  }
0x68: {  	_ =	shalt  }
0x69: {  	_ =	shalt  }
0x6a: {  	_ =	shalt  }
0x6b: {  	_ =	shalt  }
0x6c: {  	_ =	shalt  }
0x6d: {  	_ =	shalt  }
0x6e: {  	_ =	shalt  }
0x6f: {  	_ =	shalt  }
0x70: {  	_ =	shalt  }
0x71: {  	_ =	shalt  }
0x72: {  	_ =	shalt  }
0x73: {  	_ =	shalt  }
0x74: {  	_ =	shalt  }
0x75: {  	_ =	shalt  }
0x76: {  	_ =	shalt  }
0x77: {  	_ =	shalt  }
0x78: {  	_ =	shalt  }
0x79: {  	_ =	shalt  }
0x7a: {  	_ =	shalt  }
0x7b: {  	_ =	shalt  }
0x7c: {  	_ =	shalt  }
0x7d: {  	_ =	shalt  }
0x7e: {  	_ =	shalt  }
0x7f: {  	_ =	shalt  }
0x80: {  	_ =	shalt  }
0x81: {  	_ =	shalt  }
0x82: {  	_ =	shalt  }
0x83: {  	_ =	shalt  }
0x84: {  	_ =	shalt  }
0x85: {  	_ =	shalt  }
0x86: {  	_ =	shalt  }
0x87: {  	_ =	shalt  }
.Lfunc_end0:
.L_simem_size_0:
called_computation.3_lowered:
.L_overlay_start_0:
0x88: {  	s2 =	sld [smem:$0x3FD9]  }
0x89: {  	s3 =	sld [smem:$0x3FFE];
	_ =	sdelay $0x1  }
0x8a: {  	s1 =	srdreg.scid  }
0x8b: {  	s0 =	sand.u32 $0x1, s1  }
0x8c: {  	s16 =	sshll.u32 s0, $0xA;
	s2 =	sadd.s32 s3, s2  }
0x8d: {  	s2 =	sadd.s32 s2, s16  }
0x8e: {  	[smem:$0x3FB9] =	sst s2  }
0x8f: {  	_ = 	snop  }
0x90: {  	(tm) =	ssettm $0x1  }
0x91: {  	s17 =	sld [smem:$0x3FFB];
	_ =	sdelay $0x3  }
0x92: {  	_ =	strace s17  }
0x93: {  	s2 =	sld [smem:$0x3FFC];
	_ =	sdelay $0x3  }
0x94: {  	_ =	strace s2  }
0x95: {  	s2 =	sld [smem:$0x3FFD];
	_ =	sdelay $0x3  }
0x96: {  	_ =	strace s2  }
0x97: {  	_ =	strace $0x8FFFFFFF  }
0x98: {  	s18 =	sld [smem:$0x3FDB];
	_ =	sdelay $0x1  }
0x99: {  	s19 =	simm.s32 $_scs_section_size  }
0x9a: {  	s4 =	simm.s32 $_size__tile_overlayer_lowered;
	s5 =	simm.s32 $_tile_overlayer_lowered  }
0x9b: {  	s22 =	simm.s32 $0x1BFF;
	s21 =	sshll.u32 s5, $0x1;
	s2 =	sadd.s32 s19, s18  }
0x9c: {  	s6 =	simm.s32 $0x0;
	s20 =	sshll.u32 s4, $0x1;
	s4 =	sadd.s32 s21, s2  }
0x9d: {  	[timem:s6], [sflag:s22] =	dma.local [hbm:s4], s20  }
0x9e: {  	_ =	swait.ge [sflag:s22], s20  }
0x9f: {  	s3 =	ssub.s32 $0x0, s20;
	[sflag:s22] =	ssyncset.done $0x0  }
0xa0: {  	[sflag:s22] =	ssyncadd.s32 s3;
	_ =	sdelay $0x1  }
0xa1: {  	s23 =	simm.s32 $0x1B8B  }
0xa2: {  	_ =	swait.ge [sflag:s23], $0x1  }
0xa3: {  	[sflag:s23] =	ssyncset.done $0x0  }
0xa4: {  	s25 =	simm.s32 $0x1B8E;
	s24 =	sld [smem:$0x3FFE];
	[sflag:s23] =	ssyncadd.s32 $0xFFFFFFFF  }
0xa5: {  	s26 =	simm.s32 $execute0_lowered;
	[smem:$0x3FD2] =	sst s25  }
0xa6: {  	s4 =	sshll.u32 s26, $0x1;
	_ =	strace $0x8000004F;
	[dreg:$0x1] =	wrdreg $0xFFFFFFFF  }
0xa7: {  	s28 =	simm.s32 $_size_execute0_lowered;
	s2 =	sadd.s32 s2, s4;
	[dreg:$0x0] =	wrdreg $0x0  }
0xa8: {  	s4 =	sshll.u32 s28, $0x1;
	[dreg:$0x2] =	wrdreg s2  }
0xa9: {  	[dreg:$0x3] =	wrdreg s4  }
0xaa: {  	[dreg:$0x4] =	wrdreg $0xC0  }
0xab: {  	_ =	task [dreg:s6], $0x5FFFF  }
0xac: {  	[dreg:$0x1] =	wrdreg $0xFFFFFFFF  }
0xad: {  	[dreg:$0x0] =	wrdreg $0x60  }
0xae: {  	[dreg:$0x2] =	wrdreg s24  }
0xaf: {  	[dreg:$0x3] =	wrdreg $0x9  }
0xb0: {  	_ =	task.clear_ibuf [dreg:s6], $0x4FFFF;
	_ =	strace $0x9000004F  }
0xb1: {  	s29 =	simm.s32 $0x9;
	_ =	strace $0x80000051  }
0xb2: {  	_ =	swait.ge [sflag:s29], $0x1  }
0xb3: {  	[sflag:s29] =	ssyncadd.s32 $0xFFFFFFFF  }
0xb4: {  	_ =	strace $0x90000051  }
0xb5: {  	_ =	sfence  }
0xb6: {  	s30 =	sld [smem:$0x0];
	_ =	sdelay $0x2  }
0xb7: {  	s31 =	sshll.u32 s1, $0xD;
	s1 =	sshrl.u32 s1, $0x2  }
0xb8: {  	s3 =	sand.u32 $0x4000, s31;
	s1 =	sadd.s32 s1, s30  }
0xb9: {  	s0 =	sor.u32 s3, s0;
	s1 =	sshll.u32 s1, $0x11  }
0xba: {  	s0 =	sor.u32 s1, s0  }
0xbb: {  	s0 =	sadd.s32 $0x8F2B, s0  }
0xbc: {  	[sflag:s0] =	ssyncadd.remote.s32 $0x1  }
0xbd: {  	_ =	sfence.sel $0xFFFF  }
0xbe: {  	[dreg:$0x0] =	wrdreg $0xFFFFFFFF;
	(pc) =	sbr.abs _section_cstart, $3  }
0xbf: {  	[dreg:$0x1] =	wrdreg $0xFFFFFFFF  }
0xc0: {  	_ =	task.clear_ibuf [dreg:s6], $0x2FFFF;
	_ =	strace $0x9FFFFFFF  }
0xc1: {  	(tm) =	ssettm $0x7FFFFFFF  }
tec
execute0_lowered:
.L_overlay_start_1:
0x0: {  	(tag) =	ssettag $0x1  }
0x1: {  	s1 =	srdreg.scid  }
0x2: {  	s0 =	stileid.u32;
	s4 =	rddreg [dreg:$0x0];
	s2 =	simm.s32 $0x0  }
0x3: {  	s19 =	simm.s32 $0x10;
	s20 =	simm.s32 $0x80;
	s21 =	simm.s32 $0x5  }
0x4: {  	s10 =	sand.u32 $0x1, s1;
	s11 =	sshll.u32 s0, $0x1;
	s25 =	smul.u32 $0xC8, s0  }
0x5: {  	s7 =	sshrl.u32 s0, $0x2;
	[smem:$0x7FF] =	sst s2;
	s28 =	smul.u32 $0x640, s0  }
0x6: {  	s12 =	sadd.s32 $0x4E00, s4;
	s29 =	sshll.u32 s0, $0x5;
	s16 =	smul.u32 $0x1900, s7  }
0x7: {  	p1 =	sgt.u32 s0, $0x7;
	s3 =	sor.u32 s10, s11;
	s24 =	smul.u32 $0x19000, s7  }
0x8: {  	s5 =	sor.u32 $0xF8, s7;
	_ =	strace $0x80000050;
	s26 =	smul.u32 $0x64, s10  }
0x9: {  	s9 =	ssub.s32 $0x2, s10;
	s18 =	smul.u32 $0x320, s10;
	s30 =	sshll.u32 s10, $0x4  }
0xa: {  	s10 =	sshrl.u32 s11, $0x3;
	s13 =	sand.u32 $0x7, s3;
	s6 =	smul.u32 $0x1900, s5  }
0xb: {  	s3 =	sadd.s32 $0x66E00, s4;
	s5 =	smul.u32 $0x19000, s5;
	s4 =	sadd.s32 $0x5BE000, s4  }
0xc: {  	s14 =	sshrl.u32 s9, $0x1;
	s11 =	sor.u32 s30, s29;
	s8 =	smul.u32 $0x320, s13  }
0xd: {  	s15 =	sshll.u32 s13, $0x4;
	s9 =	ssub.s32 s9, s14;
	p0 =	sne.s32 s13, $0x0  }
0xe: {  	s13 =	simm.s32 $0x320;
	s5 =	sor.u32 s5, s15;
	s7 =	smax.u32 s9, $0x1  }
0xf: {  	s14 =	sor.u32 s15, s24;
	s9 =	sadd.s32 s26, s25;
	s15 =	simm.s32 $0x640  }
0x10: {  	s24 =	simm.s32 $0x0;
	s6 =	sadd.s32 s6, s8;
	s22 =	sshrl.u32 s5, $0x3  }
0x11: {  	s8 =	sadd.s32 s8, s16;
	s14 =	sadd.s32 $0x64000, s14;
	s16 =	sadd.s32 s18, s28  }
0x12: {  	s18 =	simm.s32 $0x2;
	s6 =	sshrl.u32 s6, $0x3;
	s8 =	sadd.s32 $0x6400, s8  }
0x13: {  	s14 =	sshrl.u32 s14, $0x3;
	s31 =	sshrl.u32 s16, $0x3;
	s16 =	simm.s32 $0x4  }
0x14: {  	s23 =	sadd.s32 s12, s6;
	s6 =	sadd.s32 s4, s22;
	s8 =	sshrl.u32 s8, $0x3  }
0x15: {  	s22 =	simm.s32 $0x3;
	[dreg:$0x3] =	wrdreg s23;
	s17 =	sadd.s32 s8, s12  }
0x16: {  	s8 =	sadd.s32 s14, s4;
	s12 =	sadd.s32 s31, s12;
	s14 =	simm.s32 $0x1  }
0x17: {  	s23 =	simm.s32 $0x6;
	[dreg:$0x2] =	wrdreg s17;
	s17 =	simm.s32 $0x3840  }
.LBB2_1:
0x18: {  	s25 =	rddreg [dreg:$0x2];
	s26 =	sadd.s32 $0x0, s12  }
0x19: {  	[tilespmem:s2], [sflag:$0x1] =	stream.linear.gather [hbm4b:s26+s2], $0x320, $0x38;
	[tilespmem:$0x6A40] =	vst v63  }
0x1a: {  	s30 =	sadd.s32 $0x0, s9;
	s25 =	sadd.s32 $0x0, s25  }
0x1b: {  	[tilespmem:s13], [sflag:$0x4] =	stream.linear.gather [hbm4b:s25+s2], $0x320, $0x38;
	[tilespmem:$0x6A40] =	vst v63  }
0x1c: {  	p2 =	seq.s32 s30, $0x0;
	_ =	swait.ge [sflag:s14], $0x320  }
0x1d: {  	p2 =	por !p0, !p2;
	[sflag:s14] =	ssyncset.done $0x0  }
0x1e: {  	p2 =	por !p2, !p2;
	s25 =	simm.s32 $0x1;
	[sflag:s14] =	ssyncadd.s32 $0xFFFFFCE0  }
0x1f: {  	[tilespmem:s15], [sflag:$0x2] =	stream.indirect.gather [hbm4b:s3+s13], $0x10, s2, s13, $0xb8;
	[tilespmem:$0x6A40] =	vst v63  }
0x20: {  	s25 =	simm.s32 @!p2 $0x0;
	_ =	swait.ge [sflag:s16], $0x320  }
0x21: {  	s25 =	ssub.s32 s10, s25;
	[sflag:s16] =	ssyncset.done $0x0  }
0x22: {  	s25 =	smul.u32 $0x18F80, s25;
	[sflag:s16] =	ssyncadd.s32 $0xFFFFFCE0  }
0x23: {  	[tilespmem:s17], [sflag:$0x5] =	stream.indirect.gather [hbm4b:s3+s13], $0x10, s13, s13, $0xb8;
	[tilespmem:$0x6A40] =	vst v63  }
0x24: {  	s25 =	sadd.s32 s25, s11;
	_ =	swait.ge [sflag:s18], $0x3200  }
0x25: {  	s25 =	sshrl.u32 s25, $0x3;
	[sflag:s18] =	ssyncset.done $0x0  }
0x26: {  	s25 =	sadd.s32 s4, s25;
	[sflag:s18] =	ssyncadd.s32 $0xFFFFCE00  }
0x27: {  	[hbm4b:s25+s19] =	stream.strided.scatter [tilespmem:s15], [sflag:$0x3], $0x3200, s20, s19, $0x38;
	[tilespmem:$0x6A40] =	vst v63  }
0x28: {  	_ =	swait.ge [sflag:s21], $0x3200  }
0x29: {  	s29 =	simm.s32 $0x1900;
	[sflag:s21] =	ssyncset.done $0x0  }
0x2a: {  	s31 =	simm.s32 $0x3200;
	s28 =	sadd.s32 $0x8, s10;
	[sflag:s21] =	ssyncadd.s32 $0xFFFFCE00  }
0x2b: {  	[hbm4b:s8+s19] =	stream.strided.scatter [tilespmem:s17], [sflag:$0x6], $0x3200, s20, s19, $0x38;
	[tilespmem:$0x6A40] =	vst v63  }
0x2c: {  	s26 =	sadd.s32 $0x400, s11;
	s25 =	sadd.s32 $0x19000, s8;
	_ =	swait.ge [sflag:s22], $0x3200  }
.LBB2_2:
0x2d: {  	[sflag:s22] =	ssyncset.done $0x0  }
0x2e: {  	[sflag:s22] =	ssyncadd.s32 $0xFFFFCE00  }
0x2f: {  	s1 =	sadd.s32 s29, s12;
	s0 =	smov.u32 s31;
	_ =	swait.ge [sflag:s23], $0x3200  }
0x30: {  	s30 =	sadd.s32 $0x1900, s31;
	p2 =	sne.s32 s31, $0x2EE00;
	[sflag:s23] =	ssyncset.done $0x0  }
0x31: {  	s5 =	sadd.s32 s29, s9;
	s31 =	rddreg [dreg:$0x2];
	[sflag:s23] =	ssyncadd.s32 $0xFFFFCE00  }
0x32: {  	[tilespmem:s2], [sflag:$0x1] =	stream.linear.gather [hbm4b:s1+s2], $0x320, $0x38;
	[tilespmem:$0x6A40] =	vst v63  }
0x33: {  	p3 =	seq.s32 s5, $0x0;
	s5 =	sadd.s32 s29, s31  }
0x34: {  	[tilespmem:s13], [sflag:$0x4] =	stream.linear.gather [hbm4b:s5+s2], $0x320, $0x38;
	[tilespmem:$0x6A40] =	vst v63  }
0x35: {  	p3 =	por !p0, !p3;
	_ =	swait.ge [sflag:s14], $0x320  }
0x36: {  	p3 =	por !p3, !p3;
	[sflag:s14] =	ssyncset.done $0x0  }
0x37: {  	s29 =	smov.u32 s0;
	s0 =	simm.s32 $0x1;
	[sflag:s14] =	ssyncadd.s32 $0xFFFFFCE0  }
0x38: {  	[tilespmem:s15], [sflag:$0x2] =	stream.indirect.gather [hbm4b:s3+s13], $0x10, s2, s13, $0xb8;
	[tilespmem:$0x6A40] =	vst v63  }
0x39: {  	s0 =	simm.s32 @!p3 $0x0;
	_ =	swait.ge [sflag:s16], $0x320  }
0x3a: {  	s0 =	ssub.s32 s28, s0;
	[sflag:s16] =	ssyncset.done $0x0  }
0x3b: {  	s0 =	smul.u32 $0x18F80, s0;
	[sflag:s16] =	ssyncadd.s32 $0xFFFFFCE0  }
0x3c: {  	[tilespmem:s17], [sflag:$0x5] =	stream.indirect.gather [hbm4b:s3+s13], $0x10, s13, s13, $0xb8;
	[tilespmem:$0x6A40] =	vst v63  }
0x3d: {  	s0 =	sadd.s32 s0, s26;
	_ =	swait.ge [sflag:s18], $0x3200  }
0x3e: {  	s0 =	sshrl.u32 s0, $0x3;
	[sflag:s18] =	ssyncset.done $0x0  }
0x3f: {  	s0 =	sadd.s32 s4, s0;
	[sflag:s18] =	ssyncadd.s32 $0xFFFFCE00  }
0x40: {  	[hbm4b:s0+s19] =	stream.strided.scatter [tilespmem:s15], [sflag:$0x3], $0x3200, s20, s19, $0x38;
	[tilespmem:$0x6A40] =	vst v63  }
.Ltmp0:
0x41: {  	_ =	swait.ge [sflag:s21], $0x3200;
	(pc) =	sbr.rel @p2 .LBB2_2-.Ltmp0, $4  }
0x42: {  	[sflag:s21] =	ssyncset.done $0x0  }
0x43: {  	s31 =	smov.u32 s30;
	s28 =	sadd.s32 $0x8, s28;
	[sflag:s21] =	ssyncadd.s32 $0xFFFFCE00  }
0x44: {  	[hbm4b:s25+s19] =	stream.strided.scatter [tilespmem:s17], [sflag:$0x6], $0x3200, s20, s19, $0x38;
	[tilespmem:$0x6A40] =	vst v63  }
0x45: {  	s26 =	sadd.s32 $0x400, s26;
	s25 =	sadd.s32 $0x19000, s25;
	_ =	swait.ge [sflag:s22], $0x3200  }
0x46: {  	[sflag:s22] =	ssyncset.done $0x0  }
0x47: {  	[sflag:s22] =	ssyncadd.s32 $0xFFFFCE00  }
0x48: {  	_ =	swait.ge [sflag:s23], $0x3200  }
0x49: {  	[sflag:s23] =	ssyncset.done $0x0  }
0x4a: {  	s1 =	sadd.s32 s29, s12;
	s0 =	rddreg [dreg:$0x2];
	[sflag:s23] =	ssyncadd.s32 $0xFFFFCE00  }
0x4b: {  	[tilespmem:s2], [sflag:$0x1] =	stream.linear.gather [hbm4b:s1+s2], $0x320, $0x38;
	[tilespmem:$0x6A40] =	vst v63  }
0x4c: {  	s31 =	sadd.s32 s29, s9;
	s0 =	sadd.s32 s29, s0  }
0x4d: {  	[tilespmem:s13], [sflag:$0x4] =	stream.linear.gather [hbm4b:s0+s2], $0x320, $0x38;
	[tilespmem:$0x6A40] =	vst v63  }
0x4e: {  	p2 =	seq.s32 s31, $0x0;
	_ =	swait.ge [sflag:s14], $0x320  }
0x4f: {  	p2 =	por !p0, !p2;
	[sflag:s14] =	ssyncset.done $0x0  }
0x50: {  	p2 =	por !p2, !p2;
	s0 =	simm.s32 $0x1;
	[sflag:s14] =	ssyncadd.s32 $0xFFFFFCE0  }
0x51: {  	[tilespmem:s15], [sflag:$0x2] =	stream.indirect.gather [hbm4b:s3+s13], $0x10, s2, s13, $0xb8;
	[tilespmem:$0x6A40] =	vst v63  }
0x52: {  	s0 =	simm.s32 @!p2 $0x0;
	_ =	swait.ge [sflag:s16], $0x320  }
0x53: {  	s0 =	ssub.s32 s28, s0;
	[sflag:s16] =	ssyncset.done $0x0  }
0x54: {  	s0 =	smul.u32 $0x18F80, s0;
	[sflag:s16] =	ssyncadd.s32 $0xFFFFFCE0  }
0x55: {  	[tilespmem:s17], [sflag:$0x5] =	stream.indirect.gather [hbm4b:s3+s13], $0x10, s13, s13, $0xb8;
	[tilespmem:$0x6A40] =	vst v63  }
0x56: {  	s0 =	sadd.s32 s0, s26;
	_ =	swait.ge [sflag:s18], $0x3200  }
0x57: {  	s0 =	sshrl.u32 s0, $0x3;
	[sflag:s18] =	ssyncset.done $0x0  }
0x58: {  	s0 =	sadd.s32 s4, s0;
	[sflag:s18] =	ssyncadd.s32 $0xFFFFCE00  }
0x59: {  	[hbm4b:s0+s19] =	stream.strided.scatter [tilespmem:s15], [sflag:$0x3], $0x3200, s20, s19, $0x38;
	[tilespmem:$0x6A40] =	vst v63  }
0x5a: {  	_ =	swait.ge [sflag:s21], $0x3200  }
0x5b: {  	[sflag:s21] =	ssyncset.done $0x0  }
0x5c: {  	[sflag:s21] =	ssyncadd.s32 $0xFFFFCE00  }
0x5d: {  	[hbm4b:s25+s19] =	stream.strided.scatter [tilespmem:s17], [sflag:$0x6], $0x3200, s20, s19, $0x38;
	[tilespmem:$0x6A40] =	vst v63  }
0x5e: {  	_ =	swait.ge [sflag:s22], $0x3200  }
0x5f: {  	[sflag:s22] =	ssyncset.done $0x0  }
0x60: {  	[sflag:s22] =	ssyncadd.s32 $0xFFFFCE00  }
0x61: {  	_ =	swait.ge [sflag:s23], $0x3200  }
0x62: {  	[sflag:s23] =	ssyncset.done $0x0  }
0x63: {  	s0 =	simm.s32 @!p1 $0x0;
	s1 =	rddreg [dreg:$0x3];
	[sflag:s23] =	ssyncadd.s32 $0xFFFFCE00  }
0x64: {  	[tilespmem:s0], [sflag:$0x7] =	stream.linear.gather @!p1 [hbm4b:s1+s0], $0x320, $0x38;
	[tilespmem:$0x6A40] =	vst v63  }
0x65: {  	s1 =	simm.s32 @!p1 $0x7  }
0x66: {  	_ =	swait.ge @!p1 [sflag:s1], $0x320  }
0x67: {  	[sflag:s1] =	ssyncset.done @!p1 $0x0  }
0x68: {  	s5 =	simm.s32 @!p1 $0x320;
	s25 =	simm.s32 @!p1 $0x640;
	[sflag:s1] =	ssyncadd.s32 @!p1 $0xFFFFFCE0  }
0x69: {  	[tilespmem:s25], [sflag:$0x2] =	stream.indirect.gather @!p1 [hbm4b:s3+s5], $0x10, s0, s5, $0xb8;
	[tilespmem:$0x6A40] =	vst v63  }
0x6a: {  	s0 =	simm.s32 @!p1 $0x2  }
0x6b: {  	s24 =	sadd.s32 $0x1, s24;
	_ =	swait.ge @!p1 [sflag:s0], $0x3200  }
0x6c: {  	p2 =	sne.s32 s24, s7;
	s5 =	simm.s32 @!p1 $0x80;
	[sflag:s0] =	ssyncset.done @!p1 $0x0  }
.Ltmp1:
0x6d: {  	[sflag:s0] =	ssyncadd.s32 @!p1 $0xFFFFCE00;
	s0 =	simm.s32 @!p1 $0x10;
	(pc) =	sbr.rel @p2 .LBB2_1-.Ltmp1, $4  }
0x6e: {  	[hbm4b:s6+s0] =	stream.strided.scatter @!p1 [tilespmem:s25], [sflag:$0x7], $0x3200, s5, s0, $0x38;
	[tilespmem:$0x6A40] =	vst v63  }
0x6f: {  	_ =	swait.ge @!p1 [sflag:s1], $0x3200  }
0x70: {  	[sflag:s1] =	ssyncset.done @!p1 $0x0  }
0x71: {  	[sflag:s1] =	ssyncadd.s32 @!p1 $0xFFFFCE00  }
0x72: {  	_ =	sfence.sel $0x180000  }
0x73: {  	[bflag:$0x0] =	sbarrier.arrive $0xFFFF  }
0x74: {  	_ =	strace $0x90000050  }
0x75: {  	s0 =	stileid.u32;
	[bflag:$0x2] =	sbarrier.arrive $0xFFFF  }
0x76: {  	p0 =	sne.s32 s0, $0x0;
	s0 =	rddreg [dreg:$0x1]  }
0x77: {  	s0 =	sadd.s32 @!p0 $0x100000, s0  }
0x78: {  	[sflag:s0] =	ssyncadd.tile.s32 @!p0 $0x1;
	_ =	shalt  }
.Lfunc_end2:
_tile_overlayer_lowered:
.L_overlay_start_2:
0x79: {  	(tag) =	ssettag $0x2  }
0x7a: {  	s0 =	rddreg [dreg:$0x0];
	s2 =	stileid.u32  }
0x7b: {  	s1 =	rddreg [dreg:$0x1];
	p0 =	sne.s32 s2, $0x0  }
0x7c: {  	s3 =	rddreg [dreg:$0x2];
	[bflag:$0x3] =	sbarrier.arrive $0xFFFF;
	s2 =	simm.s32 @!p0 $0x1C07  }
0x7d: {  	[timem:s3], [sflag:s2] =	dma.local @!p0 [hbm:s0], s1  }
0x7e: {  	s0 =	simm.s32 @!p0 $0x7  }
0x7f: {  	_ =	swait.ge @!p0 [sflag:s0], s1  }
0x80: {  	s1 =	ssub.s32 @!p0 $0x0, s1;
	[sflag:s0] =	ssyncset.done @!p0 $0x0  }
0x81: {  	[sflag:s0] =	ssyncadd.s32 @!p0 s1  }
0x82: {  	[bflag:$0x3] =	sbarrier.arrive $0xFFFF  }
0x83: {  	_ =	shalt  }

// kernel: kernel.24.cloned.1.call-start
scs
__scs_entry_jumppad:
0x0: {  	(pc) =	sbr.rel $0x88, $3  }
0x1: {  	(tag) =	ssettag $0x0;
	lr =	simm.s32 $0x1  }
0x2: {  	[smem:$0x3F92] =	sst lr;
	_ =	strace $0xD0000000  }
0x3: {  	_ = 	snop  }
0x4: {  	_ = 	snop  }
0x5: {  	_ = 	snop  }
0x6: {  	_ = 	snop  }
0x7: {  	_ = 	snop  }
__scs_overlays_trampoline_lowered:
0x8: {  	[smem:$0x3FA1] =	sst s0  }
0x9: {  	[smem:$0x3FA2] =	sst s1  }
0xa: {  	[smem:$0x3FA3] =	sst s2  }
0xb: {  	[smem:$0x3FA4] =	sst s3  }
0xc: {  	[smem:$0x3FA5] =	sst s4  }
0xd: {  	[smem:$0x3FA6] =	sst s5  }
0xe: {  	[smem:$0x3FA7] =	sst s6  }
0xf: {  	[smem:$0x3FA8] =	sst s7  }
0x10: {  	[smem:$0x3FA9] =	sst s8  }
0x11: {  	[smem:$0x3FAA] =	sst s9;
	s0 =	simm.s32 @!p0 $0x0  }
0x12: {  	s1 =	sld [smem:$0x3F90];
	s0 =	simm.s32 @p0 $0x1  }
0x13: {  	[smem:$0x3FAB] =	sst s0;
	s0 =	simm.s32 @!p1 $0x0  }
0x14: {  	s2 =	sld [smem:$0x3F8F];
	s0 =	simm.s32 @p1 $0x1  }
0x15: {  	[smem:$0x3FAC] =	sst s0;
	s0 =	simm.s32 @!p2 $0x0  }
0x16: {  	s3 =	sld [smem:$0x3FDB];
	s0 =	simm.s32 @p2 $0x1  }
0x17: {  	s4 =	simm.s32 $0x1BF5;
	[smem:$0x3FAE] =	sst s0  }
0x18: {  	s0 =	sld [smem:$0x3F91];
	_ =	swait.ge [sflag:s4], $0x0  }
0x19: {  	s7 =	sld [smem:$0x3F92]  }
0x1a: {  	s8 =	sadd.s32 $0xFFFFE003, lr  }
0x1b: {  	s9 =	sadd.s32 $0xFFFFFEF7, lr;
	s5 =	simm.s32 $0xFFFFFFFF;
	p2 =	slt.u32 s8, $0xFFFFF086  }
0x1c: {  	p1 =	slt.u32 s9, $0xF7A;
	s5 =	simm.s32 @!p2 $0x0  }
0x1d: {  	s5 =	simm.s32 @p1 $0x1;
	p0 =	seq.s32 s7, s2  }
0x1e: {  	s7 =	smul.u32 @!p0 $0xF7A, s2;
	p2 =	seq.s32 @!p0 s5, $0x0  }
0x1f: {  	s9 =	smul.u32 $0xF7A, s1;
	s8 =	simm.s32 @!p0 $0x1BF5;
	p2 =	por !p2, p0  }
0x20: {  	[sflag:s8] =	ssyncset.s32 @!p0 $0xFFFFF086;
	s6 =	sadd.s32 @!p0 s3, s7;
	s7 =	simm.s32 @!p0 $0x108  }
0x21: {  	s3 =	sadd.s32 s3, s9;
	s6 =	sadd.s32 @!p0 $0x88, s6;
	s7 =	simm.s32 @p2 $0x1082  }
0x22: {  	[simem:s7], [sflag:s8] =	dma.local @!p0 [hbm:s6], $0xF7A  }
0x23: {  	s9 =	sor.u32 $0xD0000000, s2;
	s6 =	simm.s32 $0x108;
	_ =	swait.ge @!p0 [sflag:s8], $0x0  }
0x24: {  	s3 =	sadd.s32 $0x88, s3;
	s6 =	simm.s32 @!p1 $0x1082;
	[sflag:s4] =	ssyncset.s32 $0xFFFFF086  }
0x25: {  	[simem:s6], [sflag:s4] =	dma.local [hbm:s3], $0xF7A  }
0x26: {  	[smem:$0x3F92] =	sst s1;
	(tag) =	ssettag s2;
	_ =	strace s9  }
0x27: {  	s1 =	sld [smem:$0x3FA2]  }
0x28: {  	s2 =	sld [smem:$0x3FA3]  }
0x29: {  	s4 =	sld [smem:$0x3FA5]  }
0x2a: {  	p0 =	seq.s32 s5, $0x0;
	s5 =	sld [smem:$0x3FA6]  }
0x2b: {  	s6 =	sld [smem:$0x3FA7]  }
0x2c: {  	s7 =	sld [smem:$0x3FA8]  }
0x2d: {  	s3 =	simm.s32 $0x108;
	s8 =	sld [smem:$0x3FA9]  }
0x2e: {  	s3 =	simm.s32 @!p0 $0x1082;
	s9 =	sld [smem:$0x3FAA]  }
0x2f: {  	lr =	sadd.s32 s0, s3;
	s0 =	sld [smem:$0x3FA1]  }
0x30: {  	s3 =	sld [smem:$0x3FA4]  }
0x31: {  	[smem:$0x3FAD] =	sst s10  }
0x32: {  	s10 =	sld [smem:$0x3FAB];
	_ =	sdelay $0x3  }
0x33: {  	p0 =	seq.s32 s10, $0x1;
	s10 =	sld [smem:$0x3FAD];
	_ =	sdelay $0x3  }
0x34: {  	[smem:$0x3FAD] =	sst s10  }
0x35: {  	s10 =	sld [smem:$0x3FAC];
	_ =	sdelay $0x3  }
0x36: {  	p1 =	seq.s32 s10, $0x1;
	s10 =	sld [smem:$0x3FAD];
	_ =	sdelay $0x3  }
0x37: {  	[smem:$0x3FAD] =	sst s10  }
0x38: {  	s10 =	sld [smem:$0x3FAE]  }
0x39: {  	_ = 	snop;
	(pc) =	sbr.ind lr, $3  }
0x3a: {  	_ = 	snop  }
0x3b: {  	_ = 	snop  }
0x3c: {  	p2 =	seq.s32 s10, $0x1;
	s10 =	sld [smem:$0x3FAD]  }
0x3d: {  	_ =	shalt  }
0x3e: {  	_ =	shalt  }
0x3f: {  	_ =	shalt  }
0x40: {  	_ =	shalt  }
0x41: {  	_ =	shalt  }
0x42: {  	_ =	shalt  }
0x43: {  	_ =	shalt  }
0x44: {  	_ =	shalt  }
0x45: {  	_ =	shalt  }
0x46: {  	_ =	shalt  }
0x47: {  	_ =	shalt  }
0x48: {  	_ =	shalt  }
0x49: {  	_ =	shalt  }
0x4a: {  	_ =	shalt  }
0x4b: {  	_ =	shalt  }
0x4c: {  	_ =	shalt  }
0x4d: {  	_ =	shalt  }
0x4e: {  	_ =	shalt  }
0x4f: {  	_ =	shalt  }
0x50: {  	_ =	shalt  }
0x51: {  	_ =	shalt  }
0x52: {  	_ =	shalt  }
0x53: {  	_ =	shalt  }
0x54: {  	_ =	shalt  }
0x55: {  	_ =	shalt  }
0x56: {  	_ =	shalt  }
0x57: {  	_ =	shalt  }
0x58: {  	_ =	shalt  }
0x59: {  	_ =	shalt  }
0x5a: {  	_ =	shalt  }
0x5b: {  	_ =	shalt  }
0x5c: {  	_ =	shalt  }
0x5d: {  	_ =	shalt  }
0x5e: {  	_ =	shalt  }
0x5f: {  	_ =	shalt  }
0x60: {  	_ =	shalt  }
0x61: {  	_ =	shalt  }
0x62: {  	_ =	shalt  }
0x63: {  	_ =	shalt  }
0x64: {  	_ =	shalt  }
0x65: {  	_ =	shalt  }
0x66: {  	_ =	shalt  }
0x67: {  	_ =	shalt  }
0x68: {  	_ =	shalt  }
0x69: {  	_ =	shalt  }
0x6a: {  	_ =	shalt  }
0x6b: {  	_ =	shalt  }
0x6c: {  	_ =	shalt  }
0x6d: {  	_ =	shalt  }
0x6e: {  	_ =	shalt  }
0x6f: {  	_ =	shalt  }
0x70: {  	_ =	shalt  }
0x71: {  	_ =	shalt  }
0x72: {  	_ =	shalt  }
0x73: {  	_ =	shalt  }
0x74: {  	_ =	shalt  }
0x75: {  	_ =	shalt  }
0x76: {  	_ =	shalt  }
0x77: {  	_ =	shalt  }
0x78: {  	_ =	shalt  }
0x79: {  	_ =	shalt  }
0x7a: {  	_ =	shalt  }
0x7b: {  	_ =	shalt  }
0x7c: {  	_ =	shalt  }
0x7d: {  	_ =	shalt  }
0x7e: {  	_ =	shalt  }
0x7f: {  	_ =	shalt  }
0x80: {  	_ =	shalt  }
0x81: {  	_ =	shalt  }
0x82: {  	_ =	shalt  }
0x83: {  	_ =	shalt  }
0x84: {  	_ =	shalt  }
0x85: {  	_ =	shalt  }
0x86: {  	_ =	shalt  }
0x87: {  	_ =	shalt  }
.Lfunc_end0:
.L_simem_size_0:
called_computation.4_lowered:
.L_overlay_start_0:
0x88: {  	s2 =	sld [smem:$0x3FD9]  }
0x89: {  	s3 =	sld [smem:$0x3FFE];
	_ =	sdelay $0x1  }
0x8a: {  	s1 =	srdreg.scid  }
0x8b: {  	s0 =	sand.u32 $0x1, s1  }
0x8c: {  	s16 =	sshll.u32 s0, $0xA;
	s2 =	sadd.s32 s3, s2  }
0x8d: {  	s2 =	sadd.s32 s2, s16  }
0x8e: {  	[smem:$0x3FB9] =	sst s2  }
0x8f: {  	_ = 	snop  }
0x90: {  	(tm) =	ssettm $0x1  }
0x91: {  	s17 =	sld [smem:$0x3FFB];
	_ =	sdelay $0x3  }
0x92: {  	_ =	strace s17  }
0x93: {  	s2 =	sld [smem:$0x3FFC];
	_ =	sdelay $0x3  }
0x94: {  	_ =	strace s2  }
0x95: {  	s2 =	sld [smem:$0x3FFD];
	_ =	sdelay $0x3  }
0x96: {  	_ =	strace s2  }
0x97: {  	_ =	strace $0x8FFFFFFF  }
0x98: {  	s18 =	sld [smem:$0x3FDB];
	_ =	sdelay $0x1  }
0x99: {  	s19 =	simm.s32 $_scs_section_size  }
0x9a: {  	s4 =	simm.s32 $_size__tile_overlayer_lowered;
	s5 =	simm.s32 $_tile_overlayer_lowered  }
0x9b: {  	s22 =	simm.s32 $0x1BFF;
	s21 =	sshll.u32 s5, $0x1;
	s2 =	sadd.s32 s19, s18  }
0x9c: {  	s6 =	simm.s32 $0x0;
	s20 =	sshll.u32 s4, $0x1;
	s4 =	sadd.s32 s21, s2  }
0x9d: {  	[timem:s6], [sflag:s22] =	dma.local [hbm:s4], s20  }
0x9e: {  	_ =	swait.ge [sflag:s22], s20  }
0x9f: {  	s3 =	ssub.s32 $0x0, s20;
	[sflag:s22] =	ssyncset.done $0x0  }
0xa0: {  	[sflag:s22] =	ssyncadd.s32 s3;
	_ =	sdelay $0x1  }
0xa1: {  	s23 =	simm.s32 $0x1B8B  }
0xa2: {  	_ =	swait.ge [sflag:s23], $0x1  }
0xa3: {  	[sflag:s23] =	ssyncset.done $0x0  }
0xa4: {  	s25 =	simm.s32 $0x1B8E;
	s24 =	sld [smem:$0x3FFE];
	[sflag:s23] =	ssyncadd.s32 $0xFFFFFFFF  }
0xa5: {  	s26 =	simm.s32 $execute0_lowered;
	[smem:$0x3FD2] =	sst s25  }
0xa6: {  	s4 =	sshll.u32 s26, $0x1;
	_ =	strace $0x80000052;
	[dreg:$0x1] =	wrdreg $0xFFFFFFFF  }
0xa7: {  	s28 =	simm.s32 $_size_execute0_lowered;
	s2 =	sadd.s32 s2, s4;
	[dreg:$0x0] =	wrdreg $0x0  }
0xa8: {  	s4 =	sshll.u32 s28, $0x1;
	[dreg:$0x2] =	wrdreg s2  }
0xa9: {  	[dreg:$0x3] =	wrdreg s4  }
0xaa: {  	[dreg:$0x4] =	wrdreg $0xC0  }
0xab: {  	_ =	task [dreg:s6], $0x5FFFF  }
0xac: {  	[dreg:$0x1] =	wrdreg $0xFFFFFFFF  }
0xad: {  	[dreg:$0x0] =	wrdreg $0x60  }
0xae: {  	[dreg:$0x2] =	wrdreg s24  }
0xaf: {  	[dreg:$0x3] =	wrdreg $0xE7400  }
0xb0: {  	[dreg:$0x4] =	wrdreg $0x9  }
0xb1: {  	_ =	task.clear_ibuf [dreg:s6], $0x5FFFF;
	_ =	strace $0x90000052  }
0xb2: {  	s29 =	simm.s32 $0x9;
	_ =	strace $0x80000054  }
0xb3: {  	_ =	swait.ge [sflag:s29], $0x1  }
0xb4: {  	[sflag:s29] =	ssyncadd.s32 $0xFFFFFFFF  }
0xb5: {  	_ =	strace $0x90000054  }
0xb6: {  	_ =	sfence  }
0xb7: {  	s30 =	sld [smem:$0x0];
	_ =	sdelay $0x2  }
0xb8: {  	s31 =	sshll.u32 s1, $0xD;
	s1 =	sshrl.u32 s1, $0x2  }
0xb9: {  	s3 =	sand.u32 $0x4000, s31;
	s1 =	sadd.s32 s1, s30  }
0xba: {  	s0 =	sor.u32 s3, s0;
	s1 =	sshll.u32 s1, $0x11  }
0xbb: {  	s0 =	sor.u32 s1, s0  }
0xbc: {  	s0 =	sadd.s32 $0x8F2B, s0  }
0xbd: {  	[sflag:s0] =	ssyncadd.remote.s32 $0x1  }
0xbe: {  	_ =	sfence.sel $0xFFFF  }
0xbf: {  	[dreg:$0x0] =	wrdreg $0xFFFFFFFF;
	(pc) =	sbr.abs _section_cstart, $3  }
0xc0: {  	[dreg:$0x1] =	wrdreg $0xFFFFFFFF  }
0xc1: {  	_ =	task.clear_ibuf [dreg:s6], $0x2FFFF;
	_ =	strace $0x9FFFFFFF  }
0xc2: {  	(tm) =	ssettm $0x7FFFFFFF  }
0xc3: {  	_ =	shalt  }
tec
execute0_lowered:
.L_overlay_start_1:
0x0: {  	(tag) =	ssettag $0x1  }
0x1: {  	s0 =	rddreg [dreg:$0x0]  }
0x2: {  	s2 =	rddreg [dreg:$0x1];
	s16 =	stileid.u32  }
0x3: {  	s1 =	srdreg.scid;
	s5 =	smul.u32 $0xC350, s16  }
0x4: {  	s3 =	simm.s32 $0x0;
	s28 =	simm.s32 $0x3;
	s10 =	smul.u32 $0x30D40, s16  }
0x5: {  	s29 =	simm.s32 $0x6;
	s30 =	simm.s32 $0x0;
	s21 =	smul.u32 $0xC8, s16  }
0x6: {  	s1 =	sand.u32 $0x1, s1;
	[smem:$0x7FF] =	sst s3;
	s23 =	smul.u32 $0x640, s16  }
0x7: {  	s4 =	sadd.s32 $0x8CB400, s0;
	s11 =	sshrl.u32 s16, $0x2;
	s6 =	smul.u32 $0xC3500, s1  }
0x8: {  	s7 =	sshll.u32 s16, $0x1;
	s8 =	sadd.s32 $0x35C00, s0;
	s17 =	smul.u32 $0x1900, s11  }
0x9: {  	p1 =	sgt.u32 s16, $0x7;
	_ =	strace $0x80000053;
	s19 =	smul.u32 $0x19000, s11  }
0xa: {  	s9 =	sor.u32 s1, s7;
	s14 =	sor.u32 $0xF8, s11;
	s22 =	smul.u32 $0x64, s1  }
0xb: {  	s12 =	ssub.s32 $0x2, s1;
	s9 =	sand.u32 $0x7, s9;
	s15 =	smul.u32 $0x1900, s14  }
0xc: {  	s25 =	sshrl.u32 s12, $0x1;
	s10 =	sshrl.u32 s10, $0x2;
	s26 =	smul.u32 $0x19000, s14  }
0xd: {  	s6 =	sadd.s32 s5, s6;
	s13 =	smul.u32 $0x320, s9;
	s5 =	sadd.s32 s5, s2  }
0xe: {  	s10 =	sadd.s32 s10, s2;
	s31 =	sshll.u32 s9, $0x4;
	s6 =	sshrl.u32 s6, $0x3  }
0xf: {  	p0 =	sne.s32 s9, $0x0;
	s10 =	sadd.s32 $0x7D00, s10;
	s0 =	sadd.s32 s6, s0  }
0x10: {  	s6 =	ssub.s32 s12, s25;
	[dreg:$0x4] =	wrdreg s10;
	s15 =	sadd.s32 s15, s13  }
0x11: {  	s12 =	sor.u32 s26, s31;
	s20 =	sadd.s32 s13, s17;
	s25 =	smul.u32 $0x320, s1  }
0x12: {  	s13 =	sshrl.u32 s7, $0x3;
	s1 =	sshll.u32 s1, $0x4;
	s17 =	simm.s32 $0x7  }
0x13: {  	s10 =	sshrl.u32 s15, $0x3;
	s12 =	sshrl.u32 s12, $0x3;
	s0 =	sadd.s32 $0x4E00, s0  }
0x14: {  	s6 =	smax.u32 s6, $0x1;
	s10 =	sadd.s32 s8, s10;
	[dreg:$0x7] =	wrdreg s0  }
0x15: {  	s18 =	sadd.s32 s4, s12;
	s0 =	sadd.s32 $0x6400, s20;
	[dreg:$0x8] =	wrdreg s6  }
0x16: {  	s12 =	sadd.s32 s22, s21;
	s26 =	sadd.s32 s25, s23;
	s20 =	simm.s32 $0x10  }
0x17: {  	s21 =	simm.s32 $0x80;
	s22 =	simm.s32 $0x640;
	[dreg:$0x5] =	wrdreg s10  }
0x18: {  	s23 =	simm.s32 $0x3840;
	s25 =	simm.s32 $0x4;
	[dreg:$0x6] =	wrdreg s18  }
0x19: {  	s10 =	sor.u32 s31, s19;
	s0 =	sshrl.u32 s0, $0x3;
	s31 =	sshll.u32 s16, $0x5  }
0x1a: {  	s18 =	simm.s32 $0x320;
	s19 =	simm.s32 $0x1;
	s10 =	sadd.s32 $0x64000, s10  }
0x1b: {  	s0 =	sadd.s32 s0, s8;
	s14 =	sor.u32 s1, s31;
	s24 =	sshrl.u32 s10, $0x3  }
0x1c: {  	[dreg:$0x3] =	wrdreg s0;
	s0 =	sshrl.u32 s26, $0x3;
	s26 =	simm.s32 $0x5  }
0x1d: {  	v0 =	vimm.f32 $0.0e+00;
	s11 =	sadd.s32 s24, s4;
	s15 =	sadd.s32 s0, s8;
	s24 =	simm.s32 $0x2  }
.LBB2_1:
0x1e: {  	s0 =	simm.s32 $0x40;
	s1 =	simm.s32 $0x0  }
.LBB2_2:
0x1f: {  	p2 =	sne.s32 s0, $0x1F3C0;
	[tilespmem:s1+$0x6A40] =	vst v0;
	s1 =	smov.u32 s0;
	s0 =	sadd.s32 $0x40, s0  }
.Ltmp0:
0x20: {  	(pc) =	sbr.rel @p2 .LBB2_2-.Ltmp0, $2  }
0x21: {  	_ =	sdelay $0x2  }
0x22: {  	s1 =	sshra.s32 s1, $0x2  }
0x23: {  	[tilespmem:s1+$0x6A40] =	vst v0;
	s8 =	simm.s32 $0x6A40  }
0x24: {  	[spmem:s5] =	stream.linear.scatter [tilespmem:s8], [sflag:$0x7], $0x7D00, $0x38;
	[tilespmem:$0x1AA90] =	vst v63  }
0x25: {  	s9 =	sadd.s32 $0x0, s12;
	_ =	swait.ge [sflag:s17], $0x7D00  }
0x26: {  	p2 =	seq.s32 s9, $0x0;
	[sflag:s17] =	ssyncset.done $0x0  }
0x27: {  	p2 =	por !p0, !p2;
	s0 =	rddreg [dreg:$0x4];
	[sflag:s17] =	ssyncadd.s32 $0xFFFF8300  }
0x28: {  	[spmem:s0] =	stream.linear.scatter [tilespmem:s8], [sflag:$0x7], $0x4650, $0x38;
	[tilespmem:$0x1AA90] =	vst v63  }
0x29: {  	p2 =	por !p2, !p2;
	s0 =	simm.s32 $0x1  }
0x2a: {  	_ =	swait.ge [sflag:s17], $0x4650;
	s0 =	simm.s32 @!p2 $0x0  }
0x2b: {  	[sflag:s17] =	ssyncset.done $0x0;
	s0 =	ssub.s32 s13, s0  }
0x2c: {  	[sflag:s17] =	ssyncadd.s32 $0xFFFFB9B0;
	s0 =	smul.u32 $0x18F80, s0  }
0x2d: {  	[bflag:$0x0] =	sbarrier.arrive $0xFFFF  }
0x2e: {  	s6 =	sadd.s32 $0x0, s15;
	s10 =	rddreg [dreg:$0x3];
	s0 =	sadd.s32 s0, s14  }
0x2f: {  	[tilespmem:s3], [sflag:$0x1] =	stream.linear.gather [hbm4b:s6+s3], $0x320, $0x38;
	[tilespmem:$0x1AA90] =	vst v63  }
0x30: {  	s0 =	sshrl.u32 s0, $0x3;
	s1 =	sadd.s32 $0x0, s10  }
0x31: {  	[tilespmem:s18], [sflag:$0x4] =	stream.linear.gather [hbm4b:s1+s3], $0x320, $0x38;
	[tilespmem:$0x1AA90] =	vst v63  }
0x32: {  	s0 =	sadd.s32 s4, s0  }
0x33: {  	[tilespmem:s22], [sflag:$0x2] =	stream.strided.gather [hbm4b:s0+s20], $0x3200, s21, s20, $0x38;
	[tilespmem:$0x1AA90] =	vst v63  }
0x34: {  	_ = 	snop  }
0x35: {  	[tilespmem:s23], [sflag:$0x5] =	stream.strided.gather [hbm4b:s11+s20], $0x3200, s21, s20, $0x38;
	[tilespmem:$0x1AA90] =	vst v63  }
0x36: {  	_ =	swait.ge [sflag:s19], $0x320  }
0x37: {  	[sflag:s19] =	ssyncset.done $0x0  }
0x38: {  	[sflag:s19] =	ssyncadd.s32 $0xFFFFFCE0  }
0x39: {  	_ =	swait.ge [sflag:s24], $0x3200  }
0x3a: {  	s16 =	sadd.s32 $0x1900, s12;
	[sflag:s24] =	ssyncset.done $0x0  }
0x3b: {  	s31 =	simm.s32 $0x1900;
	p6 =	seq.s32 s16, $0x0;
	[sflag:s24] =	ssyncadd.s32 $0xFFFFCE00  }
0x3c: {  	[spmem:s2] =	stream.indirect.scatter.add.f32 [tilespmem:s22], [sflag:$0x3], $0x10, s3, s18, $0xb8;
	[tilespmem:$0x1AA90] =	vst v63  }
0x3d: {  	s7 =	simm.s32 $0x3200;
	p2 =	por !p0, !p6;
	_ =	swait.ge [sflag:s25], $0x320  }
0x3e: {  	s8 =	simm.s32 $0x1;
	p2 =	por !p2, !p2;
	[sflag:s25] =	ssyncset.done $0x0  }
0x3f: {  	s8 =	simm.s32 @!p2 $0x0;
	s6 =	sadd.s32 $0x8, s13;
	[sflag:s25] =	ssyncadd.s32 $0xFFFFFCE0  }
0x40: {  	s1 =	sadd.s32 $0x400, s14;
	s0 =	sadd.s32 $0x19000, s11;
	_ =	swait.ge [sflag:s26], $0x3200  }
.LBB2_4:
0x41: {  	[sflag:s26] =	ssyncset.done $0x0  }
0x42: {  	[sflag:s26] =	ssyncadd.s32 $0xFFFFCE00  }
0x43: {  	[spmem:s2] =	stream.indirect.scatter.add.f32 [tilespmem:s23], [sflag:$0x6], $0x10, s18, s18, $0xb8;
	[tilespmem:$0x1AA90] =	vst v63  }
0x44: {  	_ =	swait.ge [sflag:s28], $0x3200  }
0x45: {  	[sflag:s28] =	ssyncset.done $0x0  }
0x46: {  	s8 =	ssub.s32 s6, s8;
	s10 =	smov.u32 s7;
	[sflag:s28] =	ssyncadd.s32 $0xFFFFCE00  }
0x47: {  	s9 =	sadd.s32 $0x1900, s7;
	s8 =	smul.u32 $0x18F80, s8;
	_ =	swait.ge [sflag:s29], $0x3200  }
0x48: {  	p2 =	sne.s32 s7, $0x2EE00;
	s16 =	sadd.s32 s31, s15;
	[sflag:s29] =	ssyncset.done $0x0  }
0x49: {  	s7 =	sadd.s32 s8, s1;
	s8 =	rddreg [dreg:$0x3];
	[sflag:s29] =	ssyncadd.s32 $0xFFFFCE00  }
0x4a: {  	[tilespmem:s3], [sflag:$0x1] =	stream.linear.gather [hbm4b:s16+s3], $0x320, $0x38;
	[tilespmem:$0x1AA90] =	vst v63  }
0x4b: {  	s7 =	sshrl.u32 s7, $0x3;
	s8 =	sadd.s32 s31, s8  }
0x4c: {  	[tilespmem:s18], [sflag:$0x4] =	stream.linear.gather [hbm4b:s8+s3], $0x320, $0x38;
	[tilespmem:$0x1AA90] =	vst v63  }
0x4d: {  	s7 =	sadd.s32 s4, s7  }
0x4e: {  	[tilespmem:s22], [sflag:$0x2] =	stream.strided.gather [hbm4b:s7+s20], $0x3200, s21, s20, $0x38;
	[tilespmem:$0x1AA90] =	vst v63  }
0x4f: {  	_ = 	snop  }
0x50: {  	[tilespmem:s23], [sflag:$0x5] =	stream.strided.gather [hbm4b:s0+s20], $0x3200, s21, s20, $0x38;
	[tilespmem:$0x1AA90] =	vst v63  }
0x51: {  	_ =	swait.ge [sflag:s19], $0x320  }
0x52: {  	[sflag:s19] =	ssyncset.done $0x0  }
0x53: {  	[sflag:s19] =	ssyncadd.s32 $0xFFFFFCE0  }
0x54: {  	_ =	swait.ge [sflag:s24], $0x3200  }
0x55: {  	s31 =	smov.u32 s10;
	[sflag:s24] =	ssyncset.done $0x0  }
0x56: {  	s16 =	sadd.s32 s31, s12;
	[sflag:s24] =	ssyncadd.s32 $0xFFFFCE00  }
0x57: {  	[spmem:s2] =	stream.indirect.scatter.add.f32 [tilespmem:s22], [sflag:$0x3], $0x10, s3, s18, $0xb8;
	[tilespmem:$0x1AA90] =	vst v63  }
.Ltmp1:
0x58: {  	p3 =	seq.s32 s16, $0x0;
	(pc) =	sbr.rel @p2 .LBB2_4-.Ltmp1, $4  }
0x59: {  	s6 =	sadd.s32 $0x8, s6;
	p3 =	por !p0, !p3;
	_ =	swait.ge [sflag:s25], $0x320  }
0x5a: {  	s8 =	simm.s32 $0x1;
	p3 =	por !p3, !p3;
	[sflag:s25] =	ssyncset.done $0x0  }
0x5b: {  	s1 =	sadd.s32 $0x400, s1;
	s8 =	simm.s32 @!p3 $0x0;
	[sflag:s25] =	ssyncadd.s32 $0xFFFFFCE0  }
0x5c: {  	s7 =	smov.u32 s9;
	s0 =	sadd.s32 $0x19000, s0;
	_ =	swait.ge [sflag:s26], $0x3200  }
0x5d: {  	[sflag:s26] =	ssyncset.done $0x0  }
0x5e: {  	[sflag:s26] =	ssyncadd.s32 $0xFFFFCE00  }
0x5f: {  	[spmem:s2] =	stream.indirect.scatter.add.f32 [tilespmem:s23], [sflag:$0x6], $0x10, s18, s18, $0xb8;
	[tilespmem:$0x1AA90] =	vst v63  }
0x60: {  	_ =	swait.ge [sflag:s28], $0x3200  }
0x61: {  	[sflag:s28] =	ssyncset.done $0x0  }
0x62: {  	s6 =	ssub.s32 s6, s8;
	[sflag:s28] =	ssyncadd.s32 $0xFFFFCE00  }
0x63: {  	s6 =	smul.u32 $0x18F80, s6;
	_ =	swait.ge [sflag:s29], $0x3200  }
0x64: {  	s16 =	sadd.s32 s31, s15;
	[sflag:s29] =	ssyncset.done $0x0  }
0x65: {  	s1 =	sadd.s32 s6, s1;
	s7 =	rddreg [dreg:$0x3];
	[sflag:s29] =	ssyncadd.s32 $0xFFFFCE00  }
0x66: {  	[tilespmem:s3], [sflag:$0x1] =	stream.linear.gather [hbm4b:s16+s3], $0x320, $0x38;
	[tilespmem:$0x1AA90] =	vst v63  }
0x67: {  	s1 =	sshrl.u32 s1, $0x3;
	s8 =	sadd.s32 s31, s7  }
0x68: {  	[tilespmem:s18], [sflag:$0x4] =	stream.linear.gather [hbm4b:s8+s3], $0x320, $0x38;
	[tilespmem:$0x1AA90] =	vst v63  }
0x69: {  	s1 =	sadd.s32 s4, s1  }
0x6a: {  	[tilespmem:s22], [sflag:$0x2] =	stream.strided.gather [hbm4b:s1+s20], $0x3200, s21, s20, $0x38;
	[tilespmem:$0x1AA90] =	vst v63  }
0x6b: {  	_ = 	snop  }
0x6c: {  	[tilespmem:s23], [sflag:$0x5] =	stream.strided.gather [hbm4b:s0+s20], $0x3200, s21, s20, $0x38;
	[tilespmem:$0x1AA90] =	vst v63  }
0x6d: {  	_ =	swait.ge [sflag:s19], $0x320  }
0x6e: {  	[sflag:s19] =	ssyncset.done $0x0  }
0x6f: {  	[sflag:s19] =	ssyncadd.s32 $0xFFFFFCE0  }
0x70: {  	_ =	swait.ge [sflag:s24], $0x3200  }
0x71: {  	[sflag:s24] =	ssyncset.done $0x0  }
0x72: {  	[sflag:s24] =	ssyncadd.s32 $0xFFFFCE00  }
0x73: {  	[spmem:s2] =	stream.indirect.scatter.add.f32 [tilespmem:s22], [sflag:$0x3], $0x10, s3, s18, $0xb8;
	[tilespmem:$0x1AA90] =	vst v63  }
0x74: {  	_ =	swait.ge [sflag:s25], $0x320  }
0x75: {  	[sflag:s25] =	ssyncset.done $0x0  }
0x76: {  	[sflag:s25] =	ssyncadd.s32 $0xFFFFFCE0  }
0x77: {  	_ =	swait.ge [sflag:s26], $0x3200  }
0x78: {  	[sflag:s26] =	ssyncset.done $0x0  }
0x79: {  	[sflag:s26] =	ssyncadd.s32 $0xFFFFCE00  }
0x7a: {  	[spmem:s2] =	stream.indirect.scatter.add.f32 [tilespmem:s23], [sflag:$0x6], $0x10, s18, s18, $0xb8;
	[tilespmem:$0x1AA90] =	vst v63  }
0x7b: {  	_ =	swait.ge [sflag:s28], $0x3200  }
0x7c: {  	[sflag:s28] =	ssyncset.done $0x0  }
0x7d: {  	[sflag:s28] =	ssyncadd.s32 $0xFFFFCE00  }
0x7e: {  	_ =	swait.ge [sflag:s29], $0x3200  }
0x7f: {  	[sflag:s29] =	ssyncset.done $0x0  }
0x80: {  	s0 =	simm.s32 @!p1 $0x0;
	s1 =	rddreg [dreg:$0x5];
	[sflag:s29] =	ssyncadd.s32 $0xFFFFCE00  }
0x81: {  	[tilespmem:s0], [sflag:$0x7] =	stream.linear.gather @!p1 [hbm4b:s1+s0], $0x320, $0x38;
	[tilespmem:$0x1AA90] =	vst v63  }
0x82: {  	s1 =	simm.s32 @!p1 $0x7  }
0x83: {  	_ =	swait.ge @!p1 [sflag:s1], $0x320  }
0x84: {  	s6 =	simm.s32 @!p1 $0x10;
	s7 =	simm.s32 @!p1 $0x80;
	[sflag:s1] =	ssyncset.done @!p1 $0x0  }
0x85: {  	s8 =	simm.s32 @!p1 $0x640;
	s9 =	rddreg [dreg:$0x6];
	[sflag:s1] =	ssyncadd.s32 @!p1 $0xFFFFFCE0  }
0x86: {  	[tilespmem:s8], [sflag:$0x7] =	stream.strided.gather @!p1 [hbm4b:s9+s6], $0x3200, s7, s6, $0x38;
	[tilespmem:$0x1AA90] =	vst v63  }
0x87: {  	_ =	swait.ge @!p1 [sflag:s1], $0x3200  }
0x88: {  	[sflag:s1] =	ssyncset.done @!p1 $0x0  }
0x89: {  	s6 =	simm.s32 @!p1 $0x320;
	[sflag:s1] =	ssyncadd.s32 @!p1 $0xFFFFCE00  }
0x8a: {  	[spmem:s2] =	stream.indirect.scatter.add.f32 @!p1 [tilespmem:s8], [sflag:$0x7], $0x10, s0, s6, $0xb8;
	[tilespmem:$0x1AA90] =	vst v63  }
0x8b: {  	_ =	swait.ge @!p1 [sflag:s1], $0x3200  }
0x8c: {  	[sflag:s1] =	ssyncset.done @!p1 $0x0  }
0x8d: {  	s9 =	stileid.u32;
	[sflag:s1] =	ssyncadd.s32 @!p1 $0xFFFFCE00  }
0x8e: {  	s0 =	sshll.u32 s9, $0x6;
	[bflag:$0x0] =	sbarrier.arrive $0xFFFF  }
0x8f: {  	s10 =	sshrl.u32 s5, $0x3;
	s0 =	sor.u32 $0x1C07, s0;
	s16 =	rddreg [dreg:$0x7]  }
0x90: {  	[hbm:s16], [sflag:s0] =	dma.local [spmem:s10], $0x186A  }
0x91: {  	_ =	swait.ge [sflag:s17], $0x186A  }
0x92: {  	s30 =	sadd.s32 $0x1, s30;
	s31 =	rddreg [dreg:$0x8]  }
0x93: {  	p2 =	sne.s32 s30, s31  }
.Ltmp2:
0x94: {  	_ = 	snop;
	(pc) =	sbr.rel @p2 .LBB2_1-.Ltmp2, $3  }
0x95: {  	_ =	sdelay $0x1  }
0x96: {  	[sflag:s17] =	ssyncset.done $0x0  }
0x97: {  	[sflag:s17] =	ssyncadd.s32 $0xFFFFE796  }
0x98: {  	_ =	sfence.sel $0x180000  }
0x99: {  	[bflag:$0x0] =	sbarrier.arrive $0xFFFF  }
0x9a: {  	_ =	strace $0x90000053  }
0x9b: {  	s0 =	stileid.u32;
	[bflag:$0x2] =	sbarrier.arrive $0xFFFF  }
0x9c: {  	p0 =	sne.s32 s0, $0x0;
	s0 =	rddreg [dreg:$0x2]  }
0x9d: {  	s0 =	sadd.s32 @!p0 $0x100000, s0  }
0x9e: {  	[sflag:s0] =	ssyncadd.tile.s32 @!p0 $0x1;
	_ =	shalt  }
.Lfunc_end2:
_tile_overlayer_lowered:
.L_overlay_start_2:
0x9f: {  	(tag) =	ssettag $0x2  }
0xa0: {  	s0 =	rddreg [dreg:$0x0];
	s2 =	stileid.u32  }
0xa1: {  	s1 =	rddreg [dreg:$0x1];
	p0 =	sne.s32 s2, $0x0  }
0xa2: {  	s3 =	rddreg [dreg:$0x2];
	[bflag:$0x3] =	sbarrier.arrive $0xFFFF;
	s2 =	simm.s32 @!p0 $0x1C07  }
0xa3: {  	[timem:s3], [sflag:s2] =	dma.local @!p0 [hbm:s0], s1  }
0xa4: {  	s0 =	simm.s32 @!p0 $0x7  }
0xa5: {  	_ =	swait.ge @!p0 [sflag:s0], s1  }
0xa6: {  	s1 =	ssub.s32 @!p0 $0x0, s1;
	[sflag:s0] =	ssyncset.done @!p0 $0x0  }
0xa7: {  	[sflag:s0] =	ssyncadd.s32 @!p0 s1  }
0xa8: {  	[bflag:$0x3] =	sbarrier.arrive $0xFFFF  }
0xa9: {  	_ =	shalt  }

</sc_bundles>
